<compile_context>
chip_gen: v7x
topology: tpu7x:2x2x1
jax: 0.10.2.dev20260603
libtpu: 0.0.44.dev20260713+nightly
codegen_flags: <defaults>
</compile_context>

<pallas_src>
import functools

import jax
import jax.numpy as jnp
from jax import lax
from jax.experimental import pallas as pl
from jax.experimental.pallas import tpu as pltpu
from jax.experimental.pallas import tpu_sc as plsc

N_GRID = 10000
N_MESH = 10000
E = 320000
D = 128
L = 16

NC = 2
NS = 16
NW = NC * NS
NH = 2
HE = E // NH
EPW = HE // NW
CHUNK = 40
NCHUNK = EPW // CHUNK
ZR = 624
ZTAIL = N_MESH - NS * ZR
ZTAIL_OFF = NS * ZR

NODE_BLK = 1000
PRE_BLK = 2000
EDGE_BLK = 2000

def _sc_mesh():
    return plsc.VectorSubcoreMesh(
        core_axis_name="c", subcore_axis_name="s",
        num_cores=NC, num_subcores=NS)



def _layernorm(o, g, b):
    mu = jnp.mean(o, axis=-1, keepdims=True)
    d = o - mu
    var = jnp.mean(d * d, axis=-1, keepdims=True)
    return g * (d * lax.rsqrt(var + 1e-5)) + b


def _silu(x):
    return x * lax.logistic(x)


def _node_pre_body(gn, mn, wb, wc, g1, m1):
    g1[...] = jnp.dot(gn[...], wb[...], preferred_element_type=jnp.float32)
    m1[...] = jnp.dot(mn[...], wc[...], preferred_element_type=jnp.float32)


def _edge_mlp_body(e_ref, gs_ref, wa, w2, b1, b2, g, be, out_ref):
    e = e_ref[...]
    h = _silu(jnp.dot(e, wa[...], preferred_element_type=jnp.float32)
              + gs_ref[...] + b1[...])
    o = jnp.dot(h, w2[...], preferred_element_type=jnp.float32) + b2[...]
    out_ref[...] = _layernorm(o, g[...], be[...]) + e


def _node_post_body(m_ref, *rest):
    p_refs = rest[:NH]
    (x_ref, w1na, w1nb, w2n, b1n, b2n, gn, ben,
     w1g, w2g, b1g, b2g, gg, beg, mout_ref, gout_ref) = rest[NH:]
    m = m_ref[...]
    agg = sum(p[0] + p[1] for p in p_refs)
    h = _silu(jnp.dot(m, w1na[...], preferred_element_type=jnp.float32)
              + jnp.dot(agg, w1nb[...], preferred_element_type=jnp.float32)
              + b1n[...])
    o = jnp.dot(h, w2n[...], preferred_element_type=jnp.float32) + b2n[...]
    mout_ref[...] = m + _layernorm(o, gn[...], ben[...])
    x = x_ref[...]
    h2 = _silu(jnp.dot(x, w1g[...], preferred_element_type=jnp.float32)
               + b1g[...])
    o2 = jnp.dot(h2, w2g[...], preferred_element_type=jnp.float32) + b2g[...]
    gout_ref[...] = x + _layernorm(o2, gg[...], beg[...])


def _row_spec(blk):
    return pl.BlockSpec((blk, D), lambda i: (i, 0))


def _full_spec(shape):
    return pl.BlockSpec(shape, lambda i: tuple(0 for _ in shape))



def _sc_gather_body(hbase, g1_hbm, m1_hbm, src_hbm, dst_hbm, out_hbm,
                    sidx, didx, gbuf, mbuf, sem1, sem2):
    wid = lax.axis_index("s") * NC + lax.axis_index("c")
    base = wid * EPW
    pltpu.sync_copy(src_hbm.at[pl.ds(hbase + base, EPW)], sidx)
    pltpu.sync_copy(dst_hbm.at[pl.ds(hbase + base, EPW)], didx)

    def fire(i, p):
        isl = pl.ds(i * CHUNK, CHUNK)
        pltpu.async_copy(g1_hbm.at[sidx.at[isl]], gbuf.at[p], sem1)
        pltpu.async_copy(m1_hbm.at[didx.at[isl]], mbuf.at[p], sem2)

    def drain(p):
        pltpu.make_async_copy(g1_hbm.at[sidx.at[pl.ds(0, CHUNK)]],
                              gbuf.at[p], sem1).wait()
        pltpu.make_async_copy(m1_hbm.at[didx.at[pl.ds(0, CHUNK)]],
                              mbuf.at[p], sem2).wait()

    def process(i, p):
        def add_row(r, c2):
            for j in range(D // L):
                sl = pl.ds(j * L, L)
                gbuf[p, r, sl] = gbuf[p, r, sl] + mbuf[p, r, sl]
            return c2

        lax.fori_loop(0, CHUNK, add_row, 0)
        pltpu.sync_copy(gbuf.at[p], out_hbm.at[pl.ds(base + i * CHUNK, CHUNK)])

    fire(0, 0)

    def pair(j, carry):
        i0 = 2 * j
        fire(i0 + 1, 1)
        drain(0)
        process(i0, 0)

        @pl.when(i0 + 2 < NCHUNK)
        def _():
            fire(i0 + 2, 0)

        drain(1)
        process(i0 + 1, 1)
        return carry

    lax.fori_loop(0, NCHUNK // 2, pair, 0)
    if NCHUNK % 2 == 1:
        drain(0)
        process(NCHUNK - 1, 0)


def _sc_scatter_body(hbase, eo_hbm, dst_hbm, zero_hbm, out_hbm, didx, ebuf,
                     agg, semi, seme):
    c = lax.axis_index("c")
    s = lax.axis_index("s")
    wid = s * NC + c
    base = wid * EPW
    pltpu.sync_copy(zero_hbm.at[pl.ds(s * ZR, ZR)], agg.at[pl.ds(s * ZR, ZR)])

    @pl.when(s == 0)
    def _():
        pltpu.sync_copy(zero_hbm.at[pl.ds(ZTAIL_OFF, ZTAIL)],
                        agg.at[pl.ds(ZTAIL_OFF, ZTAIL)])

    plsc.subcore_barrier()

    def fire(i, p):
        b = base + i * CHUNK
        pltpu.async_copy(dst_hbm.at[pl.ds(hbase + b, CHUNK)], didx.at[p], semi)
        pltpu.async_copy(eo_hbm.at[pl.ds(b, CHUNK)], ebuf.at[p], seme)

    def drain(p):
        pltpu.make_async_copy(dst_hbm.at[pl.ds(0, CHUNK)],
                              didx.at[p], semi).wait()
        pltpu.make_async_copy(eo_hbm.at[pl.ds(0, CHUNK)],
                              ebuf.at[p], seme).wait()

    def process(p):
        pltpu.sync_copy(ebuf.at[p], agg.at[didx.at[p]], add=True)

    fire(0, 0)

    def pair(j, carry):
        i0 = 2 * j
        fire(i0 + 1, 1)
        drain(0)
        process(0)

        @pl.when(i0 + 2 < NCHUNK)
        def _():
            fire(i0 + 2, 0)

        drain(1)
        process(1)
        return carry

    lax.fori_loop(0, NCHUNK // 2, pair, 0)
    if NCHUNK % 2 == 1:
        drain(0)
        process(0)
    plsc.subcore_barrier()
    pltpu.sync_copy(agg.at[pl.ds(s * ZR, ZR)], out_hbm.at[c, pl.ds(s * ZR, ZR)])

    @pl.when(s == 0)
    def _():
        pltpu.sync_copy(agg.at[pl.ds(ZTAIL_OFF, ZTAIL)],
                        out_hbm.at[c, pl.ds(ZTAIL_OFF, ZTAIL)])


def _sc_gather(half, g1, m1, src, dst):
    return pl.kernel(
        functools.partial(_sc_gather_body, half * HE),
        out_type=jax.ShapeDtypeStruct((HE, D), jnp.float32),
        mesh=_sc_mesh(),
        scratch_types=[
            pltpu.VMEM((EPW,), jnp.int32),
            pltpu.VMEM((EPW,), jnp.int32),
            pltpu.VMEM((2, CHUNK, D), jnp.float32),
            pltpu.VMEM((2, CHUNK, D), jnp.float32),
            pltpu.SemaphoreType.DMA,
            pltpu.SemaphoreType.DMA,
        ],
    )(g1, m1, src, dst)


def _sc_scatter(half, e_out, dst, zeros):
    return pl.kernel(
        functools.partial(_sc_scatter_body, half * HE),
        out_type=jax.ShapeDtypeStruct((NC, N_MESH, D), jnp.float32),
        mesh=_sc_mesh(),
        scratch_types=[
            pltpu.VMEM((2, CHUNK), jnp.int32),
            pltpu.VMEM((2, CHUNK, D), jnp.float32),
            pltpu.VMEM_SHARED((N_MESH, D), jnp.float32),
            pltpu.SemaphoreType.DMA,
            pltpu.SemaphoreType.DMA,
        ],
    )(e_out, dst, zeros)



def kernel(grid_node_features, mesh_node_features, grid2mesh_edge_features,
           grid2mesh_edge_indices_src, grid2mesh_edge_indices_dst,
           W1_e, b1_e, W2_e, b2_e, g_e, be_e,
           W1_n, b1_n, W2_n, b2_n, g_n, be_n,
           W1_g, b1_g, W2_g, b2_g, g_g, be_g):
    f32 = jnp.float32
    row = lambda v: v.reshape(1, D)
    W1a, W1b, W1c = W1_e[:D], W1_e[D:2 * D], W1_e[2 * D:]
    W1na, W1nb = W1_n[:D], W1_n[D:]

    g1, m1 = pl.pallas_call(
        _node_pre_body,
        grid=(N_GRID // PRE_BLK,),
        in_specs=[_row_spec(PRE_BLK), _row_spec(PRE_BLK),
                  _full_spec((D, D)), _full_spec((D, D))],
        out_specs=[_row_spec(PRE_BLK), _row_spec(PRE_BLK)],
        out_shape=[jax.ShapeDtypeStruct((N_GRID, D), f32),
                   jax.ShapeDtypeStruct((N_MESH, D), f32)],
    )(grid_node_features, mesh_node_features, W1b, W1c)

    zeros = jnp.zeros((N_MESH, D), f32)
    partials = []
    for h in range(NH):
        gsum_h = _sc_gather(h, g1, m1, grid2mesh_edge_indices_src,
                            grid2mesh_edge_indices_dst)
        e_out_h = pl.pallas_call(
            _edge_mlp_body,
            grid=(HE // EDGE_BLK,),
            in_specs=[pl.BlockSpec((EDGE_BLK, D),
                                   lambda i, h=h: (i + h * (HE // EDGE_BLK), 0)),
                      _row_spec(EDGE_BLK),
                      _full_spec((D, D)), _full_spec((D, D)),
                      _full_spec((1, D)), _full_spec((1, D)),
                      _full_spec((1, D)), _full_spec((1, D))],
            out_specs=_row_spec(EDGE_BLK),
            out_shape=jax.ShapeDtypeStruct((HE, D), f32),
        )(grid2mesh_edge_features, gsum_h, W1a, W2_e,
          row(b1_e), row(b2_e), row(g_e), row(be_e))
        partials.append(
            _sc_scatter(h, e_out_h, grid2mesh_edge_indices_dst, zeros))

    mesh_out, grid_out = pl.pallas_call(
        _node_post_body,
        grid=(N_MESH // NODE_BLK,),
        in_specs=[_row_spec(NODE_BLK)]
                 + [pl.BlockSpec((NC, NODE_BLK, D), lambda i: (0, i, 0))
                    for _ in range(NH)]
                 + [_row_spec(NODE_BLK),
                  _full_spec((D, D)), _full_spec((D, D)), _full_spec((D, D)),
                  _full_spec((1, D)), _full_spec((1, D)),
                  _full_spec((1, D)), _full_spec((1, D)),
                  _full_spec((D, D)), _full_spec((D, D)),
                  _full_spec((1, D)), _full_spec((1, D)),
                  _full_spec((1, D)), _full_spec((1, D))],
        out_specs=[_row_spec(NODE_BLK), _row_spec(NODE_BLK)],
        out_shape=[jax.ShapeDtypeStruct((N_MESH, D), f32),
                   jax.ShapeDtypeStruct((N_GRID, D), f32)],
    )(mesh_node_features, *partials, grid_node_features,
      W1na, W1nb, W2_n, row(b1_n), row(b2_n), row(g_n), row(be_n),
      W1_g, W2_g, row(b1_g), row(b2_g), row(g_g), row(be_g))

    return (grid_out, mesh_out)

# --- scband reference (transcript-rebuilt; emitter-appended) ---
"""Pipeline reference for scband-graph-cast-encoder-26585847562365 (READ-ONLY COPY).

The authoritative reference and input builder live on the scoring server;
editing this copy changes nothing except your own understanding.
"""

import jax, jax.numpy as jnp
import numpy as np

N_GRID = 10000
N_MESH = 10000
E = 320000
D = 128


def _mlp(x, W1, b1, W2, b2, g, b):
    # MeshGraphMLP: Linear -> SiLU -> Linear -> LayerNorm
    h = jax.nn.silu(x @ W1 + b1)
    o = h @ W2 + b2
    mu = jnp.mean(o, axis=-1, keepdims=True)
    var = jnp.var(o, axis=-1, keepdims=True)
    return g * (o - mu) / jnp.sqrt(var + 1e-5) + b


def setup_inputs(seed: int = 0) -> dict:
    key = jax.random.key(seed)
    ks = jax.random.split(key, 16)

    def w(k, shape):
        return (jax.random.normal(k, shape, dtype=jnp.float32) / np.sqrt(shape[0])).astype(jnp.float32)

    inp = {}
    inp["grid_node_features"] = jax.random.normal(ks[0], (N_GRID, D), dtype=jnp.float32)
    inp["mesh_node_features"] = jax.random.normal(ks[1], (N_MESH, D), dtype=jnp.float32)
    inp["grid2mesh_edge_features"] = jax.random.normal(ks[2], (E, D), dtype=jnp.float32)
    inp["grid2mesh_edge_indices_src"] = jax.random.randint(ks[3], (E,), 0, N_GRID, dtype=jnp.int32)
    inp["grid2mesh_edge_indices_dst"] = jax.random.randint(ks[4], (E,), 0, N_MESH, dtype=jnp.int32)
    # edge MLP: in = 3*D (edge || src grid || dst mesh)
    inp["W1_e"] = w(ks[5], (3 * D, D)); inp["b1_e"] = jnp.zeros((D,), jnp.float32)
    inp["W2_e"] = w(ks[6], (D, D)); inp["b2_e"] = jnp.zeros((D,), jnp.float32)
    inp["g_e"] = jnp.ones((D,), jnp.float32); inp["be_e"] = jnp.zeros((D,), jnp.float32)
    # mesh node MLP: in = 2*D (node || aggregated edges)
    inp["W1_n"] = w(ks[7], (2 * D, D)); inp["b1_n"] = jnp.zeros((D,), jnp.float32)
    inp["W2_n"] = w(ks[8], (D, D)); inp["b2_n"] = jnp.zeros((D,), jnp.float32)
    inp["g_n"] = jnp.ones((D,), jnp.float32); inp["be_n"] = jnp.zeros((D,), jnp.float32)
    # grid node MLP: in = D
    inp["W1_g"] = w(ks[9], (D, D)); inp["b1_g"] = jnp.zeros((D,), jnp.float32)
    inp["W2_g"] = w(ks[10], (D, D)); inp["b2_g"] = jnp.zeros((D,), jnp.float32)
    inp["g_g"] = jnp.ones((D,), jnp.float32); inp["be_g"] = jnp.zeros((D,), jnp.float32)
    return inp


def reference(grid_node_features, mesh_node_features, grid2mesh_edge_features,
              grid2mesh_edge_indices_src, grid2mesh_edge_indices_dst,
              W1_e, b1_e, W2_e, b2_e, g_e, be_e,
              W1_n, b1_n, W2_n, b2_n, g_n, be_n,
              W1_g, b1_g, W2_g, b2_g, g_g, be_g):
    src = grid2mesh_edge_indices_src
    dst = grid2mesh_edge_indices_dst
    # MeshEdgeBlock: concat(edge, src grid feat, dst mesh feat) -> MLP -> residual
    cat_e = jnp.concatenate([
        grid2mesh_edge_features,
        jnp.take(grid_node_features, src, axis=0),
        jnp.take(mesh_node_features, dst, axis=0),
    ], axis=-1)
    e_feats = _mlp(cat_e, W1_e, b1_e, W2_e, b2_e, g_e, be_e) + grid2mesh_edge_features
    # MeshNodeBlock: scatter-sum edges by dst, concat with mesh node feats, MLP
    agg = jax.ops.segment_sum(e_feats, dst, num_segments=N_MESH)
    cat_n = jnp.concatenate([mesh_node_features, agg], axis=-1)
    n_feats = _mlp(cat_n, W1_n, b1_n, W2_n, b2_n, g_n, be_n)
    mesh_out = mesh_node_features + n_feats
    # grid node MLP with residual
    grid_out = grid_node_features + _mlp(grid_node_features, W1_g, b1_g, W2_g, b2_g, g_g, be_g)
    return (grid_out, mesh_out)

if __name__ == "__main__":
    import jax
    _d = setup_inputs()
    print(jax.jit(kernel)(*tuple(_d.values())))

</pallas_src>

<mosaic_0001>
#map = affine_map<(d0, d1) -> (0, 0)>
#map1 = affine_map<(d0, d1) -> (0)>
#map2 = affine_map<(d0, d1) -> (0, 0, 0)>
module attributes {stable_mosaic.version = 14 : i64} {
  func.func @_sc_scatter_body(%arg0: i32, %arg1: i32, %arg2: memref<160000x128xf32, #tpu.memory_space<hbm>>, %arg3: memref<320000xi32, #tpu.memory_space<hbm>>, %arg4: memref<10000x128xf32, #tpu.memory_space<hbm>>, %arg5: memref<2x10000x128xf32, #tpu.memory_space<hbm>>, %arg6: memref<2x40xi32, #tpu.memory_space<vmem>>, %arg7: memref<2x40x128xf32, #tpu.memory_space<vmem>>, %arg8: memref<10000x128xf32, #tpu.memory_space<vmem_shared>>, %arg9: memref<!tpu.dma_semaphore, #tpu.memory_space<semaphore_mem>>, %arg10: memref<!tpu.dma_semaphore, #tpu.memory_space<semaphore_mem>>) attributes {dimension_semantics = [#tpu.dimension_semantics<core_parallel>, #tpu.dimension_semantics<subcore_parallel>], iteration_bounds = array<i64: 2, 16>, scalar_prefetch = 0 : i64, scratch_operands = 5 : i64, tpu.core_type = #tpu.core_type<sc_vector_subcore>, window_params = [{transform_indices = #map}, {transform_indices = #map1}, {transform_indices = #map}, {transform_indices = #map2}]} {
    %mul3A = arith.constant 2 : i32
    %mul3A_0 = arith.muli %arg1, %mul3A : i32
    %add3A = arith.addi %mul3A_0, %arg0 : i32
    %mul3A_1 = arith.constant 5000 : i32
    %mul3A_2 = arith.muli %add3A, %mul3A_1 : i32
    %mul3A_3 = arith.constant 624 : i32
    %mul3A_4 = arith.muli %arg1, %mul3A_3 : i32
    %mul3A_5 = arith.constant 624 : i32
    %mul3A_6 = arith.muli %arg1, %mul3A_5 : i32
    "tpu.region"() ({
      %run_scoped3A_75 = tpu.sem_alloc : memref<!tpu.dma_semaphore, #tpu.memory_space<semaphore_mem>>
      %dma_start3A_76 = arith.constant 0 : i32
      %dma_start3A_77 = tpu.memref_slice %arg8[%mul3A_6, %dma_start3A_76] : memref<10000x128xf32, #tpu.memory_space<vmem_shared>> -> memref<624x128xf32, #tpu.memory_space<vmem_shared>>
      %dma_start3A_78 = arith.constant 0 : i32
      %dma_start3A_79 = tpu.memref_slice %arg4[%mul3A_4, %dma_start3A_78] : memref<10000x128xf32, #tpu.memory_space<hbm>> -> memref<624x128xf32, #tpu.memory_space<hbm>>
      tpu.enqueue_dma source(%dma_start3A_79 : memref<624x128xf32, #tpu.memory_space<hbm>>) target(%dma_start3A_77 : memref<624x128xf32, #tpu.memory_space<vmem_shared>>) target_semaphore(%run_scoped3A_75 : memref<!tpu.dma_semaphore, #tpu.memory_space<semaphore_mem>>)
      %dma_wait3A_80 = arith.constant 0 : i32
      %dma_wait3A_81 = tpu.memref_slice %arg8[%mul3A_6, %dma_wait3A_80] : memref<10000x128xf32, #tpu.memory_space<vmem_shared>> -> memref<624x128xf32, #tpu.memory_space<vmem_shared>>
      %dma_wait3A_82 = arith.constant 0 : i32
      %dma_wait3A_83 = tpu.memref_slice %arg4[%mul3A_4, %dma_wait3A_82] : memref<10000x128xf32, #tpu.memory_space<hbm>> -> memref<624x128xf32, #tpu.memory_space<hbm>>
      tpu.wait_dma2 semaphore(%run_scoped3A_75 : memref<!tpu.dma_semaphore, #tpu.memory_space<semaphore_mem>>) src(%dma_wait3A_83 : memref<624x128xf32, #tpu.memory_space<hbm>>) dst(%dma_wait3A_81 : memref<624x128xf32, #tpu.memory_space<vmem_shared>>)
      tpu.yield
    }) : () -> ()
    %eq3A = arith.constant 0 : i32
    %eq3A_7 = arith.cmpi eq, %arg1, %eq3A : i32
    %convert_element_type3A = arith.extui %eq3A_7 : i1 to i32
    %cond3A = arith.constant 0 : i32
    %cond3A_8 = arith.cmpi ne, %convert_element_type3A, %cond3A : i32
    scf.if %cond3A_8 {
      "tpu.region"() ({
        %run_scoped3A_75 = tpu.sem_alloc : memref<!tpu.dma_semaphore, #tpu.memory_space<semaphore_mem>>
        %dma_start3A_76 = arith.constant 9984 : i32
        %dma_start3A_77 = arith.constant 0 : i32
        %dma_start3A_78 = tpu.memref_slice %arg8[%dma_start3A_76, %dma_start3A_77] : memref<10000x128xf32, #tpu.memory_space<vmem_shared>> -> memref<16x128xf32, #tpu.memory_space<vmem_shared>>
        %dma_start3A_79 = arith.constant 9984 : i32
        %dma_start3A_80 = arith.constant 0 : i32
        %dma_start3A_81 = tpu.memref_slice %arg4[%dma_start3A_79, %dma_start3A_80] : memref<10000x128xf32, #tpu.memory_space<hbm>> -> memref<16x128xf32, #tpu.memory_space<hbm>>
        tpu.enqueue_dma source(%dma_start3A_81 : memref<16x128xf32, #tpu.memory_space<hbm>>) target(%dma_start3A_78 : memref<16x128xf32, #tpu.memory_space<vmem_shared>>) target_semaphore(%run_scoped3A_75 : memref<!tpu.dma_semaphore, #tpu.memory_space<semaphore_mem>>)
        %dma_wait3A_82 = arith.constant 9984 : i32
        %dma_wait3A_83 = arith.constant 0 : i32
        %dma_wait3A_84 = tpu.memref_slice %arg8[%dma_wait3A_82, %dma_wait3A_83] : memref<10000x128xf32, #tpu.memory_space<vmem_shared>> -> memref<16x128xf32, #tpu.memory_space<vmem_shared>>
        %dma_wait3A_85 = arith.constant 9984 : i32
        %dma_wait3A_86 = arith.constant 0 : i32
        %dma_wait3A_87 = tpu.memref_slice %arg4[%dma_wait3A_85, %dma_wait3A_86] : memref<10000x128xf32, #tpu.memory_space<hbm>> -> memref<16x128xf32, #tpu.memory_space<hbm>>
        tpu.wait_dma2 semaphore(%run_scoped3A_75 : memref<!tpu.dma_semaphore, #tpu.memory_space<semaphore_mem>>) src(%dma_wait3A_87 : memref<16x128xf32, #tpu.memory_space<hbm>>) dst(%dma_wait3A_84 : memref<16x128xf32, #tpu.memory_space<vmem_shared>>)
        tpu.yield
      }) : () -> ()
    } else {
    }
    %barrier3A = arith.constant 0 : index
    tpu.barrier barrier_id(%barrier3A)
    %add3A_9 = arith.constant 0 : i32
    %add3A_10 = arith.addi %mul3A_2, %add3A_9 : i32
    %add3A_11 = arith.constant 0 : i32
    %add3A_12 = arith.addi %add3A_11, %add3A_10 : i32
    %dma_start3A = arith.constant 0 : i32
    %dma_start3A_13 = arith.constant 0 : i32
    %dma_start3A_14 = tpu.memref_slice %arg6[%dma_start3A, %dma_start3A_13] : memref<2x40xi32, #tpu.memory_space<vmem>> -> memref<1x40xi32, #tpu.memory_space<vmem>>
    %dma_start3A_15 = tpu.memref_squeeze %dma_start3A_14 : memref<1x40xi32, #tpu.memory_space<vmem>> -> memref<40xi32, #tpu.memory_space<vmem>>
    %dma_start3A_16 = tpu.memref_slice %arg3[%add3A_12] : memref<320000xi32, #tpu.memory_space<hbm>> -> memref<40xi32, #tpu.memory_space<hbm>>
    %dma_start3A_17 = arith.constant 0 : i32
    %dma_start3A_18 = tpu.memref_slice %arg6[%dma_start3A, %dma_start3A_17] : memref<2x40xi32, #tpu.memory_space<vmem>> -> memref<1x40xi32, #tpu.memory_space<vmem>>
    %dma_start3A_19 = tpu.memref_squeeze %dma_start3A_18 : memref<1x40xi32, #tpu.memory_space<vmem>> -> memref<40xi32, #tpu.memory_space<vmem>>
    %dma_start3A_20 = tpu.memref_slice %arg3[%add3A_12] : memref<320000xi32, #tpu.memory_space<hbm>> -> memref<40xi32, #tpu.memory_space<hbm>>
    tpu.enqueue_dma source(%dma_start3A_20 : memref<40xi32, #tpu.memory_space<hbm>>) target(%dma_start3A_19 : memref<40xi32, #tpu.memory_space<vmem>>) target_semaphore(%arg9 : memref<!tpu.dma_semaphore, #tpu.memory_space<semaphore_mem>>)
    %dma_start3A_21 = arith.constant 0 : i32
    %dma_start3A_22 = arith.constant 0 : i32
    %dma_start3A_23 = arith.constant 0 : i32
    %dma_start3A_24 = tpu.memref_slice %arg7[%dma_start3A_21, %dma_start3A_22, %dma_start3A_23] : memref<2x40x128xf32, #tpu.memory_space<vmem>> -> memref<1x40x128xf32, #tpu.memory_space<vmem>>
    %dma_start3A_25 = tpu.memref_squeeze %dma_start3A_24 : memref<1x40x128xf32, #tpu.memory_space<vmem>> -> memref<40x128xf32, #tpu.memory_space<vmem>>
    %dma_start3A_26 = arith.constant 0 : i32
    %dma_start3A_27 = tpu.memref_slice %arg2[%add3A_10, %dma_start3A_26] : memref<160000x128xf32, #tpu.memory_space<hbm>> -> memref<40x128xf32, #tpu.memory_space<hbm>>
    %dma_start3A_28 = arith.constant 0 : i32
    %dma_start3A_29 = arith.constant 0 : i32
    %dma_start3A_30 = tpu.memref_slice %arg7[%dma_start3A_21, %dma_start3A_28, %dma_start3A_29] : memref<2x40x128xf32, #tpu.memory_space<vmem>> -> memref<1x40x128xf32, #tpu.memory_space<vmem>>
    %dma_start3A_31 = tpu.memref_squeeze %dma_start3A_30 : memref<1x40x128xf32, #tpu.memory_space<vmem>> -> memref<40x128xf32, #tpu.memory_space<vmem>>
    %dma_start3A_32 = arith.constant 0 : i32
    %dma_start3A_33 = tpu.memref_slice %arg2[%add3A_10, %dma_start3A_32] : memref<160000x128xf32, #tpu.memory_space<hbm>> -> memref<40x128xf32, #tpu.memory_space<hbm>>
    tpu.enqueue_dma source(%dma_start3A_33 : memref<40x128xf32, #tpu.memory_space<hbm>>) target(%dma_start3A_31 : memref<40x128xf32, #tpu.memory_space<vmem>>) target_semaphore(%arg10 : memref<!tpu.dma_semaphore, #tpu.memory_space<semaphore_mem>>)
    %scan3A = arith.constant 0 : i32
    %scan3A_34 = arith.constant 0 : i32
    %scan3A_35 = arith.constant 62 : i32
    %scan3A_36 = arith.addi %scan3A_34, %scan3A_35 : i32
    %scan3A_37 = arith.constant 1 : i32
    scf.for %scan3A_75 = %scan3A_34 to %scan3A_36 step %scan3A_37  : i32 {
      %mul3A_76 = arith.constant 2 : i32
      %mul3A_77 = arith.muli %mul3A_76, %scan3A_75 : i32
      %add3A_78 = arith.constant 1 : i32
      %add3A_79 = arith.addi %mul3A_77, %add3A_78 : i32
      %mul3A_80 = arith.constant 40 : i32
      %mul3A_81 = arith.muli %add3A_79, %mul3A_80 : i32
      %add3A_82 = arith.addi %mul3A_2, %mul3A_81 : i32
      %add3A_83 = arith.constant 0 : i32
      %add3A_84 = arith.addi %add3A_83, %add3A_82 : i32
      %dma_start3A_85 = arith.constant 1 : i32
      %dma_start3A_86 = arith.constant 0 : i32
      %dma_start3A_87 = tpu.memref_slice %arg6[%dma_start3A_85, %dma_start3A_86] : memref<2x40xi32, #tpu.memory_space<vmem>> -> memref<1x40xi32, #tpu.memory_space<vmem>>
      %dma_start3A_88 = tpu.memref_squeeze %dma_start3A_87 : memref<1x40xi32, #tpu.memory_space<vmem>> -> memref<40xi32, #tpu.memory_space<vmem>>
      %dma_start3A_89 = tpu.memref_slice %arg3[%add3A_84] : memref<320000xi32, #tpu.memory_space<hbm>> -> memref<40xi32, #tpu.memory_space<hbm>>
      %dma_start3A_90 = arith.constant 0 : i32
      %dma_start3A_91 = tpu.memref_slice %arg6[%dma_start3A_85, %dma_start3A_90] : memref<2x40xi32, #tpu.memory_space<vmem>> -> memref<1x40xi32, #tpu.memory_space<vmem>>
      %dma_start3A_92 = tpu.memref_squeeze %dma_start3A_91 : memref<1x40xi32, #tpu.memory_space<vmem>> -> memref<40xi32, #tpu.memory_space<vmem>>
      %dma_start3A_93 = tpu.memref_slice %arg3[%add3A_84] : memref<320000xi32, #tpu.memory_space<hbm>> -> memref<40xi32, #tpu.memory_space<hbm>>
      tpu.enqueue_dma source(%dma_start3A_93 : memref<40xi32, #tpu.memory_space<hbm>>) target(%dma_start3A_92 : memref<40xi32, #tpu.memory_space<vmem>>) target_semaphore(%arg9 : memref<!tpu.dma_semaphore, #tpu.memory_space<semaphore_mem>>)
      %dma_start3A_94 = arith.constant 1 : i32
      %dma_start3A_95 = arith.constant 0 : i32
      %dma_start3A_96 = arith.constant 0 : i32
      %dma_start3A_97 = tpu.memref_slice %arg7[%dma_start3A_94, %dma_start3A_95, %dma_start3A_96] : memref<2x40x128xf32, #tpu.memory_space<vmem>> -> memref<1x40x128xf32, #tpu.memory_space<vmem>>
      %dma_start3A_98 = tpu.memref_squeeze %dma_start3A_97 : memref<1x40x128xf32, #tpu.memory_space<vmem>> -> memref<40x128xf32, #tpu.memory_space<vmem>>
      %dma_start3A_99 = arith.constant 0 : i32
      %dma_start3A_100 = tpu.memref_slice %arg2[%add3A_82, %dma_start3A_99] : memref<160000x128xf32, #tpu.memory_space<hbm>> -> memref<40x128xf32, #tpu.memory_space<hbm>>
      %dma_start3A_101 = arith.constant 0 : i32
      %dma_start3A_102 = arith.constant 0 : i32
      %dma_start3A_103 = tpu.memref_slice %arg7[%dma_start3A_94, %dma_start3A_101, %dma_start3A_102] : memref<2x40x128xf32, #tpu.memory_space<vmem>> -> memref<1x40x128xf32, #tpu.memory_space<vmem>>
      %dma_start3A_104 = tpu.memref_squeeze %dma_start3A_103 : memref<1x40x128xf32, #tpu.memory_space<vmem>> -> memref<40x128xf32, #tpu.memory_space<vmem>>
      %dma_start3A_105 = arith.constant 0 : i32
      %dma_start3A_106 = tpu.memref_slice %arg2[%add3A_82, %dma_start3A_105] : memref<160000x128xf32, #tpu.memory_space<hbm>> -> memref<40x128xf32, #tpu.memory_space<hbm>>
      tpu.enqueue_dma source(%dma_start3A_106 : memref<40x128xf32, #tpu.memory_space<hbm>>) target(%dma_start3A_104 : memref<40x128xf32, #tpu.memory_space<vmem>>) target_semaphore(%arg10 : memref<!tpu.dma_semaphore, #tpu.memory_space<semaphore_mem>>)
      %dma_wait3A_107 = arith.constant 0 : i32
      %dma_wait3A_108 = arith.constant 0 : i32
      %dma_wait3A_109 = tpu.memref_slice %arg6[%dma_wait3A_107, %dma_wait3A_108] : memref<2x40xi32, #tpu.memory_space<vmem>> -> memref<1x40xi32, #tpu.memory_space<vmem>>
      %dma_wait3A_110 = tpu.memref_squeeze %dma_wait3A_109 : memref<1x40xi32, #tpu.memory_space<vmem>> -> memref<40xi32, #tpu.memory_space<vmem>>
      %dma_wait3A_111 = arith.constant 0 : i32
      %dma_wait3A_112 = tpu.memref_slice %arg3[%dma_wait3A_111] : memref<320000xi32, #tpu.memory_space<hbm>> -> memref<40xi32, #tpu.memory_space<hbm>>
      %dma_wait3A_113 = arith.constant 0 : i32
      %dma_wait3A_114 = tpu.memref_slice %arg6[%dma_wait3A_107, %dma_wait3A_113] : memref<2x40xi32, #tpu.memory_space<vmem>> -> memref<1x40xi32, #tpu.memory_space<vmem>>
      %dma_wait3A_115 = tpu.memref_squeeze %dma_wait3A_114 : memref<1x40xi32, #tpu.memory_space<vmem>> -> memref<40xi32, #tpu.memory_space<vmem>>
      %dma_wait3A_116 = arith.constant 0 : i32
      %dma_wait3A_117 = tpu.memref_slice %arg3[%dma_wait3A_116] : memref<320000xi32, #tpu.memory_space<hbm>> -> memref<40xi32, #tpu.memory_space<hbm>>
      tpu.wait_dma2 semaphore(%arg9 : memref<!tpu.dma_semaphore, #tpu.memory_space<semaphore_mem>>) src(%dma_wait3A_117 : memref<40xi32, #tpu.memory_space<hbm>>) dst(%dma_wait3A_115 : memref<40xi32, #tpu.memory_space<vmem>>)
      %dma_wait3A_118 = arith.constant 0 : i32
      %dma_wait3A_119 = arith.constant 0 : i32
      %dma_wait3A_120 = arith.constant 0 : i32
      %dma_wait3A_121 = tpu.memref_slice %arg7[%dma_wait3A_118, %dma_wait3A_119, %dma_wait3A_120] : memref<2x40x128xf32, #tpu.memory_space<vmem>> -> memref<1x40x128xf32, #tpu.memory_space<vmem>>
      %dma_wait3A_122 = tpu.memref_squeeze %dma_wait3A_121 : memref<1x40x128xf32, #tpu.memory_space<vmem>> -> memref<40x128xf32, #tpu.memory_space<vmem>>
      %dma_wait3A_123 = arith.constant 0 : i32
      %dma_wait3A_124 = arith.constant 0 : i32
      %dma_wait3A_125 = tpu.memref_slice %arg2[%dma_wait3A_123, %dma_wait3A_124] : memref<160000x128xf32, #tpu.memory_space<hbm>> -> memref<40x128xf32, #tpu.memory_space<hbm>>
      %dma_wait3A_126 = arith.constant 0 : i32
      %dma_wait3A_127 = arith.constant 0 : i32
      %dma_wait3A_128 = tpu.memref_slice %arg7[%dma_wait3A_118, %dma_wait3A_126, %dma_wait3A_127] : memref<2x40x128xf32, #tpu.memory_space<vmem>> -> memref<1x40x128xf32, #tpu.memory_space<vmem>>
      %dma_wait3A_129 = tpu.memref_squeeze %dma_wait3A_128 : memref<1x40x128xf32, #tpu.memory_space<vmem>> -> memref<40x128xf32, #tpu.memory_space<vmem>>
      %dma_wait3A_130 = arith.constant 0 : i32
      %dma_wait3A_131 = arith.constant 0 : i32
      %dma_wait3A_132 = tpu.memref_slice %arg2[%dma_wait3A_130, %dma_wait3A_131] : memref<160000x128xf32, #tpu.memory_space<hbm>> -> memref<40x128xf32, #tpu.memory_space<hbm>>
      tpu.wait_dma2 semaphore(%arg10 : memref<!tpu.dma_semaphore, #tpu.memory_space<semaphore_mem>>) src(%dma_wait3A_132 : memref<40x128xf32, #tpu.memory_space<hbm>>) dst(%dma_wait3A_129 : memref<40x128xf32, #tpu.memory_space<vmem>>)
      %run_scoped3A_133 = arith.constant 0 : i32
      %run_scoped3A_134 = arith.constant 0 : i32
      "tpu.region"() ({
        %run_scoped3A_169 = tpu.sem_alloc : memref<!tpu.dma_semaphore, #tpu.memory_space<semaphore_mem>>
        %dma_start3A_170 = arith.constant 0 : i32
        %dma_start3A_171 = arith.constant 0 : i32
        %dma_start3A_172 = tpu.memref_slice %arg7[%run_scoped3A_133, %dma_start3A_170, %dma_start3A_171] : memref<2x40x128xf32, #tpu.memory_space<vmem>> -> memref<1x40x128xf32, #tpu.memory_space<vmem>>
        %dma_start3A_173 = tpu.memref_squeeze %dma_start3A_172 : memref<1x40x128xf32, #tpu.memory_space<vmem>> -> memref<40x128xf32, #tpu.memory_space<vmem>>
        %dma_start3A_174 = arith.constant 0 : i32
        %dma_start3A_175 = tpu.memref_slice %arg6[%run_scoped3A_134, %dma_start3A_174] : memref<2x40xi32, #tpu.memory_space<vmem>> -> memref<1x40xi32, #tpu.memory_space<vmem>>
        %dma_start3A_176 = tpu.memref_squeeze %dma_start3A_175 : memref<1x40xi32, #tpu.memory_space<vmem>> -> memref<40xi32, #tpu.memory_space<vmem>>
        %dma_start3A_177 = arith.constant 0 : i32
        %dma_start3A_178 = arith.constant 0 : i32
        %dma_start3A_179 = tpu.memref_slice %arg8[%dma_start3A_177, %dma_start3A_178] : memref<10000x128xf32, #tpu.memory_space<vmem_shared>> -> memref<10000x128xf32, #tpu.memory_space<vmem_shared>>
        tpu.enqueue_indirect_dma source(%dma_start3A_173 : memref<40x128xf32, #tpu.memory_space<vmem>>) target(%dma_start3A_179 : memref<10000x128xf32, #tpu.memory_space<vmem_shared>>) offsets(%dma_start3A_176 : memref<40xi32, #tpu.memory_space<vmem>>) semaphore(%run_scoped3A_169 : memref<!tpu.dma_semaphore, #tpu.memory_space<semaphore_mem>>) {add = true}
        %dma_wait3A_180 = arith.constant 0 : i32
        %dma_wait3A_181 = arith.constant 0 : i32
        %dma_wait3A_182 = tpu.memref_slice %arg7[%run_scoped3A_133, %dma_wait3A_180, %dma_wait3A_181] : memref<2x40x128xf32, #tpu.memory_space<vmem>> -> memref<1x40x128xf32, #tpu.memory_space<vmem>>
        %dma_wait3A_183 = tpu.memref_squeeze %dma_wait3A_182 : memref<1x40x128xf32, #tpu.memory_space<vmem>> -> memref<40x128xf32, #tpu.memory_space<vmem>>
        %dma_wait3A_184 = arith.constant 0 : i32
        %dma_wait3A_185 = tpu.memref_slice %arg6[%run_scoped3A_134, %dma_wait3A_184] : memref<2x40xi32, #tpu.memory_space<vmem>> -> memref<1x40xi32, #tpu.memory_space<vmem>>
        %dma_wait3A_186 = tpu.memref_squeeze %dma_wait3A_185 : memref<1x40xi32, #tpu.memory_space<vmem>> -> memref<40xi32, #tpu.memory_space<vmem>>
        %dma_wait3A_187 = arith.constant 0 : i32
        %dma_wait3A_188 = arith.constant 0 : i32
        %dma_wait3A_189 = tpu.memref_slice %arg8[%dma_wait3A_187, %dma_wait3A_188] : memref<10000x128xf32, #tpu.memory_space<vmem_shared>> -> memref<10000x128xf32, #tpu.memory_space<vmem_shared>>
        tpu.wait_indirect_dma semaphore(%run_scoped3A_169 : memref<!tpu.dma_semaphore, #tpu.memory_space<semaphore_mem>>) src(%dma_wait3A_183 : memref<40x128xf32, #tpu.memory_space<vmem>>) dst(%dma_wait3A_189 : memref<10000x128xf32, #tpu.memory_space<vmem_shared>>)
        tpu.yield
      }) : () -> ()
      %add3A_135 = arith.constant 2 : i32
      %add3A_136 = arith.addi %mul3A_77, %add3A_135 : i32
      %lt3A = arith.constant 125 : i32
      %lt3A_137 = arith.cmpi slt, %add3A_136, %lt3A : i32
      %convert_element_type3A_138 = arith.extui %lt3A_137 : i1 to i32
      %cond3A_139 = arith.constant 0 : i32
      %cond3A_140 = arith.cmpi ne, %convert_element_type3A_138, %cond3A_139 : i32
      scf.if %cond3A_140 {
        %add3A_169 = arith.constant 2 : i32
        %add3A_170 = arith.addi %mul3A_77, %add3A_169 : i32
        %mul3A_171 = arith.constant 40 : i32
        %mul3A_172 = arith.muli %add3A_170, %mul3A_171 : i32
        %add3A_173 = arith.addi %mul3A_2, %mul3A_172 : i32
        %add3A_174 = arith.constant 0 : i32
        %add3A_175 = arith.addi %add3A_174, %add3A_173 : i32
        %dma_start3A_176 = arith.constant 0 : i32
        %dma_start3A_177 = arith.constant 0 : i32
        %dma_start3A_178 = tpu.memref_slice %arg6[%dma_start3A_176, %dma_start3A_177] : memref<2x40xi32, #tpu.memory_space<vmem>> -> memref<1x40xi32, #tpu.memory_space<vmem>>
        %dma_start3A_179 = tpu.memref_squeeze %dma_start3A_178 : memref<1x40xi32, #tpu.memory_space<vmem>> -> memref<40xi32, #tpu.memory_space<vmem>>
        %dma_start3A_180 = tpu.memref_slice %arg3[%add3A_175] : memref<320000xi32, #tpu.memory_space<hbm>> -> memref<40xi32, #tpu.memory_space<hbm>>
        %dma_start3A_181 = arith.constant 0 : i32
        %dma_start3A_182 = tpu.memref_slice %arg6[%dma_start3A_176, %dma_start3A_181] : memref<2x40xi32, #tpu.memory_space<vmem>> -> memref<1x40xi32, #tpu.memory_space<vmem>>
        %dma_start3A_183 = tpu.memref_squeeze %dma_start3A_182 : memref<1x40xi32, #tpu.memory_space<vmem>> -> memref<40xi32, #tpu.memory_space<vmem>>
        %dma_start3A_184 = tpu.memref_slice %arg3[%add3A_175] : memref<320000xi32, #tpu.memory_space<hbm>> -> memref<40xi32, #tpu.memory_space<hbm>>
        tpu.enqueue_dma source(%dma_start3A_184 : memref<40xi32, #tpu.memory_space<hbm>>) target(%dma_start3A_183 : memref<40xi32, #tpu.memory_space<vmem>>) target_semaphore(%arg9 : memref<!tpu.dma_semaphore, #tpu.memory_space<semaphore_mem>>)
        %dma_start3A_185 = arith.constant 0 : i32
        %dma_start3A_186 = arith.constant 0 : i32
        %dma_start3A_187 = arith.constant 0 : i32
        %dma_start3A_188 = tpu.memref_slice %arg7[%dma_start3A_185, %dma_start3A_186, %dma_start3A_187] : memref<2x40x128xf32, #tpu.memory_space<vmem>> -> memref<1x40x128xf32, #tpu.memory_space<vmem>>
        %dma_start3A_189 = tpu.memref_squeeze %dma_start3A_188 : memref<1x40x128xf32, #tpu.memory_space<vmem>> -> memref<40x128xf32, #tpu.memory_space<vmem>>
        %dma_start3A_190 = arith.constant 0 : i32
        %dma_start3A_191 = tpu.memref_slice %arg2[%add3A_173, %dma_start3A_190] : memref<160000x128xf32, #tpu.memory_space<hbm>> -> memref<40x128xf32, #tpu.memory_space<hbm>>
        %dma_start3A_192 = arith.constant 0 : i32
        %dma_start3A_193 = arith.constant 0 : i32
        %dma_start3A_194 = tpu.memref_slice %arg7[%dma_start3A_185, %dma_start3A_192, %dma_start3A_193] : memref<2x40x128xf32, #tpu.memory_space<vmem>> -> memref<1x40x128xf32, #tpu.memory_space<vmem>>
        %dma_start3A_195 = tpu.memref_squeeze %dma_start3A_194 : memref<1x40x128xf32, #tpu.memory_space<vmem>> -> memref<40x128xf32, #tpu.memory_space<vmem>>
        %dma_start3A_196 = arith.constant 0 : i32
        %dma_start3A_197 = tpu.memref_slice %arg2[%add3A_173, %dma_start3A_196] : memref<160000x128xf32, #tpu.memory_space<hbm>> -> memref<40x128xf32, #tpu.memory_space<hbm>>
        tpu.enqueue_dma source(%dma_start3A_197 : memref<40x128xf32, #tpu.memory_space<hbm>>) target(%dma_start3A_195 : memref<40x128xf32, #tpu.memory_space<vmem>>) target_semaphore(%arg10 : memref<!tpu.dma_semaphore, #tpu.memory_space<semaphore_mem>>)
      } else {
      }
      %dma_wait3A_141 = arith.constant 1 : i32
      %dma_wait3A_142 = arith.constant 0 : i32
      %dma_wait3A_143 = tpu.memref_slice %arg6[%dma_wait3A_141, %dma_wait3A_142] : memref<2x40xi32, #tpu.memory_space<vmem>> -> memref<1x40xi32, #tpu.memory_space<vmem>>
      %dma_wait3A_144 = tpu.memref_squeeze %dma_wait3A_143 : memref<1x40xi32, #tpu.memory_space<vmem>> -> memref<40xi32, #tpu.memory_space<vmem>>
      %dma_wait3A_145 = arith.constant 0 : i32
      %dma_wait3A_146 = tpu.memref_slice %arg3[%dma_wait3A_145] : memref<320000xi32, #tpu.memory_space<hbm>> -> memref<40xi32, #tpu.memory_space<hbm>>
      %dma_wait3A_147 = arith.constant 0 : i32
      %dma_wait3A_148 = tpu.memref_slice %arg6[%dma_wait3A_141, %dma_wait3A_147] : memref<2x40xi32, #tpu.memory_space<vmem>> -> memref<1x40xi32, #tpu.memory_space<vmem>>
      %dma_wait3A_149 = tpu.memref_squeeze %dma_wait3A_148 : memref<1x40xi32, #tpu.memory_space<vmem>> -> memref<40xi32, #tpu.memory_space<vmem>>
      %dma_wait3A_150 = arith.constant 0 : i32
      %dma_wait3A_151 = tpu.memref_slice %arg3[%dma_wait3A_150] : memref<320000xi32, #tpu.memory_space<hbm>> -> memref<40xi32, #tpu.memory_space<hbm>>
      tpu.wait_dma2 semaphore(%arg9 : memref<!tpu.dma_semaphore, #tpu.memory_space<semaphore_mem>>) src(%dma_wait3A_151 : memref<40xi32, #tpu.memory_space<hbm>>) dst(%dma_wait3A_149 : memref<40xi32, #tpu.memory_space<vmem>>)
      %dma_wait3A_152 = arith.constant 1 : i32
      %dma_wait3A_153 = arith.constant 0 : i32
      %dma_wait3A_154 = arith.constant 0 : i32
      %dma_wait3A_155 = tpu.memref_slice %arg7[%dma_wait3A_152, %dma_wait3A_153, %dma_wait3A_154] : memref<2x40x128xf32, #tpu.memory_space<vmem>> -> memref<1x40x128xf32, #tpu.memory_space<vmem>>
      %dma_wait3A_156 = tpu.memref_squeeze %dma_wait3A_155 : memref<1x40x128xf32, #tpu.memory_space<vmem>> -> memref<40x128xf32, #tpu.memory_space<vmem>>
      %dma_wait3A_157 = arith.constant 0 : i32
      %dma_wait3A_158 = arith.constant 0 : i32
      %dma_wait3A_159 = tpu.memref_slice %arg2[%dma_wait3A_157, %dma_wait3A_158] : memref<160000x128xf32, #tpu.memory_space<hbm>> -> memref<40x128xf32, #tpu.memory_space<hbm>>
      %dma_wait3A_160 = arith.constant 0 : i32
      %dma_wait3A_161 = arith.constant 0 : i32
      %dma_wait3A_162 = tpu.memref_slice %arg7[%dma_wait3A_152, %dma_wait3A_160, %dma_wait3A_161] : memref<2x40x128xf32, #tpu.memory_space<vmem>> -> memref<1x40x128xf32, #tpu.memory_space<vmem>>
      %dma_wait3A_163 = tpu.memref_squeeze %dma_wait3A_162 : memref<1x40x128xf32, #tpu.memory_space<vmem>> -> memref<40x128xf32, #tpu.memory_space<vmem>>
      %dma_wait3A_164 = arith.constant 0 : i32
      %dma_wait3A_165 = arith.constant 0 : i32
      %dma_wait3A_166 = tpu.memref_slice %arg2[%dma_wait3A_164, %dma_wait3A_165] : memref<160000x128xf32, #tpu.memory_space<hbm>> -> memref<40x128xf32, #tpu.memory_space<hbm>>
      tpu.wait_dma2 semaphore(%arg10 : memref<!tpu.dma_semaphore, #tpu.memory_space<semaphore_mem>>) src(%dma_wait3A_166 : memref<40x128xf32, #tpu.memory_space<hbm>>) dst(%dma_wait3A_163 : memref<40x128xf32, #tpu.memory_space<vmem>>)
      %run_scoped3A_167 = arith.constant 1 : i32
      %run_scoped3A_168 = arith.constant 1 : i32
      "tpu.region"() ({
        %run_scoped3A_169 = tpu.sem_alloc : memref<!tpu.dma_semaphore, #tpu.memory_space<semaphore_mem>>
        %dma_start3A_170 = arith.constant 0 : i32
        %dma_start3A_171 = arith.constant 0 : i32
        %dma_start3A_172 = tpu.memref_slice %arg7[%run_scoped3A_167, %dma_start3A_170, %dma_start3A_171] : memref<2x40x128xf32, #tpu.memory_space<vmem>> -> memref<1x40x128xf32, #tpu.memory_space<vmem>>
        %dma_start3A_173 = tpu.memref_squeeze %dma_start3A_172 : memref<1x40x128xf32, #tpu.memory_space<vmem>> -> memref<40x128xf32, #tpu.memory_space<vmem>>
        %dma_start3A_174 = arith.constant 0 : i32
        %dma_start3A_175 = tpu.memref_slice %arg6[%run_scoped3A_168, %dma_start3A_174] : memref<2x40xi32, #tpu.memory_space<vmem>> -> memref<1x40xi32, #tpu.memory_space<vmem>>
        %dma_start3A_176 = tpu.memref_squeeze %dma_start3A_175 : memref<1x40xi32, #tpu.memory_space<vmem>> -> memref<40xi32, #tpu.memory_space<vmem>>
        %dma_start3A_177 = arith.constant 0 : i32
        %dma_start3A_178 = arith.constant 0 : i32
        %dma_start3A_179 = tpu.memref_slice %arg8[%dma_start3A_177, %dma_start3A_178] : memref<10000x128xf32, #tpu.memory_space<vmem_shared>> -> memref<10000x128xf32, #tpu.memory_space<vmem_shared>>
        tpu.enqueue_indirect_dma source(%dma_start3A_173 : memref<40x128xf32, #tpu.memory_space<vmem>>) target(%dma_start3A_179 : memref<10000x128xf32, #tpu.memory_space<vmem_shared>>) offsets(%dma_start3A_176 : memref<40xi32, #tpu.memory_space<vmem>>) semaphore(%run_scoped3A_169 : memref<!tpu.dma_semaphore, #tpu.memory_space<semaphore_mem>>) {add = true}
        %dma_wait3A_180 = arith.constant 0 : i32
        %dma_wait3A_181 = arith.constant 0 : i32
        %dma_wait3A_182 = tpu.memref_slice %arg7[%run_scoped3A_167, %dma_wait3A_180, %dma_wait3A_181] : memref<2x40x128xf32, #tpu.memory_space<vmem>> -> memref<1x40x128xf32, #tpu.memory_space<vmem>>
        %dma_wait3A_183 = tpu.memref_squeeze %dma_wait3A_182 : memref<1x40x128xf32, #tpu.memory_space<vmem>> -> memref<40x128xf32, #tpu.memory_space<vmem>>
        %dma_wait3A_184 = arith.constant 0 : i32
        %dma_wait3A_185 = tpu.memref_slice %arg6[%run_scoped3A_168, %dma_wait3A_184] : memref<2x40xi32, #tpu.memory_space<vmem>> -> memref<1x40xi32, #tpu.memory_space<vmem>>
        %dma_wait3A_186 = tpu.memref_squeeze %dma_wait3A_185 : memref<1x40xi32, #tpu.memory_space<vmem>> -> memref<40xi32, #tpu.memory_space<vmem>>
        %dma_wait3A_187 = arith.constant 0 : i32
        %dma_wait3A_188 = arith.constant 0 : i32
        %dma_wait3A_189 = tpu.memref_slice %arg8[%dma_wait3A_187, %dma_wait3A_188] : memref<10000x128xf32, #tpu.memory_space<vmem_shared>> -> memref<10000x128xf32, #tpu.memory_space<vmem_shared>>
        tpu.wait_indirect_dma semaphore(%run_scoped3A_169 : memref<!tpu.dma_semaphore, #tpu.memory_space<semaphore_mem>>) src(%dma_wait3A_183 : memref<40x128xf32, #tpu.memory_space<vmem>>) dst(%dma_wait3A_189 : memref<10000x128xf32, #tpu.memory_space<vmem_shared>>)
        tpu.yield
      }) : () -> ()
    }
    %scan3A_38 = arith.constant 62 : i32
    %dma_wait3A = arith.constant 0 : i32
    %dma_wait3A_39 = arith.constant 0 : i32
    %dma_wait3A_40 = tpu.memref_slice %arg6[%dma_wait3A, %dma_wait3A_39] : memref<2x40xi32, #tpu.memory_space<vmem>> -> memref<1x40xi32, #tpu.memory_space<vmem>>
    %dma_wait3A_41 = tpu.memref_squeeze %dma_wait3A_40 : memref<1x40xi32, #tpu.memory_space<vmem>> -> memref<40xi32, #tpu.memory_space<vmem>>
    %dma_wait3A_42 = arith.constant 0 : i32
    %dma_wait3A_43 = tpu.memref_slice %arg3[%dma_wait3A_42] : memref<320000xi32, #tpu.memory_space<hbm>> -> memref<40xi32, #tpu.memory_space<hbm>>
    %dma_wait3A_44 = arith.constant 0 : i32
    %dma_wait3A_45 = tpu.memref_slice %arg6[%dma_wait3A, %dma_wait3A_44] : memref<2x40xi32, #tpu.memory_space<vmem>> -> memref<1x40xi32, #tpu.memory_space<vmem>>
    %dma_wait3A_46 = tpu.memref_squeeze %dma_wait3A_45 : memref<1x40xi32, #tpu.memory_space<vmem>> -> memref<40xi32, #tpu.memory_space<vmem>>
    %dma_wait3A_47 = arith.constant 0 : i32
    %dma_wait3A_48 = tpu.memref_slice %arg3[%dma_wait3A_47] : memref<320000xi32, #tpu.memory_space<hbm>> -> memref<40xi32, #tpu.memory_space<hbm>>
    tpu.wait_dma2 semaphore(%arg9 : memref<!tpu.dma_semaphore, #tpu.memory_space<semaphore_mem>>) src(%dma_wait3A_48 : memref<40xi32, #tpu.memory_space<hbm>>) dst(%dma_wait3A_46 : memref<40xi32, #tpu.memory_space<vmem>>)
    %dma_wait3A_49 = arith.constant 0 : i32
    %dma_wait3A_50 = arith.constant 0 : i32
    %dma_wait3A_51 = arith.constant 0 : i32
    %dma_wait3A_52 = tpu.memref_slice %arg7[%dma_wait3A_49, %dma_wait3A_50, %dma_wait3A_51] : memref<2x40x128xf32, #tpu.memory_space<vmem>> -> memref<1x40x128xf32, #tpu.memory_space<vmem>>
    %dma_wait3A_53 = tpu.memref_squeeze %dma_wait3A_52 : memref<1x40x128xf32, #tpu.memory_space<vmem>> -> memref<40x128xf32, #tpu.memory_space<vmem>>
    %dma_wait3A_54 = arith.constant 0 : i32
    %dma_wait3A_55 = arith.constant 0 : i32
    %dma_wait3A_56 = tpu.memref_slice %arg2[%dma_wait3A_54, %dma_wait3A_55] : memref<160000x128xf32, #tpu.memory_space<hbm>> -> memref<40x128xf32, #tpu.memory_space<hbm>>
    %dma_wait3A_57 = arith.constant 0 : i32
    %dma_wait3A_58 = arith.constant 0 : i32
    %dma_wait3A_59 = tpu.memref_slice %arg7[%dma_wait3A_49, %dma_wait3A_57, %dma_wait3A_58] : memref<2x40x128xf32, #tpu.memory_space<vmem>> -> memref<1x40x128xf32, #tpu.memory_space<vmem>>
    %dma_wait3A_60 = tpu.memref_squeeze %dma_wait3A_59 : memref<1x40x128xf32, #tpu.memory_space<vmem>> -> memref<40x128xf32, #tpu.memory_space<vmem>>
    %dma_wait3A_61 = arith.constant 0 : i32
    %dma_wait3A_62 = arith.constant 0 : i32
    %dma_wait3A_63 = tpu.memref_slice %arg2[%dma_wait3A_61, %dma_wait3A_62] : memref<160000x128xf32, #tpu.memory_space<hbm>> -> memref<40x128xf32, #tpu.memory_space<hbm>>
    tpu.wait_dma2 semaphore(%arg10 : memref<!tpu.dma_semaphore, #tpu.memory_space<semaphore_mem>>) src(%dma_wait3A_63 : memref<40x128xf32, #tpu.memory_space<hbm>>) dst(%dma_wait3A_60 : memref<40x128xf32, #tpu.memory_space<vmem>>)
    %run_scoped3A = arith.constant 0 : i32
    %run_scoped3A_64 = arith.constant 0 : i32
    "tpu.region"() ({
      %run_scoped3A_75 = tpu.sem_alloc : memref<!tpu.dma_semaphore, #tpu.memory_space<semaphore_mem>>
      %dma_start3A_76 = arith.constant 0 : i32
      %dma_start3A_77 = arith.constant 0 : i32
      %dma_start3A_78 = tpu.memref_slice %arg7[%run_scoped3A, %dma_start3A_76, %dma_start3A_77] : memref<2x40x128xf32, #tpu.memory_space<vmem>> -> memref<1x40x128xf32, #tpu.memory_space<vmem>>
      %dma_start3A_79 = tpu.memref_squeeze %dma_start3A_78 : memref<1x40x128xf32, #tpu.memory_space<vmem>> -> memref<40x128xf32, #tpu.memory_space<vmem>>
      %dma_start3A_80 = arith.constant 0 : i32
      %dma_start3A_81 = tpu.memref_slice %arg6[%run_scoped3A_64, %dma_start3A_80] : memref<2x40xi32, #tpu.memory_space<vmem>> -> memref<1x40xi32, #tpu.memory_space<vmem>>
      %dma_start3A_82 = tpu.memref_squeeze %dma_start3A_81 : memref<1x40xi32, #tpu.memory_space<vmem>> -> memref<40xi32, #tpu.memory_space<vmem>>
      %dma_start3A_83 = arith.constant 0 : i32
      %dma_start3A_84 = arith.constant 0 : i32
      %dma_start3A_85 = tpu.memref_slice %arg8[%dma_start3A_83, %dma_start3A_84] : memref<10000x128xf32, #tpu.memory_space<vmem_shared>> -> memref<10000x128xf32, #tpu.memory_space<vmem_shared>>
      tpu.enqueue_indirect_dma source(%dma_start3A_79 : memref<40x128xf32, #tpu.memory_space<vmem>>) target(%dma_start3A_85 : memref<10000x128xf32, #tpu.memory_space<vmem_shared>>) offsets(%dma_start3A_82 : memref<40xi32, #tpu.memory_space<vmem>>) semaphore(%run_scoped3A_75 : memref<!tpu.dma_semaphore, #tpu.memory_space<semaphore_mem>>) {add = true}
      %dma_wait3A_86 = arith.constant 0 : i32
      %dma_wait3A_87 = arith.constant 0 : i32
      %dma_wait3A_88 = tpu.memref_slice %arg7[%run_scoped3A, %dma_wait3A_86, %dma_wait3A_87] : memref<2x40x128xf32, #tpu.memory_space<vmem>> -> memref<1x40x128xf32, #tpu.memory_space<vmem>>
      %dma_wait3A_89 = tpu.memref_squeeze %dma_wait3A_88 : memref<1x40x128xf32, #tpu.memory_space<vmem>> -> memref<40x128xf32, #tpu.memory_space<vmem>>
      %dma_wait3A_90 = arith.constant 0 : i32
      %dma_wait3A_91 = tpu.memref_slice %arg6[%run_scoped3A_64, %dma_wait3A_90] : memref<2x40xi32, #tpu.memory_space<vmem>> -> memref<1x40xi32, #tpu.memory_space<vmem>>
      %dma_wait3A_92 = tpu.memref_squeeze %dma_wait3A_91 : memref<1x40xi32, #tpu.memory_space<vmem>> -> memref<40xi32, #tpu.memory_space<vmem>>
      %dma_wait3A_93 = arith.constant 0 : i32
      %dma_wait3A_94 = arith.constant 0 : i32
      %dma_wait3A_95 = tpu.memref_slice %arg8[%dma_wait3A_93, %dma_wait3A_94] : memref<10000x128xf32, #tpu.memory_space<vmem_shared>> -> memref<10000x128xf32, #tpu.memory_space<vmem_shared>>
      tpu.wait_indirect_dma semaphore(%run_scoped3A_75 : memref<!tpu.dma_semaphore, #tpu.memory_space<semaphore_mem>>) src(%dma_wait3A_89 : memref<40x128xf32, #tpu.memory_space<vmem>>) dst(%dma_wait3A_95 : memref<10000x128xf32, #tpu.memory_space<vmem_shared>>)
      tpu.yield
    }) : () -> ()
    %barrier3A_65 = arith.constant 0 : index
    tpu.barrier barrier_id(%barrier3A_65)
    %mul3A_66 = arith.constant 624 : i32
    %mul3A_67 = arith.muli %arg1, %mul3A_66 : i32
    %mul3A_68 = arith.constant 624 : i32
    %mul3A_69 = arith.muli %arg1, %mul3A_68 : i32
    "tpu.region"() ({
      %run_scoped3A_75 = tpu.sem_alloc : memref<!tpu.dma_semaphore, #tpu.memory_space<semaphore_mem>>
      %dma_start3A_76 = arith.constant 0 : i32
      %dma_start3A_77 = tpu.memref_slice %arg5[%arg0, %mul3A_69, %dma_start3A_76] : memref<2x10000x128xf32, #tpu.memory_space<hbm>> -> memref<1x624x128xf32, #tpu.memory_space<hbm>>
      %dma_start3A_78 = tpu.memref_squeeze %dma_start3A_77 : memref<1x624x128xf32, #tpu.memory_space<hbm>> -> memref<624x128xf32, #tpu.memory_space<hbm>>
      %dma_start3A_79 = arith.constant 0 : i32
      %dma_start3A_80 = tpu.memref_slice %arg8[%mul3A_67, %dma_start3A_79] : memref<10000x128xf32, #tpu.memory_space<vmem_shared>> -> memref<624x128xf32, #tpu.memory_space<vmem_shared>>
      tpu.enqueue_dma source(%dma_start3A_80 : memref<624x128xf32, #tpu.memory_space<vmem_shared>>) target(%dma_start3A_78 : memref<624x128xf32, #tpu.memory_space<hbm>>) target_semaphore(%run_scoped3A_75 : memref<!tpu.dma_semaphore, #tpu.memory_space<semaphore_mem>>)
      %dma_wait3A_81 = arith.constant 0 : i32
      %dma_wait3A_82 = tpu.memref_slice %arg5[%arg0, %mul3A_69, %dma_wait3A_81] : memref<2x10000x128xf32, #tpu.memory_space<hbm>> -> memref<1x624x128xf32, #tpu.memory_space<hbm>>
      %dma_wait3A_83 = tpu.memref_squeeze %dma_wait3A_82 : memref<1x624x128xf32, #tpu.memory_space<hbm>> -> memref<624x128xf32, #tpu.memory_space<hbm>>
      %dma_wait3A_84 = arith.constant 0 : i32
      %dma_wait3A_85 = tpu.memref_slice %arg8[%mul3A_67, %dma_wait3A_84] : memref<10000x128xf32, #tpu.memory_space<vmem_shared>> -> memref<624x128xf32, #tpu.memory_space<vmem_shared>>
      tpu.wait_dma2 semaphore(%run_scoped3A_75 : memref<!tpu.dma_semaphore, #tpu.memory_space<semaphore_mem>>) src(%dma_wait3A_85 : memref<624x128xf32, #tpu.memory_space<vmem_shared>>) dst(%dma_wait3A_83 : memref<624x128xf32, #tpu.memory_space<hbm>>)
      tpu.yield
    }) : () -> ()
    %eq3A_70 = arith.constant 0 : i32
    %eq3A_71 = arith.cmpi eq, %arg1, %eq3A_70 : i32
    %convert_element_type3A_72 = arith.extui %eq3A_71 : i1 to i32
    %cond3A_73 = arith.constant 0 : i32
    %cond3A_74 = arith.cmpi ne, %convert_element_type3A_72, %cond3A_73 : i32
    scf.if %cond3A_74 {
      "tpu.region"() ({
        %run_scoped3A_75 = tpu.sem_alloc : memref<!tpu.dma_semaphore, #tpu.memory_space<semaphore_mem>>
        %dma_start3A_76 = arith.constant 9984 : i32
        %dma_start3A_77 = arith.constant 0 : i32
        %dma_start3A_78 = tpu.memref_slice %arg5[%arg0, %dma_start3A_76, %dma_start3A_77] : memref<2x10000x128xf32, #tpu.memory_space<hbm>> -> memref<1x16x128xf32, #tpu.memory_space<hbm>>
        %dma_start3A_79 = tpu.memref_squeeze %dma_start3A_78 : memref<1x16x128xf32, #tpu.memory_space<hbm>> -> memref<16x128xf32, #tpu.memory_space<hbm>>
        %dma_start3A_80 = arith.constant 9984 : i32
        %dma_start3A_81 = arith.constant 0 : i32
        %dma_start3A_82 = tpu.memref_slice %arg8[%dma_start3A_80, %dma_start3A_81] : memref<10000x128xf32, #tpu.memory_space<vmem_shared>> -> memref<16x128xf32, #tpu.memory_space<vmem_shared>>
        tpu.enqueue_dma source(%dma_start3A_82 : memref<16x128xf32, #tpu.memory_space<vmem_shared>>) target(%dma_start3A_79 : memref<16x128xf32, #tpu.memory_space<hbm>>) target_semaphore(%run_scoped3A_75 : memref<!tpu.dma_semaphore, #tpu.memory_space<semaphore_mem>>)
        %dma_wait3A_83 = arith.constant 9984 : i32
        %dma_wait3A_84 = arith.constant 0 : i32
        %dma_wait3A_85 = tpu.memref_slice %arg5[%arg0, %dma_wait3A_83, %dma_wait3A_84] : memref<2x10000x128xf32, #tpu.memory_space<hbm>> -> memref<1x16x128xf32, #tpu.memory_space<hbm>>
        %dma_wait3A_86 = tpu.memref_squeeze %dma_wait3A_85 : memref<1x16x128xf32, #tpu.memory_space<hbm>> -> memref<16x128xf32, #tpu.memory_space<hbm>>
        %dma_wait3A_87 = arith.constant 9984 : i32
        %dma_wait3A_88 = arith.constant 0 : i32
        %dma_wait3A_89 = tpu.memref_slice %arg8[%dma_wait3A_87, %dma_wait3A_88] : memref<10000x128xf32, #tpu.memory_space<vmem_shared>> -> memref<16x128xf32, #tpu.memory_space<vmem_shared>>
        tpu.wait_dma2 semaphore(%run_scoped3A_75 : memref<!tpu.dma_semaphore, #tpu.memory_space<semaphore_mem>>) src(%dma_wait3A_89 : memref<16x128xf32, #tpu.memory_space<vmem_shared>>) dst(%dma_wait3A_86 : memref<16x128xf32, #tpu.memory_space<hbm>>)
        tpu.yield
      }) : () -> ()
    } else {
    }
    return
  }
}

#map = affine_map<(d0, d1) -> (0, 0)>
#map1 = affine_map<(d0, d1) -> (0)>
module attributes {stable_mosaic.version = 14 : i64} {
  func.func @_sc_gather_body(%arg0: i32, %arg1: i32, %arg2: memref<10000x128xf32, #tpu.memory_space<hbm>>, %arg3: memref<10000x128xf32, #tpu.memory_space<hbm>>, %arg4: memref<320000xi32, #tpu.memory_space<hbm>>, %arg5: memref<320000xi32, #tpu.memory_space<hbm>>, %arg6: memref<160000x128xf32, #tpu.memory_space<hbm>>, %arg7: memref<5000xi32, #tpu.memory_space<vmem>>, %arg8: memref<5000xi32, #tpu.memory_space<vmem>>, %arg9: memref<2x40x128xf32, #tpu.memory_space<vmem>>, %arg10: memref<2x40x128xf32, #tpu.memory_space<vmem>>, %arg11: memref<!tpu.dma_semaphore, #tpu.memory_space<semaphore_mem>>, %arg12: memref<!tpu.dma_semaphore, #tpu.memory_space<semaphore_mem>>) attributes {dimension_semantics = [#tpu.dimension_semantics<core_parallel>, #tpu.dimension_semantics<subcore_parallel>], iteration_bounds = array<i64: 2, 16>, scalar_prefetch = 0 : i64, scratch_operands = 6 : i64, tpu.core_type = #tpu.core_type<sc_vector_subcore>, window_params = [{transform_indices = #map}, {transform_indices = #map}, {transform_indices = #map1}, {transform_indices = #map1}, {transform_indices = #map}]} {
    %mul3A = arith.constant 2 : i32
    %mul3A_0 = arith.muli %arg1, %mul3A : i32
    %add3A = arith.addi %mul3A_0, %arg0 : i32
    %mul3A_1 = arith.constant 5000 : i32
    %mul3A_2 = arith.muli %add3A, %mul3A_1 : i32
    %add3A_3 = arith.constant 160000 : i32
    %add3A_4 = arith.addi %add3A_3, %mul3A_2 : i32
    "tpu.region"() ({
      %run_scoped3A_58 = tpu.sem_alloc : memref<!tpu.dma_semaphore, #tpu.memory_space<semaphore_mem>>
      %dma_start3A_59 = tpu.memref_slice %arg4[%add3A_4] : memref<320000xi32, #tpu.memory_space<hbm>> -> memref<5000xi32, #tpu.memory_space<hbm>>
      %dma_start3A_60 = tpu.memref_slice %arg4[%add3A_4] : memref<320000xi32, #tpu.memory_space<hbm>> -> memref<5000xi32, #tpu.memory_space<hbm>>
      tpu.enqueue_dma source(%dma_start3A_60 : memref<5000xi32, #tpu.memory_space<hbm>>) target(%arg7 : memref<5000xi32, #tpu.memory_space<vmem>>) target_semaphore(%run_scoped3A_58 : memref<!tpu.dma_semaphore, #tpu.memory_space<semaphore_mem>>)
      %dma_wait3A_61 = tpu.memref_slice %arg4[%add3A_4] : memref<320000xi32, #tpu.memory_space<hbm>> -> memref<5000xi32, #tpu.memory_space<hbm>>
      %dma_wait3A_62 = tpu.memref_slice %arg4[%add3A_4] : memref<320000xi32, #tpu.memory_space<hbm>> -> memref<5000xi32, #tpu.memory_space<hbm>>
      tpu.wait_dma2 semaphore(%run_scoped3A_58 : memref<!tpu.dma_semaphore, #tpu.memory_space<semaphore_mem>>) src(%dma_wait3A_62 : memref<5000xi32, #tpu.memory_space<hbm>>) dst(%arg7 : memref<5000xi32, #tpu.memory_space<vmem>>)
      tpu.yield
    }) : () -> ()
    %add3A_5 = arith.constant 160000 : i32
    %add3A_6 = arith.addi %add3A_5, %mul3A_2 : i32
    "tpu.region"() ({
      %run_scoped3A_58 = tpu.sem_alloc : memref<!tpu.dma_semaphore, #tpu.memory_space<semaphore_mem>>
      %dma_start3A_59 = tpu.memref_slice %arg5[%add3A_6] : memref<320000xi32, #tpu.memory_space<hbm>> -> memref<5000xi32, #tpu.memory_space<hbm>>
      %dma_start3A_60 = tpu.memref_slice %arg5[%add3A_6] : memref<320000xi32, #tpu.memory_space<hbm>> -> memref<5000xi32, #tpu.memory_space<hbm>>
      tpu.enqueue_dma source(%dma_start3A_60 : memref<5000xi32, #tpu.memory_space<hbm>>) target(%arg8 : memref<5000xi32, #tpu.memory_space<vmem>>) target_semaphore(%run_scoped3A_58 : memref<!tpu.dma_semaphore, #tpu.memory_space<semaphore_mem>>)
      %dma_wait3A_61 = tpu.memref_slice %arg5[%add3A_6] : memref<320000xi32, #tpu.memory_space<hbm>> -> memref<5000xi32, #tpu.memory_space<hbm>>
      %dma_wait3A_62 = tpu.memref_slice %arg5[%add3A_6] : memref<320000xi32, #tpu.memory_space<hbm>> -> memref<5000xi32, #tpu.memory_space<hbm>>
      tpu.wait_dma2 semaphore(%run_scoped3A_58 : memref<!tpu.dma_semaphore, #tpu.memory_space<semaphore_mem>>) src(%dma_wait3A_62 : memref<5000xi32, #tpu.memory_space<hbm>>) dst(%arg8 : memref<5000xi32, #tpu.memory_space<vmem>>)
      tpu.yield
    }) : () -> ()
    %dma_start3A = arith.constant 0 : i32
    %dma_start3A_7 = arith.constant 0 : i32
    %dma_start3A_8 = arith.constant 0 : i32
    %dma_start3A_9 = tpu.memref_slice %arg9[%dma_start3A, %dma_start3A_7, %dma_start3A_8] : memref<2x40x128xf32, #tpu.memory_space<vmem>> -> memref<1x40x128xf32, #tpu.memory_space<vmem>>
    %dma_start3A_10 = tpu.memref_squeeze %dma_start3A_9 : memref<1x40x128xf32, #tpu.memory_space<vmem>> -> memref<40x128xf32, #tpu.memory_space<vmem>>
    %dma_start3A_11 = arith.constant 0 : i32
    %dma_start3A_12 = tpu.memref_slice %arg7[%dma_start3A_11] : memref<5000xi32, #tpu.memory_space<vmem>> -> memref<40xi32, #tpu.memory_space<vmem>>
    %dma_start3A_13 = arith.constant 0 : i32
    %dma_start3A_14 = arith.constant 0 : i32
    %dma_start3A_15 = tpu.memref_slice %arg2[%dma_start3A_13, %dma_start3A_14] : memref<10000x128xf32, #tpu.memory_space<hbm>> -> memref<10000x128xf32, #tpu.memory_space<hbm>>
    tpu.enqueue_indirect_dma source(%dma_start3A_15 : memref<10000x128xf32, #tpu.memory_space<hbm>>) target(%dma_start3A_10 : memref<40x128xf32, #tpu.memory_space<vmem>>) offsets(%dma_start3A_12 : memref<40xi32, #tpu.memory_space<vmem>>) semaphore(%arg11 : memref<!tpu.dma_semaphore, #tpu.memory_space<semaphore_mem>>)
    %dma_start3A_16 = arith.constant 0 : i32
    %dma_start3A_17 = arith.constant 0 : i32
    %dma_start3A_18 = arith.constant 0 : i32
    %dma_start3A_19 = tpu.memref_slice %arg10[%dma_start3A_16, %dma_start3A_17, %dma_start3A_18] : memref<2x40x128xf32, #tpu.memory_space<vmem>> -> memref<1x40x128xf32, #tpu.memory_space<vmem>>
    %dma_start3A_20 = tpu.memref_squeeze %dma_start3A_19 : memref<1x40x128xf32, #tpu.memory_space<vmem>> -> memref<40x128xf32, #tpu.memory_space<vmem>>
    %dma_start3A_21 = arith.constant 0 : i32
    %dma_start3A_22 = tpu.memref_slice %arg8[%dma_start3A_21] : memref<5000xi32, #tpu.memory_space<vmem>> -> memref<40xi32, #tpu.memory_space<vmem>>
    %dma_start3A_23 = arith.constant 0 : i32
    %dma_start3A_24 = arith.constant 0 : i32
    %dma_start3A_25 = tpu.memref_slice %arg3[%dma_start3A_23, %dma_start3A_24] : memref<10000x128xf32, #tpu.memory_space<hbm>> -> memref<10000x128xf32, #tpu.memory_space<hbm>>
    tpu.enqueue_indirect_dma source(%dma_start3A_25 : memref<10000x128xf32, #tpu.memory_space<hbm>>) target(%dma_start3A_20 : memref<40x128xf32, #tpu.memory_space<vmem>>) offsets(%dma_start3A_22 : memref<40xi32, #tpu.memory_space<vmem>>) semaphore(%arg12 : memref<!tpu.dma_semaphore, #tpu.memory_space<semaphore_mem>>)
    %scan3A = arith.constant 0 : i32
    %scan3A_26 = arith.constant 0 : i32
    %scan3A_27 = arith.constant 62 : i32
    %scan3A_28 = arith.addi %scan3A_26, %scan3A_27 : i32
    %scan3A_29 = arith.constant 1 : i32
    scf.for %scan3A_58 = %scan3A_26 to %scan3A_28 step %scan3A_29  : i32 {
      %mul3A_59 = arith.constant 2 : i32
      %mul3A_60 = arith.muli %mul3A_59, %scan3A_58 : i32
      %add3A_61 = arith.constant 1 : i32
      %add3A_62 = arith.addi %mul3A_60, %add3A_61 : i32
      %mul3A_63 = arith.constant 40 : i32
      %mul3A_64 = arith.muli %add3A_62, %mul3A_63 : i32
      %dma_start3A_65 = arith.constant 1 : i32
      %dma_start3A_66 = arith.constant 0 : i32
      %dma_start3A_67 = arith.constant 0 : i32
      %dma_start3A_68 = tpu.memref_slice %arg9[%dma_start3A_65, %dma_start3A_66, %dma_start3A_67] : memref<2x40x128xf32, #tpu.memory_space<vmem>> -> memref<1x40x128xf32, #tpu.memory_space<vmem>>
      %dma_start3A_69 = tpu.memref_squeeze %dma_start3A_68 : memref<1x40x128xf32, #tpu.memory_space<vmem>> -> memref<40x128xf32, #tpu.memory_space<vmem>>
      %dma_start3A_70 = tpu.memref_slice %arg7[%mul3A_64] : memref<5000xi32, #tpu.memory_space<vmem>> -> memref<40xi32, #tpu.memory_space<vmem>>
      %dma_start3A_71 = arith.constant 0 : i32
      %dma_start3A_72 = arith.constant 0 : i32
      %dma_start3A_73 = tpu.memref_slice %arg2[%dma_start3A_71, %dma_start3A_72] : memref<10000x128xf32, #tpu.memory_space<hbm>> -> memref<10000x128xf32, #tpu.memory_space<hbm>>
      tpu.enqueue_indirect_dma source(%dma_start3A_73 : memref<10000x128xf32, #tpu.memory_space<hbm>>) target(%dma_start3A_69 : memref<40x128xf32, #tpu.memory_space<vmem>>) offsets(%dma_start3A_70 : memref<40xi32, #tpu.memory_space<vmem>>) semaphore(%arg11 : memref<!tpu.dma_semaphore, #tpu.memory_space<semaphore_mem>>)
      %dma_start3A_74 = arith.constant 1 : i32
      %dma_start3A_75 = arith.constant 0 : i32
      %dma_start3A_76 = arith.constant 0 : i32
      %dma_start3A_77 = tpu.memref_slice %arg10[%dma_start3A_74, %dma_start3A_75, %dma_start3A_76] : memref<2x40x128xf32, #tpu.memory_space<vmem>> -> memref<1x40x128xf32, #tpu.memory_space<vmem>>
      %dma_start3A_78 = tpu.memref_squeeze %dma_start3A_77 : memref<1x40x128xf32, #tpu.memory_space<vmem>> -> memref<40x128xf32, #tpu.memory_space<vmem>>
      %dma_start3A_79 = tpu.memref_slice %arg8[%mul3A_64] : memref<5000xi32, #tpu.memory_space<vmem>> -> memref<40xi32, #tpu.memory_space<vmem>>
      %dma_start3A_80 = arith.constant 0 : i32
      %dma_start3A_81 = arith.constant 0 : i32
      %dma_start3A_82 = tpu.memref_slice %arg3[%dma_start3A_80, %dma_start3A_81] : memref<10000x128xf32, #tpu.memory_space<hbm>> -> memref<10000x128xf32, #tpu.memory_space<hbm>>
      tpu.enqueue_indirect_dma source(%dma_start3A_82 : memref<10000x128xf32, #tpu.memory_space<hbm>>) target(%dma_start3A_78 : memref<40x128xf32, #tpu.memory_space<vmem>>) offsets(%dma_start3A_79 : memref<40xi32, #tpu.memory_space<vmem>>) semaphore(%arg12 : memref<!tpu.dma_semaphore, #tpu.memory_space<semaphore_mem>>)
      %dma_wait3A_83 = arith.constant 0 : i32
      %dma_wait3A_84 = arith.constant 0 : i32
      %dma_wait3A_85 = arith.constant 0 : i32
      %dma_wait3A_86 = tpu.memref_slice %arg9[%dma_wait3A_83, %dma_wait3A_84, %dma_wait3A_85] : memref<2x40x128xf32, #tpu.memory_space<vmem>> -> memref<1x40x128xf32, #tpu.memory_space<vmem>>
      %dma_wait3A_87 = tpu.memref_squeeze %dma_wait3A_86 : memref<1x40x128xf32, #tpu.memory_space<vmem>> -> memref<40x128xf32, #tpu.memory_space<vmem>>
      %dma_wait3A_88 = arith.constant 0 : i32
      %dma_wait3A_89 = tpu.memref_slice %arg7[%dma_wait3A_88] : memref<5000xi32, #tpu.memory_space<vmem>> -> memref<40xi32, #tpu.memory_space<vmem>>
      %dma_wait3A_90 = arith.constant 0 : i32
      %dma_wait3A_91 = arith.constant 0 : i32
      %dma_wait3A_92 = tpu.memref_slice %arg2[%dma_wait3A_90, %dma_wait3A_91] : memref<10000x128xf32, #tpu.memory_space<hbm>> -> memref<10000x128xf32, #tpu.memory_space<hbm>>
      tpu.wait_indirect_dma semaphore(%arg11 : memref<!tpu.dma_semaphore, #tpu.memory_space<semaphore_mem>>) src(%dma_wait3A_92 : memref<10000x128xf32, #tpu.memory_space<hbm>>) dst(%dma_wait3A_87 : memref<40x128xf32, #tpu.memory_space<vmem>>)
      %dma_wait3A_93 = arith.constant 0 : i32
      %dma_wait3A_94 = arith.constant 0 : i32
      %dma_wait3A_95 = arith.constant 0 : i32
      %dma_wait3A_96 = tpu.memref_slice %arg10[%dma_wait3A_93, %dma_wait3A_94, %dma_wait3A_95] : memref<2x40x128xf32, #tpu.memory_space<vmem>> -> memref<1x40x128xf32, #tpu.memory_space<vmem>>
      %dma_wait3A_97 = tpu.memref_squeeze %dma_wait3A_96 : memref<1x40x128xf32, #tpu.memory_space<vmem>> -> memref<40x128xf32, #tpu.memory_space<vmem>>
      %dma_wait3A_98 = arith.constant 0 : i32
      %dma_wait3A_99 = tpu.memref_slice %arg8[%dma_wait3A_98] : memref<5000xi32, #tpu.memory_space<vmem>> -> memref<40xi32, #tpu.memory_space<vmem>>
      %dma_wait3A_100 = arith.constant 0 : i32
      %dma_wait3A_101 = arith.constant 0 : i32
      %dma_wait3A_102 = tpu.memref_slice %arg3[%dma_wait3A_100, %dma_wait3A_101] : memref<10000x128xf32, #tpu.memory_space<hbm>> -> memref<10000x128xf32, #tpu.memory_space<hbm>>
      tpu.wait_indirect_dma semaphore(%arg12 : memref<!tpu.dma_semaphore, #tpu.memory_space<semaphore_mem>>) src(%dma_wait3A_102 : memref<10000x128xf32, #tpu.memory_space<hbm>>) dst(%dma_wait3A_97 : memref<40x128xf32, #tpu.memory_space<vmem>>)
      %scan3A_103 = arith.constant 0 : i32
      %scan3A_104 = arith.constant 0 : i32
      %scan3A_105 = arith.constant 40 : i32
      %scan3A_106 = arith.addi %scan3A_104, %scan3A_105 : i32
      %scan3A_107 = arith.constant 1 : i32
      scf.for %scan3A_149 = %scan3A_104 to %scan3A_106 step %scan3A_107  : i32 {
        %get3A = arith.constant 0 : i32
        %get3A_150 = arith.index_cast %get3A : i32 to index
        %get3A_151 = arith.index_cast %scan3A_149 : i32 to index
        %get3A_152 = arith.constant 0 : index
        %get3A_153 = tpu.vector_load %arg9[%get3A_150, %get3A_151, %get3A_152] {strides = array<i32>} : memref<2x40x128xf32, #tpu.memory_space<vmem>>, vector<1x1x16xf32>,
        %get3A_154 = vector.shape_cast %get3A_153 : vector<1x1x16xf32> to vector<16xf32>
        %get3A_155 = arith.constant 0 : i32
        %get3A_156 = arith.index_cast %get3A_155 : i32 to index
        %get3A_157 = arith.index_cast %scan3A_149 : i32 to index
        %get3A_158 = arith.constant 0 : index
        %get3A_159 = tpu.vector_load %arg10[%get3A_156, %get3A_157, %get3A_158] {strides = array<i32>} : memref<2x40x128xf32, #tpu.memory_space<vmem>>, vector<1x1x16xf32>,
        %get3A_160 = vector.shape_cast %get3A_159 : vector<1x1x16xf32> to vector<16xf32>
        %add3A_161 = arith.addf %get3A_154, %get3A_160 : vector<16xf32>
        %swap3A = arith.constant 0 : i32
        %swap3A_162 = arith.index_cast %swap3A : i32 to index
        %swap3A_163 = arith.index_cast %scan3A_149 : i32 to index
        %swap3A_164 = arith.constant 0 : index
        %swap3A_165 = tpu.vector_load %arg9[%swap3A_162, %swap3A_163, %swap3A_164] {strides = array<i32>} : memref<2x40x128xf32, #tpu.memory_space<vmem>>, vector<1x1x16xf32>,
        %swap3A_166 = vector.shape_cast %swap3A_165 : vector<1x1x16xf32> to vector<16xf32>
        %swap3A_167 = vector.shape_cast %add3A_161 : vector<16xf32> to vector<1x1x16xf32>
        tpu.vector_store %arg9[%swap3A_162, %swap3A_163, %swap3A_164], %swap3A_167 {strides = array<i32>} : memref<2x40x128xf32, #tpu.memory_space<vmem>>, vector<1x1x16xf32>,
        %get3A_168 = arith.constant 0 : i32
        %get3A_169 = arith.index_cast %get3A_168 : i32 to index
        %get3A_170 = arith.index_cast %scan3A_149 : i32 to index
        %get3A_171 = arith.constant 16 : index
        %get3A_172 = tpu.vector_load %arg9[%get3A_169, %get3A_170, %get3A_171] {strides = array<i32>} : memref<2x40x128xf32, #tpu.memory_space<vmem>>, vector<1x1x16xf32>,
        %get3A_173 = vector.shape_cast %get3A_172 : vector<1x1x16xf32> to vector<16xf32>
        %get3A_174 = arith.constant 0 : i32
        %get3A_175 = arith.index_cast %get3A_174 : i32 to index
        %get3A_176 = arith.index_cast %scan3A_149 : i32 to index
        %get3A_177 = arith.constant 16 : index
        %get3A_178 = tpu.vector_load %arg10[%get3A_175, %get3A_176, %get3A_177] {strides = array<i32>} : memref<2x40x128xf32, #tpu.memory_space<vmem>>, vector<1x1x16xf32>,
        %get3A_179 = vector.shape_cast %get3A_178 : vector<1x1x16xf32> to vector<16xf32>
        %add3A_180 = arith.addf %get3A_173, %get3A_179 : vector<16xf32>
        %swap3A_181 = arith.constant 0 : i32
        %swap3A_182 = arith.index_cast %swap3A_181 : i32 to index
        %swap3A_183 = arith.index_cast %scan3A_149 : i32 to index
        %swap3A_184 = arith.constant 16 : index
        %swap3A_185 = tpu.vector_load %arg9[%swap3A_182, %swap3A_183, %swap3A_184] {strides = array<i32>} : memref<2x40x128xf32, #tpu.memory_space<vmem>>, vector<1x1x16xf32>,
        %swap3A_186 = vector.shape_cast %swap3A_185 : vector<1x1x16xf32> to vector<16xf32>
        %swap3A_187 = vector.shape_cast %add3A_180 : vector<16xf32> to vector<1x1x16xf32>
        tpu.vector_store %arg9[%swap3A_182, %swap3A_183, %swap3A_184], %swap3A_187 {strides = array<i32>} : memref<2x40x128xf32, #tpu.memory_space<vmem>>, vector<1x1x16xf32>,
        %get3A_188 = arith.constant 0 : i32
        %get3A_189 = arith.index_cast %get3A_188 : i32 to index
        %get3A_190 = arith.index_cast %scan3A_149 : i32 to index
        %get3A_191 = arith.constant 32 : index
        %get3A_192 = tpu.vector_load %arg9[%get3A_189, %get3A_190, %get3A_191] {strides = array<i32>} : memref<2x40x128xf32, #tpu.memory_space<vmem>>, vector<1x1x16xf32>,
        %get3A_193 = vector.shape_cast %get3A_192 : vector<1x1x16xf32> to vector<16xf32>
        %get3A_194 = arith.constant 0 : i32
        %get3A_195 = arith.index_cast %get3A_194 : i32 to index
        %get3A_196 = arith.index_cast %scan3A_149 : i32 to index
        %get3A_197 = arith.constant 32 : index
        %get3A_198 = tpu.vector_load %arg10[%get3A_195, %get3A_196, %get3A_197] {strides = array<i32>} : memref<2x40x128xf32, #tpu.memory_space<vmem>>, vector<1x1x16xf32>,
        %get3A_199 = vector.shape_cast %get3A_198 : vector<1x1x16xf32> to vector<16xf32>
        %add3A_200 = arith.addf %get3A_193, %get3A_199 : vector<16xf32>
        %swap3A_201 = arith.constant 0 : i32
        %swap3A_202 = arith.index_cast %swap3A_201 : i32 to index
        %swap3A_203 = arith.index_cast %scan3A_149 : i32 to index
        %swap3A_204 = arith.constant 32 : index
        %swap3A_205 = tpu.vector_load %arg9[%swap3A_202, %swap3A_203, %swap3A_204] {strides = array<i32>} : memref<2x40x128xf32, #tpu.memory_space<vmem>>, vector<1x1x16xf32>,
        %swap3A_206 = vector.shape_cast %swap3A_205 : vector<1x1x16xf32> to vector<16xf32>
        %swap3A_207 = vector.shape_cast %add3A_200 : vector<16xf32> to vector<1x1x16xf32>
        tpu.vector_store %arg9[%swap3A_202, %swap3A_203, %swap3A_204], %swap3A_207 {strides = array<i32>} : memref<2x40x128xf32, #tpu.memory_space<vmem>>, vector<1x1x16xf32>,
        %get3A_208 = arith.constant 0 : i32
        %get3A_209 = arith.index_cast %get3A_208 : i32 to index
        %get3A_210 = arith.index_cast %scan3A_149 : i32 to index
        %get3A_211 = arith.constant 48 : index
        %get3A_212 = tpu.vector_load %arg9[%get3A_209, %get3A_210, %get3A_211] {strides = array<i32>} : memref<2x40x128xf32, #tpu.memory_space<vmem>>, vector<1x1x16xf32>,
        %get3A_213 = vector.shape_cast %get3A_212 : vector<1x1x16xf32> to vector<16xf32>
        %get3A_214 = arith.constant 0 : i32
        %get3A_215 = arith.index_cast %get3A_214 : i32 to index
        %get3A_216 = arith.index_cast %scan3A_149 : i32 to index
        %get3A_217 = arith.constant 48 : index
        %get3A_218 = tpu.vector_load %arg10[%get3A_215, %get3A_216, %get3A_217] {strides = array<i32>} : memref<2x40x128xf32, #tpu.memory_space<vmem>>, vector<1x1x16xf32>,
        %get3A_219 = vector.shape_cast %get3A_218 : vector<1x1x16xf32> to vector<16xf32>
        %add3A_220 = arith.addf %get3A_213, %get3A_219 : vector<16xf32>
        %swap3A_221 = arith.constant 0 : i32
        %swap3A_222 = arith.index_cast %swap3A_221 : i32 to index
        %swap3A_223 = arith.index_cast %scan3A_149 : i32 to index
        %swap3A_224 = arith.constant 48 : index
        %swap3A_225 = tpu.vector_load %arg9[%swap3A_222, %swap3A_223, %swap3A_224] {strides = array<i32>} : memref<2x40x128xf32, #tpu.memory_space<vmem>>, vector<1x1x16xf32>,
        %swap3A_226 = vector.shape_cast %swap3A_225 : vector<1x1x16xf32> to vector<16xf32>
        %swap3A_227 = vector.shape_cast %add3A_220 : vector<16xf32> to vector<1x1x16xf32>
        tpu.vector_store %arg9[%swap3A_222, %swap3A_223, %swap3A_224], %swap3A_227 {strides = array<i32>} : memref<2x40x128xf32, #tpu.memory_space<vmem>>, vector<1x1x16xf32>,
        %get3A_228 = arith.constant 0 : i32
        %get3A_229 = arith.index_cast %get3A_228 : i32 to index
        %get3A_230 = arith.index_cast %scan3A_149 : i32 to index
        %get3A_231 = arith.constant 64 : index
        %get3A_232 = tpu.vector_load %arg9[%get3A_229, %get3A_230, %get3A_231] {strides = array<i32>} : memref<2x40x128xf32, #tpu.memory_space<vmem>>, vector<1x1x16xf32>,
        %get3A_233 = vector.shape_cast %get3A_232 : vector<1x1x16xf32> to vector<16xf32>
        %get3A_234 = arith.constant 0 : i32
        %get3A_235 = arith.index_cast %get3A_234 : i32 to index
        %get3A_236 = arith.index_cast %scan3A_149 : i32 to index
        %get3A_237 = arith.constant 64 : index
        %get3A_238 = tpu.vector_load %arg10[%get3A_235, %get3A_236, %get3A_237] {strides = array<i32>} : memref<2x40x128xf32, #tpu.memory_space<vmem>>, vector<1x1x16xf32>,
        %get3A_239 = vector.shape_cast %get3A_238 : vector<1x1x16xf32> to vector<16xf32>
        %add3A_240 = arith.addf %get3A_233, %get3A_239 : vector<16xf32>
        %swap3A_241 = arith.constant 0 : i32
        %swap3A_242 = arith.index_cast %swap3A_241 : i32 to index
        %swap3A_243 = arith.index_cast %scan3A_149 : i32 to index
        %swap3A_244 = arith.constant 64 : index
        %swap3A_245 = tpu.vector_load %arg9[%swap3A_242, %swap3A_243, %swap3A_244] {strides = array<i32>} : memref<2x40x128xf32, #tpu.memory_space<vmem>>, vector<1x1x16xf32>,
        %swap3A_246 = vector.shape_cast %swap3A_245 : vector<1x1x16xf32> to vector<16xf32>
        %swap3A_247 = vector.shape_cast %add3A_240 : vector<16xf32> to vector<1x1x16xf32>
        tpu.vector_store %arg9[%swap3A_242, %swap3A_243, %swap3A_244], %swap3A_247 {strides = array<i32>} : memref<2x40x128xf32, #tpu.memory_space<vmem>>, vector<1x1x16xf32>,
        %get3A_248 = arith.constant 0 : i32
        %get3A_249 = arith.index_cast %get3A_248 : i32 to index
        %get3A_250 = arith.index_cast %scan3A_149 : i32 to index
        %get3A_251 = arith.constant 80 : index
        %get3A_252 = tpu.vector_load %arg9[%get3A_249, %get3A_250, %get3A_251] {strides = array<i32>} : memref<2x40x128xf32, #tpu.memory_space<vmem>>, vector<1x1x16xf32>,
        %get3A_253 = vector.shape_cast %get3A_252 : vector<1x1x16xf32> to vector<16xf32>
        %get3A_254 = arith.constant 0 : i32
        %get3A_255 = arith.index_cast %get3A_254 : i32 to index
        %get3A_256 = arith.index_cast %scan3A_149 : i32 to index
        %get3A_257 = arith.constant 80 : index
        %get3A_258 = tpu.vector_load %arg10[%get3A_255, %get3A_256, %get3A_257] {strides = array<i32>} : memref<2x40x128xf32, #tpu.memory_space<vmem>>, vector<1x1x16xf32>,
        %get3A_259 = vector.shape_cast %get3A_258 : vector<1x1x16xf32> to vector<16xf32>
        %add3A_260 = arith.addf %get3A_253, %get3A_259 : vector<16xf32>
        %swap3A_261 = arith.constant 0 : i32
        %swap3A_262 = arith.index_cast %swap3A_261 : i32 to index
        %swap3A_263 = arith.index_cast %scan3A_149 : i32 to index
        %swap3A_264 = arith.constant 80 : index
        %swap3A_265 = tpu.vector_load %arg9[%swap3A_262, %swap3A_263, %swap3A_264] {strides = array<i32>} : memref<2x40x128xf32, #tpu.memory_space<vmem>>, vector<1x1x16xf32>,
        %swap3A_266 = vector.shape_cast %swap3A_265 : vector<1x1x16xf32> to vector<16xf32>
        %swap3A_267 = vector.shape_cast %add3A_260 : vector<16xf32> to vector<1x1x16xf32>
        tpu.vector_store %arg9[%swap3A_262, %swap3A_263, %swap3A_264], %swap3A_267 {strides = array<i32>} : memref<2x40x128xf32, #tpu.memory_space<vmem>>, vector<1x1x16xf32>,
        %get3A_268 = arith.constant 0 : i32
        %get3A_269 = arith.index_cast %get3A_268 : i32 to index
        %get3A_270 = arith.index_cast %scan3A_149 : i32 to index
        %get3A_271 = arith.constant 96 : index
        %get3A_272 = tpu.vector_load %arg9[%get3A_269, %get3A_270, %get3A_271] {strides = array<i32>} : memref<2x40x128xf32, #tpu.memory_space<vmem>>, vector<1x1x16xf32>,
        %get3A_273 = vector.shape_cast %get3A_272 : vector<1x1x16xf32> to vector<16xf32>
        %get3A_274 = arith.constant 0 : i32
        %get3A_275 = arith.index_cast %get3A_274 : i32 to index
        %get3A_276 = arith.index_cast %scan3A_149 : i32 to index
        %get3A_277 = arith.constant 96 : index
        %get3A_278 = tpu.vector_load %arg10[%get3A_275, %get3A_276, %get3A_277] {strides = array<i32>} : memref<2x40x128xf32, #tpu.memory_space<vmem>>, vector<1x1x16xf32>,
        %get3A_279 = vector.shape_cast %get3A_278 : vector<1x1x16xf32> to vector<16xf32>
        %add3A_280 = arith.addf %get3A_273, %get3A_279 : vector<16xf32>
        %swap3A_281 = arith.constant 0 : i32
        %swap3A_282 = arith.index_cast %swap3A_281 : i32 to index
        %swap3A_283 = arith.index_cast %scan3A_149 : i32 to index
        %swap3A_284 = arith.constant 96 : index
        %swap3A_285 = tpu.vector_load %arg9[%swap3A_282, %swap3A_283, %swap3A_284] {strides = array<i32>} : memref<2x40x128xf32, #tpu.memory_space<vmem>>, vector<1x1x16xf32>,
        %swap3A_286 = vector.shape_cast %swap3A_285 : vector<1x1x16xf32> to vector<16xf32>
        %swap3A_287 = vector.shape_cast %add3A_280 : vector<16xf32> to vector<1x1x16xf32>
        tpu.vector_store %arg9[%swap3A_282, %swap3A_283, %swap3A_284], %swap3A_287 {strides = array<i32>} : memref<2x40x128xf32, #tpu.memory_space<vmem>>, vector<1x1x16xf32>,
        %get3A_288 = arith.constant 0 : i32
        %get3A_289 = arith.index_cast %get3A_288 : i32 to index
        %get3A_290 = arith.index_cast %scan3A_149 : i32 to index
        %get3A_291 = arith.constant 112 : index
        %get3A_292 = tpu.vector_load %arg9[%get3A_289, %get3A_290, %get3A_291] {strides = array<i32>} : memref<2x40x128xf32, #tpu.memory_space<vmem>>, vector<1x1x16xf32>,
        %get3A_293 = vector.shape_cast %get3A_292 : vector<1x1x16xf32> to vector<16xf32>
        %get3A_294 = arith.constant 0 : i32
        %get3A_295 = arith.index_cast %get3A_294 : i32 to index
        %get3A_296 = arith.index_cast %scan3A_149 : i32 to index
        %get3A_297 = arith.constant 112 : index
        %get3A_298 = tpu.vector_load %arg10[%get3A_295, %get3A_296, %get3A_297] {strides = array<i32>} : memref<2x40x128xf32, #tpu.memory_space<vmem>>, vector<1x1x16xf32>,
        %get3A_299 = vector.shape_cast %get3A_298 : vector<1x1x16xf32> to vector<16xf32>
        %add3A_300 = arith.addf %get3A_293, %get3A_299 : vector<16xf32>
        %swap3A_301 = arith.constant 0 : i32
        %swap3A_302 = arith.index_cast %swap3A_301 : i32 to index
        %swap3A_303 = arith.index_cast %scan3A_149 : i32 to index
        %swap3A_304 = arith.constant 112 : index
        %swap3A_305 = tpu.vector_load %arg9[%swap3A_302, %swap3A_303, %swap3A_304] {strides = array<i32>} : memref<2x40x128xf32, #tpu.memory_space<vmem>>, vector<1x1x16xf32>,
        %swap3A_306 = vector.shape_cast %swap3A_305 : vector<1x1x16xf32> to vector<16xf32>
        %swap3A_307 = vector.shape_cast %add3A_300 : vector<16xf32> to vector<1x1x16xf32>
        tpu.vector_store %arg9[%swap3A_302, %swap3A_303, %swap3A_304], %swap3A_307 {strides = array<i32>} : memref<2x40x128xf32, #tpu.memory_space<vmem>>, vector<1x1x16xf32>,
      }
      %scan3A_108 = arith.constant 40 : i32
      %mul3A_109 = arith.constant 40 : i32
      %mul3A_110 = arith.muli %mul3A_60, %mul3A_109 : i32
      %add3A_111 = arith.addi %mul3A_2, %mul3A_110 : i32
      %run_scoped3A_112 = arith.constant 0 : i32
      "tpu.region"() ({
        %run_scoped3A_149 = tpu.sem_alloc : memref<!tpu.dma_semaphore, #tpu.memory_space<semaphore_mem>>
        %dma_start3A_150 = arith.constant 0 : i32
        %dma_start3A_151 = arith.constant 0 : i32
        %dma_start3A_152 = tpu.memref_slice %arg9[%run_scoped3A_112, %dma_start3A_150, %dma_start3A_151] : memref<2x40x128xf32, #tpu.memory_space<vmem>> -> memref<1x40x128xf32, #tpu.memory_space<vmem>>
        %dma_start3A_153 = tpu.memref_squeeze %dma_start3A_152 : memref<1x40x128xf32, #tpu.memory_space<vmem>> -> memref<40x128xf32, #tpu.memory_space<vmem>>
        %dma_start3A_154 = arith.constant 0 : i32
        %dma_start3A_155 = tpu.memref_slice %arg6[%add3A_111, %dma_start3A_154] : memref<160000x128xf32, #tpu.memory_space<hbm>> -> memref<40x128xf32, #tpu.memory_space<hbm>>
        %dma_start3A_156 = arith.constant 0 : i32
        %dma_start3A_157 = tpu.memref_slice %arg6[%add3A_111, %dma_start3A_156] : memref<160000x128xf32, #tpu.memory_space<hbm>> -> memref<40x128xf32, #tpu.memory_space<hbm>>
        %dma_start3A_158 = arith.constant 0 : i32
        %dma_start3A_159 = arith.constant 0 : i32
        %dma_start3A_160 = tpu.memref_slice %arg9[%run_scoped3A_112, %dma_start3A_158, %dma_start3A_159] : memref<2x40x128xf32, #tpu.memory_space<vmem>> -> memref<1x40x128xf32, #tpu.memory_space<vmem>>
        %dma_start3A_161 = tpu.memref_squeeze %dma_start3A_160 : memref<1x40x128xf32, #tpu.memory_space<vmem>> -> memref<40x128xf32, #tpu.memory_space<vmem>>
        tpu.enqueue_dma source(%dma_start3A_161 : memref<40x128xf32, #tpu.memory_space<vmem>>) target(%dma_start3A_157 : memref<40x128xf32, #tpu.memory_space<hbm>>) target_semaphore(%run_scoped3A_149 : memref<!tpu.dma_semaphore, #tpu.memory_space<semaphore_mem>>)
        %dma_wait3A_162 = arith.constant 0 : i32
        %dma_wait3A_163 = arith.constant 0 : i32
        %dma_wait3A_164 = tpu.memref_slice %arg9[%run_scoped3A_112, %dma_wait3A_162, %dma_wait3A_163] : memref<2x40x128xf32, #tpu.memory_space<vmem>> -> memref<1x40x128xf32, #tpu.memory_space<vmem>>
        %dma_wait3A_165 = tpu.memref_squeeze %dma_wait3A_164 : memref<1x40x128xf32, #tpu.memory_space<vmem>> -> memref<40x128xf32, #tpu.memory_space<vmem>>
        %dma_wait3A_166 = arith.constant 0 : i32
        %dma_wait3A_167 = tpu.memref_slice %arg6[%add3A_111, %dma_wait3A_166] : memref<160000x128xf32, #tpu.memory_space<hbm>> -> memref<40x128xf32, #tpu.memory_space<hbm>>
        %dma_wait3A_168 = arith.constant 0 : i32
        %dma_wait3A_169 = tpu.memref_slice %arg6[%add3A_111, %dma_wait3A_168] : memref<160000x128xf32, #tpu.memory_space<hbm>> -> memref<40x128xf32, #tpu.memory_space<hbm>>
        %dma_wait3A_170 = arith.constant 0 : i32
        %dma_wait3A_171 = arith.constant 0 : i32
        %dma_wait3A_172 = tpu.memref_slice %arg9[%run_scoped3A_112, %dma_wait3A_170, %dma_wait3A_171] : memref<2x40x128xf32, #tpu.memory_space<vmem>> -> memref<1x40x128xf32, #tpu.memory_space<vmem>>
        %dma_wait3A_173 = tpu.memref_squeeze %dma_wait3A_172 : memref<1x40x128xf32, #tpu.memory_space<vmem>> -> memref<40x128xf32, #tpu.memory_space<vmem>>
        tpu.wait_dma2 semaphore(%run_scoped3A_149 : memref<!tpu.dma_semaphore, #tpu.memory_space<semaphore_mem>>) src(%dma_wait3A_173 : memref<40x128xf32, #tpu.memory_space<vmem>>) dst(%dma_wait3A_169 : memref<40x128xf32, #tpu.memory_space<hbm>>)
        tpu.yield
      }) : () -> ()
      %add3A_113 = arith.constant 2 : i32
      %add3A_114 = arith.addi %mul3A_60, %add3A_113 : i32
      %lt3A = arith.constant 125 : i32
      %lt3A_115 = arith.cmpi slt, %add3A_114, %lt3A : i32
      %convert_element_type3A = arith.extui %lt3A_115 : i1 to i32
      %cond3A = arith.constant 0 : i32
      %cond3A_116 = arith.cmpi ne, %convert_element_type3A, %cond3A : i32
      scf.if %cond3A_116 {
        %add3A_149 = arith.constant 2 : i32
        %add3A_150 = arith.addi %mul3A_60, %add3A_149 : i32
        %mul3A_151 = arith.constant 40 : i32
        %mul3A_152 = arith.muli %add3A_150, %mul3A_151 : i32
        %dma_start3A_153 = arith.constant 0 : i32
        %dma_start3A_154 = arith.constant 0 : i32
        %dma_start3A_155 = arith.constant 0 : i32
        %dma_start3A_156 = tpu.memref_slice %arg9[%dma_start3A_153, %dma_start3A_154, %dma_start3A_155] : memref<2x40x128xf32, #tpu.memory_space<vmem>> -> memref<1x40x128xf32, #tpu.memory_space<vmem>>
        %dma_start3A_157 = tpu.memref_squeeze %dma_start3A_156 : memref<1x40x128xf32, #tpu.memory_space<vmem>> -> memref<40x128xf32, #tpu.memory_space<vmem>>
        %dma_start3A_158 = tpu.memref_slice %arg7[%mul3A_152] : memref<5000xi32, #tpu.memory_space<vmem>> -> memref<40xi32, #tpu.memory_space<vmem>>
        %dma_start3A_159 = arith.constant 0 : i32
        %dma_start3A_160 = arith.constant 0 : i32
        %dma_start3A_161 = tpu.memref_slice %arg2[%dma_start3A_159, %dma_start3A_160] : memref<10000x128xf32, #tpu.memory_space<hbm>> -> memref<10000x128xf32, #tpu.memory_space<hbm>>
        tpu.enqueue_indirect_dma source(%dma_start3A_161 : memref<10000x128xf32, #tpu.memory_space<hbm>>) target(%dma_start3A_157 : memref<40x128xf32, #tpu.memory_space<vmem>>) offsets(%dma_start3A_158 : memref<40xi32, #tpu.memory_space<vmem>>) semaphore(%arg11 : memref<!tpu.dma_semaphore, #tpu.memory_space<semaphore_mem>>)
        %dma_start3A_162 = arith.constant 0 : i32
        %dma_start3A_163 = arith.constant 0 : i32
        %dma_start3A_164 = arith.constant 0 : i32
        %dma_start3A_165 = tpu.memref_slice %arg10[%dma_start3A_162, %dma_start3A_163, %dma_start3A_164] : memref<2x40x128xf32, #tpu.memory_space<vmem>> -> memref<1x40x128xf32, #tpu.memory_space<vmem>>
        %dma_start3A_166 = tpu.memref_squeeze %dma_start3A_165 : memref<1x40x128xf32, #tpu.memory_space<vmem>> -> memref<40x128xf32, #tpu.memory_space<vmem>>
        %dma_start3A_167 = tpu.memref_slice %arg8[%mul3A_152] : memref<5000xi32, #tpu.memory_space<vmem>> -> memref<40xi32, #tpu.memory_space<vmem>>
        %dma_start3A_168 = arith.constant 0 : i32
        %dma_start3A_169 = arith.constant 0 : i32
        %dma_start3A_170 = tpu.memref_slice %arg3[%dma_start3A_168, %dma_start3A_169] : memref<10000x128xf32, #tpu.memory_space<hbm>> -> memref<10000x128xf32, #tpu.memory_space<hbm>>
        tpu.enqueue_indirect_dma source(%dma_start3A_170 : memref<10000x128xf32, #tpu.memory_space<hbm>>) target(%dma_start3A_166 : memref<40x128xf32, #tpu.memory_space<vmem>>) offsets(%dma_start3A_167 : memref<40xi32, #tpu.memory_space<vmem>>) semaphore(%arg12 : memref<!tpu.dma_semaphore, #tpu.memory_space<semaphore_mem>>)
      } else {
      }
      %dma_wait3A_117 = arith.constant 1 : i32
      %dma_wait3A_118 = arith.constant 0 : i32
      %dma_wait3A_119 = arith.constant 0 : i32
      %dma_wait3A_120 = tpu.memref_slice %arg9[%dma_wait3A_117, %dma_wait3A_118, %dma_wait3A_119] : memref<2x40x128xf32, #tpu.memory_space<vmem>> -> memref<1x40x128xf32, #tpu.memory_space<vmem>>
      %dma_wait3A_121 = tpu.memref_squeeze %dma_wait3A_120 : memref<1x40x128xf32, #tpu.memory_space<vmem>> -> memref<40x128xf32, #tpu.memory_space<vmem>>
      %dma_wait3A_122 = arith.constant 0 : i32
      %dma_wait3A_123 = tpu.memref_slice %arg7[%dma_wait3A_122] : memref<5000xi32, #tpu.memory_space<vmem>> -> memref<40xi32, #tpu.memory_space<vmem>>
      %dma_wait3A_124 = arith.constant 0 : i32
      %dma_wait3A_125 = arith.constant 0 : i32
      %dma_wait3A_126 = tpu.memref_slice %arg2[%dma_wait3A_124, %dma_wait3A_125] : memref<10000x128xf32, #tpu.memory_space<hbm>> -> memref<10000x128xf32, #tpu.memory_space<hbm>>
      tpu.wait_indirect_dma semaphore(%arg11 : memref<!tpu.dma_semaphore, #tpu.memory_space<semaphore_mem>>) src(%dma_wait3A_126 : memref<10000x128xf32, #tpu.memory_space<hbm>>) dst(%dma_wait3A_121 : memref<40x128xf32, #tpu.memory_space<vmem>>)
      %dma_wait3A_127 = arith.constant 1 : i32
      %dma_wait3A_128 = arith.constant 0 : i32
      %dma_wait3A_129 = arith.constant 0 : i32
      %dma_wait3A_130 = tpu.memref_slice %arg10[%dma_wait3A_127, %dma_wait3A_128, %dma_wait3A_129] : memref<2x40x128xf32, #tpu.memory_space<vmem>> -> memref<1x40x128xf32, #tpu.memory_space<vmem>>
      %dma_wait3A_131 = tpu.memref_squeeze %dma_wait3A_130 : memref<1x40x128xf32, #tpu.memory_space<vmem>> -> memref<40x128xf32, #tpu.memory_space<vmem>>
      %dma_wait3A_132 = arith.constant 0 : i32
      %dma_wait3A_133 = tpu.memref_slice %arg8[%dma_wait3A_132] : memref<5000xi32, #tpu.memory_space<vmem>> -> memref<40xi32, #tpu.memory_space<vmem>>
      %dma_wait3A_134 = arith.constant 0 : i32
      %dma_wait3A_135 = arith.constant 0 : i32
      %dma_wait3A_136 = tpu.memref_slice %arg3[%dma_wait3A_134, %dma_wait3A_135] : memref<10000x128xf32, #tpu.memory_space<hbm>> -> memref<10000x128xf32, #tpu.memory_space<hbm>>
      tpu.wait_indirect_dma semaphore(%arg12 : memref<!tpu.dma_semaphore, #tpu.memory_space<semaphore_mem>>) src(%dma_wait3A_136 : memref<10000x128xf32, #tpu.memory_space<hbm>>) dst(%dma_wait3A_131 : memref<40x128xf32, #tpu.memory_space<vmem>>)
      %add3A_137 = arith.constant 1 : i32
      %add3A_138 = arith.addi %mul3A_60, %add3A_137 : i32
      %scan3A_139 = arith.constant 0 : i32
      %scan3A_140 = arith.constant 0 : i32
      %scan3A_141 = arith.constant 40 : i32
      %scan3A_142 = arith.addi %scan3A_140, %scan3A_141 : i32
      %scan3A_143 = arith.constant 1 : i32
      scf.for %scan3A_149 = %scan3A_140 to %scan3A_142 step %scan3A_143  : i32 {
        %get3A = arith.constant 1 : i32
        %get3A_150 = arith.index_cast %get3A : i32 to index
        %get3A_151 = arith.index_cast %scan3A_149 : i32 to index
        %get3A_152 = arith.constant 0 : index
        %get3A_153 = tpu.vector_load %arg9[%get3A_150, %get3A_151, %get3A_152] {strides = array<i32>} : memref<2x40x128xf32, #tpu.memory_space<vmem>>, vector<1x1x16xf32>,
        %get3A_154 = vector.shape_cast %get3A_153 : vector<1x1x16xf32> to vector<16xf32>
        %get3A_155 = arith.constant 1 : i32
        %get3A_156 = arith.index_cast %get3A_155 : i32 to index
        %get3A_157 = arith.index_cast %scan3A_149 : i32 to index
        %get3A_158 = arith.constant 0 : index
        %get3A_159 = tpu.vector_load %arg10[%get3A_156, %get3A_157, %get3A_158] {strides = array<i32>} : memref<2x40x128xf32, #tpu.memory_space<vmem>>, vector<1x1x16xf32>,
        %get3A_160 = vector.shape_cast %get3A_159 : vector<1x1x16xf32> to vector<16xf32>
        %add3A_161 = arith.addf %get3A_154, %get3A_160 : vector<16xf32>
        %swap3A = arith.constant 1 : i32
        %swap3A_162 = arith.index_cast %swap3A : i32 to index
        %swap3A_163 = arith.index_cast %scan3A_149 : i32 to index
        %swap3A_164 = arith.constant 0 : index
        %swap3A_165 = tpu.vector_load %arg9[%swap3A_162, %swap3A_163, %swap3A_164] {strides = array<i32>} : memref<2x40x128xf32, #tpu.memory_space<vmem>>, vector<1x1x16xf32>,
        %swap3A_166 = vector.shape_cast %swap3A_165 : vector<1x1x16xf32> to vector<16xf32>
        %swap3A_167 = vector.shape_cast %add3A_161 : vector<16xf32> to vector<1x1x16xf32>
        tpu.vector_store %arg9[%swap3A_162, %swap3A_163, %swap3A_164], %swap3A_167 {strides = array<i32>} : memref<2x40x128xf32, #tpu.memory_space<vmem>>, vector<1x1x16xf32>,
        %get3A_168 = arith.constant 1 : i32
        %get3A_169 = arith.index_cast %get3A_168 : i32 to index
        %get3A_170 = arith.index_cast %scan3A_149 : i32 to index
        %get3A_171 = arith.constant 16 : index
        %get3A_172 = tpu.vector_load %arg9[%get3A_169, %get3A_170, %get3A_171] {strides = array<i32>} : memref<2x40x128xf32, #tpu.memory_space<vmem>>, vector<1x1x16xf32>,
        %get3A_173 = vector.shape_cast %get3A_172 : vector<1x1x16xf32> to vector<16xf32>
        %get3A_174 = arith.constant 1 : i32
        %get3A_175 = arith.index_cast %get3A_174 : i32 to index
        %get3A_176 = arith.index_cast %scan3A_149 : i32 to index
        %get3A_177 = arith.constant 16 : index
        %get3A_178 = tpu.vector_load %arg10[%get3A_175, %get3A_176, %get3A_177] {strides = array<i32>} : memref<2x40x128xf32, #tpu.memory_space<vmem>>, vector<1x1x16xf32>,
        %get3A_179 = vector.shape_cast %get3A_178 : vector<1x1x16xf32> to vector<16xf32>
        %add3A_180 = arith.addf %get3A_173, %get3A_179 : vector<16xf32>
        %swap3A_181 = arith.constant 1 : i32
        %swap3A_182 = arith.index_cast %swap3A_181 : i32 to index
        %swap3A_183 = arith.index_cast %scan3A_149 : i32 to index
        %swap3A_184 = arith.constant 16 : index
        %swap3A_185 = tpu.vector_load %arg9[%swap3A_182, %swap3A_183, %swap3A_184] {strides = array<i32>} : memref<2x40x128xf32, #tpu.memory_space<vmem>>, vector<1x1x16xf32>,
        %swap3A_186 = vector.shape_cast %swap3A_185 : vector<1x1x16xf32> to vector<16xf32>
        %swap3A_187 = vector.shape_cast %add3A_180 : vector<16xf32> to vector<1x1x16xf32>
        tpu.vector_store %arg9[%swap3A_182, %swap3A_183, %swap3A_184], %swap3A_187 {strides = array<i32>} : memref<2x40x128xf32, #tpu.memory_space<vmem>>, vector<1x1x16xf32>,
        %get3A_188 = arith.constant 1 : i32
        %get3A_189 = arith.index_cast %get3A_188 : i32 to index
        %get3A_190 = arith.index_cast %scan3A_149 : i32 to index
        %get3A_191 = arith.constant 32 : index
        %get3A_192 = tpu.vector_load %arg9[%get3A_189, %get3A_190, %get3A_191] {strides = array<i32>} : memref<2x40x128xf32, #tpu.memory_space<vmem>>, vector<1x1x16xf32>,
        %get3A_193 = vector.shape_cast %get3A_192 : vector<1x1x16xf32> to vector<16xf32>
        %get3A_194 = arith.constant 1 : i32
        %get3A_195 = arith.index_cast %get3A_194 : i32 to index
        %get3A_196 = arith.index_cast %scan3A_149 : i32 to index
        %get3A_197 = arith.constant 32 : index
        %get3A_198 = tpu.vector_load %arg10[%get3A_195, %get3A_196, %get3A_197] {strides = array<i32>} : memref<2x40x128xf32, #tpu.memory_space<vmem>>, vector<1x1x16xf32>,
        %get3A_199 = vector.shape_cast %get3A_198 : vector<1x1x16xf32> to vector<16xf32>
        %add3A_200 = arith.addf %get3A_193, %get3A_199 : vector<16xf32>
        %swap3A_201 = arith.constant 1 : i32
        %swap3A_202 = arith.index_cast %swap3A_201 : i32 to index
        %swap3A_203 = arith.index_cast %scan3A_149 : i32 to index
        %swap3A_204 = arith.constant 32 : index
        %swap3A_205 = tpu.vector_load %arg9[%swap3A_202, %swap3A_203, %swap3A_204] {strides = array<i32>} : memref<2x40x128xf32, #tpu.memory_space<vmem>>, vector<1x1x16xf32>,
        %swap3A_206 = vector.shape_cast %swap3A_205 : vector<1x1x16xf32> to vector<16xf32>
        %swap3A_207 = vector.shape_cast %add3A_200 : vector<16xf32> to vector<1x1x16xf32>
        tpu.vector_store %arg9[%swap3A_202, %swap3A_203, %swap3A_204], %swap3A_207 {strides = array<i32>} : memref<2x40x128xf32, #tpu.memory_space<vmem>>, vector<1x1x16xf32>,
        %get3A_208 = arith.constant 1 : i32
        %get3A_209 = arith.index_cast %get3A_208 : i32 to index
        %get3A_210 = arith.index_cast %scan3A_149 : i32 to index
        %get3A_211 = arith.constant 48 : index
        %get3A_212 = tpu.vector_load %arg9[%get3A_209, %get3A_210, %get3A_211] {strides = array<i32>} : memref<2x40x128xf32, #tpu.memory_space<vmem>>, vector<1x1x16xf32>,
        %get3A_213 = vector.shape_cast %get3A_212 : vector<1x1x16xf32> to vector<16xf32>
        %get3A_214 = arith.constant 1 : i32
        %get3A_215 = arith.index_cast %get3A_214 : i32 to index
        %get3A_216 = arith.index_cast %scan3A_149 : i32 to index
        %get3A_217 = arith.constant 48 : index
        %get3A_218 = tpu.vector_load %arg10[%get3A_215, %get3A_216, %get3A_217] {strides = array<i32>} : memref<2x40x128xf32, #tpu.memory_space<vmem>>, vector<1x1x16xf32>,
        %get3A_219 = vector.shape_cast %get3A_218 : vector<1x1x16xf32> to vector<16xf32>
        %add3A_220 = arith.addf %get3A_213, %get3A_219 : vector<16xf32>
        %swap3A_221 = arith.constant 1 : i32
        %swap3A_222 = arith.index_cast %swap3A_221 : i32 to index
        %swap3A_223 = arith.index_cast %scan3A_149 : i32 to index
        %swap3A_224 = arith.constant 48 : index
        %swap3A_225 = tpu.vector_load %arg9[%swap3A_222, %swap3A_223, %swap3A_224] {strides = array<i32>} : memref<2x40x128xf32, #tpu.memory_space<vmem>>, vector<1x1x16xf32>,
        %swap3A_226 = vector.shape_cast %swap3A_225 : vector<1x1x16xf32> to vector<16xf32>
        %swap3A_227 = vector.shape_cast %add3A_220 : vector<16xf32> to vector<1x1x16xf32>
        tpu.vector_store %arg9[%swap3A_222, %swap3A_223, %swap3A_224], %swap3A_227 {strides = array<i32>} : memref<2x40x128xf32, #tpu.memory_space<vmem>>, vector<1x1x16xf32>,
        %get3A_228 = arith.constant 1 : i32
        %get3A_229 = arith.index_cast %get3A_228 : i32 to index
        %get3A_230 = arith.index_cast %scan3A_149 : i32 to index
        %get3A_231 = arith.constant 64 : index
        %get3A_232 = tpu.vector_load %arg9[%get3A_229, %get3A_230, %get3A_231] {strides = array<i32>} : memref<2x40x128xf32, #tpu.memory_space<vmem>>, vector<1x1x16xf32>,
        %get3A_233 = vector.shape_cast %get3A_232 : vector<1x1x16xf32> to vector<16xf32>
        %get3A_234 = arith.constant 1 : i32
        %get3A_235 = arith.index_cast %get3A_234 : i32 to index
        %get3A_236 = arith.index_cast %scan3A_149 : i32 to index
        %get3A_237 = arith.constant 64 : index
        %get3A_238 = tpu.vector_load %arg10[%get3A_235, %get3A_236, %get3A_237] {strides = array<i32>} : memref<2x40x128xf32, #tpu.memory_space<vmem>>, vector<1x1x16xf32>,
        %get3A_239 = vector.shape_cast %get3A_238 : vector<1x1x16xf32> to vector<16xf32>
        %add3A_240 = arith.addf %get3A_233, %get3A_239 : vector<16xf32>
        %swap3A_241 = arith.constant 1 : i32
        %swap3A_242 = arith.index_cast %swap3A_241 : i32 to index
        %swap3A_243 = arith.index_cast %scan3A_149 : i32 to index
        %swap3A_244 = arith.constant 64 : index
        %swap3A_245 = tpu.vector_load %arg9[%swap3A_242, %swap3A_243, %swap3A_244] {strides = array<i32>} : memref<2x40x128xf32, #tpu.memory_space<vmem>>, vector<1x1x16xf32>,
        %swap3A_246 = vector.shape_cast %swap3A_245 : vector<1x1x16xf32> to vector<16xf32>
        %swap3A_247 = vector.shape_cast %add3A_240 : vector<16xf32> to vector<1x1x16xf32>
        tpu.vector_store %arg9[%swap3A_242, %swap3A_243, %swap3A_244], %swap3A_247 {strides = array<i32>} : memref<2x40x128xf32, #tpu.memory_space<vmem>>, vector<1x1x16xf32>,
        %get3A_248 = arith.constant 1 : i32
        %get3A_249 = arith.index_cast %get3A_248 : i32 to index
        %get3A_250 = arith.index_cast %scan3A_149 : i32 to index
        %get3A_251 = arith.constant 80 : index
        %get3A_252 = tpu.vector_load %arg9[%get3A_249, %get3A_250, %get3A_251] {strides = array<i32>} : memref<2x40x128xf32, #tpu.memory_space<vmem>>, vector<1x1x16xf32>,
        %get3A_253 = vector.shape_cast %get3A_252 : vector<1x1x16xf32> to vector<16xf32>
        %get3A_254 = arith.constant 1 : i32
        %get3A_255 = arith.index_cast %get3A_254 : i32 to index
        %get3A_256 = arith.index_cast %scan3A_149 : i32 to index
        %get3A_257 = arith.constant 80 : index
        %get3A_258 = tpu.vector_load %arg10[%get3A_255, %get3A_256, %get3A_257] {strides = array<i32>} : memref<2x40x128xf32, #tpu.memory_space<vmem>>, vector<1x1x16xf32>,
        %get3A_259 = vector.shape_cast %get3A_258 : vector<1x1x16xf32> to vector<16xf32>
        %add3A_260 = arith.addf %get3A_253, %get3A_259 : vector<16xf32>
        %swap3A_261 = arith.constant 1 : i32
        %swap3A_262 = arith.index_cast %swap3A_261 : i32 to index
        %swap3A_263 = arith.index_cast %scan3A_149 : i32 to index
        %swap3A_264 = arith.constant 80 : index
        %swap3A_265 = tpu.vector_load %arg9[%swap3A_262, %swap3A_263, %swap3A_264] {strides = array<i32>} : memref<2x40x128xf32, #tpu.memory_space<vmem>>, vector<1x1x16xf32>,
        %swap3A_266 = vector.shape_cast %swap3A_265 : vector<1x1x16xf32> to vector<16xf32>
        %swap3A_267 = vector.shape_cast %add3A_260 : vector<16xf32> to vector<1x1x16xf32>
        tpu.vector_store %arg9[%swap3A_262, %swap3A_263, %swap3A_264], %swap3A_267 {strides = array<i32>} : memref<2x40x128xf32, #tpu.memory_space<vmem>>, vector<1x1x16xf32>,
        %get3A_268 = arith.constant 1 : i32
        %get3A_269 = arith.index_cast %get3A_268 : i32 to index
        %get3A_270 = arith.index_cast %scan3A_149 : i32 to index
        %get3A_271 = arith.constant 96 : index
        %get3A_272 = tpu.vector_load %arg9[%get3A_269, %get3A_270, %get3A_271] {strides = array<i32>} : memref<2x40x128xf32, #tpu.memory_space<vmem>>, vector<1x1x16xf32>,
        %get3A_273 = vector.shape_cast %get3A_272 : vector<1x1x16xf32> to vector<16xf32>
        %get3A_274 = arith.constant 1 : i32
        %get3A_275 = arith.index_cast %get3A_274 : i32 to index
        %get3A_276 = arith.index_cast %scan3A_149 : i32 to index
        %get3A_277 = arith.constant 96 : index
        %get3A_278 = tpu.vector_load %arg10[%get3A_275, %get3A_276, %get3A_277] {strides = array<i32>} : memref<2x40x128xf32, #tpu.memory_space<vmem>>, vector<1x1x16xf32>,
        %get3A_279 = vector.shape_cast %get3A_278 : vector<1x1x16xf32> to vector<16xf32>
        %add3A_280 = arith.addf %get3A_273, %get3A_279 : vector<16xf32>
        %swap3A_281 = arith.constant 1 : i32
        %swap3A_282 = arith.index_cast %swap3A_281 : i32 to index
        %swap3A_283 = arith.index_cast %scan3A_149 : i32 to index
        %swap3A_284 = arith.constant 96 : index
        %swap3A_285 = tpu.vector_load %arg9[%swap3A_282, %swap3A_283, %swap3A_284] {strides = array<i32>} : memref<2x40x128xf32, #tpu.memory_space<vmem>>, vector<1x1x16xf32>,
        %swap3A_286 = vector.shape_cast %swap3A_285 : vector<1x1x16xf32> to vector<16xf32>
        %swap3A_287 = vector.shape_cast %add3A_280 : vector<16xf32> to vector<1x1x16xf32>
        tpu.vector_store %arg9[%swap3A_282, %swap3A_283, %swap3A_284], %swap3A_287 {strides = array<i32>} : memref<2x40x128xf32, #tpu.memory_space<vmem>>, vector<1x1x16xf32>,
        %get3A_288 = arith.constant 1 : i32
        %get3A_289 = arith.index_cast %get3A_288 : i32 to index
        %get3A_290 = arith.index_cast %scan3A_149 : i32 to index
        %get3A_291 = arith.constant 112 : index
        %get3A_292 = tpu.vector_load %arg9[%get3A_289, %get3A_290, %get3A_291] {strides = array<i32>} : memref<2x40x128xf32, #tpu.memory_space<vmem>>, vector<1x1x16xf32>,
        %get3A_293 = vector.shape_cast %get3A_292 : vector<1x1x16xf32> to vector<16xf32>
        %get3A_294 = arith.constant 1 : i32
        %get3A_295 = arith.index_cast %get3A_294 : i32 to index
        %get3A_296 = arith.index_cast %scan3A_149 : i32 to index
        %get3A_297 = arith.constant 112 : index
        %get3A_298 = tpu.vector_load %arg10[%get3A_295, %get3A_296, %get3A_297] {strides = array<i32>} : memref<2x40x128xf32, #tpu.memory_space<vmem>>, vector<1x1x16xf32>,
        %get3A_299 = vector.shape_cast %get3A_298 : vector<1x1x16xf32> to vector<16xf32>
        %add3A_300 = arith.addf %get3A_293, %get3A_299 : vector<16xf32>
        %swap3A_301 = arith.constant 1 : i32
        %swap3A_302 = arith.index_cast %swap3A_301 : i32 to index
        %swap3A_303 = arith.index_cast %scan3A_149 : i32 to index
        %swap3A_304 = arith.constant 112 : index
        %swap3A_305 = tpu.vector_load %arg9[%swap3A_302, %swap3A_303, %swap3A_304] {strides = array<i32>} : memref<2x40x128xf32, #tpu.memory_space<vmem>>, vector<1x1x16xf32>,
        %swap3A_306 = vector.shape_cast %swap3A_305 : vector<1x1x16xf32> to vector<16xf32>
        %swap3A_307 = vector.shape_cast %add3A_300 : vector<16xf32> to vector<1x1x16xf32>
        tpu.vector_store %arg9[%swap3A_302, %swap3A_303, %swap3A_304], %swap3A_307 {strides = array<i32>} : memref<2x40x128xf32, #tpu.memory_space<vmem>>, vector<1x1x16xf32>,
      }
      %scan3A_144 = arith.constant 40 : i32
      %mul3A_145 = arith.constant 40 : i32
      %mul3A_146 = arith.muli %add3A_138, %mul3A_145 : i32
      %add3A_147 = arith.addi %mul3A_2, %mul3A_146 : i32
      %run_scoped3A_148 = arith.constant 1 : i32
      "tpu.region"() ({
        %run_scoped3A_149 = tpu.sem_alloc : memref<!tpu.dma_semaphore, #tpu.memory_space<semaphore_mem>>
        %dma_start3A_150 = arith.constant 0 : i32
        %dma_start3A_151 = arith.constant 0 : i32
        %dma_start3A_152 = tpu.memref_slice %arg9[%run_scoped3A_148, %dma_start3A_150, %dma_start3A_151] : memref<2x40x128xf32, #tpu.memory_space<vmem>> -> memref<1x40x128xf32, #tpu.memory_space<vmem>>
        %dma_start3A_153 = tpu.memref_squeeze %dma_start3A_152 : memref<1x40x128xf32, #tpu.memory_space<vmem>> -> memref<40x128xf32, #tpu.memory_space<vmem>>
        %dma_start3A_154 = arith.constant 0 : i32
        %dma_start3A_155 = tpu.memref_slice %arg6[%add3A_147, %dma_start3A_154] : memref<160000x128xf32, #tpu.memory_space<hbm>> -> memref<40x128xf32, #tpu.memory_space<hbm>>
        %dma_start3A_156 = arith.constant 0 : i32
        %dma_start3A_157 = tpu.memref_slice %arg6[%add3A_147, %dma_start3A_156] : memref<160000x128xf32, #tpu.memory_space<hbm>> -> memref<40x128xf32, #tpu.memory_space<hbm>>
        %dma_start3A_158 = arith.constant 0 : i32
        %dma_start3A_159 = arith.constant 0 : i32
        %dma_start3A_160 = tpu.memref_slice %arg9[%run_scoped3A_148, %dma_start3A_158, %dma_start3A_159] : memref<2x40x128xf32, #tpu.memory_space<vmem>> -> memref<1x40x128xf32, #tpu.memory_space<vmem>>
        %dma_start3A_161 = tpu.memref_squeeze %dma_start3A_160 : memref<1x40x128xf32, #tpu.memory_space<vmem>> -> memref<40x128xf32, #tpu.memory_space<vmem>>
        tpu.enqueue_dma source(%dma_start3A_161 : memref<40x128xf32, #tpu.memory_space<vmem>>) target(%dma_start3A_157 : memref<40x128xf32, #tpu.memory_space<hbm>>) target_semaphore(%run_scoped3A_149 : memref<!tpu.dma_semaphore, #tpu.memory_space<semaphore_mem>>)
        %dma_wait3A_162 = arith.constant 0 : i32
        %dma_wait3A_163 = arith.constant 0 : i32
        %dma_wait3A_164 = tpu.memref_slice %arg9[%run_scoped3A_148, %dma_wait3A_162, %dma_wait3A_163] : memref<2x40x128xf32, #tpu.memory_space<vmem>> -> memref<1x40x128xf32, #tpu.memory_space<vmem>>
        %dma_wait3A_165 = tpu.memref_squeeze %dma_wait3A_164 : memref<1x40x128xf32, #tpu.memory_space<vmem>> -> memref<40x128xf32, #tpu.memory_space<vmem>>
        %dma_wait3A_166 = arith.constant 0 : i32
        %dma_wait3A_167 = tpu.memref_slice %arg6[%add3A_147, %dma_wait3A_166] : memref<160000x128xf32, #tpu.memory_space<hbm>> -> memref<40x128xf32, #tpu.memory_space<hbm>>
        %dma_wait3A_168 = arith.constant 0 : i32
        %dma_wait3A_169 = tpu.memref_slice %arg6[%add3A_147, %dma_wait3A_168] : memref<160000x128xf32, #tpu.memory_space<hbm>> -> memref<40x128xf32, #tpu.memory_space<hbm>>
        %dma_wait3A_170 = arith.constant 0 : i32
        %dma_wait3A_171 = arith.constant 0 : i32
        %dma_wait3A_172 = tpu.memref_slice %arg9[%run_scoped3A_148, %dma_wait3A_170, %dma_wait3A_171] : memref<2x40x128xf32, #tpu.memory_space<vmem>> -> memref<1x40x128xf32, #tpu.memory_space<vmem>>
        %dma_wait3A_173 = tpu.memref_squeeze %dma_wait3A_172 : memref<1x40x128xf32, #tpu.memory_space<vmem>> -> memref<40x128xf32, #tpu.memory_space<vmem>>
        tpu.wait_dma2 semaphore(%run_scoped3A_149 : memref<!tpu.dma_semaphore, #tpu.memory_space<semaphore_mem>>) src(%dma_wait3A_173 : memref<40x128xf32, #tpu.memory_space<vmem>>) dst(%dma_wait3A_169 : memref<40x128xf32, #tpu.memory_space<hbm>>)
        tpu.yield
      }) : () -> ()
    }
    %scan3A_30 = arith.constant 62 : i32
    %dma_wait3A = arith.constant 0 : i32
    %dma_wait3A_31 = arith.constant 0 : i32
    %dma_wait3A_32 = arith.constant 0 : i32
    %dma_wait3A_33 = tpu.memref_slice %arg9[%dma_wait3A, %dma_wait3A_31, %dma_wait3A_32] : memref<2x40x128xf32, #tpu.memory_space<vmem>> -> memref<1x40x128xf32, #tpu.memory_space<vmem>>
    %dma_wait3A_34 = tpu.memref_squeeze %dma_wait3A_33 : memref<1x40x128xf32, #tpu.memory_space<vmem>> -> memref<40x128xf32, #tpu.memory_space<vmem>>
    %dma_wait3A_35 = arith.constant 0 : i32
    %dma_wait3A_36 = tpu.memref_slice %arg7[%dma_wait3A_35] : memref<5000xi32, #tpu.memory_space<vmem>> -> memref<40xi32, #tpu.memory_space<vmem>>
    %dma_wait3A_37 = arith.constant 0 : i32
    %dma_wait3A_38 = arith.constant 0 : i32
    %dma_wait3A_39 = tpu.memref_slice %arg2[%dma_wait3A_37, %dma_wait3A_38] : memref<10000x128xf32, #tpu.memory_space<hbm>> -> memref<10000x128xf32, #tpu.memory_space<hbm>>
    tpu.wait_indirect_dma semaphore(%arg11 : memref<!tpu.dma_semaphore, #tpu.memory_space<semaphore_mem>>) src(%dma_wait3A_39 : memref<10000x128xf32, #tpu.memory_space<hbm>>) dst(%dma_wait3A_34 : memref<40x128xf32, #tpu.memory_space<vmem>>)
    %dma_wait3A_40 = arith.constant 0 : i32
    %dma_wait3A_41 = arith.constant 0 : i32
    %dma_wait3A_42 = arith.constant 0 : i32
    %dma_wait3A_43 = tpu.memref_slice %arg10[%dma_wait3A_40, %dma_wait3A_41, %dma_wait3A_42] : memref<2x40x128xf32, #tpu.memory_space<vmem>> -> memref<1x40x128xf32, #tpu.memory_space<vmem>>
    %dma_wait3A_44 = tpu.memref_squeeze %dma_wait3A_43 : memref<1x40x128xf32, #tpu.memory_space<vmem>> -> memref<40x128xf32, #tpu.memory_space<vmem>>
    %dma_wait3A_45 = arith.constant 0 : i32
    %dma_wait3A_46 = tpu.memref_slice %arg8[%dma_wait3A_45] : memref<5000xi32, #tpu.memory_space<vmem>> -> memref<40xi32, #tpu.memory_space<vmem>>
    %dma_wait3A_47 = arith.constant 0 : i32
    %dma_wait3A_48 = arith.constant 0 : i32
    %dma_wait3A_49 = tpu.memref_slice %arg3[%dma_wait3A_47, %dma_wait3A_48] : memref<10000x128xf32, #tpu.memory_space<hbm>> -> memref<10000x128xf32, #tpu.memory_space<hbm>>
    tpu.wait_indirect_dma semaphore(%arg12 : memref<!tpu.dma_semaphore, #tpu.memory_space<semaphore_mem>>) src(%dma_wait3A_49 : memref<10000x128xf32, #tpu.memory_space<hbm>>) dst(%dma_wait3A_44 : memref<40x128xf32, #tpu.memory_space<vmem>>)
    %scan3A_50 = arith.constant 0 : i32
    %scan3A_51 = arith.constant 0 : i32
    %scan3A_52 = arith.constant 40 : i32
    %scan3A_53 = arith.addi %scan3A_51, %scan3A_52 : i32
    %scan3A_54 = arith.constant 1 : i32
    scf.for %scan3A_58 = %scan3A_51 to %scan3A_53 step %scan3A_54  : i32 {
      %get3A = arith.constant 0 : i32
      %get3A_59 = arith.index_cast %get3A : i32 to index
      %get3A_60 = arith.index_cast %scan3A_58 : i32 to index
      %get3A_61 = arith.constant 0 : index
      %get3A_62 = tpu.vector_load %arg9[%get3A_59, %get3A_60, %get3A_61] {strides = array<i32>} : memref<2x40x128xf32, #tpu.memory_space<vmem>>, vector<1x1x16xf32>,
      %get3A_63 = vector.shape_cast %get3A_62 : vector<1x1x16xf32> to vector<16xf32>
      %get3A_64 = arith.constant 0 : i32
      %get3A_65 = arith.index_cast %get3A_64 : i32 to index
      %get3A_66 = arith.index_cast %scan3A_58 : i32 to index
      %get3A_67 = arith.constant 0 : index
      %get3A_68 = tpu.vector_load %arg10[%get3A_65, %get3A_66, %get3A_67] {strides = array<i32>} : memref<2x40x128xf32, #tpu.memory_space<vmem>>, vector<1x1x16xf32>,
      %get3A_69 = vector.shape_cast %get3A_68 : vector<1x1x16xf32> to vector<16xf32>
      %add3A_70 = arith.addf %get3A_63, %get3A_69 : vector<16xf32>
      %swap3A = arith.constant 0 : i32
      %swap3A_71 = arith.index_cast %swap3A : i32 to index
      %swap3A_72 = arith.index_cast %scan3A_58 : i32 to index
      %swap3A_73 = arith.constant 0 : index
      %swap3A_74 = tpu.vector_load %arg9[%swap3A_71, %swap3A_72, %swap3A_73] {strides = array<i32>} : memref<2x40x128xf32, #tpu.memory_space<vmem>>, vector<1x1x16xf32>,
      %swap3A_75 = vector.shape_cast %swap3A_74 : vector<1x1x16xf32> to vector<16xf32>
      %swap3A_76 = vector.shape_cast %add3A_70 : vector<16xf32> to vector<1x1x16xf32>
      tpu.vector_store %arg9[%swap3A_71, %swap3A_72, %swap3A_73], %swap3A_76 {strides = array<i32>} : memref<2x40x128xf32, #tpu.memory_space<vmem>>, vector<1x1x16xf32>,
      %get3A_77 = arith.constant 0 : i32
      %get3A_78 = arith.index_cast %get3A_77 : i32 to index
      %get3A_79 = arith.index_cast %scan3A_58 : i32 to index
      %get3A_80 = arith.constant 16 : index
      %get3A_81 = tpu.vector_load %arg9[%get3A_78, %get3A_79, %get3A_80] {strides = array<i32>} : memref<2x40x128xf32, #tpu.memory_space<vmem>>, vector<1x1x16xf32>,
      %get3A_82 = vector.shape_cast %get3A_81 : vector<1x1x16xf32> to vector<16xf32>
      %get3A_83 = arith.constant 0 : i32
      %get3A_84 = arith.index_cast %get3A_83 : i32 to index
      %get3A_85 = arith.index_cast %scan3A_58 : i32 to index
      %get3A_86 = arith.constant 16 : index
      %get3A_87 = tpu.vector_load %arg10[%get3A_84, %get3A_85, %get3A_86] {strides = array<i32>} : memref<2x40x128xf32, #tpu.memory_space<vmem>>, vector<1x1x16xf32>,
      %get3A_88 = vector.shape_cast %get3A_87 : vector<1x1x16xf32> to vector<16xf32>
      %add3A_89 = arith.addf %get3A_82, %get3A_88 : vector<16xf32>
      %swap3A_90 = arith.constant 0 : i32
      %swap3A_91 = arith.index_cast %swap3A_90 : i32 to index
      %swap3A_92 = arith.index_cast %scan3A_58 : i32 to index
      %swap3A_93 = arith.constant 16 : index
      %swap3A_94 = tpu.vector_load %arg9[%swap3A_91, %swap3A_92, %swap3A_93] {strides = array<i32>} : memref<2x40x128xf32, #tpu.memory_space<vmem>>, vector<1x1x16xf32>,
      %swap3A_95 = vector.shape_cast %swap3A_94 : vector<1x1x16xf32> to vector<16xf32>
      %swap3A_96 = vector.shape_cast %add3A_89 : vector<16xf32> to vector<1x1x16xf32>
      tpu.vector_store %arg9[%swap3A_91, %swap3A_92, %swap3A_93], %swap3A_96 {strides = array<i32>} : memref<2x40x128xf32, #tpu.memory_space<vmem>>, vector<1x1x16xf32>,
      %get3A_97 = arith.constant 0 : i32
      %get3A_98 = arith.index_cast %get3A_97 : i32 to index
      %get3A_99 = arith.index_cast %scan3A_58 : i32 to index
      %get3A_100 = arith.constant 32 : index
      %get3A_101 = tpu.vector_load %arg9[%get3A_98, %get3A_99, %get3A_100] {strides = array<i32>} : memref<2x40x128xf32, #tpu.memory_space<vmem>>, vector<1x1x16xf32>,
      %get3A_102 = vector.shape_cast %get3A_101 : vector<1x1x16xf32> to vector<16xf32>
      %get3A_103 = arith.constant 0 : i32
      %get3A_104 = arith.index_cast %get3A_103 : i32 to index
      %get3A_105 = arith.index_cast %scan3A_58 : i32 to index
      %get3A_106 = arith.constant 32 : index
      %get3A_107 = tpu.vector_load %arg10[%get3A_104, %get3A_105, %get3A_106] {strides = array<i32>} : memref<2x40x128xf32, #tpu.memory_space<vmem>>, vector<1x1x16xf32>,
      %get3A_108 = vector.shape_cast %get3A_107 : vector<1x1x16xf32> to vector<16xf32>
      %add3A_109 = arith.addf %get3A_102, %get3A_108 : vector<16xf32>
      %swap3A_110 = arith.constant 0 : i32
      %swap3A_111 = arith.index_cast %swap3A_110 : i32 to index
      %swap3A_112 = arith.index_cast %scan3A_58 : i32 to index
      %swap3A_113 = arith.constant 32 : index
      %swap3A_114 = tpu.vector_load %arg9[%swap3A_111, %swap3A_112, %swap3A_113] {strides = array<i32>} : memref<2x40x128xf32, #tpu.memory_space<vmem>>, vector<1x1x16xf32>,
      %swap3A_115 = vector.shape_cast %swap3A_114 : vector<1x1x16xf32> to vector<16xf32>
      %swap3A_116 = vector.shape_cast %add3A_109 : vector<16xf32> to vector<1x1x16xf32>
      tpu.vector_store %arg9[%swap3A_111, %swap3A_112, %swap3A_113], %swap3A_116 {strides = array<i32>} : memref<2x40x128xf32, #tpu.memory_space<vmem>>, vector<1x1x16xf32>,
      %get3A_117 = arith.constant 0 : i32
      %get3A_118 = arith.index_cast %get3A_117 : i32 to index
      %get3A_119 = arith.index_cast %scan3A_58 : i32 to index
      %get3A_120 = arith.constant 48 : index
      %get3A_121 = tpu.vector_load %arg9[%get3A_118, %get3A_119, %get3A_120] {strides = array<i32>} : memref<2x40x128xf32, #tpu.memory_space<vmem>>, vector<1x1x16xf32>,
      %get3A_122 = vector.shape_cast %get3A_121 : vector<1x1x16xf32> to vector<16xf32>
      %get3A_123 = arith.constant 0 : i32
      %get3A_124 = arith.index_cast %get3A_123 : i32 to index
      %get3A_125 = arith.index_cast %scan3A_58 : i32 to index
      %get3A_126 = arith.constant 48 : index
      %get3A_127 = tpu.vector_load %arg10[%get3A_124, %get3A_125, %get3A_126] {strides = array<i32>} : memref<2x40x128xf32, #tpu.memory_space<vmem>>, vector<1x1x16xf32>,
      %get3A_128 = vector.shape_cast %get3A_127 : vector<1x1x16xf32> to vector<16xf32>
      %add3A_129 = arith.addf %get3A_122, %get3A_128 : vector<16xf32>
      %swap3A_130 = arith.constant 0 : i32
      %swap3A_131 = arith.index_cast %swap3A_130 : i32 to index
      %swap3A_132 = arith.index_cast %scan3A_58 : i32 to index
      %swap3A_133 = arith.constant 48 : index
      %swap3A_134 = tpu.vector_load %arg9[%swap3A_131, %swap3A_132, %swap3A_133] {strides = array<i32>} : memref<2x40x128xf32, #tpu.memory_space<vmem>>, vector<1x1x16xf32>,
      %swap3A_135 = vector.shape_cast %swap3A_134 : vector<1x1x16xf32> to vector<16xf32>
      %swap3A_136 = vector.shape_cast %add3A_129 : vector<16xf32> to vector<1x1x16xf32>
      tpu.vector_store %arg9[%swap3A_131, %swap3A_132, %swap3A_133], %swap3A_136 {strides = array<i32>} : memref<2x40x128xf32, #tpu.memory_space<vmem>>, vector<1x1x16xf32>,
      %get3A_137 = arith.constant 0 : i32
      %get3A_138 = arith.index_cast %get3A_137 : i32 to index
      %get3A_139 = arith.index_cast %scan3A_58 : i32 to index
      %get3A_140 = arith.constant 64 : index
      %get3A_141 = tpu.vector_load %arg9[%get3A_138, %get3A_139, %get3A_140] {strides = array<i32>} : memref<2x40x128xf32, #tpu.memory_space<vmem>>, vector<1x1x16xf32>,
      %get3A_142 = vector.shape_cast %get3A_141 : vector<1x1x16xf32> to vector<16xf32>
      %get3A_143 = arith.constant 0 : i32
      %get3A_144 = arith.index_cast %get3A_143 : i32 to index
      %get3A_145 = arith.index_cast %scan3A_58 : i32 to index
      %get3A_146 = arith.constant 64 : index
      %get3A_147 = tpu.vector_load %arg10[%get3A_144, %get3A_145, %get3A_146] {strides = array<i32>} : memref<2x40x128xf32, #tpu.memory_space<vmem>>, vector<1x1x16xf32>,
      %get3A_148 = vector.shape_cast %get3A_147 : vector<1x1x16xf32> to vector<16xf32>
      %add3A_149 = arith.addf %get3A_142, %get3A_148 : vector<16xf32>
      %swap3A_150 = arith.constant 0 : i32
      %swap3A_151 = arith.index_cast %swap3A_150 : i32 to index
      %swap3A_152 = arith.index_cast %scan3A_58 : i32 to index
      %swap3A_153 = arith.constant 64 : index
      %swap3A_154 = tpu.vector_load %arg9[%swap3A_151, %swap3A_152, %swap3A_153] {strides = array<i32>} : memref<2x40x128xf32, #tpu.memory_space<vmem>>, vector<1x1x16xf32>,
      %swap3A_155 = vector.shape_cast %swap3A_154 : vector<1x1x16xf32> to vector<16xf32>
      %swap3A_156 = vector.shape_cast %add3A_149 : vector<16xf32> to vector<1x1x16xf32>
      tpu.vector_store %arg9[%swap3A_151, %swap3A_152, %swap3A_153], %swap3A_156 {strides = array<i32>} : memref<2x40x128xf32, #tpu.memory_space<vmem>>, vector<1x1x16xf32>,
      %get3A_157 = arith.constant 0 : i32
      %get3A_158 = arith.index_cast %get3A_157 : i32 to index
      %get3A_159 = arith.index_cast %scan3A_58 : i32 to index
      %get3A_160 = arith.constant 80 : index
      %get3A_161 = tpu.vector_load %arg9[%get3A_158, %get3A_159, %get3A_160] {strides = array<i32>} : memref<2x40x128xf32, #tpu.memory_space<vmem>>, vector<1x1x16xf32>,
      %get3A_162 = vector.shape_cast %get3A_161 : vector<1x1x16xf32> to vector<16xf32>
      %get3A_163 = arith.constant 0 : i32
      %get3A_164 = arith.index_cast %get3A_163 : i32 to index
      %get3A_165 = arith.index_cast %scan3A_58 : i32 to index
      %get3A_166 = arith.constant 80 : index
      %get3A_167 = tpu.vector_load %arg10[%get3A_164, %get3A_165, %get3A_166] {strides = array<i32>} : memref<2x40x128xf32, #tpu.memory_space<vmem>>, vector<1x1x16xf32>,
      %get3A_168 = vector.shape_cast %get3A_167 : vector<1x1x16xf32> to vector<16xf32>
      %add3A_169 = arith.addf %get3A_162, %get3A_168 : vector<16xf32>
      %swap3A_170 = arith.constant 0 : i32
      %swap3A_171 = arith.index_cast %swap3A_170 : i32 to index
      %swap3A_172 = arith.index_cast %scan3A_58 : i32 to index
      %swap3A_173 = arith.constant 80 : index
      %swap3A_174 = tpu.vector_load %arg9[%swap3A_171, %swap3A_172, %swap3A_173] {strides = array<i32>} : memref<2x40x128xf32, #tpu.memory_space<vmem>>, vector<1x1x16xf32>,
      %swap3A_175 = vector.shape_cast %swap3A_174 : vector<1x1x16xf32> to vector<16xf32>
      %swap3A_176 = vector.shape_cast %add3A_169 : vector<16xf32> to vector<1x1x16xf32>
      tpu.vector_store %arg9[%swap3A_171, %swap3A_172, %swap3A_173], %swap3A_176 {strides = array<i32>} : memref<2x40x128xf32, #tpu.memory_space<vmem>>, vector<1x1x16xf32>,
      %get3A_177 = arith.constant 0 : i32
      %get3A_178 = arith.index_cast %get3A_177 : i32 to index
      %get3A_179 = arith.index_cast %scan3A_58 : i32 to index
      %get3A_180 = arith.constant 96 : index
      %get3A_181 = tpu.vector_load %arg9[%get3A_178, %get3A_179, %get3A_180] {strides = array<i32>} : memref<2x40x128xf32, #tpu.memory_space<vmem>>, vector<1x1x16xf32>,
      %get3A_182 = vector.shape_cast %get3A_181 : vector<1x1x16xf32> to vector<16xf32>
      %get3A_183 = arith.constant 0 : i32
      %get3A_184 = arith.index_cast %get3A_183 : i32 to index
      %get3A_185 = arith.index_cast %scan3A_58 : i32 to index
      %get3A_186 = arith.constant 96 : index
      %get3A_187 = tpu.vector_load %arg10[%get3A_184, %get3A_185, %get3A_186] {strides = array<i32>} : memref<2x40x128xf32, #tpu.memory_space<vmem>>, vector<1x1x16xf32>,
      %get3A_188 = vector.shape_cast %get3A_187 : vector<1x1x16xf32> to vector<16xf32>
      %add3A_189 = arith.addf %get3A_182, %get3A_188 : vector<16xf32>
      %swap3A_190 = arith.constant 0 : i32
      %swap3A_191 = arith.index_cast %swap3A_190 : i32 to index
      %swap3A_192 = arith.index_cast %scan3A_58 : i32 to index
      %swap3A_193 = arith.constant 96 : index
      %swap3A_194 = tpu.vector_load %arg9[%swap3A_191, %swap3A_192, %swap3A_193] {strides = array<i32>} : memref<2x40x128xf32, #tpu.memory_space<vmem>>, vector<1x1x16xf32>,
      %swap3A_195 = vector.shape_cast %swap3A_194 : vector<1x1x16xf32> to vector<16xf32>
      %swap3A_196 = vector.shape_cast %add3A_189 : vector<16xf32> to vector<1x1x16xf32>
      tpu.vector_store %arg9[%swap3A_191, %swap3A_192, %swap3A_193], %swap3A_196 {strides = array<i32>} : memref<2x40x128xf32, #tpu.memory_space<vmem>>, vector<1x1x16xf32>,
      %get3A_197 = arith.constant 0 : i32
      %get3A_198 = arith.index_cast %get3A_197 : i32 to index
      %get3A_199 = arith.index_cast %scan3A_58 : i32 to index
      %get3A_200 = arith.constant 112 : index
      %get3A_201 = tpu.vector_load %arg9[%get3A_198, %get3A_199, %get3A_200] {strides = array<i32>} : memref<2x40x128xf32, #tpu.memory_space<vmem>>, vector<1x1x16xf32>,
      %get3A_202 = vector.shape_cast %get3A_201 : vector<1x1x16xf32> to vector<16xf32>
      %get3A_203 = arith.constant 0 : i32
      %get3A_204 = arith.index_cast %get3A_203 : i32 to index
      %get3A_205 = arith.index_cast %scan3A_58 : i32 to index
      %get3A_206 = arith.constant 112 : index
      %get3A_207 = tpu.vector_load %arg10[%get3A_204, %get3A_205, %get3A_206] {strides = array<i32>} : memref<2x40x128xf32, #tpu.memory_space<vmem>>, vector<1x1x16xf32>,
      %get3A_208 = vector.shape_cast %get3A_207 : vector<1x1x16xf32> to vector<16xf32>
      %add3A_209 = arith.addf %get3A_202, %get3A_208 : vector<16xf32>
      %swap3A_210 = arith.constant 0 : i32
      %swap3A_211 = arith.index_cast %swap3A_210 : i32 to index
      %swap3A_212 = arith.index_cast %scan3A_58 : i32 to index
      %swap3A_213 = arith.constant 112 : index
      %swap3A_214 = tpu.vector_load %arg9[%swap3A_211, %swap3A_212, %swap3A_213] {strides = array<i32>} : memref<2x40x128xf32, #tpu.memory_space<vmem>>, vector<1x1x16xf32>,
      %swap3A_215 = vector.shape_cast %swap3A_214 : vector<1x1x16xf32> to vector<16xf32>
      %swap3A_216 = vector.shape_cast %add3A_209 : vector<16xf32> to vector<1x1x16xf32>
      tpu.vector_store %arg9[%swap3A_211, %swap3A_212, %swap3A_213], %swap3A_216 {strides = array<i32>} : memref<2x40x128xf32, #tpu.memory_space<vmem>>, vector<1x1x16xf32>,
    }
    %scan3A_55 = arith.constant 40 : i32
    %add3A_56 = arith.constant 4960 : i32
    %add3A_57 = arith.addi %mul3A_2, %add3A_56 : i32
    %run_scoped3A = arith.constant 0 : i32
    "tpu.region"() ({
      %run_scoped3A_58 = tpu.sem_alloc : memref<!tpu.dma_semaphore, #tpu.memory_space<semaphore_mem>>
      %dma_start3A_59 = arith.constant 0 : i32
      %dma_start3A_60 = arith.constant 0 : i32
      %dma_start3A_61 = tpu.memref_slice %arg9[%run_scoped3A, %dma_start3A_59, %dma_start3A_60] : memref<2x40x128xf32, #tpu.memory_space<vmem>> -> memref<1x40x128xf32, #tpu.memory_space<vmem>>
      %dma_start3A_62 = tpu.memref_squeeze %dma_start3A_61 : memref<1x40x128xf32, #tpu.memory_space<vmem>> -> memref<40x128xf32, #tpu.memory_space<vmem>>
      %dma_start3A_63 = arith.constant 0 : i32
      %dma_start3A_64 = tpu.memref_slice %arg6[%add3A_57, %dma_start3A_63] : memref<160000x128xf32, #tpu.memory_space<hbm>> -> memref<40x128xf32, #tpu.memory_space<hbm>>
      %dma_start3A_65 = arith.constant 0 : i32
      %dma_start3A_66 = tpu.memref_slice %arg6[%add3A_57, %dma_start3A_65] : memref<160000x128xf32, #tpu.memory_space<hbm>> -> memref<40x128xf32, #tpu.memory_space<hbm>>
      %dma_start3A_67 = arith.constant 0 : i32
      %dma_start3A_68 = arith.constant 0 : i32
      %dma_start3A_69 = tpu.memref_slice %arg9[%run_scoped3A, %dma_start3A_67, %dma_start3A_68] : memref<2x40x128xf32, #tpu.memory_space<vmem>> -> memref<1x40x128xf32, #tpu.memory_space<vmem>>
      %dma_start3A_70 = tpu.memref_squeeze %dma_start3A_69 : memref<1x40x128xf32, #tpu.memory_space<vmem>> -> memref<40x128xf32, #tpu.memory_space<vmem>>
      tpu.enqueue_dma source(%dma_start3A_70 : memref<40x128xf32, #tpu.memory_space<vmem>>) target(%dma_start3A_66 : memref<40x128xf32, #tpu.memory_space<hbm>>) target_semaphore(%run_scoped3A_58 : memref<!tpu.dma_semaphore, #tpu.memory_space<semaphore_mem>>)
      %dma_wait3A_71 = arith.constant 0 : i32
      %dma_wait3A_72 = arith.constant 0 : i32
      %dma_wait3A_73 = tpu.memref_slice %arg9[%run_scoped3A, %dma_wait3A_71, %dma_wait3A_72] : memref<2x40x128xf32, #tpu.memory_space<vmem>> -> memref<1x40x128xf32, #tpu.memory_space<vmem>>
      %dma_wait3A_74 = tpu.memref_squeeze %dma_wait3A_73 : memref<1x40x128xf32, #tpu.memory_space<vmem>> -> memref<40x128xf32, #tpu.memory_space<vmem>>
      %dma_wait3A_75 = arith.constant 0 : i32
      %dma_wait3A_76 = tpu.memref_slice %arg6[%add3A_57, %dma_wait3A_75] : memref<160000x128xf32, #tpu.memory_space<hbm>> -> memref<40x128xf32, #tpu.memory_space<hbm>>
      %dma_wait3A_77 = arith.constant 0 : i32
      %dma_wait3A_78 = tpu.memref_slice %arg6[%add3A_57, %dma_wait3A_77] : memref<160000x128xf32, #tpu.memory_space<hbm>> -> memref<40x128xf32, #tpu.memory_space<hbm>>
      %dma_wait3A_79 = arith.constant 0 : i32
      %dma_wait3A_80 = arith.constant 0 : i32
      %dma_wait3A_81 = tpu.memref_slice %arg9[%run_scoped3A, %dma_wait3A_79, %dma_wait3A_80] : memref<2x40x128xf32, #tpu.memory_space<vmem>> -> memref<1x40x128xf32, #tpu.memory_space<vmem>>
      %dma_wait3A_82 = tpu.memref_squeeze %dma_wait3A_81 : memref<1x40x128xf32, #tpu.memory_space<vmem>> -> memref<40x128xf32, #tpu.memory_space<vmem>>
      tpu.wait_dma2 semaphore(%run_scoped3A_58 : memref<!tpu.dma_semaphore, #tpu.memory_space<semaphore_mem>>) src(%dma_wait3A_82 : memref<40x128xf32, #tpu.memory_space<vmem>>) dst(%dma_wait3A_78 : memref<40x128xf32, #tpu.memory_space<hbm>>)
      tpu.yield
    }) : () -> ()
    return
  }
}

#map = affine_map<(d0, d1) -> (0, 0)>
#map1 = affine_map<(d0, d1) -> (0)>
module attributes {stable_mosaic.version = 14 : i64} {
  func.func @_sc_gather_body(%arg0: i32, %arg1: i32, %arg2: memref<10000x128xf32, #tpu.memory_space<hbm>>, %arg3: memref<10000x128xf32, #tpu.memory_space<hbm>>, %arg4: memref<320000xi32, #tpu.memory_space<hbm>>, %arg5: memref<320000xi32, #tpu.memory_space<hbm>>, %arg6: memref<160000x128xf32, #tpu.memory_space<hbm>>, %arg7: memref<5000xi32, #tpu.memory_space<vmem>>, %arg8: memref<5000xi32, #tpu.memory_space<vmem>>, %arg9: memref<2x40x128xf32, #tpu.memory_space<vmem>>, %arg10: memref<2x40x128xf32, #tpu.memory_space<vmem>>, %arg11: memref<!tpu.dma_semaphore, #tpu.memory_space<semaphore_mem>>, %arg12: memref<!tpu.dma_semaphore, #tpu.memory_space<semaphore_mem>>) attributes {dimension_semantics = [#tpu.dimension_semantics<core_parallel>, #tpu.dimension_semantics<subcore_parallel>], iteration_bounds = array<i64: 2, 16>, scalar_prefetch = 0 : i64, scratch_operands = 6 : i64, tpu.core_type = #tpu.core_type<sc_vector_subcore>, window_params = [{transform_indices = #map}, {transform_indices = #map}, {transform_indices = #map1}, {transform_indices = #map1}, {transform_indices = #map}]} {
    %mul3A = arith.constant 2 : i32
    %mul3A_0 = arith.muli %arg1, %mul3A : i32
    %add3A = arith.addi %mul3A_0, %arg0 : i32
    %mul3A_1 = arith.constant 5000 : i32
    %mul3A_2 = arith.muli %add3A, %mul3A_1 : i32
    %add3A_3 = arith.constant 0 : i32
    %add3A_4 = arith.addi %add3A_3, %mul3A_2 : i32
    "tpu.region"() ({
      %run_scoped3A_58 = tpu.sem_alloc : memref<!tpu.dma_semaphore, #tpu.memory_space<semaphore_mem>>
      %dma_start3A_59 = tpu.memref_slice %arg4[%add3A_4] : memref<320000xi32, #tpu.memory_space<hbm>> -> memref<5000xi32, #tpu.memory_space<hbm>>
      %dma_start3A_60 = tpu.memref_slice %arg4[%add3A_4] : memref<320000xi32, #tpu.memory_space<hbm>> -> memref<5000xi32, #tpu.memory_space<hbm>>
      tpu.enqueue_dma source(%dma_start3A_60 : memref<5000xi32, #tpu.memory_space<hbm>>) target(%arg7 : memref<5000xi32, #tpu.memory_space<vmem>>) target_semaphore(%run_scoped3A_58 : memref<!tpu.dma_semaphore, #tpu.memory_space<semaphore_mem>>)
      %dma_wait3A_61 = tpu.memref_slice %arg4[%add3A_4] : memref<320000xi32, #tpu.memory_space<hbm>> -> memref<5000xi32, #tpu.memory_space<hbm>>
      %dma_wait3A_62 = tpu.memref_slice %arg4[%add3A_4] : memref<320000xi32, #tpu.memory_space<hbm>> -> memref<5000xi32, #tpu.memory_space<hbm>>
      tpu.wait_dma2 semaphore(%run_scoped3A_58 : memref<!tpu.dma_semaphore, #tpu.memory_space<semaphore_mem>>) src(%dma_wait3A_62 : memref<5000xi32, #tpu.memory_space<hbm>>) dst(%arg7 : memref<5000xi32, #tpu.memory_space<vmem>>)
      tpu.yield
    }) : () -> ()
    %add3A_5 = arith.constant 0 : i32
    %add3A_6 = arith.addi %add3A_5, %mul3A_2 : i32
    "tpu.region"() ({
      %run_scoped3A_58 = tpu.sem_alloc : memref<!tpu.dma_semaphore, #tpu.memory_space<semaphore_mem>>
      %dma_start3A_59 = tpu.memref_slice %arg5[%add3A_6] : memref<320000xi32, #tpu.memory_space<hbm>> -> memref<5000xi32, #tpu.memory_space<hbm>>
      %dma_start3A_60 = tpu.memref_slice %arg5[%add3A_6] : memref<320000xi32, #tpu.memory_space<hbm>> -> memref<5000xi32, #tpu.memory_space<hbm>>
      tpu.enqueue_dma source(%dma_start3A_60 : memref<5000xi32, #tpu.memory_space<hbm>>) target(%arg8 : memref<5000xi32, #tpu.memory_space<vmem>>) target_semaphore(%run_scoped3A_58 : memref<!tpu.dma_semaphore, #tpu.memory_space<semaphore_mem>>)
      %dma_wait3A_61 = tpu.memref_slice %arg5[%add3A_6] : memref<320000xi32, #tpu.memory_space<hbm>> -> memref<5000xi32, #tpu.memory_space<hbm>>
      %dma_wait3A_62 = tpu.memref_slice %arg5[%add3A_6] : memref<320000xi32, #tpu.memory_space<hbm>> -> memref<5000xi32, #tpu.memory_space<hbm>>
      tpu.wait_dma2 semaphore(%run_scoped3A_58 : memref<!tpu.dma_semaphore, #tpu.memory_space<semaphore_mem>>) src(%dma_wait3A_62 : memref<5000xi32, #tpu.memory_space<hbm>>) dst(%arg8 : memref<5000xi32, #tpu.memory_space<vmem>>)
      tpu.yield
    }) : () -> ()
    %dma_start3A = arith.constant 0 : i32
    %dma_start3A_7 = arith.constant 0 : i32
    %dma_start3A_8 = arith.constant 0 : i32
    %dma_start3A_9 = tpu.memref_slice %arg9[%dma_start3A, %dma_start3A_7, %dma_start3A_8] : memref<2x40x128xf32, #tpu.memory_space<vmem>> -> memref<1x40x128xf32, #tpu.memory_space<vmem>>
    %dma_start3A_10 = tpu.memref_squeeze %dma_start3A_9 : memref<1x40x128xf32, #tpu.memory_space<vmem>> -> memref<40x128xf32, #tpu.memory_space<vmem>>
    %dma_start3A_11 = arith.constant 0 : i32
    %dma_start3A_12 = tpu.memref_slice %arg7[%dma_start3A_11] : memref<5000xi32, #tpu.memory_space<vmem>> -> memref<40xi32, #tpu.memory_space<vmem>>
    %dma_start3A_13 = arith.constant 0 : i32
    %dma_start3A_14 = arith.constant 0 : i32
    %dma_start3A_15 = tpu.memref_slice %arg2[%dma_start3A_13, %dma_start3A_14] : memref<10000x128xf32, #tpu.memory_space<hbm>> -> memref<10000x128xf32, #tpu.memory_space<hbm>>
    tpu.enqueue_indirect_dma source(%dma_start3A_15 : memref<10000x128xf32, #tpu.memory_space<hbm>>) target(%dma_start3A_10 : memref<40x128xf32, #tpu.memory_space<vmem>>) offsets(%dma_start3A_12 : memref<40xi32, #tpu.memory_space<vmem>>) semaphore(%arg11 : memref<!tpu.dma_semaphore, #tpu.memory_space<semaphore_mem>>)
    %dma_start3A_16 = arith.constant 0 : i32
    %dma_start3A_17 = arith.constant 0 : i32
    %dma_start3A_18 = arith.constant 0 : i32
    %dma_start3A_19 = tpu.memref_slice %arg10[%dma_start3A_16, %dma_start3A_17, %dma_start3A_18] : memref<2x40x128xf32, #tpu.memory_space<vmem>> -> memref<1x40x128xf32, #tpu.memory_space<vmem>>
    %dma_start3A_20 = tpu.memref_squeeze %dma_start3A_19 : memref<1x40x128xf32, #tpu.memory_space<vmem>> -> memref<40x128xf32, #tpu.memory_space<vmem>>
    %dma_start3A_21 = arith.constant 0 : i32
    %dma_start3A_22 = tpu.memref_slice %arg8[%dma_start3A_21] : memref<5000xi32, #tpu.memory_space<vmem>> -> memref<40xi32, #tpu.memory_space<vmem>>
    %dma_start3A_23 = arith.constant 0 : i32
    %dma_start3A_24 = arith.constant 0 : i32
    %dma_start3A_25 = tpu.memref_slice %arg3[%dma_start3A_23, %dma_start3A_24] : memref<10000x128xf32, #tpu.memory_space<hbm>> -> memref<10000x128xf32, #tpu.memory_space<hbm>>
    tpu.enqueue_indirect_dma source(%dma_start3A_25 : memref<10000x128xf32, #tpu.memory_space<hbm>>) target(%dma_start3A_20 : memref<40x128xf32, #tpu.memory_space<vmem>>) offsets(%dma_start3A_22 : memref<40xi32, #tpu.memory_space<vmem>>) semaphore(%arg12 : memref<!tpu.dma_semaphore, #tpu.memory_space<semaphore_mem>>)
    %scan3A = arith.constant 0 : i32
    %scan3A_26 = arith.constant 0 : i32
    %scan3A_27 = arith.constant 62 : i32
    %scan3A_28 = arith.addi %scan3A_26, %scan3A_27 : i32
    %scan3A_29 = arith.constant 1 : i32
    scf.for %scan3A_58 = %scan3A_26 to %scan3A_28 step %scan3A_29  : i32 {
      %mul3A_59 = arith.constant 2 : i32
      %mul3A_60 = arith.muli %mul3A_59, %scan3A_58 : i32
      %add3A_61 = arith.constant 1 : i32
      %add3A_62 = arith.addi %mul3A_60, %add3A_61 : i32
      %mul3A_63 = arith.constant 40 : i32
      %mul3A_64 = arith.muli %add3A_62, %mul3A_63 : i32
      %dma_start3A_65 = arith.constant 1 : i32
      %dma_start3A_66 = arith.constant 0 : i32
      %dma_start3A_67 = arith.constant 0 : i32
      %dma_start3A_68 = tpu.memref_slice %arg9[%dma_start3A_65, %dma_start3A_66, %dma_start3A_67] : memref<2x40x128xf32, #tpu.memory_space<vmem>> -> memref<1x40x128xf32, #tpu.memory_space<vmem>>
      %dma_start3A_69 = tpu.memref_squeeze %dma_start3A_68 : memref<1x40x128xf32, #tpu.memory_space<vmem>> -> memref<40x128xf32, #tpu.memory_space<vmem>>
      %dma_start3A_70 = tpu.memref_slice %arg7[%mul3A_64] : memref<5000xi32, #tpu.memory_space<vmem>> -> memref<40xi32, #tpu.memory_space<vmem>>
      %dma_start3A_71 = arith.constant 0 : i32
      %dma_start3A_72 = arith.constant 0 : i32
      %dma_start3A_73 = tpu.memref_slice %arg2[%dma_start3A_71, %dma_start3A_72] : memref<10000x128xf32, #tpu.memory_space<hbm>> -> memref<10000x128xf32, #tpu.memory_space<hbm>>
      tpu.enqueue_indirect_dma source(%dma_start3A_73 : memref<10000x128xf32, #tpu.memory_space<hbm>>) target(%dma_start3A_69 : memref<40x128xf32, #tpu.memory_space<vmem>>) offsets(%dma_start3A_70 : memref<40xi32, #tpu.memory_space<vmem>>) semaphore(%arg11 : memref<!tpu.dma_semaphore, #tpu.memory_space<semaphore_mem>>)
      %dma_start3A_74 = arith.constant 1 : i32
      %dma_start3A_75 = arith.constant 0 : i32
      %dma_start3A_76 = arith.constant 0 : i32
      %dma_start3A_77 = tpu.memref_slice %arg10[%dma_start3A_74, %dma_start3A_75, %dma_start3A_76] : memref<2x40x128xf32, #tpu.memory_space<vmem>> -> memref<1x40x128xf32, #tpu.memory_space<vmem>>
      %dma_start3A_78 = tpu.memref_squeeze %dma_start3A_77 : memref<1x40x128xf32, #tpu.memory_space<vmem>> -> memref<40x128xf32, #tpu.memory_space<vmem>>
      %dma_start3A_79 = tpu.memref_slice %arg8[%mul3A_64] : memref<5000xi32, #tpu.memory_space<vmem>> -> memref<40xi32, #tpu.memory_space<vmem>>
      %dma_start3A_80 = arith.constant 0 : i32
      %dma_start3A_81 = arith.constant 0 : i32
      %dma_start3A_82 = tpu.memref_slice %arg3[%dma_start3A_80, %dma_start3A_81] : memref<10000x128xf32, #tpu.memory_space<hbm>> -> memref<10000x128xf32, #tpu.memory_space<hbm>>
      tpu.enqueue_indirect_dma source(%dma_start3A_82 : memref<10000x128xf32, #tpu.memory_space<hbm>>) target(%dma_start3A_78 : memref<40x128xf32, #tpu.memory_space<vmem>>) offsets(%dma_start3A_79 : memref<40xi32, #tpu.memory_space<vmem>>) semaphore(%arg12 : memref<!tpu.dma_semaphore, #tpu.memory_space<semaphore_mem>>)
      %dma_wait3A_83 = arith.constant 0 : i32
      %dma_wait3A_84 = arith.constant 0 : i32
      %dma_wait3A_85 = arith.constant 0 : i32
      %dma_wait3A_86 = tpu.memref_slice %arg9[%dma_wait3A_83, %dma_wait3A_84, %dma_wait3A_85] : memref<2x40x128xf32, #tpu.memory_space<vmem>> -> memref<1x40x128xf32, #tpu.memory_space<vmem>>
      %dma_wait3A_87 = tpu.memref_squeeze %dma_wait3A_86 : memref<1x40x128xf32, #tpu.memory_space<vmem>> -> memref<40x128xf32, #tpu.memory_space<vmem>>
      %dma_wait3A_88 = arith.constant 0 : i32
      %dma_wait3A_89 = tpu.memref_slice %arg7[%dma_wait3A_88] : memref<5000xi32, #tpu.memory_space<vmem>> -> memref<40xi32, #tpu.memory_space<vmem>>
      %dma_wait3A_90 = arith.constant 0 : i32
      %dma_wait3A_91 = arith.constant 0 : i32
      %dma_wait3A_92 = tpu.memref_slice %arg2[%dma_wait3A_90, %dma_wait3A_91] : memref<10000x128xf32, #tpu.memory_space<hbm>> -> memref<10000x128xf32, #tpu.memory_space<hbm>>
      tpu.wait_indirect_dma semaphore(%arg11 : memref<!tpu.dma_semaphore, #tpu.memory_space<semaphore_mem>>) src(%dma_wait3A_92 : memref<10000x128xf32, #tpu.memory_space<hbm>>) dst(%dma_wait3A_87 : memref<40x128xf32, #tpu.memory_space<vmem>>)
      %dma_wait3A_93 = arith.constant 0 : i32
      %dma_wait3A_94 = arith.constant 0 : i32
      %dma_wait3A_95 = arith.constant 0 : i32
      %dma_wait3A_96 = tpu.memref_slice %arg10[%dma_wait3A_93, %dma_wait3A_94, %dma_wait3A_95] : memref<2x40x128xf32, #tpu.memory_space<vmem>> -> memref<1x40x128xf32, #tpu.memory_space<vmem>>
      %dma_wait3A_97 = tpu.memref_squeeze %dma_wait3A_96 : memref<1x40x128xf32, #tpu.memory_space<vmem>> -> memref<40x128xf32, #tpu.memory_space<vmem>>
      %dma_wait3A_98 = arith.constant 0 : i32
      %dma_wait3A_99 = tpu.memref_slice %arg8[%dma_wait3A_98] : memref<5000xi32, #tpu.memory_space<vmem>> -> memref<40xi32, #tpu.memory_space<vmem>>
      %dma_wait3A_100 = arith.constant 0 : i32
      %dma_wait3A_101 = arith.constant 0 : i32
      %dma_wait3A_102 = tpu.memref_slice %arg3[%dma_wait3A_100, %dma_wait3A_101] : memref<10000x128xf32, #tpu.memory_space<hbm>> -> memref<10000x128xf32, #tpu.memory_space<hbm>>
      tpu.wait_indirect_dma semaphore(%arg12 : memref<!tpu.dma_semaphore, #tpu.memory_space<semaphore_mem>>) src(%dma_wait3A_102 : memref<10000x128xf32, #tpu.memory_space<hbm>>) dst(%dma_wait3A_97 : memref<40x128xf32, #tpu.memory_space<vmem>>)
      %scan3A_103 = arith.constant 0 : i32
      %scan3A_104 = arith.constant 0 : i32
      %scan3A_105 = arith.constant 40 : i32
      %scan3A_106 = arith.addi %scan3A_104, %scan3A_105 : i32
      %scan3A_107 = arith.constant 1 : i32
      scf.for %scan3A_149 = %scan3A_104 to %scan3A_106 step %scan3A_107  : i32 {
        %get3A = arith.constant 0 : i32
        %get3A_150 = arith.index_cast %get3A : i32 to index
        %get3A_151 = arith.index_cast %scan3A_149 : i32 to index
        %get3A_152 = arith.constant 0 : index
        %get3A_153 = tpu.vector_load %arg9[%get3A_150, %get3A_151, %get3A_152] {strides = array<i32>} : memref<2x40x128xf32, #tpu.memory_space<vmem>>, vector<1x1x16xf32>,
        %get3A_154 = vector.shape_cast %get3A_153 : vector<1x1x16xf32> to vector<16xf32>
        %get3A_155 = arith.constant 0 : i32
        %get3A_156 = arith.index_cast %get3A_155 : i32 to index
        %get3A_157 = arith.index_cast %scan3A_149 : i32 to index
        %get3A_158 = arith.constant 0 : index
        %get3A_159 = tpu.vector_load %arg10[%get3A_156, %get3A_157, %get3A_158] {strides = array<i32>} : memref<2x40x128xf32, #tpu.memory_space<vmem>>, vector<1x1x16xf32>,
        %get3A_160 = vector.shape_cast %get3A_159 : vector<1x1x16xf32> to vector<16xf32>
        %add3A_161 = arith.addf %get3A_154, %get3A_160 : vector<16xf32>
        %swap3A = arith.constant 0 : i32
        %swap3A_162 = arith.index_cast %swap3A : i32 to index
        %swap3A_163 = arith.index_cast %scan3A_149 : i32 to index
        %swap3A_164 = arith.constant 0 : index
        %swap3A_165 = tpu.vector_load %arg9[%swap3A_162, %swap3A_163, %swap3A_164] {strides = array<i32>} : memref<2x40x128xf32, #tpu.memory_space<vmem>>, vector<1x1x16xf32>,
        %swap3A_166 = vector.shape_cast %swap3A_165 : vector<1x1x16xf32> to vector<16xf32>
        %swap3A_167 = vector.shape_cast %add3A_161 : vector<16xf32> to vector<1x1x16xf32>
        tpu.vector_store %arg9[%swap3A_162, %swap3A_163, %swap3A_164], %swap3A_167 {strides = array<i32>} : memref<2x40x128xf32, #tpu.memory_space<vmem>>, vector<1x1x16xf32>,
        %get3A_168 = arith.constant 0 : i32
        %get3A_169 = arith.index_cast %get3A_168 : i32 to index
        %get3A_170 = arith.index_cast %scan3A_149 : i32 to index
        %get3A_171 = arith.constant 16 : index
        %get3A_172 = tpu.vector_load %arg9[%get3A_169, %get3A_170, %get3A_171] {strides = array<i32>} : memref<2x40x128xf32, #tpu.memory_space<vmem>>, vector<1x1x16xf32>,
        %get3A_173 = vector.shape_cast %get3A_172 : vector<1x1x16xf32> to vector<16xf32>
        %get3A_174 = arith.constant 0 : i32
        %get3A_175 = arith.index_cast %get3A_174 : i32 to index
        %get3A_176 = arith.index_cast %scan3A_149 : i32 to index
        %get3A_177 = arith.constant 16 : index
        %get3A_178 = tpu.vector_load %arg10[%get3A_175, %get3A_176, %get3A_177] {strides = array<i32>} : memref<2x40x128xf32, #tpu.memory_space<vmem>>, vector<1x1x16xf32>,
        %get3A_179 = vector.shape_cast %get3A_178 : vector<1x1x16xf32> to vector<16xf32>
        %add3A_180 = arith.addf %get3A_173, %get3A_179 : vector<16xf32>
        %swap3A_181 = arith.constant 0 : i32
        %swap3A_182 = arith.index_cast %swap3A_181 : i32 to index
        %swap3A_183 = arith.index_cast %scan3A_149 : i32 to index
        %swap3A_184 = arith.constant 16 : index
        %swap3A_185 = tpu.vector_load %arg9[%swap3A_182, %swap3A_183, %swap3A_184] {strides = array<i32>} : memref<2x40x128xf32, #tpu.memory_space<vmem>>, vector<1x1x16xf32>,
        %swap3A_186 = vector.shape_cast %swap3A_185 : vector<1x1x16xf32> to vector<16xf32>
        %swap3A_187 = vector.shape_cast %add3A_180 : vector<16xf32> to vector<1x1x16xf32>
        tpu.vector_store %arg9[%swap3A_182, %swap3A_183, %swap3A_184], %swap3A_187 {strides = array<i32>} : memref<2x40x128xf32, #tpu.memory_space<vmem>>, vector<1x1x16xf32>,
        %get3A_188 = arith.constant 0 : i32
        %get3A_189 = arith.index_cast %get3A_188 : i32 to index
        %get3A_190 = arith.index_cast %scan3A_149 : i32 to index
        %get3A_191 = arith.constant 32 : index
        %get3A_192 = tpu.vector_load %arg9[%get3A_189, %get3A_190, %get3A_191] {strides = array<i32>} : memref<2x40x128xf32, #tpu.memory_space<vmem>>, vector<1x1x16xf32>,
        %get3A_193 = vector.shape_cast %get3A_192 : vector<1x1x16xf32> to vector<16xf32>
        %get3A_194 = arith.constant 0 : i32
        %get3A_195 = arith.index_cast %get3A_194 : i32 to index
        %get3A_196 = arith.index_cast %scan3A_149 : i32 to index
        %get3A_197 = arith.constant 32 : index
        %get3A_198 = tpu.vector_load %arg10[%get3A_195, %get3A_196, %get3A_197] {strides = array<i32>} : memref<2x40x128xf32, #tpu.memory_space<vmem>>, vector<1x1x16xf32>,
        %get3A_199 = vector.shape_cast %get3A_198 : vector<1x1x16xf32> to vector<16xf32>
        %add3A_200 = arith.addf %get3A_193, %get3A_199 : vector<16xf32>
        %swap3A_201 = arith.constant 0 : i32
        %swap3A_202 = arith.index_cast %swap3A_201 : i32 to index
        %swap3A_203 = arith.index_cast %scan3A_149 : i32 to index
        %swap3A_204 = arith.constant 32 : index
        %swap3A_205 = tpu.vector_load %arg9[%swap3A_202, %swap3A_203, %swap3A_204] {strides = array<i32>} : memref<2x40x128xf32, #tpu.memory_space<vmem>>, vector<1x1x16xf32>,
        %swap3A_206 = vector.shape_cast %swap3A_205 : vector<1x1x16xf32> to vector<16xf32>
        %swap3A_207 = vector.shape_cast %add3A_200 : vector<16xf32> to vector<1x1x16xf32>
        tpu.vector_store %arg9[%swap3A_202, %swap3A_203, %swap3A_204], %swap3A_207 {strides = array<i32>} : memref<2x40x128xf32, #tpu.memory_space<vmem>>, vector<1x1x16xf32>,
        %get3A_208 = arith.constant 0 : i32
        %get3A_209 = arith.index_cast %get3A_208 : i32 to index
        %get3A_210 = arith.index_cast %scan3A_149 : i32 to index
        %get3A_211 = arith.constant 48 : index
        %get3A_212 = tpu.vector_load %arg9[%get3A_209, %get3A_210, %get3A_211] {strides = array<i32>} : memref<2x40x128xf32, #tpu.memory_space<vmem>>, vector<1x1x16xf32>,
        %get3A_213 = vector.shape_cast %get3A_212 : vector<1x1x16xf32> to vector<16xf32>
        %get3A_214 = arith.constant 0 : i32
        %get3A_215 = arith.index_cast %get3A_214 : i32 to index
        %get3A_216 = arith.index_cast %scan3A_149 : i32 to index
        %get3A_217 = arith.constant 48 : index
        %get3A_218 = tpu.vector_load %arg10[%get3A_215, %get3A_216, %get3A_217] {strides = array<i32>} : memref<2x40x128xf32, #tpu.memory_space<vmem>>, vector<1x1x16xf32>,
        %get3A_219 = vector.shape_cast %get3A_218 : vector<1x1x16xf32> to vector<16xf32>
        %add3A_220 = arith.addf %get3A_213, %get3A_219 : vector<16xf32>
        %swap3A_221 = arith.constant 0 : i32
        %swap3A_222 = arith.index_cast %swap3A_221 : i32 to index
        %swap3A_223 = arith.index_cast %scan3A_149 : i32 to index
        %swap3A_224 = arith.constant 48 : index
        %swap3A_225 = tpu.vector_load %arg9[%swap3A_222, %swap3A_223, %swap3A_224] {strides = array<i32>} : memref<2x40x128xf32, #tpu.memory_space<vmem>>, vector<1x1x16xf32>,
        %swap3A_226 = vector.shape_cast %swap3A_225 : vector<1x1x16xf32> to vector<16xf32>
        %swap3A_227 = vector.shape_cast %add3A_220 : vector<16xf32> to vector<1x1x16xf32>
        tpu.vector_store %arg9[%swap3A_222, %swap3A_223, %swap3A_224], %swap3A_227 {strides = array<i32>} : memref<2x40x128xf32, #tpu.memory_space<vmem>>, vector<1x1x16xf32>,
        %get3A_228 = arith.constant 0 : i32
        %get3A_229 = arith.index_cast %get3A_228 : i32 to index
        %get3A_230 = arith.index_cast %scan3A_149 : i32 to index
        %get3A_231 = arith.constant 64 : index
        %get3A_232 = tpu.vector_load %arg9[%get3A_229, %get3A_230, %get3A_231] {strides = array<i32>} : memref<2x40x128xf32, #tpu.memory_space<vmem>>, vector<1x1x16xf32>,
        %get3A_233 = vector.shape_cast %get3A_232 : vector<1x1x16xf32> to vector<16xf32>
        %get3A_234 = arith.constant 0 : i32
        %get3A_235 = arith.index_cast %get3A_234 : i32 to index
        %get3A_236 = arith.index_cast %scan3A_149 : i32 to index
        %get3A_237 = arith.constant 64 : index
        %get3A_238 = tpu.vector_load %arg10[%get3A_235, %get3A_236, %get3A_237] {strides = array<i32>} : memref<2x40x128xf32, #tpu.memory_space<vmem>>, vector<1x1x16xf32>,
        %get3A_239 = vector.shape_cast %get3A_238 : vector<1x1x16xf32> to vector<16xf32>
        %add3A_240 = arith.addf %get3A_233, %get3A_239 : vector<16xf32>
        %swap3A_241 = arith.constant 0 : i32
        %swap3A_242 = arith.index_cast %swap3A_241 : i32 to index
        %swap3A_243 = arith.index_cast %scan3A_149 : i32 to index
        %swap3A_244 = arith.constant 64 : index
        %swap3A_245 = tpu.vector_load %arg9[%swap3A_242, %swap3A_243, %swap3A_244] {strides = array<i32>} : memref<2x40x128xf32, #tpu.memory_space<vmem>>, vector<1x1x16xf32>,
        %swap3A_246 = vector.shape_cast %swap3A_245 : vector<1x1x16xf32> to vector<16xf32>
        %swap3A_247 = vector.shape_cast %add3A_240 : vector<16xf32> to vector<1x1x16xf32>
        tpu.vector_store %arg9[%swap3A_242, %swap3A_243, %swap3A_244], %swap3A_247 {strides = array<i32>} : memref<2x40x128xf32, #tpu.memory_space<vmem>>, vector<1x1x16xf32>,
        %get3A_248 = arith.constant 0 : i32
        %get3A_249 = arith.index_cast %get3A_248 : i32 to index
        %get3A_250 = arith.index_cast %scan3A_149 : i32 to index
        %get3A_251 = arith.constant 80 : index
        %get3A_252 = tpu.vector_load %arg9[%get3A_249, %get3A_250, %get3A_251] {strides = array<i32>} : memref<2x40x128xf32, #tpu.memory_space<vmem>>, vector<1x1x16xf32>,
        %get3A_253 = vector.shape_cast %get3A_252 : vector<1x1x16xf32> to vector<16xf32>
        %get3A_254 = arith.constant 0 : i32
        %get3A_255 = arith.index_cast %get3A_254 : i32 to index
        %get3A_256 = arith.index_cast %scan3A_149 : i32 to index
        %get3A_257 = arith.constant 80 : index
        %get3A_258 = tpu.vector_load %arg10[%get3A_255, %get3A_256, %get3A_257] {strides = array<i32>} : memref<2x40x128xf32, #tpu.memory_space<vmem>>, vector<1x1x16xf32>,
        %get3A_259 = vector.shape_cast %get3A_258 : vector<1x1x16xf32> to vector<16xf32>
        %add3A_260 = arith.addf %get3A_253, %get3A_259 : vector<16xf32>
        %swap3A_261 = arith.constant 0 : i32
        %swap3A_262 = arith.index_cast %swap3A_261 : i32 to index
        %swap3A_263 = arith.index_cast %scan3A_149 : i32 to index
        %swap3A_264 = arith.constant 80 : index
        %swap3A_265 = tpu.vector_load %arg9[%swap3A_262, %swap3A_263, %swap3A_264] {strides = array<i32>} : memref<2x40x128xf32, #tpu.memory_space<vmem>>, vector<1x1x16xf32>,
        %swap3A_266 = vector.shape_cast %swap3A_265 : vector<1x1x16xf32> to vector<16xf32>
        %swap3A_267 = vector.shape_cast %add3A_260 : vector<16xf32> to vector<1x1x16xf32>
        tpu.vector_store %arg9[%swap3A_262, %swap3A_263, %swap3A_264], %swap3A_267 {strides = array<i32>} : memref<2x40x128xf32, #tpu.memory_space<vmem>>, vector<1x1x16xf32>,
        %get3A_268 = arith.constant 0 : i32
        %get3A_269 = arith.index_cast %get3A_268 : i32 to index
        %get3A_270 = arith.index_cast %scan3A_149 : i32 to index
        %get3A_271 = arith.constant 96 : index
        %get3A_272 = tpu.vector_load %arg9[%get3A_269, %get3A_270, %get3A_271] {strides = array<i32>} : memref<2x40x128xf32, #tpu.memory_space<vmem>>, vector<1x1x16xf32>,
        %get3A_273 = vector.shape_cast %get3A_272 : vector<1x1x16xf32> to vector<16xf32>
        %get3A_274 = arith.constant 0 : i32
        %get3A_275 = arith.index_cast %get3A_274 : i32 to index
        %get3A_276 = arith.index_cast %scan3A_149 : i32 to index
        %get3A_277 = arith.constant 96 : index
        %get3A_278 = tpu.vector_load %arg10[%get3A_275, %get3A_276, %get3A_277] {strides = array<i32>} : memref<2x40x128xf32, #tpu.memory_space<vmem>>, vector<1x1x16xf32>,
        %get3A_279 = vector.shape_cast %get3A_278 : vector<1x1x16xf32> to vector<16xf32>
        %add3A_280 = arith.addf %get3A_273, %get3A_279 : vector<16xf32>
        %swap3A_281 = arith.constant 0 : i32
        %swap3A_282 = arith.index_cast %swap3A_281 : i32 to index
        %swap3A_283 = arith.index_cast %scan3A_149 : i32 to index
        %swap3A_284 = arith.constant 96 : index
        %swap3A_285 = tpu.vector_load %arg9[%swap3A_282, %swap3A_283, %swap3A_284] {strides = array<i32>} : memref<2x40x128xf32, #tpu.memory_space<vmem>>, vector<1x1x16xf32>,
        %swap3A_286 = vector.shape_cast %swap3A_285 : vector<1x1x16xf32> to vector<16xf32>
        %swap3A_287 = vector.shape_cast %add3A_280 : vector<16xf32> to vector<1x1x16xf32>
        tpu.vector_store %arg9[%swap3A_282, %swap3A_283, %swap3A_284], %swap3A_287 {strides = array<i32>} : memref<2x40x128xf32, #tpu.memory_space<vmem>>, vector<1x1x16xf32>,
        %get3A_288 = arith.constant 0 : i32
        %get3A_289 = arith.index_cast %get3A_288 : i32 to index
        %get3A_290 = arith.index_cast %scan3A_149 : i32 to index
        %get3A_291 = arith.constant 112 : index
        %get3A_292 = tpu.vector_load %arg9[%get3A_289, %get3A_290, %get3A_291] {strides = array<i32>} : memref<2x40x128xf32, #tpu.memory_space<vmem>>, vector<1x1x16xf32>,
        %get3A_293 = vector.shape_cast %get3A_292 : vector<1x1x16xf32> to vector<16xf32>
        %get3A_294 = arith.constant 0 : i32
        %get3A_295 = arith.index_cast %get3A_294 : i32 to index
        %get3A_296 = arith.index_cast %scan3A_149 : i32 to index
        %get3A_297 = arith.constant 112 : index
        %get3A_298 = tpu.vector_load %arg10[%get3A_295, %get3A_296, %get3A_297] {strides = array<i32>} : memref<2x40x128xf32, #tpu.memory_space<vmem>>, vector<1x1x16xf32>,
        %get3A_299 = vector.shape_cast %get3A_298 : vector<1x1x16xf32> to vector<16xf32>
        %add3A_300 = arith.addf %get3A_293, %get3A_299 : vector<16xf32>
        %swap3A_301 = arith.constant 0 : i32
        %swap3A_302 = arith.index_cast %swap3A_301 : i32 to index
        %swap3A_303 = arith.index_cast %scan3A_149 : i32 to index
        %swap3A_304 = arith.constant 112 : index
        %swap3A_305 = tpu.vector_load %arg9[%swap3A_302, %swap3A_303, %swap3A_304] {strides = array<i32>} : memref<2x40x128xf32, #tpu.memory_space<vmem>>, vector<1x1x16xf32>,
        %swap3A_306 = vector.shape_cast %swap3A_305 : vector<1x1x16xf32> to vector<16xf32>
        %swap3A_307 = vector.shape_cast %add3A_300 : vector<16xf32> to vector<1x1x16xf32>
        tpu.vector_store %arg9[%swap3A_302, %swap3A_303, %swap3A_304], %swap3A_307 {strides = array<i32>} : memref<2x40x128xf32, #tpu.memory_space<vmem>>, vector<1x1x16xf32>,
      }
      %scan3A_108 = arith.constant 40 : i32
      %mul3A_109 = arith.constant 40 : i32
      %mul3A_110 = arith.muli %mul3A_60, %mul3A_109 : i32
      %add3A_111 = arith.addi %mul3A_2, %mul3A_110 : i32
      %run_scoped3A_112 = arith.constant 0 : i32
      "tpu.region"() ({
        %run_scoped3A_149 = tpu.sem_alloc : memref<!tpu.dma_semaphore, #tpu.memory_space<semaphore_mem>>
        %dma_start3A_150 = arith.constant 0 : i32
        %dma_start3A_151 = arith.constant 0 : i32
        %dma_start3A_152 = tpu.memref_slice %arg9[%run_scoped3A_112, %dma_start3A_150, %dma_start3A_151] : memref<2x40x128xf32, #tpu.memory_space<vmem>> -> memref<1x40x128xf32, #tpu.memory_space<vmem>>
        %dma_start3A_153 = tpu.memref_squeeze %dma_start3A_152 : memref<1x40x128xf32, #tpu.memory_space<vmem>> -> memref<40x128xf32, #tpu.memory_space<vmem>>
        %dma_start3A_154 = arith.constant 0 : i32
        %dma_start3A_155 = tpu.memref_slice %arg6[%add3A_111, %dma_start3A_154] : memref<160000x128xf32, #tpu.memory_space<hbm>> -> memref<40x128xf32, #tpu.memory_space<hbm>>
        %dma_start3A_156 = arith.constant 0 : i32
        %dma_start3A_157 = tpu.memref_slice %arg6[%add3A_111, %dma_start3A_156] : memref<160000x128xf32, #tpu.memory_space<hbm>> -> memref<40x128xf32, #tpu.memory_space<hbm>>
        %dma_start3A_158 = arith.constant 0 : i32
        %dma_start3A_159 = arith.constant 0 : i32
        %dma_start3A_160 = tpu.memref_slice %arg9[%run_scoped3A_112, %dma_start3A_158, %dma_start3A_159] : memref<2x40x128xf32, #tpu.memory_space<vmem>> -> memref<1x40x128xf32, #tpu.memory_space<vmem>>
        %dma_start3A_161 = tpu.memref_squeeze %dma_start3A_160 : memref<1x40x128xf32, #tpu.memory_space<vmem>> -> memref<40x128xf32, #tpu.memory_space<vmem>>
        tpu.enqueue_dma source(%dma_start3A_161 : memref<40x128xf32, #tpu.memory_space<vmem>>) target(%dma_start3A_157 : memref<40x128xf32, #tpu.memory_space<hbm>>) target_semaphore(%run_scoped3A_149 : memref<!tpu.dma_semaphore, #tpu.memory_space<semaphore_mem>>)
        %dma_wait3A_162 = arith.constant 0 : i32
        %dma_wait3A_163 = arith.constant 0 : i32
        %dma_wait3A_164 = tpu.memref_slice %arg9[%run_scoped3A_112, %dma_wait3A_162, %dma_wait3A_163] : memref<2x40x128xf32, #tpu.memory_space<vmem>> -> memref<1x40x128xf32, #tpu.memory_space<vmem>>
        %dma_wait3A_165 = tpu.memref_squeeze %dma_wait3A_164 : memref<1x40x128xf32, #tpu.memory_space<vmem>> -> memref<40x128xf32, #tpu.memory_space<vmem>>
        %dma_wait3A_166 = arith.constant 0 : i32
        %dma_wait3A_167 = tpu.memref_slice %arg6[%add3A_111, %dma_wait3A_166] : memref<160000x128xf32, #tpu.memory_space<hbm>> -> memref<40x128xf32, #tpu.memory_space<hbm>>
        %dma_wait3A_168 = arith.constant 0 : i32
        %dma_wait3A_169 = tpu.memref_slice %arg6[%add3A_111, %dma_wait3A_168] : memref<160000x128xf32, #tpu.memory_space<hbm>> -> memref<40x128xf32, #tpu.memory_space<hbm>>
        %dma_wait3A_170 = arith.constant 0 : i32
        %dma_wait3A_171 = arith.constant 0 : i32
        %dma_wait3A_172 = tpu.memref_slice %arg9[%run_scoped3A_112, %dma_wait3A_170, %dma_wait3A_171] : memref<2x40x128xf32, #tpu.memory_space<vmem>> -> memref<1x40x128xf32, #tpu.memory_space<vmem>>
        %dma_wait3A_173 = tpu.memref_squeeze %dma_wait3A_172 : memref<1x40x128xf32, #tpu.memory_space<vmem>> -> memref<40x128xf32, #tpu.memory_space<vmem>>
        tpu.wait_dma2 semaphore(%run_scoped3A_149 : memref<!tpu.dma_semaphore, #tpu.memory_space<semaphore_mem>>) src(%dma_wait3A_173 : memref<40x128xf32, #tpu.memory_space<vmem>>) dst(%dma_wait3A_169 : memref<40x128xf32, #tpu.memory_space<hbm>>)
        tpu.yield
      }) : () -> ()
      %add3A_113 = arith.constant 2 : i32
      %add3A_114 = arith.addi %mul3A_60, %add3A_113 : i32
      %lt3A = arith.constant 125 : i32
      %lt3A_115 = arith.cmpi slt, %add3A_114, %lt3A : i32
      %convert_element_type3A = arith.extui %lt3A_115 : i1 to i32
      %cond3A = arith.constant 0 : i32
      %cond3A_116 = arith.cmpi ne, %convert_element_type3A, %cond3A : i32
      scf.if %cond3A_116 {
        %add3A_149 = arith.constant 2 : i32
        %add3A_150 = arith.addi %mul3A_60, %add3A_149 : i32
        %mul3A_151 = arith.constant 40 : i32
        %mul3A_152 = arith.muli %add3A_150, %mul3A_151 : i32
        %dma_start3A_153 = arith.constant 0 : i32
        %dma_start3A_154 = arith.constant 0 : i32
        %dma_start3A_155 = arith.constant 0 : i32
        %dma_start3A_156 = tpu.memref_slice %arg9[%dma_start3A_153, %dma_start3A_154, %dma_start3A_155] : memref<2x40x128xf32, #tpu.memory_space<vmem>> -> memref<1x40x128xf32, #tpu.memory_space<vmem>>
        %dma_start3A_157 = tpu.memref_squeeze %dma_start3A_156 : memref<1x40x128xf32, #tpu.memory_space<vmem>> -> memref<40x128xf32, #tpu.memory_space<vmem>>
        %dma_start3A_158 = tpu.memref_slice %arg7[%mul3A_152] : memref<5000xi32, #tpu.memory_space<vmem>> -> memref<40xi32, #tpu.memory_space<vmem>>
        %dma_start3A_159 = arith.constant 0 : i32
        %dma_start3A_160 = arith.constant 0 : i32
        %dma_start3A_161 = tpu.memref_slice %arg2[%dma_start3A_159, %dma_start3A_160] : memref<10000x128xf32, #tpu.memory_space<hbm>> -> memref<10000x128xf32, #tpu.memory_space<hbm>>
        tpu.enqueue_indirect_dma source(%dma_start3A_161 : memref<10000x128xf32, #tpu.memory_space<hbm>>) target(%dma_start3A_157 : memref<40x128xf32, #tpu.memory_space<vmem>>) offsets(%dma_start3A_158 : memref<40xi32, #tpu.memory_space<vmem>>) semaphore(%arg11 : memref<!tpu.dma_semaphore, #tpu.memory_space<semaphore_mem>>)
        %dma_start3A_162 = arith.constant 0 : i32
        %dma_start3A_163 = arith.constant 0 : i32
        %dma_start3A_164 = arith.constant 0 : i32
        %dma_start3A_165 = tpu.memref_slice %arg10[%dma_start3A_162, %dma_start3A_163, %dma_start3A_164] : memref<2x40x128xf32, #tpu.memory_space<vmem>> -> memref<1x40x128xf32, #tpu.memory_space<vmem>>
        %dma_start3A_166 = tpu.memref_squeeze %dma_start3A_165 : memref<1x40x128xf32, #tpu.memory_space<vmem>> -> memref<40x128xf32, #tpu.memory_space<vmem>>
        %dma_start3A_167 = tpu.memref_slice %arg8[%mul3A_152] : memref<5000xi32, #tpu.memory_space<vmem>> -> memref<40xi32, #tpu.memory_space<vmem>>
        %dma_start3A_168 = arith.constant 0 : i32
        %dma_start3A_169 = arith.constant 0 : i32
        %dma_start3A_170 = tpu.memref_slice %arg3[%dma_start3A_168, %dma_start3A_169] : memref<10000x128xf32, #tpu.memory_space<hbm>> -> memref<10000x128xf32, #tpu.memory_space<hbm>>
        tpu.enqueue_indirect_dma source(%dma_start3A_170 : memref<10000x128xf32, #tpu.memory_space<hbm>>) target(%dma_start3A_166 : memref<40x128xf32, #tpu.memory_space<vmem>>) offsets(%dma_start3A_167 : memref<40xi32, #tpu.memory_space<vmem>>) semaphore(%arg12 : memref<!tpu.dma_semaphore, #tpu.memory_space<semaphore_mem>>)
      } else {
      }
      %dma_wait3A_117 = arith.constant 1 : i32
      %dma_wait3A_118 = arith.constant 0 : i32
      %dma_wait3A_119 = arith.constant 0 : i32
      %dma_wait3A_120 = tpu.memref_slice %arg9[%dma_wait3A_117, %dma_wait3A_118, %dma_wait3A_119] : memref<2x40x128xf32, #tpu.memory_space<vmem>> -> memref<1x40x128xf32, #tpu.memory_space<vmem>>
      %dma_wait3A_121 = tpu.memref_squeeze %dma_wait3A_120 : memref<1x40x128xf32, #tpu.memory_space<vmem>> -> memref<40x128xf32, #tpu.memory_space<vmem>>
      %dma_wait3A_122 = arith.constant 0 : i32
      %dma_wait3A_123 = tpu.memref_slice %arg7[%dma_wait3A_122] : memref<5000xi32, #tpu.memory_space<vmem>> -> memref<40xi32, #tpu.memory_space<vmem>>
      %dma_wait3A_124 = arith.constant 0 : i32
      %dma_wait3A_125 = arith.constant 0 : i32
      %dma_wait3A_126 = tpu.memref_slice %arg2[%dma_wait3A_124, %dma_wait3A_125] : memref<10000x128xf32, #tpu.memory_space<hbm>> -> memref<10000x128xf32, #tpu.memory_space<hbm>>
      tpu.wait_indirect_dma semaphore(%arg11 : memref<!tpu.dma_semaphore, #tpu.memory_space<semaphore_mem>>) src(%dma_wait3A_126 : memref<10000x128xf32, #tpu.memory_space<hbm>>) dst(%dma_wait3A_121 : memref<40x128xf32, #tpu.memory_space<vmem>>)
      %dma_wait3A_127 = arith.constant 1 : i32
      %dma_wait3A_128 = arith.constant 0 : i32
      %dma_wait3A_129 = arith.constant 0 : i32
      %dma_wait3A_130 = tpu.memref_slice %arg10[%dma_wait3A_127, %dma_wait3A_128, %dma_wait3A_129] : memref<2x40x128xf32, #tpu.memory_space<vmem>> -> memref<1x40x128xf32, #tpu.memory_space<vmem>>
      %dma_wait3A_131 = tpu.memref_squeeze %dma_wait3A_130 : memref<1x40x128xf32, #tpu.memory_space<vmem>> -> memref<40x128xf32, #tpu.memory_space<vmem>>
      %dma_wait3A_132 = arith.constant 0 : i32
      %dma_wait3A_133 = tpu.memref_slice %arg8[%dma_wait3A_132] : memref<5000xi32, #tpu.memory_space<vmem>> -> memref<40xi32, #tpu.memory_space<vmem>>
      %dma_wait3A_134 = arith.constant 0 : i32
      %dma_wait3A_135 = arith.constant 0 : i32
      %dma_wait3A_136 = tpu.memref_slice %arg3[%dma_wait3A_134, %dma_wait3A_135] : memref<10000x128xf32, #tpu.memory_space<hbm>> -> memref<10000x128xf32, #tpu.memory_space<hbm>>
      tpu.wait_indirect_dma semaphore(%arg12 : memref<!tpu.dma_semaphore, #tpu.memory_space<semaphore_mem>>) src(%dma_wait3A_136 : memref<10000x128xf32, #tpu.memory_space<hbm>>) dst(%dma_wait3A_131 : memref<40x128xf32, #tpu.memory_space<vmem>>)
      %add3A_137 = arith.constant 1 : i32
      %add3A_138 = arith.addi %mul3A_60, %add3A_137 : i32
      %scan3A_139 = arith.constant 0 : i32
      %scan3A_140 = arith.constant 0 : i32
      %scan3A_141 = arith.constant 40 : i32
      %scan3A_142 = arith.addi %scan3A_140, %scan3A_141 : i32
      %scan3A_143 = arith.constant 1 : i32
      scf.for %scan3A_149 = %scan3A_140 to %scan3A_142 step %scan3A_143  : i32 {
        %get3A = arith.constant 1 : i32
        %get3A_150 = arith.index_cast %get3A : i32 to index
        %get3A_151 = arith.index_cast %scan3A_149 : i32 to index
        %get3A_152 = arith.constant 0 : index
        %get3A_153 = tpu.vector_load %arg9[%get3A_150, %get3A_151, %get3A_152] {strides = array<i32>} : memref<2x40x128xf32, #tpu.memory_space<vmem>>, vector<1x1x16xf32>,
        %get3A_154 = vector.shape_cast %get3A_153 : vector<1x1x16xf32> to vector<16xf32>
        %get3A_155 = arith.constant 1 : i32
        %get3A_156 = arith.index_cast %get3A_155 : i32 to index
        %get3A_157 = arith.index_cast %scan3A_149 : i32 to index
        %get3A_158 = arith.constant 0 : index
        %get3A_159 = tpu.vector_load %arg10[%get3A_156, %get3A_157, %get3A_158] {strides = array<i32>} : memref<2x40x128xf32, #tpu.memory_space<vmem>>, vector<1x1x16xf32>,
        %get3A_160 = vector.shape_cast %get3A_159 : vector<1x1x16xf32> to vector<16xf32>
        %add3A_161 = arith.addf %get3A_154, %get3A_160 : vector<16xf32>
        %swap3A = arith.constant 1 : i32
        %swap3A_162 = arith.index_cast %swap3A : i32 to index
        %swap3A_163 = arith.index_cast %scan3A_149 : i32 to index
        %swap3A_164 = arith.constant 0 : index
        %swap3A_165 = tpu.vector_load %arg9[%swap3A_162, %swap3A_163, %swap3A_164] {strides = array<i32>} : memref<2x40x128xf32, #tpu.memory_space<vmem>>, vector<1x1x16xf32>,
        %swap3A_166 = vector.shape_cast %swap3A_165 : vector<1x1x16xf32> to vector<16xf32>
        %swap3A_167 = vector.shape_cast %add3A_161 : vector<16xf32> to vector<1x1x16xf32>
        tpu.vector_store %arg9[%swap3A_162, %swap3A_163, %swap3A_164], %swap3A_167 {strides = array<i32>} : memref<2x40x128xf32, #tpu.memory_space<vmem>>, vector<1x1x16xf32>,
        %get3A_168 = arith.constant 1 : i32
        %get3A_169 = arith.index_cast %get3A_168 : i32 to index
        %get3A_170 = arith.index_cast %scan3A_149 : i32 to index
        %get3A_171 = arith.constant 16 : index
        %get3A_172 = tpu.vector_load %arg9[%get3A_169, %get3A_170, %get3A_171] {strides = array<i32>} : memref<2x40x128xf32, #tpu.memory_space<vmem>>, vector<1x1x16xf32>,
        %get3A_173 = vector.shape_cast %get3A_172 : vector<1x1x16xf32> to vector<16xf32>
        %get3A_174 = arith.constant 1 : i32
        %get3A_175 = arith.index_cast %get3A_174 : i32 to index
        %get3A_176 = arith.index_cast %scan3A_149 : i32 to index
        %get3A_177 = arith.constant 16 : index
        %get3A_178 = tpu.vector_load %arg10[%get3A_175, %get3A_176, %get3A_177] {strides = array<i32>} : memref<2x40x128xf32, #tpu.memory_space<vmem>>, vector<1x1x16xf32>,
        %get3A_179 = vector.shape_cast %get3A_178 : vector<1x1x16xf32> to vector<16xf32>
        %add3A_180 = arith.addf %get3A_173, %get3A_179 : vector<16xf32>
        %swap3A_181 = arith.constant 1 : i32
        %swap3A_182 = arith.index_cast %swap3A_181 : i32 to index
        %swap3A_183 = arith.index_cast %scan3A_149 : i32 to index
        %swap3A_184 = arith.constant 16 : index
        %swap3A_185 = tpu.vector_load %arg9[%swap3A_182, %swap3A_183, %swap3A_184] {strides = array<i32>} : memref<2x40x128xf32, #tpu.memory_space<vmem>>, vector<1x1x16xf32>,
        %swap3A_186 = vector.shape_cast %swap3A_185 : vector<1x1x16xf32> to vector<16xf32>
        %swap3A_187 = vector.shape_cast %add3A_180 : vector<16xf32> to vector<1x1x16xf32>
        tpu.vector_store %arg9[%swap3A_182, %swap3A_183, %swap3A_184], %swap3A_187 {strides = array<i32>} : memref<2x40x128xf32, #tpu.memory_space<vmem>>, vector<1x1x16xf32>,
        %get3A_188 = arith.constant 1 : i32
        %get3A_189 = arith.index_cast %get3A_188 : i32 to index
        %get3A_190 = arith.index_cast %scan3A_149 : i32 to index
        %get3A_191 = arith.constant 32 : index
        %get3A_192 = tpu.vector_load %arg9[%get3A_189, %get3A_190, %get3A_191] {strides = array<i32>} : memref<2x40x128xf32, #tpu.memory_space<vmem>>, vector<1x1x16xf32>,
        %get3A_193 = vector.shape_cast %get3A_192 : vector<1x1x16xf32> to vector<16xf32>
        %get3A_194 = arith.constant 1 : i32
        %get3A_195 = arith.index_cast %get3A_194 : i32 to index
        %get3A_196 = arith.index_cast %scan3A_149 : i32 to index
        %get3A_197 = arith.constant 32 : index
        %get3A_198 = tpu.vector_load %arg10[%get3A_195, %get3A_196, %get3A_197] {strides = array<i32>} : memref<2x40x128xf32, #tpu.memory_space<vmem>>, vector<1x1x16xf32>,
        %get3A_199 = vector.shape_cast %get3A_198 : vector<1x1x16xf32> to vector<16xf32>
        %add3A_200 = arith.addf %get3A_193, %get3A_199 : vector<16xf32>
        %swap3A_201 = arith.constant 1 : i32
        %swap3A_202 = arith.index_cast %swap3A_201 : i32 to index
        %swap3A_203 = arith.index_cast %scan3A_149 : i32 to index
        %swap3A_204 = arith.constant 32 : index
        %swap3A_205 = tpu.vector_load %arg9[%swap3A_202, %swap3A_203, %swap3A_204] {strides = array<i32>} : memref<2x40x128xf32, #tpu.memory_space<vmem>>, vector<1x1x16xf32>,
        %swap3A_206 = vector.shape_cast %swap3A_205 : vector<1x1x16xf32> to vector<16xf32>
        %swap3A_207 = vector.shape_cast %add3A_200 : vector<16xf32> to vector<1x1x16xf32>
        tpu.vector_store %arg9[%swap3A_202, %swap3A_203, %swap3A_204], %swap3A_207 {strides = array<i32>} : memref<2x40x128xf32, #tpu.memory_space<vmem>>, vector<1x1x16xf32>,
        %get3A_208 = arith.constant 1 : i32
        %get3A_209 = arith.index_cast %get3A_208 : i32 to index
        %get3A_210 = arith.index_cast %scan3A_149 : i32 to index
        %get3A_211 = arith.constant 48 : index
        %get3A_212 = tpu.vector_load %arg9[%get3A_209, %get3A_210, %get3A_211] {strides = array<i32>} : memref<2x40x128xf32, #tpu.memory_space<vmem>>, vector<1x1x16xf32>,
        %get3A_213 = vector.shape_cast %get3A_212 : vector<1x1x16xf32> to vector<16xf32>
        %get3A_214 = arith.constant 1 : i32
        %get3A_215 = arith.index_cast %get3A_214 : i32 to index
        %get3A_216 = arith.index_cast %scan3A_149 : i32 to index
        %get3A_217 = arith.constant 48 : index
        %get3A_218 = tpu.vector_load %arg10[%get3A_215, %get3A_216, %get3A_217] {strides = array<i32>} : memref<2x40x128xf32, #tpu.memory_space<vmem>>, vector<1x1x16xf32>,
        %get3A_219 = vector.shape_cast %get3A_218 : vector<1x1x16xf32> to vector<16xf32>
        %add3A_220 = arith.addf %get3A_213, %get3A_219 : vector<16xf32>
        %swap3A_221 = arith.constant 1 : i32
        %swap3A_222 = arith.index_cast %swap3A_221 : i32 to index
        %swap3A_223 = arith.index_cast %scan3A_149 : i32 to index
        %swap3A_224 = arith.constant 48 : index
        %swap3A_225 = tpu.vector_load %arg9[%swap3A_222, %swap3A_223, %swap3A_224] {strides = array<i32>} : memref<2x40x128xf32, #tpu.memory_space<vmem>>, vector<1x1x16xf32>,
        %swap3A_226 = vector.shape_cast %swap3A_225 : vector<1x1x16xf32> to vector<16xf32>
        %swap3A_227 = vector.shape_cast %add3A_220 : vector<16xf32> to vector<1x1x16xf32>
        tpu.vector_store %arg9[%swap3A_222, %swap3A_223, %swap3A_224], %swap3A_227 {strides = array<i32>} : memref<2x40x128xf32, #tpu.memory_space<vmem>>, vector<1x1x16xf32>,
        %get3A_228 = arith.constant 1 : i32
        %get3A_229 = arith.index_cast %get3A_228 : i32 to index
        %get3A_230 = arith.index_cast %scan3A_149 : i32 to index
        %get3A_231 = arith.constant 64 : index
        %get3A_232 = tpu.vector_load %arg9[%get3A_229, %get3A_230, %get3A_231] {strides = array<i32>} : memref<2x40x128xf32, #tpu.memory_space<vmem>>, vector<1x1x16xf32>,
        %get3A_233 = vector.shape_cast %get3A_232 : vector<1x1x16xf32> to vector<16xf32>
        %get3A_234 = arith.constant 1 : i32
        %get3A_235 = arith.index_cast %get3A_234 : i32 to index
        %get3A_236 = arith.index_cast %scan3A_149 : i32 to index
        %get3A_237 = arith.constant 64 : index
        %get3A_238 = tpu.vector_load %arg10[%get3A_235, %get3A_236, %get3A_237] {strides = array<i32>} : memref<2x40x128xf32, #tpu.memory_space<vmem>>, vector<1x1x16xf32>,
        %get3A_239 = vector.shape_cast %get3A_238 : vector<1x1x16xf32> to vector<16xf32>
        %add3A_240 = arith.addf %get3A_233, %get3A_239 : vector<16xf32>
        %swap3A_241 = arith.constant 1 : i32
        %swap3A_242 = arith.index_cast %swap3A_241 : i32 to index
        %swap3A_243 = arith.index_cast %scan3A_149 : i32 to index
        %swap3A_244 = arith.constant 64 : index
        %swap3A_245 = tpu.vector_load %arg9[%swap3A_242, %swap3A_243, %swap3A_244] {strides = array<i32>} : memref<2x40x128xf32, #tpu.memory_space<vmem>>, vector<1x1x16xf32>,
        %swap3A_246 = vector.shape_cast %swap3A_245 : vector<1x1x16xf32> to vector<16xf32>
        %swap3A_247 = vector.shape_cast %add3A_240 : vector<16xf32> to vector<1x1x16xf32>
        tpu.vector_store %arg9[%swap3A_242, %swap3A_243, %swap3A_244], %swap3A_247 {strides = array<i32>} : memref<2x40x128xf32, #tpu.memory_space<vmem>>, vector<1x1x16xf32>,
        %get3A_248 = arith.constant 1 : i32
        %get3A_249 = arith.index_cast %get3A_248 : i32 to index
        %get3A_250 = arith.index_cast %scan3A_149 : i32 to index
        %get3A_251 = arith.constant 80 : index
        %get3A_252 = tpu.vector_load %arg9[%get3A_249, %get3A_250, %get3A_251] {strides = array<i32>} : memref<2x40x128xf32, #tpu.memory_space<vmem>>, vector<1x1x16xf32>,
        %get3A_253 = vector.shape_cast %get3A_252 : vector<1x1x16xf32> to vector<16xf32>
        %get3A_254 = arith.constant 1 : i32
        %get3A_255 = arith.index_cast %get3A_254 : i32 to index
        %get3A_256 = arith.index_cast %scan3A_149 : i32 to index
        %get3A_257 = arith.constant 80 : index
        %get3A_258 = tpu.vector_load %arg10[%get3A_255, %get3A_256, %get3A_257] {strides = array<i32>} : memref<2x40x128xf32, #tpu.memory_space<vmem>>, vector<1x1x16xf32>,
        %get3A_259 = vector.shape_cast %get3A_258 : vector<1x1x16xf32> to vector<16xf32>
        %add3A_260 = arith.addf %get3A_253, %get3A_259 : vector<16xf32>
        %swap3A_261 = arith.constant 1 : i32
        %swap3A_262 = arith.index_cast %swap3A_261 : i32 to index
        %swap3A_263 = arith.index_cast %scan3A_149 : i32 to index
        %swap3A_264 = arith.constant 80 : index
        %swap3A_265 = tpu.vector_load %arg9[%swap3A_262, %swap3A_263, %swap3A_264] {strides = array<i32>} : memref<2x40x128xf32, #tpu.memory_space<vmem>>, vector<1x1x16xf32>,
        %swap3A_266 = vector.shape_cast %swap3A_265 : vector<1x1x16xf32> to vector<16xf32>
        %swap3A_267 = vector.shape_cast %add3A_260 : vector<16xf32> to vector<1x1x16xf32>
        tpu.vector_store %arg9[%swap3A_262, %swap3A_263, %swap3A_264], %swap3A_267 {strides = array<i32>} : memref<2x40x128xf32, #tpu.memory_space<vmem>>, vector<1x1x16xf32>,
        %get3A_268 = arith.constant 1 : i32
        %get3A_269 = arith.index_cast %get3A_268 : i32 to index
        %get3A_270 = arith.index_cast %scan3A_149 : i32 to index
        %get3A_271 = arith.constant 96 : index
        %get3A_272 = tpu.vector_load %arg9[%get3A_269, %get3A_270, %get3A_271] {strides = array<i32>} : memref<2x40x128xf32, #tpu.memory_space<vmem>>, vector<1x1x16xf32>,
        %get3A_273 = vector.shape_cast %get3A_272 : vector<1x1x16xf32> to vector<16xf32>
        %get3A_274 = arith.constant 1 : i32
        %get3A_275 = arith.index_cast %get3A_274 : i32 to index
        %get3A_276 = arith.index_cast %scan3A_149 : i32 to index
        %get3A_277 = arith.constant 96 : index
        %get3A_278 = tpu.vector_load %arg10[%get3A_275, %get3A_276, %get3A_277] {strides = array<i32>} : memref<2x40x128xf32, #tpu.memory_space<vmem>>, vector<1x1x16xf32>,
        %get3A_279 = vector.shape_cast %get3A_278 : vector<1x1x16xf32> to vector<16xf32>
        %add3A_280 = arith.addf %get3A_273, %get3A_279 : vector<16xf32>
        %swap3A_281 = arith.constant 1 : i32
        %swap3A_282 = arith.index_cast %swap3A_281 : i32 to index
        %swap3A_283 = arith.index_cast %scan3A_149 : i32 to index
        %swap3A_284 = arith.constant 96 : index
        %swap3A_285 = tpu.vector_load %arg9[%swap3A_282, %swap3A_283, %swap3A_284] {strides = array<i32>} : memref<2x40x128xf32, #tpu.memory_space<vmem>>, vector<1x1x16xf32>,
        %swap3A_286 = vector.shape_cast %swap3A_285 : vector<1x1x16xf32> to vector<16xf32>
        %swap3A_287 = vector.shape_cast %add3A_280 : vector<16xf32> to vector<1x1x16xf32>
        tpu.vector_store %arg9[%swap3A_282, %swap3A_283, %swap3A_284], %swap3A_287 {strides = array<i32>} : memref<2x40x128xf32, #tpu.memory_space<vmem>>, vector<1x1x16xf32>,
        %get3A_288 = arith.constant 1 : i32
        %get3A_289 = arith.index_cast %get3A_288 : i32 to index
        %get3A_290 = arith.index_cast %scan3A_149 : i32 to index
        %get3A_291 = arith.constant 112 : index
        %get3A_292 = tpu.vector_load %arg9[%get3A_289, %get3A_290, %get3A_291] {strides = array<i32>} : memref<2x40x128xf32, #tpu.memory_space<vmem>>, vector<1x1x16xf32>,
        %get3A_293 = vector.shape_cast %get3A_292 : vector<1x1x16xf32> to vector<16xf32>
        %get3A_294 = arith.constant 1 : i32
        %get3A_295 = arith.index_cast %get3A_294 : i32 to index
        %get3A_296 = arith.index_cast %scan3A_149 : i32 to index
        %get3A_297 = arith.constant 112 : index
        %get3A_298 = tpu.vector_load %arg10[%get3A_295, %get3A_296, %get3A_297] {strides = array<i32>} : memref<2x40x128xf32, #tpu.memory_space<vmem>>, vector<1x1x16xf32>,
        %get3A_299 = vector.shape_cast %get3A_298 : vector<1x1x16xf32> to vector<16xf32>
        %add3A_300 = arith.addf %get3A_293, %get3A_299 : vector<16xf32>
        %swap3A_301 = arith.constant 1 : i32
        %swap3A_302 = arith.index_cast %swap3A_301 : i32 to index
        %swap3A_303 = arith.index_cast %scan3A_149 : i32 to index
        %swap3A_304 = arith.constant 112 : index
        %swap3A_305 = tpu.vector_load %arg9[%swap3A_302, %swap3A_303, %swap3A_304] {strides = array<i32>} : memref<2x40x128xf32, #tpu.memory_space<vmem>>, vector<1x1x16xf32>,
        %swap3A_306 = vector.shape_cast %swap3A_305 : vector<1x1x16xf32> to vector<16xf32>
        %swap3A_307 = vector.shape_cast %add3A_300 : vector<16xf32> to vector<1x1x16xf32>
        tpu.vector_store %arg9[%swap3A_302, %swap3A_303, %swap3A_304], %swap3A_307 {strides = array<i32>} : memref<2x40x128xf32, #tpu.memory_space<vmem>>, vector<1x1x16xf32>,
      }
      %scan3A_144 = arith.constant 40 : i32
      %mul3A_145 = arith.constant 40 : i32
      %mul3A_146 = arith.muli %add3A_138, %mul3A_145 : i32
      %add3A_147 = arith.addi %mul3A_2, %mul3A_146 : i32
      %run_scoped3A_148 = arith.constant 1 : i32
      "tpu.region"() ({
        %run_scoped3A_149 = tpu.sem_alloc : memref<!tpu.dma_semaphore, #tpu.memory_space<semaphore_mem>>
        %dma_start3A_150 = arith.constant 0 : i32
        %dma_start3A_151 = arith.constant 0 : i32
        %dma_start3A_152 = tpu.memref_slice %arg9[%run_scoped3A_148, %dma_start3A_150, %dma_start3A_151] : memref<2x40x128xf32, #tpu.memory_space<vmem>> -> memref<1x40x128xf32, #tpu.memory_space<vmem>>
        %dma_start3A_153 = tpu.memref_squeeze %dma_start3A_152 : memref<1x40x128xf32, #tpu.memory_space<vmem>> -> memref<40x128xf32, #tpu.memory_space<vmem>>
        %dma_start3A_154 = arith.constant 0 : i32
        %dma_start3A_155 = tpu.memref_slice %arg6[%add3A_147, %dma_start3A_154] : memref<160000x128xf32, #tpu.memory_space<hbm>> -> memref<40x128xf32, #tpu.memory_space<hbm>>
        %dma_start3A_156 = arith.constant 0 : i32
        %dma_start3A_157 = tpu.memref_slice %arg6[%add3A_147, %dma_start3A_156] : memref<160000x128xf32, #tpu.memory_space<hbm>> -> memref<40x128xf32, #tpu.memory_space<hbm>>
        %dma_start3A_158 = arith.constant 0 : i32
        %dma_start3A_159 = arith.constant 0 : i32
        %dma_start3A_160 = tpu.memref_slice %arg9[%run_scoped3A_148, %dma_start3A_158, %dma_start3A_159] : memref<2x40x128xf32, #tpu.memory_space<vmem>> -> memref<1x40x128xf32, #tpu.memory_space<vmem>>
        %dma_start3A_161 = tpu.memref_squeeze %dma_start3A_160 : memref<1x40x128xf32, #tpu.memory_space<vmem>> -> memref<40x128xf32, #tpu.memory_space<vmem>>
        tpu.enqueue_dma source(%dma_start3A_161 : memref<40x128xf32, #tpu.memory_space<vmem>>) target(%dma_start3A_157 : memref<40x128xf32, #tpu.memory_space<hbm>>) target_semaphore(%run_scoped3A_149 : memref<!tpu.dma_semaphore, #tpu.memory_space<semaphore_mem>>)
        %dma_wait3A_162 = arith.constant 0 : i32
        %dma_wait3A_163 = arith.constant 0 : i32
        %dma_wait3A_164 = tpu.memref_slice %arg9[%run_scoped3A_148, %dma_wait3A_162, %dma_wait3A_163] : memref<2x40x128xf32, #tpu.memory_space<vmem>> -> memref<1x40x128xf32, #tpu.memory_space<vmem>>
        %dma_wait3A_165 = tpu.memref_squeeze %dma_wait3A_164 : memref<1x40x128xf32, #tpu.memory_space<vmem>> -> memref<40x128xf32, #tpu.memory_space<vmem>>
        %dma_wait3A_166 = arith.constant 0 : i32
        %dma_wait3A_167 = tpu.memref_slice %arg6[%add3A_147, %dma_wait3A_166] : memref<160000x128xf32, #tpu.memory_space<hbm>> -> memref<40x128xf32, #tpu.memory_space<hbm>>
        %dma_wait3A_168 = arith.constant 0 : i32
        %dma_wait3A_169 = tpu.memref_slice %arg6[%add3A_147, %dma_wait3A_168] : memref<160000x128xf32, #tpu.memory_space<hbm>> -> memref<40x128xf32, #tpu.memory_space<hbm>>
        %dma_wait3A_170 = arith.constant 0 : i32
        %dma_wait3A_171 = arith.constant 0 : i32
        %dma_wait3A_172 = tpu.memref_slice %arg9[%run_scoped3A_148, %dma_wait3A_170, %dma_wait3A_171] : memref<2x40x128xf32, #tpu.memory_space<vmem>> -> memref<1x40x128xf32, #tpu.memory_space<vmem>>
        %dma_wait3A_173 = tpu.memref_squeeze %dma_wait3A_172 : memref<1x40x128xf32, #tpu.memory_space<vmem>> -> memref<40x128xf32, #tpu.memory_space<vmem>>
        tpu.wait_dma2 semaphore(%run_scoped3A_149 : memref<!tpu.dma_semaphore, #tpu.memory_space<semaphore_mem>>) src(%dma_wait3A_173 : memref<40x128xf32, #tpu.memory_space<vmem>>) dst(%dma_wait3A_169 : memref<40x128xf32, #tpu.memory_space<hbm>>)
        tpu.yield
      }) : () -> ()
    }
    %scan3A_30 = arith.constant 62 : i32
    %dma_wait3A = arith.constant 0 : i32
    %dma_wait3A_31 = arith.constant 0 : i32
    %dma_wait3A_32 = arith.constant 0 : i32
    %dma_wait3A_33 = tpu.memref_slice %arg9[%dma_wait3A, %dma_wait3A_31, %dma_wait3A_32] : memref<2x40x128xf32, #tpu.memory_space<vmem>> -> memref<1x40x128xf32, #tpu.memory_space<vmem>>
    %dma_wait3A_34 = tpu.memref_squeeze %dma_wait3A_33 : memref<1x40x128xf32, #tpu.memory_space<vmem>> -> memref<40x128xf32, #tpu.memory_space<vmem>>
    %dma_wait3A_35 = arith.constant 0 : i32
    %dma_wait3A_36 = tpu.memref_slice %arg7[%dma_wait3A_35] : memref<5000xi32, #tpu.memory_space<vmem>> -> memref<40xi32, #tpu.memory_space<vmem>>
    %dma_wait3A_37 = arith.constant 0 : i32
    %dma_wait3A_38 = arith.constant 0 : i32
    %dma_wait3A_39 = tpu.memref_slice %arg2[%dma_wait3A_37, %dma_wait3A_38] : memref<10000x128xf32, #tpu.memory_space<hbm>> -> memref<10000x128xf32, #tpu.memory_space<hbm>>
    tpu.wait_indirect_dma semaphore(%arg11 : memref<!tpu.dma_semaphore, #tpu.memory_space<semaphore_mem>>) src(%dma_wait3A_39 : memref<10000x128xf32, #tpu.memory_space<hbm>>) dst(%dma_wait3A_34 : memref<40x128xf32, #tpu.memory_space<vmem>>)
    %dma_wait3A_40 = arith.constant 0 : i32
    %dma_wait3A_41 = arith.constant 0 : i32
    %dma_wait3A_42 = arith.constant 0 : i32
    %dma_wait3A_43 = tpu.memref_slice %arg10[%dma_wait3A_40, %dma_wait3A_41, %dma_wait3A_42] : memref<2x40x128xf32, #tpu.memory_space<vmem>> -> memref<1x40x128xf32, #tpu.memory_space<vmem>>
    %dma_wait3A_44 = tpu.memref_squeeze %dma_wait3A_43 : memref<1x40x128xf32, #tpu.memory_space<vmem>> -> memref<40x128xf32, #tpu.memory_space<vmem>>
    %dma_wait3A_45 = arith.constant 0 : i32
    %dma_wait3A_46 = tpu.memref_slice %arg8[%dma_wait3A_45] : memref<5000xi32, #tpu.memory_space<vmem>> -> memref<40xi32, #tpu.memory_space<vmem>>
    %dma_wait3A_47 = arith.constant 0 : i32
    %dma_wait3A_48 = arith.constant 0 : i32
    %dma_wait3A_49 = tpu.memref_slice %arg3[%dma_wait3A_47, %dma_wait3A_48] : memref<10000x128xf32, #tpu.memory_space<hbm>> -> memref<10000x128xf32, #tpu.memory_space<hbm>>
    tpu.wait_indirect_dma semaphore(%arg12 : memref<!tpu.dma_semaphore, #tpu.memory_space<semaphore_mem>>) src(%dma_wait3A_49 : memref<10000x128xf32, #tpu.memory_space<hbm>>) dst(%dma_wait3A_44 : memref<40x128xf32, #tpu.memory_space<vmem>>)
    %scan3A_50 = arith.constant 0 : i32
    %scan3A_51 = arith.constant 0 : i32
    %scan3A_52 = arith.constant 40 : i32
    %scan3A_53 = arith.addi %scan3A_51, %scan3A_52 : i32
    %scan3A_54 = arith.constant 1 : i32
    scf.for %scan3A_58 = %scan3A_51 to %scan3A_53 step %scan3A_54  : i32 {
      %get3A = arith.constant 0 : i32
      %get3A_59 = arith.index_cast %get3A : i32 to index
      %get3A_60 = arith.index_cast %scan3A_58 : i32 to index
      %get3A_61 = arith.constant 0 : index
      %get3A_62 = tpu.vector_load %arg9[%get3A_59, %get3A_60, %get3A_61] {strides = array<i32>} : memref<2x40x128xf32, #tpu.memory_space<vmem>>, vector<1x1x16xf32>,
      %get3A_63 = vector.shape_cast %get3A_62 : vector<1x1x16xf32> to vector<16xf32>
      %get3A_64 = arith.constant 0 : i32
      %get3A_65 = arith.index_cast %get3A_64 : i32 to index
      %get3A_66 = arith.index_cast %scan3A_58 : i32 to index
      %get3A_67 = arith.constant 0 : index
      %get3A_68 = tpu.vector_load %arg10[%get3A_65, %get3A_66, %get3A_67] {strides = array<i32>} : memref<2x40x128xf32, #tpu.memory_space<vmem>>, vector<1x1x16xf32>,
      %get3A_69 = vector.shape_cast %get3A_68 : vector<1x1x16xf32> to vector<16xf32>
      %add3A_70 = arith.addf %get3A_63, %get3A_69 : vector<16xf32>
      %swap3A = arith.constant 0 : i32
      %swap3A_71 = arith.index_cast %swap3A : i32 to index
      %swap3A_72 = arith.index_cast %scan3A_58 : i32 to index
      %swap3A_73 = arith.constant 0 : index
      %swap3A_74 = tpu.vector_load %arg9[%swap3A_71, %swap3A_72, %swap3A_73] {strides = array<i32>} : memref<2x40x128xf32, #tpu.memory_space<vmem>>, vector<1x1x16xf32>,
      %swap3A_75 = vector.shape_cast %swap3A_74 : vector<1x1x16xf32> to vector<16xf32>
      %swap3A_76 = vector.shape_cast %add3A_70 : vector<16xf32> to vector<1x1x16xf32>
      tpu.vector_store %arg9[%swap3A_71, %swap3A_72, %swap3A_73], %swap3A_76 {strides = array<i32>} : memref<2x40x128xf32, #tpu.memory_space<vmem>>, vector<1x1x16xf32>,
      %get3A_77 = arith.constant 0 : i32
      %get3A_78 = arith.index_cast %get3A_77 : i32 to index
      %get3A_79 = arith.index_cast %scan3A_58 : i32 to index
      %get3A_80 = arith.constant 16 : index
      %get3A_81 = tpu.vector_load %arg9[%get3A_78, %get3A_79, %get3A_80] {strides = array<i32>} : memref<2x40x128xf32, #tpu.memory_space<vmem>>, vector<1x1x16xf32>,
      %get3A_82 = vector.shape_cast %get3A_81 : vector<1x1x16xf32> to vector<16xf32>
      %get3A_83 = arith.constant 0 : i32
      %get3A_84 = arith.index_cast %get3A_83 : i32 to index
      %get3A_85 = arith.index_cast %scan3A_58 : i32 to index
      %get3A_86 = arith.constant 16 : index
      %get3A_87 = tpu.vector_load %arg10[%get3A_84, %get3A_85, %get3A_86] {strides = array<i32>} : memref<2x40x128xf32, #tpu.memory_space<vmem>>, vector<1x1x16xf32>,
      %get3A_88 = vector.shape_cast %get3A_87 : vector<1x1x16xf32> to vector<16xf32>
      %add3A_89 = arith.addf %get3A_82, %get3A_88 : vector<16xf32>
      %swap3A_90 = arith.constant 0 : i32
      %swap3A_91 = arith.index_cast %swap3A_90 : i32 to index
      %swap3A_92 = arith.index_cast %scan3A_58 : i32 to index
      %swap3A_93 = arith.constant 16 : index
      %swap3A_94 = tpu.vector_load %arg9[%swap3A_91, %swap3A_92, %swap3A_93] {strides = array<i32>} : memref<2x40x128xf32, #tpu.memory_space<vmem>>, vector<1x1x16xf32>,
      %swap3A_95 = vector.shape_cast %swap3A_94 : vector<1x1x16xf32> to vector<16xf32>
      %swap3A_96 = vector.shape_cast %add3A_89 : vector<16xf32> to vector<1x1x16xf32>
      tpu.vector_store %arg9[%swap3A_91, %swap3A_92, %swap3A_93], %swap3A_96 {strides = array<i32>} : memref<2x40x128xf32, #tpu.memory_space<vmem>>, vector<1x1x16xf32>,
      %get3A_97 = arith.constant 0 : i32
      %get3A_98 = arith.index_cast %get3A_97 : i32 to index
      %get3A_99 = arith.index_cast %scan3A_58 : i32 to index
      %get3A_100 = arith.constant 32 : index
      %get3A_101 = tpu.vector_load %arg9[%get3A_98, %get3A_99, %get3A_100] {strides = array<i32>} : memref<2x40x128xf32, #tpu.memory_space<vmem>>, vector<1x1x16xf32>,
      %get3A_102 = vector.shape_cast %get3A_101 : vector<1x1x16xf32> to vector<16xf32>
      %get3A_103 = arith.constant 0 : i32
      %get3A_104 = arith.index_cast %get3A_103 : i32 to index
      %get3A_105 = arith.index_cast %scan3A_58 : i32 to index
      %get3A_106 = arith.constant 32 : index
      %get3A_107 = tpu.vector_load %arg10[%get3A_104, %get3A_105, %get3A_106] {strides = array<i32>} : memref<2x40x128xf32, #tpu.memory_space<vmem>>, vector<1x1x16xf32>,
      %get3A_108 = vector.shape_cast %get3A_107 : vector<1x1x16xf32> to vector<16xf32>
      %add3A_109 = arith.addf %get3A_102, %get3A_108 : vector<16xf32>
      %swap3A_110 = arith.constant 0 : i32
      %swap3A_111 = arith.index_cast %swap3A_110 : i32 to index
      %swap3A_112 = arith.index_cast %scan3A_58 : i32 to index
      %swap3A_113 = arith.constant 32 : index
      %swap3A_114 = tpu.vector_load %arg9[%swap3A_111, %swap3A_112, %swap3A_113] {strides = array<i32>} : memref<2x40x128xf32, #tpu.memory_space<vmem>>, vector<1x1x16xf32>,
      %swap3A_115 = vector.shape_cast %swap3A_114 : vector<1x1x16xf32> to vector<16xf32>
      %swap3A_116 = vector.shape_cast %add3A_109 : vector<16xf32> to vector<1x1x16xf32>
      tpu.vector_store %arg9[%swap3A_111, %swap3A_112, %swap3A_113], %swap3A_116 {strides = array<i32>} : memref<2x40x128xf32, #tpu.memory_space<vmem>>, vector<1x1x16xf32>,
      %get3A_117 = arith.constant 0 : i32
      %get3A_118 = arith.index_cast %get3A_117 : i32 to index
      %get3A_119 = arith.index_cast %scan3A_58 : i32 to index
      %get3A_120 = arith.constant 48 : index
      %get3A_121 = tpu.vector_load %arg9[%get3A_118, %get3A_119, %get3A_120] {strides = array<i32>} : memref<2x40x128xf32, #tpu.memory_space<vmem>>, vector<1x1x16xf32>,
      %get3A_122 = vector.shape_cast %get3A_121 : vector<1x1x16xf32> to vector<16xf32>
      %get3A_123 = arith.constant 0 : i32
      %get3A_124 = arith.index_cast %get3A_123 : i32 to index
      %get3A_125 = arith.index_cast %scan3A_58 : i32 to index
      %get3A_126 = arith.constant 48 : index
      %get3A_127 = tpu.vector_load %arg10[%get3A_124, %get3A_125, %get3A_126] {strides = array<i32>} : memref<2x40x128xf32, #tpu.memory_space<vmem>>, vector<1x1x16xf32>,
      %get3A_128 = vector.shape_cast %get3A_127 : vector<1x1x16xf32> to vector<16xf32>
      %add3A_129 = arith.addf %get3A_122, %get3A_128 : vector<16xf32>
      %swap3A_130 = arith.constant 0 : i32
      %swap3A_131 = arith.index_cast %swap3A_130 : i32 to index
      %swap3A_132 = arith.index_cast %scan3A_58 : i32 to index
      %swap3A_133 = arith.constant 48 : index
      %swap3A_134 = tpu.vector_load %arg9[%swap3A_131, %swap3A_132, %swap3A_133] {strides = array<i32>} : memref<2x40x128xf32, #tpu.memory_space<vmem>>, vector<1x1x16xf32>,
      %swap3A_135 = vector.shape_cast %swap3A_134 : vector<1x1x16xf32> to vector<16xf32>
      %swap3A_136 = vector.shape_cast %add3A_129 : vector<16xf32> to vector<1x1x16xf32>
      tpu.vector_store %arg9[%swap3A_131, %swap3A_132, %swap3A_133], %swap3A_136 {strides = array<i32>} : memref<2x40x128xf32, #tpu.memory_space<vmem>>, vector<1x1x16xf32>,
      %get3A_137 = arith.constant 0 : i32
      %get3A_138 = arith.index_cast %get3A_137 : i32 to index
      %get3A_139 = arith.index_cast %scan3A_58 : i32 to index
      %get3A_140 = arith.constant 64 : index
      %get3A_141 = tpu.vector_load %arg9[%get3A_138, %get3A_139, %get3A_140] {strides = array<i32>} : memref<2x40x128xf32, #tpu.memory_space<vmem>>, vector<1x1x16xf32>,
      %get3A_142 = vector.shape_cast %get3A_141 : vector<1x1x16xf32> to vector<16xf32>
      %get3A_143 = arith.constant 0 : i32
      %get3A_144 = arith.index_cast %get3A_143 : i32 to index
      %get3A_145 = arith.index_cast %scan3A_58 : i32 to index
      %get3A_146 = arith.constant 64 : index
      %get3A_147 = tpu.vector_load %arg10[%get3A_144, %get3A_145, %get3A_146] {strides = array<i32>} : memref<2x40x128xf32, #tpu.memory_space<vmem>>, vector<1x1x16xf32>,
      %get3A_148 = vector.shape_cast %get3A_147 : vector<1x1x16xf32> to vector<16xf32>
      %add3A_149 = arith.addf %get3A_142, %get3A_148 : vector<16xf32>
      %swap3A_150 = arith.constant 0 : i32
      %swap3A_151 = arith.index_cast %swap3A_150 : i32 to index
      %swap3A_152 = arith.index_cast %scan3A_58 : i32 to index
      %swap3A_153 = arith.constant 64 : index
      %swap3A_154 = tpu.vector_load %arg9[%swap3A_151, %swap3A_152, %swap3A_153] {strides = array<i32>} : memref<2x40x128xf32, #tpu.memory_space<vmem>>, vector<1x1x16xf32>,
      %swap3A_155 = vector.shape_cast %swap3A_154 : vector<1x1x16xf32> to vector<16xf32>
      %swap3A_156 = vector.shape_cast %add3A_149 : vector<16xf32> to vector<1x1x16xf32>
      tpu.vector_store %arg9[%swap3A_151, %swap3A_152, %swap3A_153], %swap3A_156 {strides = array<i32>} : memref<2x40x128xf32, #tpu.memory_space<vmem>>, vector<1x1x16xf32>,
      %get3A_157 = arith.constant 0 : i32
      %get3A_158 = arith.index_cast %get3A_157 : i32 to index
      %get3A_159 = arith.index_cast %scan3A_58 : i32 to index
      %get3A_160 = arith.constant 80 : index
      %get3A_161 = tpu.vector_load %arg9[%get3A_158, %get3A_159, %get3A_160] {strides = array<i32>} : memref<2x40x128xf32, #tpu.memory_space<vmem>>, vector<1x1x16xf32>,
      %get3A_162 = vector.shape_cast %get3A_161 : vector<1x1x16xf32> to vector<16xf32>
      %get3A_163 = arith.constant 0 : i32
      %get3A_164 = arith.index_cast %get3A_163 : i32 to index
      %get3A_165 = arith.index_cast %scan3A_58 : i32 to index
      %get3A_166 = arith.constant 80 : index
      %get3A_167 = tpu.vector_load %arg10[%get3A_164, %get3A_165, %get3A_166] {strides = array<i32>} : memref<2x40x128xf32, #tpu.memory_space<vmem>>, vector<1x1x16xf32>,
      %get3A_168 = vector.shape_cast %get3A_167 : vector<1x1x16xf32> to vector<16xf32>
      %add3A_169 = arith.addf %get3A_162, %get3A_168 : vector<16xf32>
      %swap3A_170 = arith.constant 0 : i32
      %swap3A_171 = arith.index_cast %swap3A_170 : i32 to index
      %swap3A_172 = arith.index_cast %scan3A_58 : i32 to index
      %swap3A_173 = arith.constant 80 : index
      %swap3A_174 = tpu.vector_load %arg9[%swap3A_171, %swap3A_172, %swap3A_173] {strides = array<i32>} : memref<2x40x128xf32, #tpu.memory_space<vmem>>, vector<1x1x16xf32>,
      %swap3A_175 = vector.shape_cast %swap3A_174 : vector<1x1x16xf32> to vector<16xf32>
      %swap3A_176 = vector.shape_cast %add3A_169 : vector<16xf32> to vector<1x1x16xf32>
      tpu.vector_store %arg9[%swap3A_171, %swap3A_172, %swap3A_173], %swap3A_176 {strides = array<i32>} : memref<2x40x128xf32, #tpu.memory_space<vmem>>, vector<1x1x16xf32>,
      %get3A_177 = arith.constant 0 : i32
      %get3A_178 = arith.index_cast %get3A_177 : i32 to index
      %get3A_179 = arith.index_cast %scan3A_58 : i32 to index
      %get3A_180 = arith.constant 96 : index
      %get3A_181 = tpu.vector_load %arg9[%get3A_178, %get3A_179, %get3A_180] {strides = array<i32>} : memref<2x40x128xf32, #tpu.memory_space<vmem>>, vector<1x1x16xf32>,
      %get3A_182 = vector.shape_cast %get3A_181 : vector<1x1x16xf32> to vector<16xf32>
      %get3A_183 = arith.constant 0 : i32
      %get3A_184 = arith.index_cast %get3A_183 : i32 to index
      %get3A_185 = arith.index_cast %scan3A_58 : i32 to index
      %get3A_186 = arith.constant 96 : index
      %get3A_187 = tpu.vector_load %arg10[%get3A_184, %get3A_185, %get3A_186] {strides = array<i32>} : memref<2x40x128xf32, #tpu.memory_space<vmem>>, vector<1x1x16xf32>,
      %get3A_188 = vector.shape_cast %get3A_187 : vector<1x1x16xf32> to vector<16xf32>
      %add3A_189 = arith.addf %get3A_182, %get3A_188 : vector<16xf32>
      %swap3A_190 = arith.constant 0 : i32
      %swap3A_191 = arith.index_cast %swap3A_190 : i32 to index
      %swap3A_192 = arith.index_cast %scan3A_58 : i32 to index
      %swap3A_193 = arith.constant 96 : index
      %swap3A_194 = tpu.vector_load %arg9[%swap3A_191, %swap3A_192, %swap3A_193] {strides = array<i32>} : memref<2x40x128xf32, #tpu.memory_space<vmem>>, vector<1x1x16xf32>,
      %swap3A_195 = vector.shape_cast %swap3A_194 : vector<1x1x16xf32> to vector<16xf32>
      %swap3A_196 = vector.shape_cast %add3A_189 : vector<16xf32> to vector<1x1x16xf32>
      tpu.vector_store %arg9[%swap3A_191, %swap3A_192, %swap3A_193], %swap3A_196 {strides = array<i32>} : memref<2x40x128xf32, #tpu.memory_space<vmem>>, vector<1x1x16xf32>,
      %get3A_197 = arith.constant 0 : i32
      %get3A_198 = arith.index_cast %get3A_197 : i32 to index
      %get3A_199 = arith.index_cast %scan3A_58 : i32 to index
      %get3A_200 = arith.constant 112 : index
      %get3A_201 = tpu.vector_load %arg9[%get3A_198, %get3A_199, %get3A_200] {strides = array<i32>} : memref<2x40x128xf32, #tpu.memory_space<vmem>>, vector<1x1x16xf32>,
      %get3A_202 = vector.shape_cast %get3A_201 : vector<1x1x16xf32> to vector<16xf32>
      %get3A_203 = arith.constant 0 : i32
      %get3A_204 = arith.index_cast %get3A_203 : i32 to index
      %get3A_205 = arith.index_cast %scan3A_58 : i32 to index
      %get3A_206 = arith.constant 112 : index
      %get3A_207 = tpu.vector_load %arg10[%get3A_204, %get3A_205, %get3A_206] {strides = array<i32>} : memref<2x40x128xf32, #tpu.memory_space<vmem>>, vector<1x1x16xf32>,
      %get3A_208 = vector.shape_cast %get3A_207 : vector<1x1x16xf32> to vector<16xf32>
      %add3A_209 = arith.addf %get3A_202, %get3A_208 : vector<16xf32>
      %swap3A_210 = arith.constant 0 : i32
      %swap3A_211 = arith.index_cast %swap3A_210 : i32 to index
      %swap3A_212 = arith.index_cast %scan3A_58 : i32 to index
      %swap3A_213 = arith.constant 112 : index
      %swap3A_214 = tpu.vector_load %arg9[%swap3A_211, %swap3A_212, %swap3A_213] {strides = array<i32>} : memref<2x40x128xf32, #tpu.memory_space<vmem>>, vector<1x1x16xf32>,
      %swap3A_215 = vector.shape_cast %swap3A_214 : vector<1x1x16xf32> to vector<16xf32>
      %swap3A_216 = vector.shape_cast %add3A_209 : vector<16xf32> to vector<1x1x16xf32>
      tpu.vector_store %arg9[%swap3A_211, %swap3A_212, %swap3A_213], %swap3A_216 {strides = array<i32>} : memref<2x40x128xf32, #tpu.memory_space<vmem>>, vector<1x1x16xf32>,
    }
    %scan3A_55 = arith.constant 40 : i32
    %add3A_56 = arith.constant 4960 : i32
    %add3A_57 = arith.addi %mul3A_2, %add3A_56 : i32
    %run_scoped3A = arith.constant 0 : i32
    "tpu.region"() ({
      %run_scoped3A_58 = tpu.sem_alloc : memref<!tpu.dma_semaphore, #tpu.memory_space<semaphore_mem>>
      %dma_start3A_59 = arith.constant 0 : i32
      %dma_start3A_60 = arith.constant 0 : i32
      %dma_start3A_61 = tpu.memref_slice %arg9[%run_scoped3A, %dma_start3A_59, %dma_start3A_60] : memref<2x40x128xf32, #tpu.memory_space<vmem>> -> memref<1x40x128xf32, #tpu.memory_space<vmem>>
      %dma_start3A_62 = tpu.memref_squeeze %dma_start3A_61 : memref<1x40x128xf32, #tpu.memory_space<vmem>> -> memref<40x128xf32, #tpu.memory_space<vmem>>
      %dma_start3A_63 = arith.constant 0 : i32
      %dma_start3A_64 = tpu.memref_slice %arg6[%add3A_57, %dma_start3A_63] : memref<160000x128xf32, #tpu.memory_space<hbm>> -> memref<40x128xf32, #tpu.memory_space<hbm>>
      %dma_start3A_65 = arith.constant 0 : i32
      %dma_start3A_66 = tpu.memref_slice %arg6[%add3A_57, %dma_start3A_65] : memref<160000x128xf32, #tpu.memory_space<hbm>> -> memref<40x128xf32, #tpu.memory_space<hbm>>
      %dma_start3A_67 = arith.constant 0 : i32
      %dma_start3A_68 = arith.constant 0 : i32
      %dma_start3A_69 = tpu.memref_slice %arg9[%run_scoped3A, %dma_start3A_67, %dma_start3A_68] : memref<2x40x128xf32, #tpu.memory_space<vmem>> -> memref<1x40x128xf32, #tpu.memory_space<vmem>>
      %dma_start3A_70 = tpu.memref_squeeze %dma_start3A_69 : memref<1x40x128xf32, #tpu.memory_space<vmem>> -> memref<40x128xf32, #tpu.memory_space<vmem>>
      tpu.enqueue_dma source(%dma_start3A_70 : memref<40x128xf32, #tpu.memory_space<vmem>>) target(%dma_start3A_66 : memref<40x128xf32, #tpu.memory_space<hbm>>) target_semaphore(%run_scoped3A_58 : memref<!tpu.dma_semaphore, #tpu.memory_space<semaphore_mem>>)
      %dma_wait3A_71 = arith.constant 0 : i32
      %dma_wait3A_72 = arith.constant 0 : i32
      %dma_wait3A_73 = tpu.memref_slice %arg9[%run_scoped3A, %dma_wait3A_71, %dma_wait3A_72] : memref<2x40x128xf32, #tpu.memory_space<vmem>> -> memref<1x40x128xf32, #tpu.memory_space<vmem>>
      %dma_wait3A_74 = tpu.memref_squeeze %dma_wait3A_73 : memref<1x40x128xf32, #tpu.memory_space<vmem>> -> memref<40x128xf32, #tpu.memory_space<vmem>>
      %dma_wait3A_75 = arith.constant 0 : i32
      %dma_wait3A_76 = tpu.memref_slice %arg6[%add3A_57, %dma_wait3A_75] : memref<160000x128xf32, #tpu.memory_space<hbm>> -> memref<40x128xf32, #tpu.memory_space<hbm>>
      %dma_wait3A_77 = arith.constant 0 : i32
      %dma_wait3A_78 = tpu.memref_slice %arg6[%add3A_57, %dma_wait3A_77] : memref<160000x128xf32, #tpu.memory_space<hbm>> -> memref<40x128xf32, #tpu.memory_space<hbm>>
      %dma_wait3A_79 = arith.constant 0 : i32
      %dma_wait3A_80 = arith.constant 0 : i32
      %dma_wait3A_81 = tpu.memref_slice %arg9[%run_scoped3A, %dma_wait3A_79, %dma_wait3A_80] : memref<2x40x128xf32, #tpu.memory_space<vmem>> -> memref<1x40x128xf32, #tpu.memory_space<vmem>>
      %dma_wait3A_82 = tpu.memref_squeeze %dma_wait3A_81 : memref<1x40x128xf32, #tpu.memory_space<vmem>> -> memref<40x128xf32, #tpu.memory_space<vmem>>
      tpu.wait_dma2 semaphore(%run_scoped3A_58 : memref<!tpu.dma_semaphore, #tpu.memory_space<semaphore_mem>>) src(%dma_wait3A_82 : memref<40x128xf32, #tpu.memory_space<vmem>>) dst(%dma_wait3A_78 : memref<40x128xf32, #tpu.memory_space<hbm>>)
      tpu.yield
    }) : () -> ()
    return
  }
}

#map = affine_map<(d0, d1) -> (0, 0)>
#map1 = affine_map<(d0, d1) -> (0)>
#map2 = affine_map<(d0, d1) -> (0, 0, 0)>
module attributes {stable_mosaic.version = 14 : i64} {
  func.func @_sc_scatter_body(%arg0: i32, %arg1: i32, %arg2: memref<160000x128xf32, #tpu.memory_space<hbm>>, %arg3: memref<320000xi32, #tpu.memory_space<hbm>>, %arg4: memref<10000x128xf32, #tpu.memory_space<hbm>>, %arg5: memref<2x10000x128xf32, #tpu.memory_space<hbm>>, %arg6: memref<2x40xi32, #tpu.memory_space<vmem>>, %arg7: memref<2x40x128xf32, #tpu.memory_space<vmem>>, %arg8: memref<10000x128xf32, #tpu.memory_space<vmem_shared>>, %arg9: memref<!tpu.dma_semaphore, #tpu.memory_space<semaphore_mem>>, %arg10: memref<!tpu.dma_semaphore, #tpu.memory_space<semaphore_mem>>) attributes {dimension_semantics = [#tpu.dimension_semantics<core_parallel>, #tpu.dimension_semantics<subcore_parallel>], iteration_bounds = array<i64: 2, 16>, scalar_prefetch = 0 : i64, scratch_operands = 5 : i64, tpu.core_type = #tpu.core_type<sc_vector_subcore>, window_params = [{transform_indices = #map}, {transform_indices = #map1}, {transform_indices = #map}, {transform_indices = #map2}]} {
    %mul3A = arith.constant 2 : i32
    %mul3A_0 = arith.muli %arg1, %mul3A : i32
    %add3A = arith.addi %mul3A_0, %arg0 : i32
    %mul3A_1 = arith.constant 5000 : i32
    %mul3A_2 = arith.muli %add3A, %mul3A_1 : i32
    %mul3A_3 = arith.constant 624 : i32
    %mul3A_4 = arith.muli %arg1, %mul3A_3 : i32
    %mul3A_5 = arith.constant 624 : i32
    %mul3A_6 = arith.muli %arg1, %mul3A_5 : i32
    "tpu.region"() ({
      %run_scoped3A_75 = tpu.sem_alloc : memref<!tpu.dma_semaphore, #tpu.memory_space<semaphore_mem>>
      %dma_start3A_76 = arith.constant 0 : i32
      %dma_start3A_77 = tpu.memref_slice %arg8[%mul3A_6, %dma_start3A_76] : memref<10000x128xf32, #tpu.memory_space<vmem_shared>> -> memref<624x128xf32, #tpu.memory_space<vmem_shared>>
      %dma_start3A_78 = arith.constant 0 : i32
      %dma_start3A_79 = tpu.memref_slice %arg4[%mul3A_4, %dma_start3A_78] : memref<10000x128xf32, #tpu.memory_space<hbm>> -> memref<624x128xf32, #tpu.memory_space<hbm>>
      tpu.enqueue_dma source(%dma_start3A_79 : memref<624x128xf32, #tpu.memory_space<hbm>>) target(%dma_start3A_77 : memref<624x128xf32, #tpu.memory_space<vmem_shared>>) target_semaphore(%run_scoped3A_75 : memref<!tpu.dma_semaphore, #tpu.memory_space<semaphore_mem>>)
      %dma_wait3A_80 = arith.constant 0 : i32
      %dma_wait3A_81 = tpu.memref_slice %arg8[%mul3A_6, %dma_wait3A_80] : memref<10000x128xf32, #tpu.memory_space<vmem_shared>> -> memref<624x128xf32, #tpu.memory_space<vmem_shared>>
      %dma_wait3A_82 = arith.constant 0 : i32
      %dma_wait3A_83 = tpu.memref_slice %arg4[%mul3A_4, %dma_wait3A_82] : memref<10000x128xf32, #tpu.memory_space<hbm>> -> memref<624x128xf32, #tpu.memory_space<hbm>>
      tpu.wait_dma2 semaphore(%run_scoped3A_75 : memref<!tpu.dma_semaphore, #tpu.memory_space<semaphore_mem>>) src(%dma_wait3A_83 : memref<624x128xf32, #tpu.memory_space<hbm>>) dst(%dma_wait3A_81 : memref<624x128xf32, #tpu.memory_space<vmem_shared>>)
      tpu.yield
    }) : () -> ()
    %eq3A = arith.constant 0 : i32
    %eq3A_7 = arith.cmpi eq, %arg1, %eq3A : i32
    %convert_element_type3A = arith.extui %eq3A_7 : i1 to i32
    %cond3A = arith.constant 0 : i32
    %cond3A_8 = arith.cmpi ne, %convert_element_type3A, %cond3A : i32
    scf.if %cond3A_8 {
      "tpu.region"() ({
        %run_scoped3A_75 = tpu.sem_alloc : memref<!tpu.dma_semaphore, #tpu.memory_space<semaphore_mem>>
        %dma_start3A_76 = arith.constant 9984 : i32
        %dma_start3A_77 = arith.constant 0 : i32
        %dma_start3A_78 = tpu.memref_slice %arg8[%dma_start3A_76, %dma_start3A_77] : memref<10000x128xf32, #tpu.memory_space<vmem_shared>> -> memref<16x128xf32, #tpu.memory_space<vmem_shared>>
        %dma_start3A_79 = arith.constant 9984 : i32
        %dma_start3A_80 = arith.constant 0 : i32
        %dma_start3A_81 = tpu.memref_slice %arg4[%dma_start3A_79, %dma_start3A_80] : memref<10000x128xf32, #tpu.memory_space<hbm>> -> memref<16x128xf32, #tpu.memory_space<hbm>>
        tpu.enqueue_dma source(%dma_start3A_81 : memref<16x128xf32, #tpu.memory_space<hbm>>) target(%dma_start3A_78 : memref<16x128xf32, #tpu.memory_space<vmem_shared>>) target_semaphore(%run_scoped3A_75 : memref<!tpu.dma_semaphore, #tpu.memory_space<semaphore_mem>>)
        %dma_wait3A_82 = arith.constant 9984 : i32
        %dma_wait3A_83 = arith.constant 0 : i32
        %dma_wait3A_84 = tpu.memref_slice %arg8[%dma_wait3A_82, %dma_wait3A_83] : memref<10000x128xf32, #tpu.memory_space<vmem_shared>> -> memref<16x128xf32, #tpu.memory_space<vmem_shared>>
        %dma_wait3A_85 = arith.constant 9984 : i32
        %dma_wait3A_86 = arith.constant 0 : i32
        %dma_wait3A_87 = tpu.memref_slice %arg4[%dma_wait3A_85, %dma_wait3A_86] : memref<10000x128xf32, #tpu.memory_space<hbm>> -> memref<16x128xf32, #tpu.memory_space<hbm>>
        tpu.wait_dma2 semaphore(%run_scoped3A_75 : memref<!tpu.dma_semaphore, #tpu.memory_space<semaphore_mem>>) src(%dma_wait3A_87 : memref<16x128xf32, #tpu.memory_space<hbm>>) dst(%dma_wait3A_84 : memref<16x128xf32, #tpu.memory_space<vmem_shared>>)
        tpu.yield
      }) : () -> ()
    } else {
    }
    %barrier3A = arith.constant 0 : index
    tpu.barrier barrier_id(%barrier3A)
    %add3A_9 = arith.constant 0 : i32
    %add3A_10 = arith.addi %mul3A_2, %add3A_9 : i32
    %add3A_11 = arith.constant 160000 : i32
    %add3A_12 = arith.addi %add3A_11, %add3A_10 : i32
    %dma_start3A = arith.constant 0 : i32
    %dma_start3A_13 = arith.constant 0 : i32
    %dma_start3A_14 = tpu.memref_slice %arg6[%dma_start3A, %dma_start3A_13] : memref<2x40xi32, #tpu.memory_space<vmem>> -> memref<1x40xi32, #tpu.memory_space<vmem>>
    %dma_start3A_15 = tpu.memref_squeeze %dma_start3A_14 : memref<1x40xi32, #tpu.memory_space<vmem>> -> memref<40xi32, #tpu.memory_space<vmem>>
    %dma_start3A_16 = tpu.memref_slice %arg3[%add3A_12] : memref<320000xi32, #tpu.memory_space<hbm>> -> memref<40xi32, #tpu.memory_space<hbm>>
    %dma_start3A_17 = arith.constant 0 : i32
    %dma_start3A_18 = tpu.memref_slice %arg6[%dma_start3A, %dma_start3A_17] : memref<2x40xi32, #tpu.memory_space<vmem>> -> memref<1x40xi32, #tpu.memory_space<vmem>>
    %dma_start3A_19 = tpu.memref_squeeze %dma_start3A_18 : memref<1x40xi32, #tpu.memory_space<vmem>> -> memref<40xi32, #tpu.memory_space<vmem>>
    %dma_start3A_20 = tpu.memref_slice %arg3[%add3A_12] : memref<320000xi32, #tpu.memory_space<hbm>> -> memref<40xi32, #tpu.memory_space<hbm>>
    tpu.enqueue_dma source(%dma_start3A_20 : memref<40xi32, #tpu.memory_space<hbm>>) target(%dma_start3A_19 : memref<40xi32, #tpu.memory_space<vmem>>) target_semaphore(%arg9 : memref<!tpu.dma_semaphore, #tpu.memory_space<semaphore_mem>>)
    %dma_start3A_21 = arith.constant 0 : i32
    %dma_start3A_22 = arith.constant 0 : i32
    %dma_start3A_23 = arith.constant 0 : i32
    %dma_start3A_24 = tpu.memref_slice %arg7[%dma_start3A_21, %dma_start3A_22, %dma_start3A_23] : memref<2x40x128xf32, #tpu.memory_space<vmem>> -> memref<1x40x128xf32, #tpu.memory_space<vmem>>
    %dma_start3A_25 = tpu.memref_squeeze %dma_start3A_24 : memref<1x40x128xf32, #tpu.memory_space<vmem>> -> memref<40x128xf32, #tpu.memory_space<vmem>>
    %dma_start3A_26 = arith.constant 0 : i32
    %dma_start3A_27 = tpu.memref_slice %arg2[%add3A_10, %dma_start3A_26] : memref<160000x128xf32, #tpu.memory_space<hbm>> -> memref<40x128xf32, #tpu.memory_space<hbm>>
    %dma_start3A_28 = arith.constant 0 : i32
    %dma_start3A_29 = arith.constant 0 : i32
    %dma_start3A_30 = tpu.memref_slice %arg7[%dma_start3A_21, %dma_start3A_28, %dma_start3A_29] : memref<2x40x128xf32, #tpu.memory_space<vmem>> -> memref<1x40x128xf32, #tpu.memory_space<vmem>>
    %dma_start3A_31 = tpu.memref_squeeze %dma_start3A_30 : memref<1x40x128xf32, #tpu.memory_space<vmem>> -> memref<40x128xf32, #tpu.memory_space<vmem>>
    %dma_start3A_32 = arith.constant 0 : i32
    %dma_start3A_33 = tpu.memref_slice %arg2[%add3A_10, %dma_start3A_32] : memref<160000x128xf32, #tpu.memory_space<hbm>> -> memref<40x128xf32, #tpu.memory_space<hbm>>
    tpu.enqueue_dma source(%dma_start3A_33 : memref<40x128xf32, #tpu.memory_space<hbm>>) target(%dma_start3A_31 : memref<40x128xf32, #tpu.memory_space<vmem>>) target_semaphore(%arg10 : memref<!tpu.dma_semaphore, #tpu.memory_space<semaphore_mem>>)
    %scan3A = arith.constant 0 : i32
    %scan3A_34 = arith.constant 0 : i32
    %scan3A_35 = arith.constant 62 : i32
    %scan3A_36 = arith.addi %scan3A_34, %scan3A_35 : i32
    %scan3A_37 = arith.constant 1 : i32
    scf.for %scan3A_75 = %scan3A_34 to %scan3A_36 step %scan3A_37  : i32 {
      %mul3A_76 = arith.constant 2 : i32
      %mul3A_77 = arith.muli %mul3A_76, %scan3A_75 : i32
      %add3A_78 = arith.constant 1 : i32
      %add3A_79 = arith.addi %mul3A_77, %add3A_78 : i32
      %mul3A_80 = arith.constant 40 : i32
      %mul3A_81 = arith.muli %add3A_79, %mul3A_80 : i32
      %add3A_82 = arith.addi %mul3A_2, %mul3A_81 : i32
      %add3A_83 = arith.constant 160000 : i32
      %add3A_84 = arith.addi %add3A_83, %add3A_82 : i32
      %dma_start3A_85 = arith.constant 1 : i32
      %dma_start3A_86 = arith.constant 0 : i32
      %dma_start3A_87 = tpu.memref_slice %arg6[%dma_start3A_85, %dma_start3A_86] : memref<2x40xi32, #tpu.memory_space<vmem>> -> memref<1x40xi32, #tpu.memory_space<vmem>>
      %dma_start3A_88 = tpu.memref_squeeze %dma_start3A_87 : memref<1x40xi32, #tpu.memory_space<vmem>> -> memref<40xi32, #tpu.memory_space<vmem>>
      %dma_start3A_89 = tpu.memref_slice %arg3[%add3A_84] : memref<320000xi32, #tpu.memory_space<hbm>> -> memref<40xi32, #tpu.memory_space<hbm>>
      %dma_start3A_90 = arith.constant 0 : i32
      %dma_start3A_91 = tpu.memref_slice %arg6[%dma_start3A_85, %dma_start3A_90] : memref<2x40xi32, #tpu.memory_space<vmem>> -> memref<1x40xi32, #tpu.memory_space<vmem>>
      %dma_start3A_92 = tpu.memref_squeeze %dma_start3A_91 : memref<1x40xi32, #tpu.memory_space<vmem>> -> memref<40xi32, #tpu.memory_space<vmem>>
      %dma_start3A_93 = tpu.memref_slice %arg3[%add3A_84] : memref<320000xi32, #tpu.memory_space<hbm>> -> memref<40xi32, #tpu.memory_space<hbm>>
      tpu.enqueue_dma source(%dma_start3A_93 : memref<40xi32, #tpu.memory_space<hbm>>) target(%dma_start3A_92 : memref<40xi32, #tpu.memory_space<vmem>>) target_semaphore(%arg9 : memref<!tpu.dma_semaphore, #tpu.memory_space<semaphore_mem>>)
      %dma_start3A_94 = arith.constant 1 : i32
      %dma_start3A_95 = arith.constant 0 : i32
      %dma_start3A_96 = arith.constant 0 : i32
      %dma_start3A_97 = tpu.memref_slice %arg7[%dma_start3A_94, %dma_start3A_95, %dma_start3A_96] : memref<2x40x128xf32, #tpu.memory_space<vmem>> -> memref<1x40x128xf32, #tpu.memory_space<vmem>>
      %dma_start3A_98 = tpu.memref_squeeze %dma_start3A_97 : memref<1x40x128xf32, #tpu.memory_space<vmem>> -> memref<40x128xf32, #tpu.memory_space<vmem>>
      %dma_start3A_99 = arith.constant 0 : i32
      %dma_start3A_100 = tpu.memref_slice %arg2[%add3A_82, %dma_start3A_99] : memref<160000x128xf32, #tpu.memory_space<hbm>> -> memref<40x128xf32, #tpu.memory_space<hbm>>
      %dma_start3A_101 = arith.constant 0 : i32
      %dma_start3A_102 = arith.constant 0 : i32
      %dma_start3A_103 = tpu.memref_slice %arg7[%dma_start3A_94, %dma_start3A_101, %dma_start3A_102] : memref<2x40x128xf32, #tpu.memory_space<vmem>> -> memref<1x40x128xf32, #tpu.memory_space<vmem>>
      %dma_start3A_104 = tpu.memref_squeeze %dma_start3A_103 : memref<1x40x128xf32, #tpu.memory_space<vmem>> -> memref<40x128xf32, #tpu.memory_space<vmem>>
      %dma_start3A_105 = arith.constant 0 : i32
      %dma_start3A_106 = tpu.memref_slice %arg2[%add3A_82, %dma_start3A_105] : memref<160000x128xf32, #tpu.memory_space<hbm>> -> memref<40x128xf32, #tpu.memory_space<hbm>>
      tpu.enqueue_dma source(%dma_start3A_106 : memref<40x128xf32, #tpu.memory_space<hbm>>) target(%dma_start3A_104 : memref<40x128xf32, #tpu.memory_space<vmem>>) target_semaphore(%arg10 : memref<!tpu.dma_semaphore, #tpu.memory_space<semaphore_mem>>)
      %dma_wait3A_107 = arith.constant 0 : i32
      %dma_wait3A_108 = arith.constant 0 : i32
      %dma_wait3A_109 = tpu.memref_slice %arg6[%dma_wait3A_107, %dma_wait3A_108] : memref<2x40xi32, #tpu.memory_space<vmem>> -> memref<1x40xi32, #tpu.memory_space<vmem>>
      %dma_wait3A_110 = tpu.memref_squeeze %dma_wait3A_109 : memref<1x40xi32, #tpu.memory_space<vmem>> -> memref<40xi32, #tpu.memory_space<vmem>>
      %dma_wait3A_111 = arith.constant 0 : i32
      %dma_wait3A_112 = tpu.memref_slice %arg3[%dma_wait3A_111] : memref<320000xi32, #tpu.memory_space<hbm>> -> memref<40xi32, #tpu.memory_space<hbm>>
      %dma_wait3A_113 = arith.constant 0 : i32
      %dma_wait3A_114 = tpu.memref_slice %arg6[%dma_wait3A_107, %dma_wait3A_113] : memref<2x40xi32, #tpu.memory_space<vmem>> -> memref<1x40xi32, #tpu.memory_space<vmem>>
      %dma_wait3A_115 = tpu.memref_squeeze %dma_wait3A_114 : memref<1x40xi32, #tpu.memory_space<vmem>> -> memref<40xi32, #tpu.memory_space<vmem>>
      %dma_wait3A_116 = arith.constant 0 : i32
      %dma_wait3A_117 = tpu.memref_slice %arg3[%dma_wait3A_116] : memref<320000xi32, #tpu.memory_space<hbm>> -> memref<40xi32, #tpu.memory_space<hbm>>
      tpu.wait_dma2 semaphore(%arg9 : memref<!tpu.dma_semaphore, #tpu.memory_space<semaphore_mem>>) src(%dma_wait3A_117 : memref<40xi32, #tpu.memory_space<hbm>>) dst(%dma_wait3A_115 : memref<40xi32, #tpu.memory_space<vmem>>)
      %dma_wait3A_118 = arith.constant 0 : i32
      %dma_wait3A_119 = arith.constant 0 : i32
      %dma_wait3A_120 = arith.constant 0 : i32
      %dma_wait3A_121 = tpu.memref_slice %arg7[%dma_wait3A_118, %dma_wait3A_119, %dma_wait3A_120] : memref<2x40x128xf32, #tpu.memory_space<vmem>> -> memref<1x40x128xf32, #tpu.memory_space<vmem>>
      %dma_wait3A_122 = tpu.memref_squeeze %dma_wait3A_121 : memref<1x40x128xf32, #tpu.memory_space<vmem>> -> memref<40x128xf32, #tpu.memory_space<vmem>>
      %dma_wait3A_123 = arith.constant 0 : i32
      %dma_wait3A_124 = arith.constant 0 : i32
      %dma_wait3A_125 = tpu.memref_slice %arg2[%dma_wait3A_123, %dma_wait3A_124] : memref<160000x128xf32, #tpu.memory_space<hbm>> -> memref<40x128xf32, #tpu.memory_space<hbm>>
      %dma_wait3A_126 = arith.constant 0 : i32
      %dma_wait3A_127 = arith.constant 0 : i32
      %dma_wait3A_128 = tpu.memref_slice %arg7[%dma_wait3A_118, %dma_wait3A_126, %dma_wait3A_127] : memref<2x40x128xf32, #tpu.memory_space<vmem>> -> memref<1x40x128xf32, #tpu.memory_space<vmem>>
      %dma_wait3A_129 = tpu.memref_squeeze %dma_wait3A_128 : memref<1x40x128xf32, #tpu.memory_space<vmem>> -> memref<40x128xf32, #tpu.memory_space<vmem>>
      %dma_wait3A_130 = arith.constant 0 : i32
      %dma_wait3A_131 = arith.constant 0 : i32
      %dma_wait3A_132 = tpu.memref_slice %arg2[%dma_wait3A_130, %dma_wait3A_131] : memref<160000x128xf32, #tpu.memory_space<hbm>> -> memref<40x128xf32, #tpu.memory_space<hbm>>
      tpu.wait_dma2 semaphore(%arg10 : memref<!tpu.dma_semaphore, #tpu.memory_space<semaphore_mem>>) src(%dma_wait3A_132 : memref<40x128xf32, #tpu.memory_space<hbm>>) dst(%dma_wait3A_129 : memref<40x128xf32, #tpu.memory_space<vmem>>)
      %run_scoped3A_133 = arith.constant 0 : i32
      %run_scoped3A_134 = arith.constant 0 : i32
      "tpu.region"() ({
        %run_scoped3A_169 = tpu.sem_alloc : memref<!tpu.dma_semaphore, #tpu.memory_space<semaphore_mem>>
        %dma_start3A_170 = arith.constant 0 : i32
        %dma_start3A_171 = arith.constant 0 : i32
        %dma_start3A_172 = tpu.memref_slice %arg7[%run_scoped3A_133, %dma_start3A_170, %dma_start3A_171] : memref<2x40x128xf32, #tpu.memory_space<vmem>> -> memref<1x40x128xf32, #tpu.memory_space<vmem>>
        %dma_start3A_173 = tpu.memref_squeeze %dma_start3A_172 : memref<1x40x128xf32, #tpu.memory_space<vmem>> -> memref<40x128xf32, #tpu.memory_space<vmem>>
        %dma_start3A_174 = arith.constant 0 : i32
        %dma_start3A_175 = tpu.memref_slice %arg6[%run_scoped3A_134, %dma_start3A_174] : memref<2x40xi32, #tpu.memory_space<vmem>> -> memref<1x40xi32, #tpu.memory_space<vmem>>
        %dma_start3A_176 = tpu.memref_squeeze %dma_start3A_175 : memref<1x40xi32, #tpu.memory_space<vmem>> -> memref<40xi32, #tpu.memory_space<vmem>>
        %dma_start3A_177 = arith.constant 0 : i32
        %dma_start3A_178 = arith.constant 0 : i32
        %dma_start3A_179 = tpu.memref_slice %arg8[%dma_start3A_177, %dma_start3A_178] : memref<10000x128xf32, #tpu.memory_space<vmem_shared>> -> memref<10000x128xf32, #tpu.memory_space<vmem_shared>>
        tpu.enqueue_indirect_dma source(%dma_start3A_173 : memref<40x128xf32, #tpu.memory_space<vmem>>) target(%dma_start3A_179 : memref<10000x128xf32, #tpu.memory_space<vmem_shared>>) offsets(%dma_start3A_176 : memref<40xi32, #tpu.memory_space<vmem>>) semaphore(%run_scoped3A_169 : memref<!tpu.dma_semaphore, #tpu.memory_space<semaphore_mem>>) {add = true}
        %dma_wait3A_180 = arith.constant 0 : i32
        %dma_wait3A_181 = arith.constant 0 : i32
        %dma_wait3A_182 = tpu.memref_slice %arg7[%run_scoped3A_133, %dma_wait3A_180, %dma_wait3A_181] : memref<2x40x128xf32, #tpu.memory_space<vmem>> -> memref<1x40x128xf32, #tpu.memory_space<vmem>>
        %dma_wait3A_183 = tpu.memref_squeeze %dma_wait3A_182 : memref<1x40x128xf32, #tpu.memory_space<vmem>> -> memref<40x128xf32, #tpu.memory_space<vmem>>
        %dma_wait3A_184 = arith.constant 0 : i32
        %dma_wait3A_185 = tpu.memref_slice %arg6[%run_scoped3A_134, %dma_wait3A_184] : memref<2x40xi32, #tpu.memory_space<vmem>> -> memref<1x40xi32, #tpu.memory_space<vmem>>
        %dma_wait3A_186 = tpu.memref_squeeze %dma_wait3A_185 : memref<1x40xi32, #tpu.memory_space<vmem>> -> memref<40xi32, #tpu.memory_space<vmem>>
        %dma_wait3A_187 = arith.constant 0 : i32
        %dma_wait3A_188 = arith.constant 0 : i32
        %dma_wait3A_189 = tpu.memref_slice %arg8[%dma_wait3A_187, %dma_wait3A_188] : memref<10000x128xf32, #tpu.memory_space<vmem_shared>> -> memref<10000x128xf32, #tpu.memory_space<vmem_shared>>
        tpu.wait_indirect_dma semaphore(%run_scoped3A_169 : memref<!tpu.dma_semaphore, #tpu.memory_space<semaphore_mem>>) src(%dma_wait3A_183 : memref<40x128xf32, #tpu.memory_space<vmem>>) dst(%dma_wait3A_189 : memref<10000x128xf32, #tpu.memory_space<vmem_shared>>)
        tpu.yield
      }) : () -> ()
      %add3A_135 = arith.constant 2 : i32
      %add3A_136 = arith.addi %mul3A_77, %add3A_135 : i32
      %lt3A = arith.constant 125 : i32
      %lt3A_137 = arith.cmpi slt, %add3A_136, %lt3A : i32
      %convert_element_type3A_138 = arith.extui %lt3A_137 : i1 to i32
      %cond3A_139 = arith.constant 0 : i32
      %cond3A_140 = arith.cmpi ne, %convert_element_type3A_138, %cond3A_139 : i32
      scf.if %cond3A_140 {
        %add3A_169 = arith.constant 2 : i32
        %add3A_170 = arith.addi %mul3A_77, %add3A_169 : i32
        %mul3A_171 = arith.constant 40 : i32
        %mul3A_172 = arith.muli %add3A_170, %mul3A_171 : i32
        %add3A_173 = arith.addi %mul3A_2, %mul3A_172 : i32
        %add3A_174 = arith.constant 160000 : i32
        %add3A_175 = arith.addi %add3A_174, %add3A_173 : i32
        %dma_start3A_176 = arith.constant 0 : i32
        %dma_start3A_177 = arith.constant 0 : i32
        %dma_start3A_178 = tpu.memref_slice %arg6[%dma_start3A_176, %dma_start3A_177] : memref<2x40xi32, #tpu.memory_space<vmem>> -> memref<1x40xi32, #tpu.memory_space<vmem>>
        %dma_start3A_179 = tpu.memref_squeeze %dma_start3A_178 : memref<1x40xi32, #tpu.memory_space<vmem>> -> memref<40xi32, #tpu.memory_space<vmem>>
        %dma_start3A_180 = tpu.memref_slice %arg3[%add3A_175] : memref<320000xi32, #tpu.memory_space<hbm>> -> memref<40xi32, #tpu.memory_space<hbm>>
        %dma_start3A_181 = arith.constant 0 : i32
        %dma_start3A_182 = tpu.memref_slice %arg6[%dma_start3A_176, %dma_start3A_181] : memref<2x40xi32, #tpu.memory_space<vmem>> -> memref<1x40xi32, #tpu.memory_space<vmem>>
        %dma_start3A_183 = tpu.memref_squeeze %dma_start3A_182 : memref<1x40xi32, #tpu.memory_space<vmem>> -> memref<40xi32, #tpu.memory_space<vmem>>
        %dma_start3A_184 = tpu.memref_slice %arg3[%add3A_175] : memref<320000xi32, #tpu.memory_space<hbm>> -> memref<40xi32, #tpu.memory_space<hbm>>
        tpu.enqueue_dma source(%dma_start3A_184 : memref<40xi32, #tpu.memory_space<hbm>>) target(%dma_start3A_183 : memref<40xi32, #tpu.memory_space<vmem>>) target_semaphore(%arg9 : memref<!tpu.dma_semaphore, #tpu.memory_space<semaphore_mem>>)
        %dma_start3A_185 = arith.constant 0 : i32
        %dma_start3A_186 = arith.constant 0 : i32
        %dma_start3A_187 = arith.constant 0 : i32
        %dma_start3A_188 = tpu.memref_slice %arg7[%dma_start3A_185, %dma_start3A_186, %dma_start3A_187] : memref<2x40x128xf32, #tpu.memory_space<vmem>> -> memref<1x40x128xf32, #tpu.memory_space<vmem>>
        %dma_start3A_189 = tpu.memref_squeeze %dma_start3A_188 : memref<1x40x128xf32, #tpu.memory_space<vmem>> -> memref<40x128xf32, #tpu.memory_space<vmem>>
        %dma_start3A_190 = arith.constant 0 : i32
        %dma_start3A_191 = tpu.memref_slice %arg2[%add3A_173, %dma_start3A_190] : memref<160000x128xf32, #tpu.memory_space<hbm>> -> memref<40x128xf32, #tpu.memory_space<hbm>>
        %dma_start3A_192 = arith.constant 0 : i32
        %dma_start3A_193 = arith.constant 0 : i32
        %dma_start3A_194 = tpu.memref_slice %arg7[%dma_start3A_185, %dma_start3A_192, %dma_start3A_193] : memref<2x40x128xf32, #tpu.memory_space<vmem>> -> memref<1x40x128xf32, #tpu.memory_space<vmem>>
        %dma_start3A_195 = tpu.memref_squeeze %dma_start3A_194 : memref<1x40x128xf32, #tpu.memory_space<vmem>> -> memref<40x128xf32, #tpu.memory_space<vmem>>
        %dma_start3A_196 = arith.constant 0 : i32
        %dma_start3A_197 = tpu.memref_slice %arg2[%add3A_173, %dma_start3A_196] : memref<160000x128xf32, #tpu.memory_space<hbm>> -> memref<40x128xf32, #tpu.memory_space<hbm>>
        tpu.enqueue_dma source(%dma_start3A_197 : memref<40x128xf32, #tpu.memory_space<hbm>>) target(%dma_start3A_195 : memref<40x128xf32, #tpu.memory_space<vmem>>) target_semaphore(%arg10 : memref<!tpu.dma_semaphore, #tpu.memory_space<semaphore_mem>>)
      } else {
      }
      %dma_wait3A_141 = arith.constant 1 : i32
      %dma_wait3A_142 = arith.constant 0 : i32
      %dma_wait3A_143 = tpu.memref_slice %arg6[%dma_wait3A_141, %dma_wait3A_142] : memref<2x40xi32, #tpu.memory_space<vmem>> -> memref<1x40xi32, #tpu.memory_space<vmem>>
      %dma_wait3A_144 = tpu.memref_squeeze %dma_wait3A_143 : memref<1x40xi32, #tpu.memory_space<vmem>> -> memref<40xi32, #tpu.memory_space<vmem>>
      %dma_wait3A_145 = arith.constant 0 : i32
      %dma_wait3A_146 = tpu.memref_slice %arg3[%dma_wait3A_145] : memref<320000xi32, #tpu.memory_space<hbm>> -> memref<40xi32, #tpu.memory_space<hbm>>
      %dma_wait3A_147 = arith.constant 0 : i32
      %dma_wait3A_148 = tpu.memref_slice %arg6[%dma_wait3A_141, %dma_wait3A_147] : memref<2x40xi32, #tpu.memory_space<vmem>> -> memref<1x40xi32, #tpu.memory_space<vmem>>
      %dma_wait3A_149 = tpu.memref_squeeze %dma_wait3A_148 : memref<1x40xi32, #tpu.memory_space<vmem>> -> memref<40xi32, #tpu.memory_space<vmem>>
      %dma_wait3A_150 = arith.constant 0 : i32
      %dma_wait3A_151 = tpu.memref_slice %arg3[%dma_wait3A_150] : memref<320000xi32, #tpu.memory_space<hbm>> -> memref<40xi32, #tpu.memory_space<hbm>>
      tpu.wait_dma2 semaphore(%arg9 : memref<!tpu.dma_semaphore, #tpu.memory_space<semaphore_mem>>) src(%dma_wait3A_151 : memref<40xi32, #tpu.memory_space<hbm>>) dst(%dma_wait3A_149 : memref<40xi32, #tpu.memory_space<vmem>>)
      %dma_wait3A_152 = arith.constant 1 : i32
      %dma_wait3A_153 = arith.constant 0 : i32
      %dma_wait3A_154 = arith.constant 0 : i32
      %dma_wait3A_155 = tpu.memref_slice %arg7[%dma_wait3A_152, %dma_wait3A_153, %dma_wait3A_154] : memref<2x40x128xf32, #tpu.memory_space<vmem>> -> memref<1x40x128xf32, #tpu.memory_space<vmem>>
      %dma_wait3A_156 = tpu.memref_squeeze %dma_wait3A_155 : memref<1x40x128xf32, #tpu.memory_space<vmem>> -> memref<40x128xf32, #tpu.memory_space<vmem>>
      %dma_wait3A_157 = arith.constant 0 : i32
      %dma_wait3A_158 = arith.constant 0 : i32
      %dma_wait3A_159 = tpu.memref_slice %arg2[%dma_wait3A_157, %dma_wait3A_158] : memref<160000x128xf32, #tpu.memory_space<hbm>> -> memref<40x128xf32, #tpu.memory_space<hbm>>
      %dma_wait3A_160 = arith.constant 0 : i32
      %dma_wait3A_161 = arith.constant 0 : i32
      %dma_wait3A_162 = tpu.memref_slice %arg7[%dma_wait3A_152, %dma_wait3A_160, %dma_wait3A_161] : memref<2x40x128xf32, #tpu.memory_space<vmem>> -> memref<1x40x128xf32, #tpu.memory_space<vmem>>
      %dma_wait3A_163 = tpu.memref_squeeze %dma_wait3A_162 : memref<1x40x128xf32, #tpu.memory_space<vmem>> -> memref<40x128xf32, #tpu.memory_space<vmem>>
      %dma_wait3A_164 = arith.constant 0 : i32
      %dma_wait3A_165 = arith.constant 0 : i32
      %dma_wait3A_166 = tpu.memref_slice %arg2[%dma_wait3A_164, %dma_wait3A_165] : memref<160000x128xf32, #tpu.memory_space<hbm>> -> memref<40x128xf32, #tpu.memory_space<hbm>>
      tpu.wait_dma2 semaphore(%arg10 : memref<!tpu.dma_semaphore, #tpu.memory_space<semaphore_mem>>) src(%dma_wait3A_166 : memref<40x128xf32, #tpu.memory_space<hbm>>) dst(%dma_wait3A_163 : memref<40x128xf32, #tpu.memory_space<vmem>>)
      %run_scoped3A_167 = arith.constant 1 : i32
      %run_scoped3A_168 = arith.constant 1 : i32
      "tpu.region"() ({
        %run_scoped3A_169 = tpu.sem_alloc : memref<!tpu.dma_semaphore, #tpu.memory_space<semaphore_mem>>
        %dma_start3A_170 = arith.constant 0 : i32
        %dma_start3A_171 = arith.constant 0 : i32
        %dma_start3A_172 = tpu.memref_slice %arg7[%run_scoped3A_167, %dma_start3A_170, %dma_start3A_171] : memref<2x40x128xf32, #tpu.memory_space<vmem>> -> memref<1x40x128xf32, #tpu.memory_space<vmem>>
        %dma_start3A_173 = tpu.memref_squeeze %dma_start3A_172 : memref<1x40x128xf32, #tpu.memory_space<vmem>> -> memref<40x128xf32, #tpu.memory_space<vmem>>
        %dma_start3A_174 = arith.constant 0 : i32
        %dma_start3A_175 = tpu.memref_slice %arg6[%run_scoped3A_168, %dma_start3A_174] : memref<2x40xi32, #tpu.memory_space<vmem>> -> memref<1x40xi32, #tpu.memory_space<vmem>>
        %dma_start3A_176 = tpu.memref_squeeze %dma_start3A_175 : memref<1x40xi32, #tpu.memory_space<vmem>> -> memref<40xi32, #tpu.memory_space<vmem>>
        %dma_start3A_177 = arith.constant 0 : i32
        %dma_start3A_178 = arith.constant 0 : i32
        %dma_start3A_179 = tpu.memref_slice %arg8[%dma_start3A_177, %dma_start3A_178] : memref<10000x128xf32, #tpu.memory_space<vmem_shared>> -> memref<10000x128xf32, #tpu.memory_space<vmem_shared>>
        tpu.enqueue_indirect_dma source(%dma_start3A_173 : memref<40x128xf32, #tpu.memory_space<vmem>>) target(%dma_start3A_179 : memref<10000x128xf32, #tpu.memory_space<vmem_shared>>) offsets(%dma_start3A_176 : memref<40xi32, #tpu.memory_space<vmem>>) semaphore(%run_scoped3A_169 : memref<!tpu.dma_semaphore, #tpu.memory_space<semaphore_mem>>) {add = true}
        %dma_wait3A_180 = arith.constant 0 : i32
        %dma_wait3A_181 = arith.constant 0 : i32
        %dma_wait3A_182 = tpu.memref_slice %arg7[%run_scoped3A_167, %dma_wait3A_180, %dma_wait3A_181] : memref<2x40x128xf32, #tpu.memory_space<vmem>> -> memref<1x40x128xf32, #tpu.memory_space<vmem>>
        %dma_wait3A_183 = tpu.memref_squeeze %dma_wait3A_182 : memref<1x40x128xf32, #tpu.memory_space<vmem>> -> memref<40x128xf32, #tpu.memory_space<vmem>>
        %dma_wait3A_184 = arith.constant 0 : i32
        %dma_wait3A_185 = tpu.memref_slice %arg6[%run_scoped3A_168, %dma_wait3A_184] : memref<2x40xi32, #tpu.memory_space<vmem>> -> memref<1x40xi32, #tpu.memory_space<vmem>>
        %dma_wait3A_186 = tpu.memref_squeeze %dma_wait3A_185 : memref<1x40xi32, #tpu.memory_space<vmem>> -> memref<40xi32, #tpu.memory_space<vmem>>
        %dma_wait3A_187 = arith.constant 0 : i32
        %dma_wait3A_188 = arith.constant 0 : i32
        %dma_wait3A_189 = tpu.memref_slice %arg8[%dma_wait3A_187, %dma_wait3A_188] : memref<10000x128xf32, #tpu.memory_space<vmem_shared>> -> memref<10000x128xf32, #tpu.memory_space<vmem_shared>>
        tpu.wait_indirect_dma semaphore(%run_scoped3A_169 : memref<!tpu.dma_semaphore, #tpu.memory_space<semaphore_mem>>) src(%dma_wait3A_183 : memref<40x128xf32, #tpu.memory_space<vmem>>) dst(%dma_wait3A_189 : memref<10000x128xf32, #tpu.memory_space<vmem_shared>>)
        tpu.yield
      }) : () -> ()
    }
    %scan3A_38 = arith.constant 62 : i32
    %dma_wait3A = arith.constant 0 : i32
    %dma_wait3A_39 = arith.constant 0 : i32
    %dma_wait3A_40 = tpu.memref_slice %arg6[%dma_wait3A, %dma_wait3A_39] : memref<2x40xi32, #tpu.memory_space<vmem>> -> memref<1x40xi32, #tpu.memory_space<vmem>>
    %dma_wait3A_41 = tpu.memref_squeeze %dma_wait3A_40 : memref<1x40xi32, #tpu.memory_space<vmem>> -> memref<40xi32, #tpu.memory_space<vmem>>
    %dma_wait3A_42 = arith.constant 0 : i32
    %dma_wait3A_43 = tpu.memref_slice %arg3[%dma_wait3A_42] : memref<320000xi32, #tpu.memory_space<hbm>> -> memref<40xi32, #tpu.memory_space<hbm>>
    %dma_wait3A_44 = arith.constant 0 : i32
    %dma_wait3A_45 = tpu.memref_slice %arg6[%dma_wait3A, %dma_wait3A_44] : memref<2x40xi32, #tpu.memory_space<vmem>> -> memref<1x40xi32, #tpu.memory_space<vmem>>
    %dma_wait3A_46 = tpu.memref_squeeze %dma_wait3A_45 : memref<1x40xi32, #tpu.memory_space<vmem>> -> memref<40xi32, #tpu.memory_space<vmem>>
    %dma_wait3A_47 = arith.constant 0 : i32
    %dma_wait3A_48 = tpu.memref_slice %arg3[%dma_wait3A_47] : memref<320000xi32, #tpu.memory_space<hbm>> -> memref<40xi32, #tpu.memory_space<hbm>>
    tpu.wait_dma2 semaphore(%arg9 : memref<!tpu.dma_semaphore, #tpu.memory_space<semaphore_mem>>) src(%dma_wait3A_48 : memref<40xi32, #tpu.memory_space<hbm>>) dst(%dma_wait3A_46 : memref<40xi32, #tpu.memory_space<vmem>>)
    %dma_wait3A_49 = arith.constant 0 : i32
    %dma_wait3A_50 = arith.constant 0 : i32
    %dma_wait3A_51 = arith.constant 0 : i32
    %dma_wait3A_52 = tpu.memref_slice %arg7[%dma_wait3A_49, %dma_wait3A_50, %dma_wait3A_51] : memref<2x40x128xf32, #tpu.memory_space<vmem>> -> memref<1x40x128xf32, #tpu.memory_space<vmem>>
    %dma_wait3A_53 = tpu.memref_squeeze %dma_wait3A_52 : memref<1x40x128xf32, #tpu.memory_space<vmem>> -> memref<40x128xf32, #tpu.memory_space<vmem>>
    %dma_wait3A_54 = arith.constant 0 : i32
    %dma_wait3A_55 = arith.constant 0 : i32
    %dma_wait3A_56 = tpu.memref_slice %arg2[%dma_wait3A_54, %dma_wait3A_55] : memref<160000x128xf32, #tpu.memory_space<hbm>> -> memref<40x128xf32, #tpu.memory_space<hbm>>
    %dma_wait3A_57 = arith.constant 0 : i32
    %dma_wait3A_58 = arith.constant 0 : i32
    %dma_wait3A_59 = tpu.memref_slice %arg7[%dma_wait3A_49, %dma_wait3A_57, %dma_wait3A_58] : memref<2x40x128xf32, #tpu.memory_space<vmem>> -> memref<1x40x128xf32, #tpu.memory_space<vmem>>
    %dma_wait3A_60 = tpu.memref_squeeze %dma_wait3A_59 : memref<1x40x128xf32, #tpu.memory_space<vmem>> -> memref<40x128xf32, #tpu.memory_space<vmem>>
    %dma_wait3A_61 = arith.constant 0 : i32
    %dma_wait3A_62 = arith.constant 0 : i32
    %dma_wait3A_63 = tpu.memref_slice %arg2[%dma_wait3A_61, %dma_wait3A_62] : memref<160000x128xf32, #tpu.memory_space<hbm>> -> memref<40x128xf32, #tpu.memory_space<hbm>>
    tpu.wait_dma2 semaphore(%arg10 : memref<!tpu.dma_semaphore, #tpu.memory_space<semaphore_mem>>) src(%dma_wait3A_63 : memref<40x128xf32, #tpu.memory_space<hbm>>) dst(%dma_wait3A_60 : memref<40x128xf32, #tpu.memory_space<vmem>>)
    %run_scoped3A = arith.constant 0 : i32
    %run_scoped3A_64 = arith.constant 0 : i32
    "tpu.region"() ({
      %run_scoped3A_75 = tpu.sem_alloc : memref<!tpu.dma_semaphore, #tpu.memory_space<semaphore_mem>>
      %dma_start3A_76 = arith.constant 0 : i32
      %dma_start3A_77 = arith.constant 0 : i32
      %dma_start3A_78 = tpu.memref_slice %arg7[%run_scoped3A, %dma_start3A_76, %dma_start3A_77] : memref<2x40x128xf32, #tpu.memory_space<vmem>> -> memref<1x40x128xf32, #tpu.memory_space<vmem>>
      %dma_start3A_79 = tpu.memref_squeeze %dma_start3A_78 : memref<1x40x128xf32, #tpu.memory_space<vmem>> -> memref<40x128xf32, #tpu.memory_space<vmem>>
      %dma_start3A_80 = arith.constant 0 : i32
      %dma_start3A_81 = tpu.memref_slice %arg6[%run_scoped3A_64, %dma_start3A_80] : memref<2x40xi32, #tpu.memory_space<vmem>> -> memref<1x40xi32, #tpu.memory_space<vmem>>
      %dma_start3A_82 = tpu.memref_squeeze %dma_start3A_81 : memref<1x40xi32, #tpu.memory_space<vmem>> -> memref<40xi32, #tpu.memory_space<vmem>>
      %dma_start3A_83 = arith.constant 0 : i32
      %dma_start3A_84 = arith.constant 0 : i32
      %dma_start3A_85 = tpu.memref_slice %arg8[%dma_start3A_83, %dma_start3A_84] : memref<10000x128xf32, #tpu.memory_space<vmem_shared>> -> memref<10000x128xf32, #tpu.memory_space<vmem_shared>>
      tpu.enqueue_indirect_dma source(%dma_start3A_79 : memref<40x128xf32, #tpu.memory_space<vmem>>) target(%dma_start3A_85 : memref<10000x128xf32, #tpu.memory_space<vmem_shared>>) offsets(%dma_start3A_82 : memref<40xi32, #tpu.memory_space<vmem>>) semaphore(%run_scoped3A_75 : memref<!tpu.dma_semaphore, #tpu.memory_space<semaphore_mem>>) {add = true}
      %dma_wait3A_86 = arith.constant 0 : i32
      %dma_wait3A_87 = arith.constant 0 : i32
      %dma_wait3A_88 = tpu.memref_slice %arg7[%run_scoped3A, %dma_wait3A_86, %dma_wait3A_87] : memref<2x40x128xf32, #tpu.memory_space<vmem>> -> memref<1x40x128xf32, #tpu.memory_space<vmem>>
      %dma_wait3A_89 = tpu.memref_squeeze %dma_wait3A_88 : memref<1x40x128xf32, #tpu.memory_space<vmem>> -> memref<40x128xf32, #tpu.memory_space<vmem>>
      %dma_wait3A_90 = arith.constant 0 : i32
      %dma_wait3A_91 = tpu.memref_slice %arg6[%run_scoped3A_64, %dma_wait3A_90] : memref<2x40xi32, #tpu.memory_space<vmem>> -> memref<1x40xi32, #tpu.memory_space<vmem>>
      %dma_wait3A_92 = tpu.memref_squeeze %dma_wait3A_91 : memref<1x40xi32, #tpu.memory_space<vmem>> -> memref<40xi32, #tpu.memory_space<vmem>>
      %dma_wait3A_93 = arith.constant 0 : i32
      %dma_wait3A_94 = arith.constant 0 : i32
      %dma_wait3A_95 = tpu.memref_slice %arg8[%dma_wait3A_93, %dma_wait3A_94] : memref<10000x128xf32, #tpu.memory_space<vmem_shared>> -> memref<10000x128xf32, #tpu.memory_space<vmem_shared>>
      tpu.wait_indirect_dma semaphore(%run_scoped3A_75 : memref<!tpu.dma_semaphore, #tpu.memory_space<semaphore_mem>>) src(%dma_wait3A_89 : memref<40x128xf32, #tpu.memory_space<vmem>>) dst(%dma_wait3A_95 : memref<10000x128xf32, #tpu.memory_space<vmem_shared>>)
      tpu.yield
    }) : () -> ()
    %barrier3A_65 = arith.constant 0 : index
    tpu.barrier barrier_id(%barrier3A_65)
    %mul3A_66 = arith.constant 624 : i32
    %mul3A_67 = arith.muli %arg1, %mul3A_66 : i32
    %mul3A_68 = arith.constant 624 : i32
    %mul3A_69 = arith.muli %arg1, %mul3A_68 : i32
    "tpu.region"() ({
      %run_scoped3A_75 = tpu.sem_alloc : memref<!tpu.dma_semaphore, #tpu.memory_space<semaphore_mem>>
      %dma_start3A_76 = arith.constant 0 : i32
      %dma_start3A_77 = tpu.memref_slice %arg5[%arg0, %mul3A_69, %dma_start3A_76] : memref<2x10000x128xf32, #tpu.memory_space<hbm>> -> memref<1x624x128xf32, #tpu.memory_space<hbm>>
      %dma_start3A_78 = tpu.memref_squeeze %dma_start3A_77 : memref<1x624x128xf32, #tpu.memory_space<hbm>> -> memref<624x128xf32, #tpu.memory_space<hbm>>
      %dma_start3A_79 = arith.constant 0 : i32
      %dma_start3A_80 = tpu.memref_slice %arg8[%mul3A_67, %dma_start3A_79] : memref<10000x128xf32, #tpu.memory_space<vmem_shared>> -> memref<624x128xf32, #tpu.memory_space<vmem_shared>>
      tpu.enqueue_dma source(%dma_start3A_80 : memref<624x128xf32, #tpu.memory_space<vmem_shared>>) target(%dma_start3A_78 : memref<624x128xf32, #tpu.memory_space<hbm>>) target_semaphore(%run_scoped3A_75 : memref<!tpu.dma_semaphore, #tpu.memory_space<semaphore_mem>>)
      %dma_wait3A_81 = arith.constant 0 : i32
      %dma_wait3A_82 = tpu.memref_slice %arg5[%arg0, %mul3A_69, %dma_wait3A_81] : memref<2x10000x128xf32, #tpu.memory_space<hbm>> -> memref<1x624x128xf32, #tpu.memory_space<hbm>>
      %dma_wait3A_83 = tpu.memref_squeeze %dma_wait3A_82 : memref<1x624x128xf32, #tpu.memory_space<hbm>> -> memref<624x128xf32, #tpu.memory_space<hbm>>
      %dma_wait3A_84 = arith.constant 0 : i32
      %dma_wait3A_85 = tpu.memref_slice %arg8[%mul3A_67, %dma_wait3A_84] : memref<10000x128xf32, #tpu.memory_space<vmem_shared>> -> memref<624x128xf32, #tpu.memory_space<vmem_shared>>
      tpu.wait_dma2 semaphore(%run_scoped3A_75 : memref<!tpu.dma_semaphore, #tpu.memory_space<semaphore_mem>>) src(%dma_wait3A_85 : memref<624x128xf32, #tpu.memory_space<vmem_shared>>) dst(%dma_wait3A_83 : memref<624x128xf32, #tpu.memory_space<hbm>>)
      tpu.yield
    }) : () -> ()
    %eq3A_70 = arith.constant 0 : i32
    %eq3A_71 = arith.cmpi eq, %arg1, %eq3A_70 : i32
    %convert_element_type3A_72 = arith.extui %eq3A_71 : i1 to i32
    %cond3A_73 = arith.constant 0 : i32
    %cond3A_74 = arith.cmpi ne, %convert_element_type3A_72, %cond3A_73 : i32
    scf.if %cond3A_74 {
      "tpu.region"() ({
        %run_scoped3A_75 = tpu.sem_alloc : memref<!tpu.dma_semaphore, #tpu.memory_space<semaphore_mem>>
        %dma_start3A_76 = arith.constant 9984 : i32
        %dma_start3A_77 = arith.constant 0 : i32
        %dma_start3A_78 = tpu.memref_slice %arg5[%arg0, %dma_start3A_76, %dma_start3A_77] : memref<2x10000x128xf32, #tpu.memory_space<hbm>> -> memref<1x16x128xf32, #tpu.memory_space<hbm>>
        %dma_start3A_79 = tpu.memref_squeeze %dma_start3A_78 : memref<1x16x128xf32, #tpu.memory_space<hbm>> -> memref<16x128xf32, #tpu.memory_space<hbm>>
        %dma_start3A_80 = arith.constant 9984 : i32
        %dma_start3A_81 = arith.constant 0 : i32
        %dma_start3A_82 = tpu.memref_slice %arg8[%dma_start3A_80, %dma_start3A_81] : memref<10000x128xf32, #tpu.memory_space<vmem_shared>> -> memref<16x128xf32, #tpu.memory_space<vmem_shared>>
        tpu.enqueue_dma source(%dma_start3A_82 : memref<16x128xf32, #tpu.memory_space<vmem_shared>>) target(%dma_start3A_79 : memref<16x128xf32, #tpu.memory_space<hbm>>) target_semaphore(%run_scoped3A_75 : memref<!tpu.dma_semaphore, #tpu.memory_space<semaphore_mem>>)
        %dma_wait3A_83 = arith.constant 9984 : i32
        %dma_wait3A_84 = arith.constant 0 : i32
        %dma_wait3A_85 = tpu.memref_slice %arg5[%arg0, %dma_wait3A_83, %dma_wait3A_84] : memref<2x10000x128xf32, #tpu.memory_space<hbm>> -> memref<1x16x128xf32, #tpu.memory_space<hbm>>
        %dma_wait3A_86 = tpu.memref_squeeze %dma_wait3A_85 : memref<1x16x128xf32, #tpu.memory_space<hbm>> -> memref<16x128xf32, #tpu.memory_space<hbm>>
        %dma_wait3A_87 = arith.constant 9984 : i32
        %dma_wait3A_88 = arith.constant 0 : i32
        %dma_wait3A_89 = tpu.memref_slice %arg8[%dma_wait3A_87, %dma_wait3A_88] : memref<10000x128xf32, #tpu.memory_space<vmem_shared>> -> memref<16x128xf32, #tpu.memory_space<vmem_shared>>
        tpu.wait_dma2 semaphore(%run_scoped3A_75 : memref<!tpu.dma_semaphore, #tpu.memory_space<semaphore_mem>>) src(%dma_wait3A_89 : memref<16x128xf32, #tpu.memory_space<vmem_shared>>) dst(%dma_wait3A_86 : memref<16x128xf32, #tpu.memory_space<hbm>>)
        tpu.yield
      }) : () -> ()
    } else {
    }
    return
  }
}

module attributes {stable_mosaic.version = 14 : i64} {
  func.func @_edge_mlp_body(%arg0: i32, %arg1: memref<2000x128xf32, #tpu.memory_space<vmem>>, %arg2: memref<2000x128xf32, #tpu.memory_space<vmem>>, %arg3: memref<128x128xf32, #tpu.memory_space<vmem>>, %arg4: memref<128x128xf32, #tpu.memory_space<vmem>>, %arg5: memref<1x128xf32, #tpu.memory_space<vmem>>, %arg6: memref<1x128xf32, #tpu.memory_space<vmem>>, %arg7: memref<1x128xf32, #tpu.memory_space<vmem>>, %arg8: memref<1x128xf32, #tpu.memory_space<vmem>>, %arg9: memref<2000x128xf32, #tpu.memory_space<vmem>>) attributes {dimension_semantics = [#tpu.dimension_semantics<arbitrary>], iteration_bounds = array<i64: 80>, scalar_prefetch = 0 : i64, scratch_operands = 0 : i64, tpu.core_type = #tpu.core_type<tc>, window_params = [{transform_indices = @transform_0, window_bounds = array<i64: 2000, 128>}, {transform_indices = @transform_1, window_bounds = array<i64: 2000, 128>}, {pipeline_mode = #tpu.pipeline_mode<synchronous>, transform_indices = @transform_2, window_bounds = array<i64: 128, 128>}, {pipeline_mode = #tpu.pipeline_mode<synchronous>, transform_indices = @transform_3, window_bounds = array<i64: 128, 128>}, {pipeline_mode = #tpu.pipeline_mode<synchronous>, transform_indices = @transform_4, window_bounds = array<i64: 1, 128>}, {pipeline_mode = #tpu.pipeline_mode<synchronous>, transform_indices = @transform_5, window_bounds = array<i64: 1, 128>}, {pipeline_mode = #tpu.pipeline_mode<synchronous>, transform_indices = @transform_6, window_bounds = array<i64: 1, 128>}, {pipeline_mode = #tpu.pipeline_mode<synchronous>, transform_indices = @transform_7, window_bounds = array<i64: 1, 128>}, {transform_indices = @transform_8, window_bounds = array<i64: 2000, 128>}]} {
    %get3A = arith.constant 0 : index
    %get3A_0 = arith.constant 0 : index
    %get3A_1 = vector.load %arg1[%get3A, %get3A_0] : memref<2000x128xf32, #tpu.memory_space<vmem>>, vector<2000x128xf32>
    %get3A_2 = arith.constant 0 : index
    %get3A_3 = arith.constant 0 : index
    %get3A_4 = vector.load %arg3[%get3A_2, %get3A_3] : memref<128x128xf32, #tpu.memory_space<vmem>>, vector<128x128xf32>
    %dot_general3A = arith.constant dense<0.000000e+00> : vector<2000x128xf32>
    %dot_general3A_5 = tpu.matmul %get3A_1, %get3A_4, %dot_general3A {dimension_numbers = #tpu.dot_dimension_numbers<[1], [0], [0], [1], [0, 0, 1, 1], [], []>, transpose_lhs_hint = false} : vector<2000x128xf32>, vector<128x128xf32>, vector<2000x128xf32> -> vector<2000x128xf32>
    %get3A_6 = arith.constant 0 : index
    %get3A_7 = arith.constant 0 : index
    %get3A_8 = vector.load %arg2[%get3A_6, %get3A_7] : memref<2000x128xf32, #tpu.memory_space<vmem>>, vector<2000x128xf32>
    %add3A = arith.addf %dot_general3A_5, %get3A_8 : vector<2000x128xf32>
    %get3A_9 = arith.constant 0 : index
    %get3A_10 = arith.constant 0 : index
    %get3A_11 = vector.load %arg5[%get3A_9, %get3A_10] : memref<1x128xf32, #tpu.memory_space<vmem>>, vector<1x128xf32>
    %add3A_12 = vector.broadcast %get3A_11 : vector<1x128xf32> to vector<2000x128xf32>
    %add3A_13 = arith.addf %add3A, %add3A_12 : vector<2000x128xf32>
    %logistic3A = arith.negf %add3A_13 : vector<2000x128xf32>
    %logistic3A_14 = math.exp %logistic3A : vector<2000x128xf32>
    %logistic3A_15 = arith.constant 1.000000e+00 : f32
    %logistic3A_16 = vector.broadcast %logistic3A_15 : f32 to vector<2000x128xf32>
    %logistic3A_17 = arith.addf %logistic3A_16, %logistic3A_14 : vector<2000x128xf32>
    %logistic3A_18 = arith.divf %logistic3A_16, %logistic3A_17 : vector<2000x128xf32>
    %mul3A = arith.mulf %add3A_13, %logistic3A_18 : vector<2000x128xf32>
    %get3A_19 = arith.constant 0 : index
    %get3A_20 = arith.constant 0 : index
    %get3A_21 = vector.load %arg4[%get3A_19, %get3A_20] : memref<128x128xf32, #tpu.memory_space<vmem>>, vector<128x128xf32>
    %dot_general3A_22 = arith.constant dense<0.000000e+00> : vector<2000x128xf32>
    %dot_general3A_23 = tpu.matmul %mul3A, %get3A_21, %dot_general3A_22 {dimension_numbers = #tpu.dot_dimension_numbers<[1], [0], [0], [1], [0, 0, 1, 1], [], []>, transpose_lhs_hint = false} : vector<2000x128xf32>, vector<128x128xf32>, vector<2000x128xf32> -> vector<2000x128xf32>
    %get3A_24 = arith.constant 0 : index
    %get3A_25 = arith.constant 0 : index
    %get3A_26 = vector.load %arg6[%get3A_24, %get3A_25] : memref<1x128xf32, #tpu.memory_space<vmem>>, vector<1x128xf32>
    %add3A_27 = vector.broadcast %get3A_26 : vector<1x128xf32> to vector<2000x128xf32>
    %add3A_28 = arith.addf %dot_general3A_23, %add3A_27 : vector<2000x128xf32>
    %get3A_29 = arith.constant 0 : index
    %get3A_30 = arith.constant 0 : index
    %get3A_31 = vector.load %arg7[%get3A_29, %get3A_30] : memref<1x128xf32, #tpu.memory_space<vmem>>, vector<1x128xf32>
    %get3A_32 = arith.constant 0 : index
    %get3A_33 = arith.constant 0 : index
    %get3A_34 = vector.load %arg8[%get3A_32, %get3A_33] : memref<1x128xf32, #tpu.memory_space<vmem>>, vector<1x128xf32>
    %reduce_sum3A = arith.constant dense<0.000000e+00> : vector<2000xf32>
    %reduce_sum3A_35 = vector.multi_reduction <add>, %add3A_28, %reduce_sum3A [1] : vector<2000x128xf32> to vector<2000xf32>
    %broadcast_in_dim3A = vector.shape_cast %reduce_sum3A_35 : vector<2000xf32> to vector<2000x1xf32>
    %div3A = arith.constant 1.280000e+02 : f32
    %div3A_36 = vector.broadcast %div3A : f32 to vector<2000x1xf32>
    %div3A_37 = arith.divf %broadcast_in_dim3A, %div3A_36 : vector<2000x1xf32>
    %sub3A = vector.broadcast %div3A_37 : vector<2000x1xf32> to vector<2000x128xf32>
    %sub3A_38 = arith.subf %add3A_28, %sub3A : vector<2000x128xf32>
    %mul3A_39 = arith.mulf %sub3A_38, %sub3A_38 : vector<2000x128xf32>
    %reduce_sum3A_40 = arith.constant dense<0.000000e+00> : vector<2000xf32>
    %reduce_sum3A_41 = vector.multi_reduction <add>, %mul3A_39, %reduce_sum3A_40 [1] : vector<2000x128xf32> to vector<2000xf32>
    %broadcast_in_dim3A_42 = vector.shape_cast %reduce_sum3A_41 : vector<2000xf32> to vector<2000x1xf32>
    %div3A_43 = arith.constant 1.280000e+02 : f32
    %div3A_44 = vector.broadcast %div3A_43 : f32 to vector<2000x1xf32>
    %div3A_45 = arith.divf %broadcast_in_dim3A_42, %div3A_44 : vector<2000x1xf32>
    %add3A_46 = arith.constant 9.99999974E-6 : f32
    %add3A_47 = vector.broadcast %add3A_46 : f32 to vector<2000x1xf32>
    %add3A_48 = arith.addf %div3A_45, %add3A_47 : vector<2000x1xf32>
    %rsqrt3A = math.rsqrt %add3A_48 : vector<2000x1xf32>
    %mul3A_49 = vector.broadcast %rsqrt3A : vector<2000x1xf32> to vector<2000x128xf32>
    %mul3A_50 = arith.mulf %sub3A_38, %mul3A_49 : vector<2000x128xf32>
    %mul3A_51 = vector.broadcast %get3A_31 : vector<1x128xf32> to vector<2000x128xf32>
    %mul3A_52 = arith.mulf %mul3A_51, %mul3A_50 : vector<2000x128xf32>
    %add3A_53 = vector.broadcast %get3A_34 : vector<1x128xf32> to vector<2000x128xf32>
    %add3A_54 = arith.addf %mul3A_52, %add3A_53 : vector<2000x128xf32>
    %add3A_55 = arith.addf %add3A_54, %get3A_1 : vector<2000x128xf32>
    %swap3A = arith.constant 0 : index
    %swap3A_56 = arith.constant 0 : index
    %swap3A_57 = vector.load %arg9[%swap3A, %swap3A_56] : memref<2000x128xf32, #tpu.memory_space<vmem>>, vector<2000x128xf32>
    tpu.vector_store %arg9[%swap3A, %swap3A_56], %add3A_55 {strides = array<i32>} : memref<2000x128xf32, #tpu.memory_space<vmem>>, vector<2000x128xf32>,
    return
  }
  func.func @transform_0(%arg0: i32) -> (i32, i32) {
    %add3A = arith.constant 0 : i32
    %add3A_0 = arith.addi %arg0, %add3A : i32
    %c0_i32 = arith.constant 0 : i32
    %c0_i32_1 = arith.constant 0 : i32
    return %add3A_0, %c0_i32 : i32, i32
  }
  func.func @transform_1(%arg0: i32) -> (i32, i32) {
    %c0_i32 = arith.constant 0 : i32
    %c0_i32_0 = arith.constant 0 : i32
    return %arg0, %c0_i32 : i32, i32
  }
  func.func @transform_2(%arg0: i32) -> (i32, i32) {
    %c0_i32 = arith.constant 0 : i32
    %c0_i32_0 = arith.constant 0 : i32
    %c0_i32_1 = arith.constant 0 : i32
    return %c0_i32, %c0_i32_0 : i32, i32
  }
  func.func @transform_3(%arg0: i32) -> (i32, i32) {
    %c0_i32 = arith.constant 0 : i32
    %c0_i32_0 = arith.constant 0 : i32
    %c0_i32_1 = arith.constant 0 : i32
    return %c0_i32, %c0_i32_0 : i32, i32
  }
  func.func @transform_4(%arg0: i32) -> (i32, i32) {
    %c0_i32 = arith.constant 0 : i32
    %c0_i32_0 = arith.constant 0 : i32
    %c0_i32_1 = arith.constant 0 : i32
    return %c0_i32, %c0_i32_0 : i32, i32
  }
  func.func @transform_5(%arg0: i32) -> (i32, i32) {
    %c0_i32 = arith.constant 0 : i32
    %c0_i32_0 = arith.constant 0 : i32
    %c0_i32_1 = arith.constant 0 : i32
    return %c0_i32, %c0_i32_0 : i32, i32
  }
  func.func @transform_6(%arg0: i32) -> (i32, i32) {
    %c0_i32 = arith.constant 0 : i32
    %c0_i32_0 = arith.constant 0 : i32
    %c0_i32_1 = arith.constant 0 : i32
    return %c0_i32, %c0_i32_0 : i32, i32
  }
  func.func @transform_7(%arg0: i32) -> (i32, i32) {
    %c0_i32 = arith.constant 0 : i32
    %c0_i32_0 = arith.constant 0 : i32
    %c0_i32_1 = arith.constant 0 : i32
    return %c0_i32, %c0_i32_0 : i32, i32
  }
  func.func @transform_8(%arg0: i32) -> (i32, i32) {
    %c0_i32 = arith.constant 0 : i32
    %c0_i32_0 = arith.constant 0 : i32
    return %arg0, %c0_i32 : i32, i32
  }
}

module attributes {stable_mosaic.version = 14 : i64} {
  func.func @_node_post_body(%arg0: i32, %arg1: memref<1000x128xf32, #tpu.memory_space<vmem>>, %arg2: memref<2x1000x128xf32, #tpu.memory_space<vmem>>, %arg3: memref<2x1000x128xf32, #tpu.memory_space<vmem>>, %arg4: memref<1000x128xf32, #tpu.memory_space<vmem>>, %arg5: memref<128x128xf32, #tpu.memory_space<vmem>>, %arg6: memref<128x128xf32, #tpu.memory_space<vmem>>, %arg7: memref<128x128xf32, #tpu.memory_space<vmem>>, %arg8: memref<1x128xf32, #tpu.memory_space<vmem>>, %arg9: memref<1x128xf32, #tpu.memory_space<vmem>>, %arg10: memref<1x128xf32, #tpu.memory_space<vmem>>, %arg11: memref<1x128xf32, #tpu.memory_space<vmem>>, %arg12: memref<128x128xf32, #tpu.memory_space<vmem>>, %arg13: memref<128x128xf32, #tpu.memory_space<vmem>>, %arg14: memref<1x128xf32, #tpu.memory_space<vmem>>, %arg15: memref<1x128xf32, #tpu.memory_space<vmem>>, %arg16: memref<1x128xf32, #tpu.memory_space<vmem>>, %arg17: memref<1x128xf32, #tpu.memory_space<vmem>>, %arg18: memref<1000x128xf32, #tpu.memory_space<vmem>>, %arg19: memref<1000x128xf32, #tpu.memory_space<vmem>>) attributes {dimension_semantics = [#tpu.dimension_semantics<arbitrary>], iteration_bounds = array<i64: 10>, scalar_prefetch = 0 : i64, scratch_operands = 0 : i64, tpu.core_type = #tpu.core_type<tc>, window_params = [{transform_indices = @transform_0, window_bounds = array<i64: 1000, 128>}, {transform_indices = @transform_1, window_bounds = array<i64: 2, 1000, 128>}, {transform_indices = @transform_2, window_bounds = array<i64: 2, 1000, 128>}, {transform_indices = @transform_3, window_bounds = array<i64: 1000, 128>}, {pipeline_mode = #tpu.pipeline_mode<synchronous>, transform_indices = @transform_4, window_bounds = array<i64: 128, 128>}, {pipeline_mode = #tpu.pipeline_mode<synchronous>, transform_indices = @transform_5, window_bounds = array<i64: 128, 128>}, {pipeline_mode = #tpu.pipeline_mode<synchronous>, transform_indices = @transform_6, window_bounds = array<i64: 128, 128>}, {pipeline_mode = #tpu.pipeline_mode<synchronous>, transform_indices = @transform_7, window_bounds = array<i64: 1, 128>}, {pipeline_mode = #tpu.pipeline_mode<synchronous>, transform_indices = @transform_8, window_bounds = array<i64: 1, 128>}, {pipeline_mode = #tpu.pipeline_mode<synchronous>, transform_indices = @transform_9, window_bounds = array<i64: 1, 128>}, {pipeline_mode = #tpu.pipeline_mode<synchronous>, transform_indices = @transform_10, window_bounds = array<i64: 1, 128>}, {pipeline_mode = #tpu.pipeline_mode<synchronous>, transform_indices = @transform_11, window_bounds = array<i64: 128, 128>}, {pipeline_mode = #tpu.pipeline_mode<synchronous>, transform_indices = @transform_12, window_bounds = array<i64: 128, 128>}, {pipeline_mode = #tpu.pipeline_mode<synchronous>, transform_indices = @transform_13, window_bounds = array<i64: 1, 128>}, {pipeline_mode = #tpu.pipeline_mode<synchronous>, transform_indices = @transform_14, window_bounds = array<i64: 1, 128>}, {pipeline_mode = #tpu.pipeline_mode<synchronous>, transform_indices = @transform_15, window_bounds = array<i64: 1, 128>}, {pipeline_mode = #tpu.pipeline_mode<synchronous>, transform_indices = @transform_16, window_bounds = array<i64: 1, 128>}, {transform_indices = @transform_17, window_bounds = array<i64: 1000, 128>}, {transform_indices = @transform_18, window_bounds = array<i64: 1000, 128>}]} {
    %get3A = arith.constant 0 : index
    %get3A_0 = arith.constant 0 : index
    %get3A_1 = vector.load %arg1[%get3A, %get3A_0] : memref<1000x128xf32, #tpu.memory_space<vmem>>, vector<1000x128xf32>
    %get3A_2 = arith.constant 0 : index
    %get3A_3 = arith.constant 0 : index
    %get3A_4 = arith.constant 0 : index
    %get3A_5 = vector.load %arg2[%get3A_2, %get3A_3, %get3A_4] : memref<2x1000x128xf32, #tpu.memory_space<vmem>>, vector<1x1000x128xf32>
    %get3A_6 = vector.shape_cast %get3A_5 : vector<1x1000x128xf32> to vector<1000x128xf32>
    %get3A_7 = arith.constant 1 : index
    %get3A_8 = arith.constant 0 : index
    %get3A_9 = arith.constant 0 : index
    %get3A_10 = vector.load %arg2[%get3A_7, %get3A_8, %get3A_9] : memref<2x1000x128xf32, #tpu.memory_space<vmem>>, vector<1x1000x128xf32>
    %get3A_11 = vector.shape_cast %get3A_10 : vector<1x1000x128xf32> to vector<1000x128xf32>
    %add3A = arith.addf %get3A_6, %get3A_11 : vector<1000x128xf32>
    %add3A_12 = arith.constant 0.000000e+00 : f32
    %add3A_13 = vector.broadcast %add3A_12 : f32 to vector<1000x128xf32>
    %add3A_14 = arith.addf %add3A_13, %add3A : vector<1000x128xf32>
    %get3A_15 = arith.constant 0 : index
    %get3A_16 = arith.constant 0 : index
    %get3A_17 = arith.constant 0 : index
    %get3A_18 = vector.load %arg3[%get3A_15, %get3A_16, %get3A_17] : memref<2x1000x128xf32, #tpu.memory_space<vmem>>, vector<1x1000x128xf32>
    %get3A_19 = vector.shape_cast %get3A_18 : vector<1x1000x128xf32> to vector<1000x128xf32>
    %get3A_20 = arith.constant 1 : index
    %get3A_21 = arith.constant 0 : index
    %get3A_22 = arith.constant 0 : index
    %get3A_23 = vector.load %arg3[%get3A_20, %get3A_21, %get3A_22] : memref<2x1000x128xf32, #tpu.memory_space<vmem>>, vector<1x1000x128xf32>
    %get3A_24 = vector.shape_cast %get3A_23 : vector<1x1000x128xf32> to vector<1000x128xf32>
    %add3A_25 = arith.addf %get3A_19, %get3A_24 : vector<1000x128xf32>
    %add3A_26 = arith.addf %add3A_14, %add3A_25 : vector<1000x128xf32>
    %get3A_27 = arith.constant 0 : index
    %get3A_28 = arith.constant 0 : index
    %get3A_29 = vector.load %arg5[%get3A_27, %get3A_28] : memref<128x128xf32, #tpu.memory_space<vmem>>, vector<128x128xf32>
    %dot_general3A = arith.constant dense<0.000000e+00> : vector<1000x128xf32>
    %dot_general3A_30 = tpu.matmul %get3A_1, %get3A_29, %dot_general3A {dimension_numbers = #tpu.dot_dimension_numbers<[1], [0], [0], [1], [0, 0, 1, 1], [], []>, transpose_lhs_hint = false} : vector<1000x128xf32>, vector<128x128xf32>, vector<1000x128xf32> -> vector<1000x128xf32>
    %get3A_31 = arith.constant 0 : index
    %get3A_32 = arith.constant 0 : index
    %get3A_33 = vector.load %arg6[%get3A_31, %get3A_32] : memref<128x128xf32, #tpu.memory_space<vmem>>, vector<128x128xf32>
    %dot_general3A_34 = arith.constant dense<0.000000e+00> : vector<1000x128xf32>
    %dot_general3A_35 = tpu.matmul %add3A_26, %get3A_33, %dot_general3A_34 {dimension_numbers = #tpu.dot_dimension_numbers<[1], [0], [0], [1], [0, 0, 1, 1], [], []>, transpose_lhs_hint = false} : vector<1000x128xf32>, vector<128x128xf32>, vector<1000x128xf32> -> vector<1000x128xf32>
    %add3A_36 = arith.addf %dot_general3A_30, %dot_general3A_35 : vector<1000x128xf32>
    %get3A_37 = arith.constant 0 : index
    %get3A_38 = arith.constant 0 : index
    %get3A_39 = vector.load %arg8[%get3A_37, %get3A_38] : memref<1x128xf32, #tpu.memory_space<vmem>>, vector<1x128xf32>
    %add3A_40 = vector.broadcast %get3A_39 : vector<1x128xf32> to vector<1000x128xf32>
    %add3A_41 = arith.addf %add3A_36, %add3A_40 : vector<1000x128xf32>
    %logistic3A = arith.negf %add3A_41 : vector<1000x128xf32>
    %logistic3A_42 = math.exp %logistic3A : vector<1000x128xf32>
    %logistic3A_43 = arith.constant 1.000000e+00 : f32
    %logistic3A_44 = vector.broadcast %logistic3A_43 : f32 to vector<1000x128xf32>
    %logistic3A_45 = arith.addf %logistic3A_44, %logistic3A_42 : vector<1000x128xf32>
    %logistic3A_46 = arith.divf %logistic3A_44, %logistic3A_45 : vector<1000x128xf32>
    %mul3A = arith.mulf %add3A_41, %logistic3A_46 : vector<1000x128xf32>
    %get3A_47 = arith.constant 0 : index
    %get3A_48 = arith.constant 0 : index
    %get3A_49 = vector.load %arg7[%get3A_47, %get3A_48] : memref<128x128xf32, #tpu.memory_space<vmem>>, vector<128x128xf32>
    %dot_general3A_50 = arith.constant dense<0.000000e+00> : vector<1000x128xf32>
    %dot_general3A_51 = tpu.matmul %mul3A, %get3A_49, %dot_general3A_50 {dimension_numbers = #tpu.dot_dimension_numbers<[1], [0], [0], [1], [0, 0, 1, 1], [], []>, transpose_lhs_hint = false} : vector<1000x128xf32>, vector<128x128xf32>, vector<1000x128xf32> -> vector<1000x128xf32>
    %get3A_52 = arith.constant 0 : index
    %get3A_53 = arith.constant 0 : index
    %get3A_54 = vector.load %arg9[%get3A_52, %get3A_53] : memref<1x128xf32, #tpu.memory_space<vmem>>, vector<1x128xf32>
    %add3A_55 = vector.broadcast %get3A_54 : vector<1x128xf32> to vector<1000x128xf32>
    %add3A_56 = arith.addf %dot_general3A_51, %add3A_55 : vector<1000x128xf32>
    %get3A_57 = arith.constant 0 : index
    %get3A_58 = arith.constant 0 : index
    %get3A_59 = vector.load %arg10[%get3A_57, %get3A_58] : memref<1x128xf32, #tpu.memory_space<vmem>>, vector<1x128xf32>
    %get3A_60 = arith.constant 0 : index
    %get3A_61 = arith.constant 0 : index
    %get3A_62 = vector.load %arg11[%get3A_60, %get3A_61] : memref<1x128xf32, #tpu.memory_space<vmem>>, vector<1x128xf32>
    %reduce_sum3A = arith.constant dense<0.000000e+00> : vector<1000xf32>
    %reduce_sum3A_63 = vector.multi_reduction <add>, %add3A_56, %reduce_sum3A [1] : vector<1000x128xf32> to vector<1000xf32>
    %broadcast_in_dim3A = vector.shape_cast %reduce_sum3A_63 : vector<1000xf32> to vector<1000x1xf32>
    %div3A = arith.constant 1.280000e+02 : f32
    %div3A_64 = vector.broadcast %div3A : f32 to vector<1000x1xf32>
    %div3A_65 = arith.divf %broadcast_in_dim3A, %div3A_64 : vector<1000x1xf32>
    %sub3A = vector.broadcast %div3A_65 : vector<1000x1xf32> to vector<1000x128xf32>
    %sub3A_66 = arith.subf %add3A_56, %sub3A : vector<1000x128xf32>
    %mul3A_67 = arith.mulf %sub3A_66, %sub3A_66 : vector<1000x128xf32>
    %reduce_sum3A_68 = arith.constant dense<0.000000e+00> : vector<1000xf32>
    %reduce_sum3A_69 = vector.multi_reduction <add>, %mul3A_67, %reduce_sum3A_68 [1] : vector<1000x128xf32> to vector<1000xf32>
    %broadcast_in_dim3A_70 = vector.shape_cast %reduce_sum3A_69 : vector<1000xf32> to vector<1000x1xf32>
    %div3A_71 = arith.constant 1.280000e+02 : f32
    %div3A_72 = vector.broadcast %div3A_71 : f32 to vector<1000x1xf32>
    %div3A_73 = arith.divf %broadcast_in_dim3A_70, %div3A_72 : vector<1000x1xf32>
    %add3A_74 = arith.constant 9.99999974E-6 : f32
    %add3A_75 = vector.broadcast %add3A_74 : f32 to vector<1000x1xf32>
    %add3A_76 = arith.addf %div3A_73, %add3A_75 : vector<1000x1xf32>
    %rsqrt3A = math.rsqrt %add3A_76 : vector<1000x1xf32>
    %mul3A_77 = vector.broadcast %rsqrt3A : vector<1000x1xf32> to vector<1000x128xf32>
    %mul3A_78 = arith.mulf %sub3A_66, %mul3A_77 : vector<1000x128xf32>
    %mul3A_79 = vector.broadcast %get3A_59 : vector<1x128xf32> to vector<1000x128xf32>
    %mul3A_80 = arith.mulf %mul3A_79, %mul3A_78 : vector<1000x128xf32>
    %add3A_81 = vector.broadcast %get3A_62 : vector<1x128xf32> to vector<1000x128xf32>
    %add3A_82 = arith.addf %mul3A_80, %add3A_81 : vector<1000x128xf32>
    %add3A_83 = arith.addf %get3A_1, %add3A_82 : vector<1000x128xf32>
    %swap3A = arith.constant 0 : index
    %swap3A_84 = arith.constant 0 : index
    %swap3A_85 = vector.load %arg18[%swap3A, %swap3A_84] : memref<1000x128xf32, #tpu.memory_space<vmem>>, vector<1000x128xf32>
    tpu.vector_store %arg18[%swap3A, %swap3A_84], %add3A_83 {strides = array<i32>} : memref<1000x128xf32, #tpu.memory_space<vmem>>, vector<1000x128xf32>,
    %get3A_86 = arith.constant 0 : index
    %get3A_87 = arith.constant 0 : index
    %get3A_88 = vector.load %arg4[%get3A_86, %get3A_87] : memref<1000x128xf32, #tpu.memory_space<vmem>>, vector<1000x128xf32>
    %get3A_89 = arith.constant 0 : index
    %get3A_90 = arith.constant 0 : index
    %get3A_91 = vector.load %arg12[%get3A_89, %get3A_90] : memref<128x128xf32, #tpu.memory_space<vmem>>, vector<128x128xf32>
    %dot_general3A_92 = arith.constant dense<0.000000e+00> : vector<1000x128xf32>
    %dot_general3A_93 = tpu.matmul %get3A_88, %get3A_91, %dot_general3A_92 {dimension_numbers = #tpu.dot_dimension_numbers<[1], [0], [0], [1], [0, 0, 1, 1], [], []>, transpose_lhs_hint = false} : vector<1000x128xf32>, vector<128x128xf32>, vector<1000x128xf32> -> vector<1000x128xf32>
    %get3A_94 = arith.constant 0 : index
    %get3A_95 = arith.constant 0 : index
    %get3A_96 = vector.load %arg14[%get3A_94, %get3A_95] : memref<1x128xf32, #tpu.memory_space<vmem>>, vector<1x128xf32>
    %add3A_97 = vector.broadcast %get3A_96 : vector<1x128xf32> to vector<1000x128xf32>
    %add3A_98 = arith.addf %dot_general3A_93, %add3A_97 : vector<1000x128xf32>
    %logistic3A_99 = arith.negf %add3A_98 : vector<1000x128xf32>
    %logistic3A_100 = math.exp %logistic3A_99 : vector<1000x128xf32>
    %logistic3A_101 = arith.constant 1.000000e+00 : f32
    %logistic3A_102 = vector.broadcast %logistic3A_101 : f32 to vector<1000x128xf32>
    %logistic3A_103 = arith.addf %logistic3A_102, %logistic3A_100 : vector<1000x128xf32>
    %logistic3A_104 = arith.divf %logistic3A_102, %logistic3A_103 : vector<1000x128xf32>
    %mul3A_105 = arith.mulf %add3A_98, %logistic3A_104 : vector<1000x128xf32>
    %get3A_106 = arith.constant 0 : index
    %get3A_107 = arith.constant 0 : index
    %get3A_108 = vector.load %arg13[%get3A_106, %get3A_107] : memref<128x128xf32, #tpu.memory_space<vmem>>, vector<128x128xf32>
    %dot_general3A_109 = arith.constant dense<0.000000e+00> : vector<1000x128xf32>
    %dot_general3A_110 = tpu.matmul %mul3A_105, %get3A_108, %dot_general3A_109 {dimension_numbers = #tpu.dot_dimension_numbers<[1], [0], [0], [1], [0, 0, 1, 1], [], []>, transpose_lhs_hint = false} : vector<1000x128xf32>, vector<128x128xf32>, vector<1000x128xf32> -> vector<1000x128xf32>
    %get3A_111 = arith.constant 0 : index
    %get3A_112 = arith.constant 0 : index
    %get3A_113 = vector.load %arg15[%get3A_111, %get3A_112] : memref<1x128xf32, #tpu.memory_space<vmem>>, vector<1x128xf32>
    %add3A_114 = vector.broadcast %get3A_113 : vector<1x128xf32> to vector<1000x128xf32>
    %add3A_115 = arith.addf %dot_general3A_110, %add3A_114 : vector<1000x128xf32>
    %get3A_116 = arith.constant 0 : index
    %get3A_117 = arith.constant 0 : index
    %get3A_118 = vector.load %arg16[%get3A_116, %get3A_117] : memref<1x128xf32, #tpu.memory_space<vmem>>, vector<1x128xf32>
    %get3A_119 = arith.constant 0 : index
    %get3A_120 = arith.constant 0 : index
    %get3A_121 = vector.load %arg17[%get3A_119, %get3A_120] : memref<1x128xf32, #tpu.memory_space<vmem>>, vector<1x128xf32>
    %reduce_sum3A_122 = arith.constant dense<0.000000e+00> : vector<1000xf32>
    %reduce_sum3A_123 = vector.multi_reduction <add>, %add3A_115, %reduce_sum3A_122 [1] : vector<1000x128xf32> to vector<1000xf32>
    %broadcast_in_dim3A_124 = vector.shape_cast %reduce_sum3A_123 : vector<1000xf32> to vector<1000x1xf32>
    %div3A_125 = arith.constant 1.280000e+02 : f32
    %div3A_126 = vector.broadcast %div3A_125 : f32 to vector<1000x1xf32>
    %div3A_127 = arith.divf %broadcast_in_dim3A_124, %div3A_126 : vector<1000x1xf32>
    %sub3A_128 = vector.broadcast %div3A_127 : vector<1000x1xf32> to vector<1000x128xf32>
    %sub3A_129 = arith.subf %add3A_115, %sub3A_128 : vector<1000x128xf32>
    %mul3A_130 = arith.mulf %sub3A_129, %sub3A_129 : vector<1000x128xf32>
    %reduce_sum3A_131 = arith.constant dense<0.000000e+00> : vector<1000xf32>
    %reduce_sum3A_132 = vector.multi_reduction <add>, %mul3A_130, %reduce_sum3A_131 [1] : vector<1000x128xf32> to vector<1000xf32>
    %broadcast_in_dim3A_133 = vector.shape_cast %reduce_sum3A_132 : vector<1000xf32> to vector<1000x1xf32>
    %div3A_134 = arith.constant 1.280000e+02 : f32
    %div3A_135 = vector.broadcast %div3A_134 : f32 to vector<1000x1xf32>
    %div3A_136 = arith.divf %broadcast_in_dim3A_133, %div3A_135 : vector<1000x1xf32>
    %add3A_137 = arith.constant 9.99999974E-6 : f32
    %add3A_138 = vector.broadcast %add3A_137 : f32 to vector<1000x1xf32>
    %add3A_139 = arith.addf %div3A_136, %add3A_138 : vector<1000x1xf32>
    %rsqrt3A_140 = math.rsqrt %add3A_139 : vector<1000x1xf32>
    %mul3A_141 = vector.broadcast %rsqrt3A_140 : vector<1000x1xf32> to vector<1000x128xf32>
    %mul3A_142 = arith.mulf %sub3A_129, %mul3A_141 : vector<1000x128xf32>
    %mul3A_143 = vector.broadcast %get3A_118 : vector<1x128xf32> to vector<1000x128xf32>
    %mul3A_144 = arith.mulf %mul3A_143, %mul3A_142 : vector<1000x128xf32>
    %add3A_145 = vector.broadcast %get3A_121 : vector<1x128xf32> to vector<1000x128xf32>
    %add3A_146 = arith.addf %mul3A_144, %add3A_145 : vector<1000x128xf32>
    %add3A_147 = arith.addf %get3A_88, %add3A_146 : vector<1000x128xf32>
    %swap3A_148 = arith.constant 0 : index
    %swap3A_149 = arith.constant 0 : index
    %swap3A_150 = vector.load %arg19[%swap3A_148, %swap3A_149] : memref<1000x128xf32, #tpu.memory_space<vmem>>, vector<1000x128xf32>
    tpu.vector_store %arg19[%swap3A_148, %swap3A_149], %add3A_147 {strides = array<i32>} : memref<1000x128xf32, #tpu.memory_space<vmem>>, vector<1000x128xf32>,
    return
  }
  func.func @transform_0(%arg0: i32) -> (i32, i32) {
    %c0_i32 = arith.constant 0 : i32
    %c0_i32_0 = arith.constant 0 : i32
    return %arg0, %c0_i32 : i32, i32
  }
  func.func @transform_1(%arg0: i32) -> (i32, i32, i32) {
    %c0_i32 = arith.constant 0 : i32
    %c0_i32_0 = arith.constant 0 : i32
    %c0_i32_1 = arith.constant 0 : i32
    return %c0_i32, %arg0, %c0_i32_0 : i32, i32, i32
  }
  func.func @transform_2(%arg0: i32) -> (i32, i32, i32) {
    %c0_i32 = arith.constant 0 : i32
    %c0_i32_0 = arith.constant 0 : i32
    %c0_i32_1 = arith.constant 0 : i32
    return %c0_i32, %arg0, %c0_i32_0 : i32, i32, i32
  }
  func.func @transform_3(%arg0: i32) -> (i32, i32) {
    %c0_i32 = arith.constant 0 : i32
    %c0_i32_0 = arith.constant 0 : i32
    return %arg0, %c0_i32 : i32, i32
  }
  func.func @transform_4(%arg0: i32) -> (i32, i32) {
    %c0_i32 = arith.constant 0 : i32
    %c0_i32_0 = arith.constant 0 : i32
    %c0_i32_1 = arith.constant 0 : i32
    return %c0_i32, %c0_i32_0 : i32, i32
  }
  func.func @transform_5(%arg0: i32) -> (i32, i32) {
    %c0_i32 = arith.constant 0 : i32
    %c0_i32_0 = arith.constant 0 : i32
    %c0_i32_1 = arith.constant 0 : i32
    return %c0_i32, %c0_i32_0 : i32, i32
  }
  func.func @transform_6(%arg0: i32) -> (i32, i32) {
    %c0_i32 = arith.constant 0 : i32
    %c0_i32_0 = arith.constant 0 : i32
    %c0_i32_1 = arith.constant 0 : i32
    return %c0_i32, %c0_i32_0 : i32, i32
  }
  func.func @transform_7(%arg0: i32) -> (i32, i32) {
    %c0_i32 = arith.constant 0 : i32
    %c0_i32_0 = arith.constant 0 : i32
    %c0_i32_1 = arith.constant 0 : i32
    return %c0_i32, %c0_i32_0 : i32, i32
  }
  func.func @transform_8(%arg0: i32) -> (i32, i32) {
    %c0_i32 = arith.constant 0 : i32
    %c0_i32_0 = arith.constant 0 : i32
    %c0_i32_1 = arith.constant 0 : i32
    return %c0_i32, %c0_i32_0 : i32, i32
  }
  func.func @transform_9(%arg0: i32) -> (i32, i32) {
    %c0_i32 = arith.constant 0 : i32
    %c0_i32_0 = arith.constant 0 : i32
    %c0_i32_1 = arith.constant 0 : i32
    return %c0_i32, %c0_i32_0 : i32, i32
  }
  func.func @transform_10(%arg0: i32) -> (i32, i32) {
    %c0_i32 = arith.constant 0 : i32
    %c0_i32_0 = arith.constant 0 : i32
    %c0_i32_1 = arith.constant 0 : i32
    return %c0_i32, %c0_i32_0 : i32, i32
  }
  func.func @transform_11(%arg0: i32) -> (i32, i32) {
    %c0_i32 = arith.constant 0 : i32
    %c0_i32_0 = arith.constant 0 : i32
    %c0_i32_1 = arith.constant 0 : i32
    return %c0_i32, %c0_i32_0 : i32, i32
  }
  func.func @transform_12(%arg0: i32) -> (i32, i32) {
    %c0_i32 = arith.constant 0 : i32
    %c0_i32_0 = arith.constant 0 : i32
    %c0_i32_1 = arith.constant 0 : i32
    return %c0_i32, %c0_i32_0 : i32, i32
  }
  func.func @transform_13(%arg0: i32) -> (i32, i32) {
    %c0_i32 = arith.constant 0 : i32
    %c0_i32_0 = arith.constant 0 : i32
    %c0_i32_1 = arith.constant 0 : i32
    return %c0_i32, %c0_i32_0 : i32, i32
  }
  func.func @transform_14(%arg0: i32) -> (i32, i32) {
    %c0_i32 = arith.constant 0 : i32
    %c0_i32_0 = arith.constant 0 : i32
    %c0_i32_1 = arith.constant 0 : i32
    return %c0_i32, %c0_i32_0 : i32, i32
  }
  func.func @transform_15(%arg0: i32) -> (i32, i32) {
    %c0_i32 = arith.constant 0 : i32
    %c0_i32_0 = arith.constant 0 : i32
    %c0_i32_1 = arith.constant 0 : i32
    return %c0_i32, %c0_i32_0 : i32, i32
  }
  func.func @transform_16(%arg0: i32) -> (i32, i32) {
    %c0_i32 = arith.constant 0 : i32
    %c0_i32_0 = arith.constant 0 : i32
    %c0_i32_1 = arith.constant 0 : i32
    return %c0_i32, %c0_i32_0 : i32, i32
  }
  func.func @transform_17(%arg0: i32) -> (i32, i32) {
    %c0_i32 = arith.constant 0 : i32
    %c0_i32_0 = arith.constant 0 : i32
    return %arg0, %c0_i32 : i32, i32
  }
  func.func @transform_18(%arg0: i32) -> (i32, i32) {
    %c0_i32 = arith.constant 0 : i32
    %c0_i32_0 = arith.constant 0 : i32
    return %arg0, %c0_i32 : i32, i32
  }
}

module attributes {stable_mosaic.version = 14 : i64} {
  func.func @_edge_mlp_body(%arg0: i32, %arg1: memref<2000x128xf32, #tpu.memory_space<vmem>>, %arg2: memref<2000x128xf32, #tpu.memory_space<vmem>>, %arg3: memref<128x128xf32, #tpu.memory_space<vmem>>, %arg4: memref<128x128xf32, #tpu.memory_space<vmem>>, %arg5: memref<1x128xf32, #tpu.memory_space<vmem>>, %arg6: memref<1x128xf32, #tpu.memory_space<vmem>>, %arg7: memref<1x128xf32, #tpu.memory_space<vmem>>, %arg8: memref<1x128xf32, #tpu.memory_space<vmem>>, %arg9: memref<2000x128xf32, #tpu.memory_space<vmem>>) attributes {dimension_semantics = [#tpu.dimension_semantics<arbitrary>], iteration_bounds = array<i64: 80>, scalar_prefetch = 0 : i64, scratch_operands = 0 : i64, tpu.core_type = #tpu.core_type<tc>, window_params = [{transform_indices = @transform_0, window_bounds = array<i64: 2000, 128>}, {transform_indices = @transform_1, window_bounds = array<i64: 2000, 128>}, {pipeline_mode = #tpu.pipeline_mode<synchronous>, transform_indices = @transform_2, window_bounds = array<i64: 128, 128>}, {pipeline_mode = #tpu.pipeline_mode<synchronous>, transform_indices = @transform_3, window_bounds = array<i64: 128, 128>}, {pipeline_mode = #tpu.pipeline_mode<synchronous>, transform_indices = @transform_4, window_bounds = array<i64: 1, 128>}, {pipeline_mode = #tpu.pipeline_mode<synchronous>, transform_indices = @transform_5, window_bounds = array<i64: 1, 128>}, {pipeline_mode = #tpu.pipeline_mode<synchronous>, transform_indices = @transform_6, window_bounds = array<i64: 1, 128>}, {pipeline_mode = #tpu.pipeline_mode<synchronous>, transform_indices = @transform_7, window_bounds = array<i64: 1, 128>}, {transform_indices = @transform_8, window_bounds = array<i64: 2000, 128>}]} {
    %get3A = arith.constant 0 : index
    %get3A_0 = arith.constant 0 : index
    %get3A_1 = vector.load %arg1[%get3A, %get3A_0] : memref<2000x128xf32, #tpu.memory_space<vmem>>, vector<2000x128xf32>
    %get3A_2 = arith.constant 0 : index
    %get3A_3 = arith.constant 0 : index
    %get3A_4 = vector.load %arg3[%get3A_2, %get3A_3] : memref<128x128xf32, #tpu.memory_space<vmem>>, vector<128x128xf32>
    %dot_general3A = arith.constant dense<0.000000e+00> : vector<2000x128xf32>
    %dot_general3A_5 = tpu.matmul %get3A_1, %get3A_4, %dot_general3A {dimension_numbers = #tpu.dot_dimension_numbers<[1], [0], [0], [1], [0, 0, 1, 1], [], []>, transpose_lhs_hint = false} : vector<2000x128xf32>, vector<128x128xf32>, vector<2000x128xf32> -> vector<2000x128xf32>
    %get3A_6 = arith.constant 0 : index
    %get3A_7 = arith.constant 0 : index
    %get3A_8 = vector.load %arg2[%get3A_6, %get3A_7] : memref<2000x128xf32, #tpu.memory_space<vmem>>, vector<2000x128xf32>
    %add3A = arith.addf %dot_general3A_5, %get3A_8 : vector<2000x128xf32>
    %get3A_9 = arith.constant 0 : index
    %get3A_10 = arith.constant 0 : index
    %get3A_11 = vector.load %arg5[%get3A_9, %get3A_10] : memref<1x128xf32, #tpu.memory_space<vmem>>, vector<1x128xf32>
    %add3A_12 = vector.broadcast %get3A_11 : vector<1x128xf32> to vector<2000x128xf32>
    %add3A_13 = arith.addf %add3A, %add3A_12 : vector<2000x128xf32>
    %logistic3A = arith.negf %add3A_13 : vector<2000x128xf32>
    %logistic3A_14 = math.exp %logistic3A : vector<2000x128xf32>
    %logistic3A_15 = arith.constant 1.000000e+00 : f32
    %logistic3A_16 = vector.broadcast %logistic3A_15 : f32 to vector<2000x128xf32>
    %logistic3A_17 = arith.addf %logistic3A_16, %logistic3A_14 : vector<2000x128xf32>
    %logistic3A_18 = arith.divf %logistic3A_16, %logistic3A_17 : vector<2000x128xf32>
    %mul3A = arith.mulf %add3A_13, %logistic3A_18 : vector<2000x128xf32>
    %get3A_19 = arith.constant 0 : index
    %get3A_20 = arith.constant 0 : index
    %get3A_21 = vector.load %arg4[%get3A_19, %get3A_20] : memref<128x128xf32, #tpu.memory_space<vmem>>, vector<128x128xf32>
    %dot_general3A_22 = arith.constant dense<0.000000e+00> : vector<2000x128xf32>
    %dot_general3A_23 = tpu.matmul %mul3A, %get3A_21, %dot_general3A_22 {dimension_numbers = #tpu.dot_dimension_numbers<[1], [0], [0], [1], [0, 0, 1, 1], [], []>, transpose_lhs_hint = false} : vector<2000x128xf32>, vector<128x128xf32>, vector<2000x128xf32> -> vector<2000x128xf32>
    %get3A_24 = arith.constant 0 : index
    %get3A_25 = arith.constant 0 : index
    %get3A_26 = vector.load %arg6[%get3A_24, %get3A_25] : memref<1x128xf32, #tpu.memory_space<vmem>>, vector<1x128xf32>
    %add3A_27 = vector.broadcast %get3A_26 : vector<1x128xf32> to vector<2000x128xf32>
    %add3A_28 = arith.addf %dot_general3A_23, %add3A_27 : vector<2000x128xf32>
    %get3A_29 = arith.constant 0 : index
    %get3A_30 = arith.constant 0 : index
    %get3A_31 = vector.load %arg7[%get3A_29, %get3A_30] : memref<1x128xf32, #tpu.memory_space<vmem>>, vector<1x128xf32>
    %get3A_32 = arith.constant 0 : index
    %get3A_33 = arith.constant 0 : index
    %get3A_34 = vector.load %arg8[%get3A_32, %get3A_33] : memref<1x128xf32, #tpu.memory_space<vmem>>, vector<1x128xf32>
    %reduce_sum3A = arith.constant dense<0.000000e+00> : vector<2000xf32>
    %reduce_sum3A_35 = vector.multi_reduction <add>, %add3A_28, %reduce_sum3A [1] : vector<2000x128xf32> to vector<2000xf32>
    %broadcast_in_dim3A = vector.shape_cast %reduce_sum3A_35 : vector<2000xf32> to vector<2000x1xf32>
    %div3A = arith.constant 1.280000e+02 : f32
    %div3A_36 = vector.broadcast %div3A : f32 to vector<2000x1xf32>
    %div3A_37 = arith.divf %broadcast_in_dim3A, %div3A_36 : vector<2000x1xf32>
    %sub3A = vector.broadcast %div3A_37 : vector<2000x1xf32> to vector<2000x128xf32>
    %sub3A_38 = arith.subf %add3A_28, %sub3A : vector<2000x128xf32>
    %mul3A_39 = arith.mulf %sub3A_38, %sub3A_38 : vector<2000x128xf32>
    %reduce_sum3A_40 = arith.constant dense<0.000000e+00> : vector<2000xf32>
    %reduce_sum3A_41 = vector.multi_reduction <add>, %mul3A_39, %reduce_sum3A_40 [1] : vector<2000x128xf32> to vector<2000xf32>
    %broadcast_in_dim3A_42 = vector.shape_cast %reduce_sum3A_41 : vector<2000xf32> to vector<2000x1xf32>
    %div3A_43 = arith.constant 1.280000e+02 : f32
    %div3A_44 = vector.broadcast %div3A_43 : f32 to vector<2000x1xf32>
    %div3A_45 = arith.divf %broadcast_in_dim3A_42, %div3A_44 : vector<2000x1xf32>
    %add3A_46 = arith.constant 9.99999974E-6 : f32
    %add3A_47 = vector.broadcast %add3A_46 : f32 to vector<2000x1xf32>
    %add3A_48 = arith.addf %div3A_45, %add3A_47 : vector<2000x1xf32>
    %rsqrt3A = math.rsqrt %add3A_48 : vector<2000x1xf32>
    %mul3A_49 = vector.broadcast %rsqrt3A : vector<2000x1xf32> to vector<2000x128xf32>
    %mul3A_50 = arith.mulf %sub3A_38, %mul3A_49 : vector<2000x128xf32>
    %mul3A_51 = vector.broadcast %get3A_31 : vector<1x128xf32> to vector<2000x128xf32>
    %mul3A_52 = arith.mulf %mul3A_51, %mul3A_50 : vector<2000x128xf32>
    %add3A_53 = vector.broadcast %get3A_34 : vector<1x128xf32> to vector<2000x128xf32>
    %add3A_54 = arith.addf %mul3A_52, %add3A_53 : vector<2000x128xf32>
    %add3A_55 = arith.addf %add3A_54, %get3A_1 : vector<2000x128xf32>
    %swap3A = arith.constant 0 : index
    %swap3A_56 = arith.constant 0 : index
    %swap3A_57 = vector.load %arg9[%swap3A, %swap3A_56] : memref<2000x128xf32, #tpu.memory_space<vmem>>, vector<2000x128xf32>
    tpu.vector_store %arg9[%swap3A, %swap3A_56], %add3A_55 {strides = array<i32>} : memref<2000x128xf32, #tpu.memory_space<vmem>>, vector<2000x128xf32>,
    return
  }
  func.func @transform_0(%arg0: i32) -> (i32, i32) {
    %add3A = arith.constant 80 : i32
    %add3A_0 = arith.addi %arg0, %add3A : i32
    %c0_i32 = arith.constant 0 : i32
    %c0_i32_1 = arith.constant 0 : i32
    return %add3A_0, %c0_i32 : i32, i32
  }
  func.func @transform_1(%arg0: i32) -> (i32, i32) {
    %c0_i32 = arith.constant 0 : i32
    %c0_i32_0 = arith.constant 0 : i32
    return %arg0, %c0_i32 : i32, i32
  }
  func.func @transform_2(%arg0: i32) -> (i32, i32) {
    %c0_i32 = arith.constant 0 : i32
    %c0_i32_0 = arith.constant 0 : i32
    %c0_i32_1 = arith.constant 0 : i32
    return %c0_i32, %c0_i32_0 : i32, i32
  }
  func.func @transform_3(%arg0: i32) -> (i32, i32) {
    %c0_i32 = arith.constant 0 : i32
    %c0_i32_0 = arith.constant 0 : i32
    %c0_i32_1 = arith.constant 0 : i32
    return %c0_i32, %c0_i32_0 : i32, i32
  }
  func.func @transform_4(%arg0: i32) -> (i32, i32) {
    %c0_i32 = arith.constant 0 : i32
    %c0_i32_0 = arith.constant 0 : i32
    %c0_i32_1 = arith.constant 0 : i32
    return %c0_i32, %c0_i32_0 : i32, i32
  }
  func.func @transform_5(%arg0: i32) -> (i32, i32) {
    %c0_i32 = arith.constant 0 : i32
    %c0_i32_0 = arith.constant 0 : i32
    %c0_i32_1 = arith.constant 0 : i32
    return %c0_i32, %c0_i32_0 : i32, i32
  }
  func.func @transform_6(%arg0: i32) -> (i32, i32) {
    %c0_i32 = arith.constant 0 : i32
    %c0_i32_0 = arith.constant 0 : i32
    %c0_i32_1 = arith.constant 0 : i32
    return %c0_i32, %c0_i32_0 : i32, i32
  }
  func.func @transform_7(%arg0: i32) -> (i32, i32) {
    %c0_i32 = arith.constant 0 : i32
    %c0_i32_0 = arith.constant 0 : i32
    %c0_i32_1 = arith.constant 0 : i32
    return %c0_i32, %c0_i32_0 : i32, i32
  }
  func.func @transform_8(%arg0: i32) -> (i32, i32) {
    %c0_i32 = arith.constant 0 : i32
    %c0_i32_0 = arith.constant 0 : i32
    return %arg0, %c0_i32 : i32, i32
  }
}

module attributes {stable_mosaic.version = 14 : i64} {
  func.func @_node_pre_body(%arg0: i32, %arg1: memref<2000x128xf32, #tpu.memory_space<vmem>>, %arg2: memref<2000x128xf32, #tpu.memory_space<vmem>>, %arg3: memref<128x128xf32, #tpu.memory_space<vmem>>, %arg4: memref<128x128xf32, #tpu.memory_space<vmem>>, %arg5: memref<2000x128xf32, #tpu.memory_space<vmem>>, %arg6: memref<2000x128xf32, #tpu.memory_space<vmem>>) attributes {dimension_semantics = [#tpu.dimension_semantics<arbitrary>], iteration_bounds = array<i64: 5>, scalar_prefetch = 0 : i64, scratch_operands = 0 : i64, tpu.core_type = #tpu.core_type<tc>, window_params = [{transform_indices = @transform_0, window_bounds = array<i64: 2000, 128>}, {transform_indices = @transform_1, window_bounds = array<i64: 2000, 128>}, {pipeline_mode = #tpu.pipeline_mode<synchronous>, transform_indices = @transform_2, window_bounds = array<i64: 128, 128>}, {pipeline_mode = #tpu.pipeline_mode<synchronous>, transform_indices = @transform_3, window_bounds = array<i64: 128, 128>}, {transform_indices = @transform_4, window_bounds = array<i64: 2000, 128>}, {transform_indices = @transform_5, window_bounds = array<i64: 2000, 128>}]} {
    %get3A = arith.constant 0 : index
    %get3A_0 = arith.constant 0 : index
    %get3A_1 = vector.load %arg1[%get3A, %get3A_0] : memref<2000x128xf32, #tpu.memory_space<vmem>>, vector<2000x128xf32>
    %get3A_2 = arith.constant 0 : index
    %get3A_3 = arith.constant 0 : index
    %get3A_4 = vector.load %arg3[%get3A_2, %get3A_3] : memref<128x128xf32, #tpu.memory_space<vmem>>, vector<128x128xf32>
    %dot_general3A = arith.constant dense<0.000000e+00> : vector<2000x128xf32>
    %dot_general3A_5 = tpu.matmul %get3A_1, %get3A_4, %dot_general3A {dimension_numbers = #tpu.dot_dimension_numbers<[1], [0], [0], [1], [0, 0, 1, 1], [], []>, transpose_lhs_hint = false} : vector<2000x128xf32>, vector<128x128xf32>, vector<2000x128xf32> -> vector<2000x128xf32>
    %swap3A = arith.constant 0 : index
    %swap3A_6 = arith.constant 0 : index
    %swap3A_7 = vector.load %arg5[%swap3A, %swap3A_6] : memref<2000x128xf32, #tpu.memory_space<vmem>>, vector<2000x128xf32>
    tpu.vector_store %arg5[%swap3A, %swap3A_6], %dot_general3A_5 {strides = array<i32>} : memref<2000x128xf32, #tpu.memory_space<vmem>>, vector<2000x128xf32>,
    %get3A_8 = arith.constant 0 : index
    %get3A_9 = arith.constant 0 : index
    %get3A_10 = vector.load %arg2[%get3A_8, %get3A_9] : memref<2000x128xf32, #tpu.memory_space<vmem>>, vector<2000x128xf32>
    %get3A_11 = arith.constant 0 : index
    %get3A_12 = arith.constant 0 : index
    %get3A_13 = vector.load %arg4[%get3A_11, %get3A_12] : memref<128x128xf32, #tpu.memory_space<vmem>>, vector<128x128xf32>
    %dot_general3A_14 = arith.constant dense<0.000000e+00> : vector<2000x128xf32>
    %dot_general3A_15 = tpu.matmul %get3A_10, %get3A_13, %dot_general3A_14 {dimension_numbers = #tpu.dot_dimension_numbers<[1], [0], [0], [1], [0, 0, 1, 1], [], []>, transpose_lhs_hint = false} : vector<2000x128xf32>, vector<128x128xf32>, vector<2000x128xf32> -> vector<2000x128xf32>
    %swap3A_16 = arith.constant 0 : index
    %swap3A_17 = arith.constant 0 : index
    %swap3A_18 = vector.load %arg6[%swap3A_16, %swap3A_17] : memref<2000x128xf32, #tpu.memory_space<vmem>>, vector<2000x128xf32>
    tpu.vector_store %arg6[%swap3A_16, %swap3A_17], %dot_general3A_15 {strides = array<i32>} : memref<2000x128xf32, #tpu.memory_space<vmem>>, vector<2000x128xf32>,
    return
  }
  func.func @transform_0(%arg0: i32) -> (i32, i32) {
    %c0_i32 = arith.constant 0 : i32
    %c0_i32_0 = arith.constant 0 : i32
    return %arg0, %c0_i32 : i32, i32
  }
  func.func @transform_1(%arg0: i32) -> (i32, i32) {
    %c0_i32 = arith.constant 0 : i32
    %c0_i32_0 = arith.constant 0 : i32
    return %arg0, %c0_i32 : i32, i32
  }
  func.func @transform_2(%arg0: i32) -> (i32, i32) {
    %c0_i32 = arith.constant 0 : i32
    %c0_i32_0 = arith.constant 0 : i32
    %c0_i32_1 = arith.constant 0 : i32
    return %c0_i32, %c0_i32_0 : i32, i32
  }
  func.func @transform_3(%arg0: i32) -> (i32, i32) {
    %c0_i32 = arith.constant 0 : i32
    %c0_i32_0 = arith.constant 0 : i32
    %c0_i32_1 = arith.constant 0 : i32
    return %c0_i32, %c0_i32_0 : i32, i32
  }
  func.func @transform_4(%arg0: i32) -> (i32, i32) {
    %c0_i32 = arith.constant 0 : i32
    %c0_i32_0 = arith.constant 0 : i32
    return %arg0, %c0_i32 : i32, i32
  }
  func.func @transform_5(%arg0: i32) -> (i32, i32) {
    %c0_i32 = arith.constant 0 : i32
    %c0_i32_0 = arith.constant 0 : i32
    return %arg0, %c0_i32 : i32, i32
  }
}

</mosaic_0001>

<sc_bundles>
// kernel: kernel.10.cloned.1.call-start
scs
__scs_entry_jumppad:
0x0: {  	(pc) =	sbr.rel $0x88, $3  }
0x1: {  	(tag) =	ssettag $0x0;
	lr =	simm.s32 $0x1  }
0x2: {  	[smem:$0x3F8A] =	sst lr;
	_ =	strace $0xD0000000  }
0x3: {  	_ = 	snop  }
0x4: {  	_ = 	snop  }
0x5: {  	_ = 	snop  }
0x6: {  	_ = 	snop  }
0x7: {  	_ = 	snop  }
__scs_overlays_trampoline_lowered:
0x8: {  	[smem:$0x3F99] =	sst s0  }
0x9: {  	[smem:$0x3F9A] =	sst s1  }
0xa: {  	[smem:$0x3F9B] =	sst s2  }
0xb: {  	[smem:$0x3F9C] =	sst s3  }
0xc: {  	[smem:$0x3F9D] =	sst s4  }
0xd: {  	[smem:$0x3F9E] =	sst s5  }
0xe: {  	[smem:$0x3F9F] =	sst s6  }
0xf: {  	[smem:$0x3FA0] =	sst s7  }
0x10: {  	[smem:$0x3FA1] =	sst s8  }
0x11: {  	[smem:$0x3FA2] =	sst s9;
	s0 =	simm.s32 @!p0 $0x0  }
0x12: {  	s1 =	sld [smem:$0x3F88];
	s0 =	simm.s32 @p0 $0x1  }
0x13: {  	[smem:$0x3FA3] =	sst s0;
	s0 =	simm.s32 @!p1 $0x0  }
0x14: {  	s2 =	sld [smem:$0x3F87];
	s0 =	simm.s32 @p1 $0x1  }
0x15: {  	[smem:$0x3FA4] =	sst s0;
	s0 =	simm.s32 @!p2 $0x0  }
0x16: {  	s3 =	sld [smem:$0x3FDB];
	s0 =	simm.s32 @p2 $0x1  }
0x17: {  	s4 =	simm.s32 $0x1BF5;
	[smem:$0x3FA6] =	sst s0  }
0x18: {  	s0 =	sld [smem:$0x3F89];
	_ =	swait.ge [sflag:s4], $0x0  }
0x19: {  	s7 =	sld [smem:$0x3F8A]  }
0x1a: {  	s8 =	sadd.s32 $0xFFFFE003, lr  }
0x1b: {  	s9 =	sadd.s32 $0xFFFFFEF7, lr;
	s5 =	simm.s32 $0xFFFFFFFF;
	p2 =	slt.u32 s8, $0xFFFFF086  }
0x1c: {  	p1 =	slt.u32 s9, $0xF7A;
	s5 =	simm.s32 @!p2 $0x0  }
0x1d: {  	s5 =	simm.s32 @p1 $0x1;
	p0 =	seq.s32 s7, s2  }
0x1e: {  	s7 =	smul.u32 @!p0 $0xF7A, s2;
	p2 =	seq.s32 @!p0 s5, $0x0  }
0x1f: {  	s9 =	smul.u32 $0xF7A, s1;
	s8 =	simm.s32 @!p0 $0x1BF5;
	p2 =	por !p2, p0  }
0x20: {  	[sflag:s8] =	ssyncset.s32 @!p0 $0xFFFFF086;
	s6 =	sadd.s32 @!p0 s3, s7;
	s7 =	simm.s32 @!p0 $0x108  }
0x21: {  	s3 =	sadd.s32 s3, s9;
	s6 =	sadd.s32 @!p0 $0x88, s6;
	s7 =	simm.s32 @p2 $0x1082  }
0x22: {  	[simem:s7], [sflag:s8] =	dma.local @!p0 [hbm:s6], $0xF7A  }
0x23: {  	s9 =	sor.u32 $0xD0000000, s2;
	s6 =	simm.s32 $0x108;
	_ =	swait.ge @!p0 [sflag:s8], $0x0  }
0x24: {  	s3 =	sadd.s32 $0x88, s3;
	s6 =	simm.s32 @!p1 $0x1082;
	[sflag:s4] =	ssyncset.s32 $0xFFFFF086  }
0x25: {  	[simem:s6], [sflag:s4] =	dma.local [hbm:s3], $0xF7A  }
0x26: {  	[smem:$0x3F8A] =	sst s1;
	(tag) =	ssettag s2;
	_ =	strace s9  }
0x27: {  	s1 =	sld [smem:$0x3F9A]  }
0x28: {  	s2 =	sld [smem:$0x3F9B]  }
0x29: {  	s4 =	sld [smem:$0x3F9D]  }
0x2a: {  	p0 =	seq.s32 s5, $0x0;
	s5 =	sld [smem:$0x3F9E]  }
0x2b: {  	s6 =	sld [smem:$0x3F9F]  }
0x2c: {  	s7 =	sld [smem:$0x3FA0]  }
0x2d: {  	s3 =	simm.s32 $0x108;
	s8 =	sld [smem:$0x3FA1]  }
0x2e: {  	s3 =	simm.s32 @!p0 $0x1082;
	s9 =	sld [smem:$0x3FA2]  }
0x2f: {  	lr =	sadd.s32 s0, s3;
	s0 =	sld [smem:$0x3F99]  }
0x30: {  	s3 =	sld [smem:$0x3F9C]  }
0x31: {  	[smem:$0x3FA5] =	sst s10  }
0x32: {  	s10 =	sld [smem:$0x3FA3];
	_ =	sdelay $0x3  }
0x33: {  	p0 =	seq.s32 s10, $0x1;
	s10 =	sld [smem:$0x3FA5];
	_ =	sdelay $0x3  }
0x34: {  	[smem:$0x3FA5] =	sst s10  }
0x35: {  	s10 =	sld [smem:$0x3FA4];
	_ =	sdelay $0x3  }
0x36: {  	p1 =	seq.s32 s10, $0x1;
	s10 =	sld [smem:$0x3FA5];
	_ =	sdelay $0x3  }
0x37: {  	[smem:$0x3FA5] =	sst s10  }
0x38: {  	s10 =	sld [smem:$0x3FA6]  }
0x39: {  	_ = 	snop;
	(pc) =	sbr.ind lr, $3  }
0x3a: {  	_ = 	snop  }
0x3b: {  	_ = 	snop  }
0x3c: {  	p2 =	seq.s32 s10, $0x1;
	s10 =	sld [smem:$0x3FA5]  }
0x3d: {  	_ =	shalt  }
0x3e: {  	_ =	shalt  }
0x3f: {  	_ =	shalt  }
0x40: {  	_ =	shalt  }
0x41: {  	_ =	shalt  }
0x42: {  	_ =	shalt  }
0x43: {  	_ =	shalt  }
0x44: {  	_ =	shalt  }
0x45: {  	_ =	shalt  }
0x46: {  	_ =	shalt  }
0x47: {  	_ =	shalt  }
0x48: {  	_ =	shalt  }
0x49: {  	_ =	shalt  }
0x4a: {  	_ =	shalt  }
0x4b: {  	_ =	shalt  }
0x4c: {  	_ =	shalt  }
0x4d: {  	_ =	shalt  }
0x4e: {  	_ =	shalt  }
0x4f: {  	_ =	shalt  }
0x50: {  	_ =	shalt  }
0x51: {  	_ =	shalt  }
0x52: {  	_ =	shalt  }
0x53: {  	_ =	shalt  }
0x54: {  	_ =	shalt  }
0x55: {  	_ =	shalt  }
0x56: {  	_ =	shalt  }
0x57: {  	_ =	shalt  }
0x58: {  	_ =	shalt  }
0x59: {  	_ =	shalt  }
0x5a: {  	_ =	shalt  }
0x5b: {  	_ =	shalt  }
0x5c: {  	_ =	shalt  }
0x5d: {  	_ =	shalt  }
0x5e: {  	_ =	shalt  }
0x5f: {  	_ =	shalt  }
0x60: {  	_ =	shalt  }
0x61: {  	_ =	shalt  }
0x62: {  	_ =	shalt  }
0x63: {  	_ =	shalt  }
0x64: {  	_ =	shalt  }
0x65: {  	_ =	shalt  }
0x66: {  	_ =	shalt  }
0x67: {  	_ =	shalt  }
0x68: {  	_ =	shalt  }
0x69: {  	_ =	shalt  }
0x6a: {  	_ =	shalt  }
0x6b: {  	_ =	shalt  }
0x6c: {  	_ =	shalt  }
0x6d: {  	_ =	shalt  }
0x6e: {  	_ =	shalt  }
0x6f: {  	_ =	shalt  }
0x70: {  	_ =	shalt  }
0x71: {  	_ =	shalt  }
0x72: {  	_ =	shalt  }
0x73: {  	_ =	shalt  }
0x74: {  	_ =	shalt  }
0x75: {  	_ =	shalt  }
0x76: {  	_ =	shalt  }
0x77: {  	_ =	shalt  }
0x78: {  	_ =	shalt  }
0x79: {  	_ =	shalt  }
0x7a: {  	_ =	shalt  }
0x7b: {  	_ =	shalt  }
0x7c: {  	_ =	shalt  }
0x7d: {  	_ =	shalt  }
0x7e: {  	_ =	shalt  }
0x7f: {  	_ =	shalt  }
0x80: {  	_ =	shalt  }
0x81: {  	_ =	shalt  }
0x82: {  	_ =	shalt  }
0x83: {  	_ =	shalt  }
0x84: {  	_ =	shalt  }
0x85: {  	_ =	shalt  }
0x86: {  	_ =	shalt  }
0x87: {  	_ =	shalt  }
.Lfunc_end0:
.L_simem_size_0:
called_computation_lowered:
.L_overlay_start_0:
0x88: {  	s2 =	sld [smem:$0x3FD9]  }
0x89: {  	s3 =	sld [smem:$0x3FFE];
	_ =	sdelay $0x1  }
0x8a: {  	s1 =	srdreg.scid  }
0x8b: {  	s0 =	sand.u32 $0x1, s1  }
0x8c: {  	s15 =	sshll.u32 s0, $0xA;
	s2 =	sadd.s32 s3, s2  }
0x8d: {  	s2 =	sadd.s32 s2, s15  }
0x8e: {  	[smem:$0x3FB1] =	sst s2  }
0x8f: {  	_ = 	snop  }
0x90: {  	s4 =	sld [smem:$0x3FD0];
	_ =	sdelay $0x1  }
0x91: {  	s2 =	sld [smem:$0x3FC6]  }
0x92: {  	s6 =	simm.s32 $0xB;
	s5 =	simm.s32 $0x10;
	s16 =	sld [smem:$0x3FC5]  }
0x93: {  	[smem:s5], [sflag:s6] =	dma.local [hbm:s4], $0x1  }
0x94: {  	_ =	swait.eq [sflag:s6], $0x1  }
0x95: {  	[sflag:s6] =	ssyncset.done $0x0  }
0x96: {  	s17 =	sld [smem:$0x10];
	[sflag:s6] =	ssyncadd.s32 $0xFFFFFFFF  }
0x97: {  	s18 =	sld [smem:$0x11];
	(tm) =	ssettm $0x1  }
0x98: {  	s19 =	sld [smem:$0x3FFB];
	_ =	sdelay $0x3  }
0x99: {  	_ =	strace s19  }
0x9a: {  	s4 =	sld [smem:$0x3FFC];
	_ =	sdelay $0x3  }
0x9b: {  	_ =	strace s4  }
0x9c: {  	s4 =	sld [smem:$0x3FFD];
	_ =	sdelay $0x3  }
0x9d: {  	_ =	strace s4  }
0x9e: {  	_ =	strace $0x8FFFFFFF  }
0x9f: {  	s20 =	sld [smem:$0x3FDB];
	_ =	sdelay $0x1  }
0xa0: {  	s7 =	simm.s32 $_scs_section_size  }
0xa1: {  	s8 =	simm.s32 $_size__tile_overlayer_lowered;
	s9 =	simm.s32 $_tile_overlayer_lowered  }
0xa2: {  	s10 =	simm.s32 $0x1BFF;
	s21 =	sshll.u32 s9, $0x1;
	s7 =	sadd.s32 s7, s20  }
0xa3: {  	s22 =	simm.s32 $0x0;
	s8 =	sshll.u32 s8, $0x1;
	s9 =	sadd.s32 s21, s7  }
0xa4: {  	[timem:s22], [sflag:s10] =	dma.local [hbm:s9], s8  }
0xa5: {  	_ =	swait.ge [sflag:s10], s8  }
0xa6: {  	s8 =	ssub.s32 $0x0, s8;
	[sflag:s10] =	ssyncset.done $0x0  }
0xa7: {  	[sflag:s10] =	ssyncadd.s32 s8;
	_ =	sdelay $0x1  }
0xa8: {  	s23 =	simm.s32 $0x1B8B  }
0xa9: {  	_ =	swait.ge [sflag:s23], $0x1  }
0xaa: {  	[sflag:s23] =	ssyncset.done $0x0  }
0xab: {  	[sflag:s23] =	ssyncadd.s32 $0xFFFFFFFF  }
0xac: {  	s8 =	sld [smem:$0x0]  }
0xad: {  	s9 =	sand.u32 $0xFFFFFFFE, s1  }
0xae: {  	p0 =	sne.s32 s1, s9  }
0xaf: {  	s9 =	sshll.u32 @p0 s9, $0xE  }
0xb0: {  	s9 =	sadd.s32 @p0 $0x11B8D, s9;
	s10 =	sshll.u32 @p0 s8, $0x11  }
0xb1: {  	s9 =	sor.u32 @p0 s10, s9  }
0xb2: {  	[sflag:s9] =	ssyncadd.remote.s32 @p0 $0x1;
	_ =	sdelay $0x1  }
0xb3: {  	s9 =	simm.s32 @p0 $0x1B8D  }
0xb4: {  	_ =	swait.eq @p0 [sflag:s9], $0x1  }
0xb5: {  	[sflag:s9] =	ssyncadd.s32 @p0 $0xFFFFFFFF  }
0xb6: {  	s10 =	sshll.u32 @!p0 s1, $0xE  }
0xb7: {  	s10 =	sor.u32 @!p0 $0x4000, s10;
	s9 =	simm.s32 @!p0 $0x1B8D  }
0xb8: {  	s8 =	sshll.u32 @!p0 s8, $0x11;
	s10 =	sadd.s32 @!p0 $0x11B8D, s10;
	_ =	swait.eq @!p0 [sflag:s9], $0x1  }
0xb9: {  	s8 =	sor.u32 @!p0 s8, s10;
	[sflag:s9] =	ssyncadd.s32 @!p0 $0xFFFFFFFF  }
0xba: {  	s25 =	simm.s32 $0x1B8E;
	s24 =	sld [smem:$0x3FFE];
	[sflag:s8] =	ssyncadd.remote.s32 @!p0 $0x1  }
0xbb: {  	s26 =	simm.s32 $execute0_lowered;
	[smem:$0x3FD2] =	sst s25  }
0xbc: {  	s9 =	sshll.u32 s26, $0x1;
	_ =	strace $0x80000049;
	[dreg:$0x1] =	wrdreg $0xFFFFFFFF  }
0xbd: {  	s28 =	simm.s32 $_size_execute0_lowered;
	s7 =	sadd.s32 s7, s9;
	[dreg:$0x0] =	wrdreg $0x0  }
0xbe: {  	s9 =	sshll.u32 s28, $0x1;
	[dreg:$0x2] =	wrdreg s7  }
0xbf: {  	[dreg:$0x3] =	wrdreg s9  }
0xc0: {  	[dreg:$0x4] =	wrdreg $0xC0  }
0xc1: {  	_ =	task [dreg:s22], $0x5FFFF  }
0xc2: {  	[dreg:$0x1] =	wrdreg $0xFFFFFFFF  }
0xc3: {  	[dreg:$0x0] =	wrdreg $0x60  }
0xc4: {  	[dreg:$0x2] =	wrdreg s17  }
0xc5: {  	[dreg:$0x3] =	wrdreg s18  }
0xc6: {  	[dreg:$0x4] =	wrdreg s2  }
0xc7: {  	[dreg:$0x5] =	wrdreg s16  }
0xc8: {  	[dreg:$0x6] =	wrdreg s24  }
0xc9: {  	[dreg:$0x7] =	wrdreg $0x9  }
0xca: {  	_ =	task.clear_ibuf [dreg:s22], $0x8FFFF;
	_ =	strace $0x90000049  }
0xcb: {  	s29 =	simm.s32 $0x9;
	_ =	strace $0x8000004B  }
0xcc: {  	_ =	swait.ge [sflag:s29], $0x1  }
0xcd: {  	[sflag:s29] =	ssyncadd.s32 $0xFFFFFFFF  }
0xce: {  	_ =	strace $0x9000004B  }
0xcf: {  	_ =	sfence  }
0xd0: {  	s30 =	sld [smem:$0x0];
	_ =	sdelay $0x2  }
0xd1: {  	s31 =	sshll.u32 s1, $0xD;
	s1 =	sshrl.u32 s1, $0x2  }
0xd2: {  	s3 =	sand.u32 $0x4000, s31;
	s1 =	sadd.s32 s1, s30  }
0xd3: {  	s0 =	sor.u32 s3, s0;
	s1 =	sshll.u32 s1, $0x11  }
0xd4: {  	s0 =	sor.u32 s1, s0  }
0xd5: {  	s0 =	sadd.s32 $0x8F2B, s0  }
0xd6: {  	[sflag:s0] =	ssyncadd.remote.s32 $0x1  }
0xd7: {  	_ =	sfence.sel $0xFFFF  }
0xd8: {  	[dreg:$0x0] =	wrdreg $0xFFFFFFFF;
	(pc) =	sbr.abs _section_cstart, $3  }
0xd9: {  	[dreg:$0x1] =	wrdreg $0xFFFFFFFF  }
0xda: {  	_ =	task.clear_ibuf [dreg:s22], $0x2FFFF;
	_ =	strace $0x9FFFFFFF  }
0xdb: {  	(tm) =	ssettm $0x7FFFFFFF  }
tec
execute0_lowered:
.L_overlay_start_1:
0x0: {  	(tag) =	ssettag $0x1  }
0x1: {  	s1 =	rddreg [dreg:$0x0]  }
0x2: {  	s2 =	rddreg [dreg:$0x1]  }
0x3: {  	s7 =	rddreg [dreg:$0x2]  }
0x4: {  	s3 =	srdreg.scid;
	s8 =	rddreg [dreg:$0x3]  }
0x5: {  	s0 =	stileid.u32;
	s9 =	rddreg [dreg:$0x4]  }
0x6: {  	s4 =	simm.s32 $0x0;
	s12 =	simm.s32 $0x1400;
	s13 =	simm.s32 $0x28  }
0x7: {  	s14 =	simm.s32 $0x2800;
	s15 =	simm.s32 $0x5000;
	s16 =	simm.s32 $0x3C00  }
0x8: {  	s17 =	simm.s32 $0x6400;
	s6 =	sand.u32 $0x1, s3;
	s28 =	sshll.u32 s0, $0x1  }
0x9: {  	s18 =	simm.s32 $0x1;
	s19 =	simm.s32 $0x2;
	s10 =	sor.u32 s6, s28  }
0xa: {  	s20 =	simm.s32 $0x0;
	s3 =	rddreg [dreg:$0x5];
	s5 =	smul.u32 $0x1388, s10  }
0xb: {  	[smem:$0x7FF] =	sst s4;
	s11 =	ssub.s32 $0x2, s6;
	s10 =	smul.u32 $0x9C400, s10  }
0xc: {  	_ =	strace $0x8000004A;
	s6 =	sadd.s32 $0x276200, s9;
	s29 =	sshrl.u32 s11, $0x1  }
0xd: {  	s11 =	ssub.s32 s11, s29;
	s30 =	sshrl.u32 s5, $0x3;
	s10 =	sshrl.u32 s10, $0x3  }
0xe: {  	s7 =	sadd.s32 s7, s30;
	s8 =	sadd.s32 s8, s30;
	s31 =	sadd.s32 s6, s10  }
0xf: {  	s10 =	smax.u32 s11, $0x1;
	s11 =	simm.s32 $0x3;
	s9 =	sadd.s32 $0x13600, s31  }
.LBB2_1:
0x10: {  	[tilespmem:s4], [sflag:$0x3] =	stream.linear.gather [hbm4b:s7+s4], $0x1388, $0x38;
	[tilespmem:$0x7800] =	vst v63  }
0x11: {  	_ =	swait.ge [sflag:s11], $0x1388  }
0x12: {  	[sflag:s11] =	ssyncset.done $0x0  }
0x13: {  	[sflag:s11] =	ssyncadd.s32 $0xFFFFEC78  }
0x14: {  	[tilespmem:s12], [sflag:$0x3] =	stream.linear.gather [hbm4b:s8+s4], $0x1388, $0x38;
	[tilespmem:$0x7800] =	vst v63  }
0x15: {  	_ =	swait.ge [sflag:s11], $0x1388  }
0x16: {  	[sflag:s11] =	ssyncset.done $0x0  }
0x17: {  	[sflag:s11] =	ssyncadd.s32 $0xFFFFEC78  }
0x18: {  	[tilespmem:s14], [sflag:$0x1] =	stream.indirect.gather [hbm4b:s1+s13], $0x80, s4, s13, $0xb8;
	[tilespmem:$0x7800] =	vst v63  }
0x19: {  	s21 =	simm.s32 $0x0  }
0x1a: {  	[tilespmem:s15], [sflag:$0x2] =	stream.indirect.gather [hbm4b:s2+s13], $0x80, s12, s13, $0xb8;
	[tilespmem:$0x7800] =	vst v63  }
.LBB2_2:
0x1b: {  	s23 =	smul.u32 $0x50, s21;
	_ =	sdelay $0x1  }
0x1c: {  	s22 =	sadd.s32 $0x28, s23  }
0x1d: {  	[tilespmem:s16], [sflag:$0x1] =	stream.indirect.gather [hbm4b:s1+s13], $0x80, s22, s13, $0xb8;
	[tilespmem:$0x7800] =	vst v63  }
0x1e: {  	s24 =	sadd.s32 $0x1428, s23  }
0x1f: {  	[tilespmem:s17], [sflag:$0x2] =	stream.indirect.gather [hbm4b:s2+s13], $0x80, s24, s13, $0xb8;
	[tilespmem:$0x7800] =	vst v63  }
0x20: {  	_ =	swait.ge [sflag:s18], $0x1400  }
0x21: {  	[sflag:s18] =	ssyncset.done $0x0  }
0x22: {  	[sflag:s18] =	ssyncadd.s32 $0xFFFFEC00  }
0x23: {  	_ =	swait.ge [sflag:s19], $0x1400  }
0x24: {  	[sflag:s19] =	ssyncset.done $0x0  }
0x25: {  	s24 =	simm.s32 $0x0;
	[sflag:s19] =	ssyncadd.s32 $0xFFFFEC00  }
0x26: {  	v7 =	vld [tilespmem:s24+$0x5000]  }
0x27: {  	v11 =	vld [tilespmem:s24+$0x5010]  }
0x28: {  	v5 =	vld [tilespmem:s24+$0x5020]  }
0x29: {  	v4 =	vld [tilespmem:s24+$0x5030]  }
0x2a: {  	v3 =	vld [tilespmem:s24+$0x5040]  }
0x2b: {  	v2 =	vld [tilespmem:s24+$0x5050]  }
0x2c: {  	v1 =	vld [tilespmem:s24+$0x5060]  }
0x2d: {  	v0 =	vld [tilespmem:s24+$0x5070]  }
0x2e: {  	v12 =	vld [tilespmem:s24+$0x2800]  }
0x2f: {  	v13 =	vld [tilespmem:s24+$0x2810]  }
0x30: {  	v10 =	vld [tilespmem:s24+$0x2820]  }
0x31: {  	v9 =	vld [tilespmem:s24+$0x2830]  }
0x32: {  	v8 =	vld [tilespmem:s24+$0x2840]  }
0x33: {  	v6 =	vld [tilespmem:s24+$0x2850];
	v12 =	vadd.f32 v7, v12  }
0x34: {  	s25 =	simm.s32 $0x200;
	v11 =	vadd.f32 v11, v13;
	v7 =	vld [tilespmem:s24+$0x2860]  }
.LBB2_3:
0x35: {  	s26 =	sshra.s32 s25, $0x2;
	p0 =	sne.s32 s25, $0x4E00;
	[tilespmem:s24+$0x2800] =	vst v12;
	v5 =	vadd.f32 v5, v10;
	v10 =	vld [tilespmem:s24+$0x2870]  }
0x36: {  	v12 =	vld [tilespmem:s26+$0x5000];
	[tilespmem:s24+$0x2810] =	vst v11;
	v4 =	vadd.f32 v4, v9  }
0x37: {  	v11 =	vld [tilespmem:s26+$0x5010];
	[tilespmem:s24+$0x2820] =	vst v5;
	v3 =	vadd.f32 v3, v8  }
0x38: {  	v5 =	vld [tilespmem:s26+$0x5020];
	[tilespmem:s24+$0x2830] =	vst v4;
	v2 =	vadd.f32 v2, v6  }
0x39: {  	v4 =	vld [tilespmem:s26+$0x5030];
	[tilespmem:s24+$0x2840] =	vst v3;
	v1 =	vadd.f32 v1, v7  }
0x3a: {  	v3 =	vld [tilespmem:s26+$0x5040];
	[tilespmem:s24+$0x2850] =	vst v2;
	v0 =	vadd.f32 v0, v10  }
0x3b: {  	v2 =	vld [tilespmem:s26+$0x5050];
	[tilespmem:s24+$0x2860] =	vst v1  }
0x3c: {  	v1 =	vld [tilespmem:s26+$0x5060];
	[tilespmem:s24+$0x2870] =	vst v0;
	s24 =	smov.u32 s26  }
0x3d: {  	v0 =	vld [tilespmem:s24+$0x5070]  }
0x3e: {  	v6 =	vld [tilespmem:s24+$0x2800]  }
0x3f: {  	v7 =	vld [tilespmem:s24+$0x2810]  }
.Ltmp0:
0x40: {  	v10 =	vld [tilespmem:s24+$0x2820];
	(pc) =	sbr.rel @p0 .LBB2_3-.Ltmp0, $4  }
0x41: {  	v9 =	vld [tilespmem:s24+$0x2830]  }
0x42: {  	v8 =	vld [tilespmem:s24+$0x2840]  }
0x43: {  	v12 =	vadd.f32 v12, v6;
	v6 =	vld [tilespmem:s24+$0x2850]  }
0x44: {  	s25 =	sadd.s32 $0x200, s25;
	v11 =	vadd.f32 v11, v7;
	v7 =	vld [tilespmem:s24+$0x2860]  }
0x45: {  	[tilespmem:s24+$0x2800] =	vst v12;
	v5 =	vadd.f32 v5, v10;
	v10 =	vld [tilespmem:s24+$0x2870]  }
0x46: {  	[tilespmem:s24+$0x2810] =	vst v11;
	v4 =	vadd.f32 v4, v9  }
0x47: {  	[tilespmem:s24+$0x2820] =	vst v5;
	v3 =	vadd.f32 v3, v8  }
0x48: {  	[tilespmem:s24+$0x2830] =	vst v4;
	v2 =	vadd.f32 v2, v6  }
0x49: {  	[tilespmem:s24+$0x2840] =	vst v3;
	v1 =	vadd.f32 v1, v7  }
0x4a: {  	s25 =	sadd.s32 s5, s23;
	[tilespmem:s24+$0x2850] =	vst v2;
	v0 =	vadd.f32 v0, v10  }
0x4b: {  	s25 =	sshll.u32 s25, $0x4;
	[tilespmem:s24+$0x2860] =	vst v1  }
0x4c: {  	s29 =	simm.s32 $0x0;
	s28 =	sadd.s32 s6, s25;
	[tilespmem:s24+$0x2870] =	vst v0  }
0x4d: {  	[hbm4b:s28+s29] =	stream.linear.scatter [tilespmem:s14], [sflag:$0x3], $0x1400, $0x38;
	[tilespmem:$0x7800] =	vst v63  }
0x4e: {  	_ =	swait.ge [sflag:s11], $0x1400  }
0x4f: {  	[sflag:s11] =	ssyncset.done $0x0  }
0x50: {  	s30 =	sadd.s32 $0x50, s23;
	[sflag:s11] =	ssyncadd.s32 $0xFFFFEC00  }
0x51: {  	[tilespmem:s14], [sflag:$0x1] =	stream.indirect.gather [hbm4b:s1+s13], $0x80, s30, s13, $0xb8;
	[tilespmem:$0x7800] =	vst v63  }
0x52: {  	s31 =	sadd.s32 $0x1450, s23  }
0x53: {  	[tilespmem:s15], [sflag:$0x2] =	stream.indirect.gather [hbm4b:s2+s13], $0x80, s31, s13, $0xb8;
	[tilespmem:$0x7800] =	vst v63  }
0x54: {  	_ =	swait.ge [sflag:s18], $0x1400  }
0x55: {  	[sflag:s18] =	ssyncset.done $0x0  }
0x56: {  	[sflag:s18] =	ssyncadd.s32 $0xFFFFEC00  }
0x57: {  	_ =	swait.ge [sflag:s19], $0x1400  }
0x58: {  	[sflag:s19] =	ssyncset.done $0x0  }
0x59: {  	s23 =	simm.s32 $0x0;
	[sflag:s19] =	ssyncadd.s32 $0xFFFFEC00  }
0x5a: {  	v7 =	vld [tilespmem:s23+$0x6400]  }
0x5b: {  	v11 =	vld [tilespmem:s23+$0x6410]  }
0x5c: {  	v5 =	vld [tilespmem:s23+$0x6420]  }
0x5d: {  	v4 =	vld [tilespmem:s23+$0x6430]  }
0x5e: {  	v3 =	vld [tilespmem:s23+$0x6440]  }
0x5f: {  	v2 =	vld [tilespmem:s23+$0x6450]  }
0x60: {  	v1 =	vld [tilespmem:s23+$0x6460]  }
0x61: {  	v0 =	vld [tilespmem:s23+$0x6470]  }
0x62: {  	v12 =	vld [tilespmem:s23+$0x3C00]  }
0x63: {  	v13 =	vld [tilespmem:s23+$0x3C10]  }
0x64: {  	v10 =	vld [tilespmem:s23+$0x3C20]  }
0x65: {  	v9 =	vld [tilespmem:s23+$0x3C30]  }
0x66: {  	v8 =	vld [tilespmem:s23+$0x3C40]  }
0x67: {  	v6 =	vld [tilespmem:s23+$0x3C50];
	v12 =	vadd.f32 v7, v12  }
0x68: {  	s24 =	simm.s32 $0x200;
	v11 =	vadd.f32 v11, v13;
	v7 =	vld [tilespmem:s23+$0x3C60]  }
.LBB2_5:
0x69: {  	s25 =	sshra.s32 s24, $0x2;
	p0 =	sne.s32 s24, $0x4E00;
	[tilespmem:s23+$0x3C00] =	vst v12;
	v5 =	vadd.f32 v5, v10;
	v10 =	vld [tilespmem:s23+$0x3C70]  }
0x6a: {  	v12 =	vld [tilespmem:s25+$0x6400];
	[tilespmem:s23+$0x3C10] =	vst v11;
	v4 =	vadd.f32 v4, v9  }
0x6b: {  	v11 =	vld [tilespmem:s25+$0x6410];
	[tilespmem:s23+$0x3C20] =	vst v5;
	v3 =	vadd.f32 v3, v8  }
0x6c: {  	v5 =	vld [tilespmem:s25+$0x6420];
	[tilespmem:s23+$0x3C30] =	vst v4;
	v2 =	vadd.f32 v2, v6  }
0x6d: {  	v4 =	vld [tilespmem:s25+$0x6430];
	[tilespmem:s23+$0x3C40] =	vst v3;
	v1 =	vadd.f32 v1, v7  }
0x6e: {  	v3 =	vld [tilespmem:s25+$0x6440];
	[tilespmem:s23+$0x3C50] =	vst v2;
	v0 =	vadd.f32 v0, v10  }
0x6f: {  	v2 =	vld [tilespmem:s25+$0x6450];
	[tilespmem:s23+$0x3C60] =	vst v1  }
0x70: {  	v1 =	vld [tilespmem:s25+$0x6460];
	[tilespmem:s23+$0x3C70] =	vst v0;
	s23 =	smov.u32 s25  }
0x71: {  	v0 =	vld [tilespmem:s23+$0x6470]  }
0x72: {  	v6 =	vld [tilespmem:s23+$0x3C00]  }
0x73: {  	v7 =	vld [tilespmem:s23+$0x3C10]  }
.Ltmp1:
0x74: {  	v10 =	vld [tilespmem:s23+$0x3C20];
	(pc) =	sbr.rel @p0 .LBB2_5-.Ltmp1, $4  }
0x75: {  	v9 =	vld [tilespmem:s23+$0x3C30]  }
0x76: {  	v8 =	vld [tilespmem:s23+$0x3C40]  }
0x77: {  	v12 =	vadd.f32 v12, v6;
	v6 =	vld [tilespmem:s23+$0x3C50]  }
0x78: {  	s24 =	sadd.s32 $0x200, s24;
	v11 =	vadd.f32 v11, v7;
	v7 =	vld [tilespmem:s23+$0x3C60]  }
0x79: {  	[tilespmem:s23+$0x3C00] =	vst v12;
	v5 =	vadd.f32 v5, v10;
	v63 =	vld [tilespmem:s23+$0x3C70]  }
0x7a: {  	[tilespmem:s23+$0x3C10] =	vst v11;
	v4 =	vadd.f32 v4, v9  }
0x7b: {  	[tilespmem:s23+$0x3C20] =	vst v5;
	v3 =	vadd.f32 v3, v8  }
0x7c: {  	[tilespmem:s23+$0x3C30] =	vst v4;
	v2 =	vadd.f32 v2, v6  }
0x7d: {  	[tilespmem:s23+$0x3C40] =	vst v3;
	v1 =	vadd.f32 v1, v7  }
0x7e: {  	s22 =	sadd.s32 s5, s22;
	s21 =	sadd.s32 $0x1, s21;
	[tilespmem:s23+$0x3C50] =	vst v2;
	v0 =	vadd.f32 v0, v63  }
0x7f: {  	s22 =	sshll.u32 s22, $0x4;
	p0 =	sne.s32 s21, $0x3E;
	[tilespmem:s23+$0x3C60] =	vst v1  }
.Ltmp2:
0x80: {  	s22 =	sadd.s32 s6, s22;
	[tilespmem:s23+$0x3C70] =	vst v0;
	(pc) =	sbr.rel @p0 .LBB2_2-.Ltmp2, $4  }
0x81: {  	[hbm4b:s22+s4] =	stream.linear.scatter [tilespmem:s16], [sflag:$0x3], $0x1400, $0x38;
	[tilespmem:$0x7800] =	vst v63  }
0x82: {  	_ =	swait.ge [sflag:s11], $0x1400  }
0x83: {  	[sflag:s11] =	ssyncset.done $0x0  }
0x84: {  	[sflag:s11] =	ssyncadd.s32 $0xFFFFEC00  }
0x85: {  	_ =	swait.ge [sflag:s18], $0x1400  }
0x86: {  	[sflag:s18] =	ssyncset.done $0x0  }
0x87: {  	[sflag:s18] =	ssyncadd.s32 $0xFFFFEC00  }
0x88: {  	_ =	swait.ge [sflag:s19], $0x1400  }
0x89: {  	[sflag:s19] =	ssyncset.done $0x0  }
0x8a: {  	s21 =	simm.s32 $0x0;
	[sflag:s19] =	ssyncadd.s32 $0xFFFFEC00  }
0x8b: {  	v7 =	vld [tilespmem:s21+$0x5000]  }
0x8c: {  	v11 =	vld [tilespmem:s21+$0x5010]  }
0x8d: {  	v5 =	vld [tilespmem:s21+$0x5020]  }
0x8e: {  	v4 =	vld [tilespmem:s21+$0x5030]  }
0x8f: {  	v3 =	vld [tilespmem:s21+$0x5040]  }
0x90: {  	v2 =	vld [tilespmem:s21+$0x5050]  }
0x91: {  	v1 =	vld [tilespmem:s21+$0x5060]  }
0x92: {  	v0 =	vld [tilespmem:s21+$0x5070]  }
0x93: {  	v12 =	vld [tilespmem:s21+$0x2800]  }
0x94: {  	v13 =	vld [tilespmem:s21+$0x2810]  }
0x95: {  	v10 =	vld [tilespmem:s21+$0x2820]  }
0x96: {  	v9 =	vld [tilespmem:s21+$0x2830]  }
0x97: {  	v8 =	vld [tilespmem:s21+$0x2840]  }
0x98: {  	v6 =	vld [tilespmem:s21+$0x2850];
	v12 =	vadd.f32 v7, v12  }
0x99: {  	s22 =	simm.s32 $0x200;
	v11 =	vadd.f32 v11, v13;
	v7 =	vld [tilespmem:s21+$0x2860]  }
.LBB2_8:
0x9a: {  	s23 =	sshra.s32 s22, $0x2;
	p0 =	sne.s32 s22, $0x4E00;
	[tilespmem:s21+$0x2800] =	vst v12;
	v5 =	vadd.f32 v5, v10;
	v10 =	vld [tilespmem:s21+$0x2870]  }
0x9b: {  	v12 =	vld [tilespmem:s23+$0x5000];
	[tilespmem:s21+$0x2810] =	vst v11;
	v4 =	vadd.f32 v4, v9  }
0x9c: {  	v11 =	vld [tilespmem:s23+$0x5010];
	[tilespmem:s21+$0x2820] =	vst v5;
	v3 =	vadd.f32 v3, v8  }
0x9d: {  	v5 =	vld [tilespmem:s23+$0x5020];
	[tilespmem:s21+$0x2830] =	vst v4;
	v2 =	vadd.f32 v2, v6  }
0x9e: {  	v4 =	vld [tilespmem:s23+$0x5030];
	[tilespmem:s21+$0x2840] =	vst v3;
	v1 =	vadd.f32 v1, v7  }
0x9f: {  	v3 =	vld [tilespmem:s23+$0x5040];
	[tilespmem:s21+$0x2850] =	vst v2;
	v0 =	vadd.f32 v0, v10  }
0xa0: {  	v2 =	vld [tilespmem:s23+$0x5050];
	[tilespmem:s21+$0x2860] =	vst v1  }
0xa1: {  	v1 =	vld [tilespmem:s23+$0x5060];
	[tilespmem:s21+$0x2870] =	vst v0;
	s21 =	smov.u32 s23  }
0xa2: {  	v0 =	vld [tilespmem:s21+$0x5070]  }
0xa3: {  	v6 =	vld [tilespmem:s21+$0x2800]  }
0xa4: {  	v7 =	vld [tilespmem:s21+$0x2810]  }
.Ltmp3:
0xa5: {  	v10 =	vld [tilespmem:s21+$0x2820];
	(pc) =	sbr.rel @p0 .LBB2_8-.Ltmp3, $4  }
0xa6: {  	v9 =	vld [tilespmem:s21+$0x2830]  }
0xa7: {  	v8 =	vld [tilespmem:s21+$0x2840]  }
0xa8: {  	v12 =	vadd.f32 v12, v6;
	v6 =	vld [tilespmem:s21+$0x2850]  }
0xa9: {  	s22 =	sadd.s32 $0x200, s22;
	v11 =	vadd.f32 v11, v7;
	v7 =	vld [tilespmem:s21+$0x2860]  }
0xaa: {  	[tilespmem:s21+$0x2800] =	vst v12;
	v5 =	vadd.f32 v5, v10;
	v63 =	vld [tilespmem:s21+$0x2870]  }
0xab: {  	[tilespmem:s21+$0x2810] =	vst v11;
	v4 =	vadd.f32 v4, v9  }
0xac: {  	[tilespmem:s21+$0x2820] =	vst v5;
	v3 =	vadd.f32 v3, v8  }
0xad: {  	[tilespmem:s21+$0x2830] =	vst v4;
	v2 =	vadd.f32 v2, v6  }
0xae: {  	[tilespmem:s21+$0x2840] =	vst v3;
	v1 =	vadd.f32 v1, v7  }
0xaf: {  	s20 =	sadd.s32 $0x1, s20;
	[tilespmem:s21+$0x2850] =	vst v2;
	v0 =	vadd.f32 v0, v63  }
0xb0: {  	p0 =	sne.s32 s20, s10;
	[tilespmem:s21+$0x2860] =	vst v1  }
.Ltmp4:
0xb1: {  	[tilespmem:s21+$0x2870] =	vst v0;
	(pc) =	sbr.rel @p0 .LBB2_1-.Ltmp4, $4  }
0xb2: {  	[hbm4b:s9+s4] =	stream.linear.scatter [tilespmem:s14], [sflag:$0x3], $0x1400, $0x38;
	[tilespmem:$0x7800] =	vst v63  }
0xb3: {  	_ =	swait.ge [sflag:s11], $0x1400  }
0xb4: {  	[sflag:s11] =	ssyncset.done $0x0  }
0xb5: {  	[sflag:s11] =	ssyncadd.s32 $0xFFFFEC00  }
0xb6: {  	_ =	sfence.sel $0x180000  }
0xb7: {  	[bflag:$0x0] =	sbarrier.arrive $0xFFFF  }
0xb8: {  	p0 =	sne.s32 s0, $0x0;
	_ =	strace $0x9000004A  }
0xb9: {  	s0 =	sadd.s32 @!p0 $0x100000, s3;
	[bflag:$0x2] =	sbarrier.arrive $0xFFFF  }
0xba: {  	[sflag:s0] =	ssyncadd.tile.s32 @!p0 $0x1;
	_ =	shalt  }
.Lfunc_end2:
_tile_overlayer_lowered:
.L_overlay_start_2:
0xbb: {  	(tag) =	ssettag $0x2  }
0xbc: {  	s0 =	rddreg [dreg:$0x0];
	s2 =	stileid.u32  }
0xbd: {  	s1 =	rddreg [dreg:$0x1];
	p0 =	sne.s32 s2, $0x0  }
0xbe: {  	s3 =	rddreg [dreg:$0x2];
	[bflag:$0x3] =	sbarrier.arrive $0xFFFF;
	s2 =	simm.s32 @!p0 $0x1C03  }
0xbf: {  	[timem:s3], [sflag:s2] =	dma.local @!p0 [hbm:s0], s1  }
0xc0: {  	s0 =	simm.s32 @!p0 $0x3  }
0xc1: {  	_ =	swait.ge @!p0 [sflag:s0], s1  }
0xc2: {  	s1 =	ssub.s32 @!p0 $0x0, s1;
	[sflag:s0] =	ssyncset.done @!p0 $0x0  }
0xc3: {  	[sflag:s0] =	ssyncadd.s32 @!p0 s1  }
0xc4: {  	[bflag:$0x3] =	sbarrier.arrive $0xFFFF  }
0xc5: {  	_ =	shalt  }

// kernel: kernel.13.cloned.1.call-start
scs
__scs_entry_jumppad:
0x0: {  	(pc) =	sbr.rel $0x88, $3  }
0x1: {  	(tag) =	ssettag $0x0;
	lr =	simm.s32 $0x1  }
0x2: {  	[smem:$0x3F8A] =	sst lr;
	_ =	strace $0xD0000000  }
0x3: {  	_ = 	snop  }
0x4: {  	_ = 	snop  }
0x5: {  	_ = 	snop  }
0x6: {  	_ = 	snop  }
0x7: {  	_ = 	snop  }
__scs_overlays_trampoline_lowered:
0x8: {  	[smem:$0x3F99] =	sst s0  }
0x9: {  	[smem:$0x3F9A] =	sst s1  }
0xa: {  	[smem:$0x3F9B] =	sst s2  }
0xb: {  	[smem:$0x3F9C] =	sst s3  }
0xc: {  	[smem:$0x3F9D] =	sst s4  }
0xd: {  	[smem:$0x3F9E] =	sst s5  }
0xe: {  	[smem:$0x3F9F] =	sst s6  }
0xf: {  	[smem:$0x3FA0] =	sst s7  }
0x10: {  	[smem:$0x3FA1] =	sst s8  }
0x11: {  	[smem:$0x3FA2] =	sst s9;
	s0 =	simm.s32 @!p0 $0x0  }
0x12: {  	s1 =	sld [smem:$0x3F88];
	s0 =	simm.s32 @p0 $0x1  }
0x13: {  	[smem:$0x3FA3] =	sst s0;
	s0 =	simm.s32 @!p1 $0x0  }
0x14: {  	s2 =	sld [smem:$0x3F87];
	s0 =	simm.s32 @p1 $0x1  }
0x15: {  	[smem:$0x3FA4] =	sst s0;
	s0 =	simm.s32 @!p2 $0x0  }
0x16: {  	s3 =	sld [smem:$0x3FDB];
	s0 =	simm.s32 @p2 $0x1  }
0x17: {  	s4 =	simm.s32 $0x1BF5;
	[smem:$0x3FA6] =	sst s0  }
0x18: {  	s0 =	sld [smem:$0x3F89];
	_ =	swait.ge [sflag:s4], $0x0  }
0x19: {  	s7 =	sld [smem:$0x3F8A]  }
0x1a: {  	s8 =	sadd.s32 $0xFFFFE003, lr  }
0x1b: {  	s9 =	sadd.s32 $0xFFFFFEF7, lr;
	s5 =	simm.s32 $0xFFFFFFFF;
	p2 =	slt.u32 s8, $0xFFFFF086  }
0x1c: {  	p1 =	slt.u32 s9, $0xF7A;
	s5 =	simm.s32 @!p2 $0x0  }
0x1d: {  	s5 =	simm.s32 @p1 $0x1;
	p0 =	seq.s32 s7, s2  }
0x1e: {  	s7 =	smul.u32 @!p0 $0xF7A, s2;
	p2 =	seq.s32 @!p0 s5, $0x0  }
0x1f: {  	s9 =	smul.u32 $0xF7A, s1;
	s8 =	simm.s32 @!p0 $0x1BF5;
	p2 =	por !p2, p0  }
0x20: {  	[sflag:s8] =	ssyncset.s32 @!p0 $0xFFFFF086;
	s6 =	sadd.s32 @!p0 s3, s7;
	s7 =	simm.s32 @!p0 $0x108  }
0x21: {  	s3 =	sadd.s32 s3, s9;
	s6 =	sadd.s32 @!p0 $0x88, s6;
	s7 =	simm.s32 @p2 $0x1082  }
0x22: {  	[simem:s7], [sflag:s8] =	dma.local @!p0 [hbm:s6], $0xF7A  }
0x23: {  	s9 =	sor.u32 $0xD0000000, s2;
	s6 =	simm.s32 $0x108;
	_ =	swait.ge @!p0 [sflag:s8], $0x0  }
0x24: {  	s3 =	sadd.s32 $0x88, s3;
	s6 =	simm.s32 @!p1 $0x1082;
	[sflag:s4] =	ssyncset.s32 $0xFFFFF086  }
0x25: {  	[simem:s6], [sflag:s4] =	dma.local [hbm:s3], $0xF7A  }
0x26: {  	[smem:$0x3F8A] =	sst s1;
	(tag) =	ssettag s2;
	_ =	strace s9  }
0x27: {  	s1 =	sld [smem:$0x3F9A]  }
0x28: {  	s2 =	sld [smem:$0x3F9B]  }
0x29: {  	s4 =	sld [smem:$0x3F9D]  }
0x2a: {  	p0 =	seq.s32 s5, $0x0;
	s5 =	sld [smem:$0x3F9E]  }
0x2b: {  	s6 =	sld [smem:$0x3F9F]  }
0x2c: {  	s7 =	sld [smem:$0x3FA0]  }
0x2d: {  	s3 =	simm.s32 $0x108;
	s8 =	sld [smem:$0x3FA1]  }
0x2e: {  	s3 =	simm.s32 @!p0 $0x1082;
	s9 =	sld [smem:$0x3FA2]  }
0x2f: {  	lr =	sadd.s32 s0, s3;
	s0 =	sld [smem:$0x3F99]  }
0x30: {  	s3 =	sld [smem:$0x3F9C]  }
0x31: {  	[smem:$0x3FA5] =	sst s10  }
0x32: {  	s10 =	sld [smem:$0x3FA3];
	_ =	sdelay $0x3  }
0x33: {  	p0 =	seq.s32 s10, $0x1;
	s10 =	sld [smem:$0x3FA5];
	_ =	sdelay $0x3  }
0x34: {  	[smem:$0x3FA5] =	sst s10  }
0x35: {  	s10 =	sld [smem:$0x3FA4];
	_ =	sdelay $0x3  }
0x36: {  	p1 =	seq.s32 s10, $0x1;
	s10 =	sld [smem:$0x3FA5];
	_ =	sdelay $0x3  }
0x37: {  	[smem:$0x3FA5] =	sst s10  }
0x38: {  	s10 =	sld [smem:$0x3FA6]  }
0x39: {  	_ = 	snop;
	(pc) =	sbr.ind lr, $3  }
0x3a: {  	_ = 	snop  }
0x3b: {  	_ = 	snop  }
0x3c: {  	p2 =	seq.s32 s10, $0x1;
	s10 =	sld [smem:$0x3FA5]  }
0x3d: {  	_ =	shalt  }
0x3e: {  	_ =	shalt  }
0x3f: {  	_ =	shalt  }
0x40: {  	_ =	shalt  }
0x41: {  	_ =	shalt  }
0x42: {  	_ =	shalt  }
0x43: {  	_ =	shalt  }
0x44: {  	_ =	shalt  }
0x45: {  	_ =	shalt  }
0x46: {  	_ =	shalt  }
0x47: {  	_ =	shalt  }
0x48: {  	_ =	shalt  }
0x49: {  	_ =	shalt  }
0x4a: {  	_ =	shalt  }
0x4b: {  	_ =	shalt  }
0x4c: {  	_ =	shalt  }
0x4d: {  	_ =	shalt  }
0x4e: {  	_ =	shalt  }
0x4f: {  	_ =	shalt  }
0x50: {  	_ =	shalt  }
0x51: {  	_ =	shalt  }
0x52: {  	_ =	shalt  }
0x53: {  	_ =	shalt  }
0x54: {  	_ =	shalt  }
0x55: {  	_ =	shalt  }
0x56: {  	_ =	shalt  }
0x57: {  	_ =	shalt  }
0x58: {  	_ =	shalt  }
0x59: {  	_ =	shalt  }
0x5a: {  	_ =	shalt  }
0x5b: {  	_ =	shalt  }
0x5c: {  	_ =	shalt  }
0x5d: {  	_ =	shalt  }
0x5e: {  	_ =	shalt  }
0x5f: {  	_ =	shalt  }
0x60: {  	_ =	shalt  }
0x61: {  	_ =	shalt  }
0x62: {  	_ =	shalt  }
0x63: {  	_ =	shalt  }
0x64: {  	_ =	shalt  }
0x65: {  	_ =	shalt  }
0x66: {  	_ =	shalt  }
0x67: {  	_ =	shalt  }
0x68: {  	_ =	shalt  }
0x69: {  	_ =	shalt  }
0x6a: {  	_ =	shalt  }
0x6b: {  	_ =	shalt  }
0x6c: {  	_ =	shalt  }
0x6d: {  	_ =	shalt  }
0x6e: {  	_ =	shalt  }
0x6f: {  	_ =	shalt  }
0x70: {  	_ =	shalt  }
0x71: {  	_ =	shalt  }
0x72: {  	_ =	shalt  }
0x73: {  	_ =	shalt  }
0x74: {  	_ =	shalt  }
0x75: {  	_ =	shalt  }
0x76: {  	_ =	shalt  }
0x77: {  	_ =	shalt  }
0x78: {  	_ =	shalt  }
0x79: {  	_ =	shalt  }
0x7a: {  	_ =	shalt  }
0x7b: {  	_ =	shalt  }
0x7c: {  	_ =	shalt  }
0x7d: {  	_ =	shalt  }
0x7e: {  	_ =	shalt  }
0x7f: {  	_ =	shalt  }
0x80: {  	_ =	shalt  }
0x81: {  	_ =	shalt  }
0x82: {  	_ =	shalt  }
0x83: {  	_ =	shalt  }
0x84: {  	_ =	shalt  }
0x85: {  	_ =	shalt  }
0x86: {  	_ =	shalt  }
0x87: {  	_ =	shalt  }
.Lfunc_end0:
.L_simem_size_0:
called_computation.1_lowered:
.L_overlay_start_0:
0x88: {  	s2 =	sld [smem:$0x3FD9]  }
0x89: {  	s3 =	sld [smem:$0x3FFE];
	_ =	sdelay $0x1  }
0x8a: {  	s1 =	srdreg.scid  }
0x8b: {  	s0 =	sand.u32 $0x1, s1  }
0x8c: {  	s17 =	sshll.u32 s0, $0xA;
	s2 =	sadd.s32 s3, s2  }
0x8d: {  	s2 =	sadd.s32 s2, s17  }
0x8e: {  	[smem:$0x3FB1] =	sst s2  }
0x8f: {  	_ = 	snop  }
0x90: {  	s18 =	sld [smem:$0x3FC5];
	(tm) =	ssettm $0x1  }
0x91: {  	s19 =	sld [smem:$0x3FFB];
	_ =	sdelay $0x3  }
0x92: {  	_ =	strace s19  }
0x93: {  	s2 =	sld [smem:$0x3FFC];
	_ =	sdelay $0x3  }
0x94: {  	_ =	strace s2  }
0x95: {  	s2 =	sld [smem:$0x3FFD];
	_ =	sdelay $0x3  }
0x96: {  	_ =	strace s2  }
0x97: {  	_ =	strace $0x8FFFFFFF  }
0x98: {  	s20 =	sld [smem:$0x3FDB];
	_ =	sdelay $0x1  }
0x99: {  	s4 =	simm.s32 $_scs_section_size  }
0x9a: {  	s5 =	simm.s32 $_size__tile_overlayer_lowered;
	s6 =	simm.s32 $_tile_overlayer_lowered  }
0x9b: {  	s7 =	simm.s32 $0x1BFF;
	s21 =	sshll.u32 s6, $0x1;
	s4 =	sadd.s32 s4, s20  }
0x9c: {  	s22 =	simm.s32 $0x0;
	s5 =	sshll.u32 s5, $0x1;
	s6 =	sadd.s32 s21, s4  }
0x9d: {  	[timem:s22], [sflag:s7] =	dma.local [hbm:s6], s5  }
0x9e: {  	_ =	swait.ge [sflag:s7], s5  }
0x9f: {  	s5 =	ssub.s32 $0x0, s5;
	[sflag:s7] =	ssyncset.done $0x0  }
0xa0: {  	[sflag:s7] =	ssyncadd.s32 s5;
	_ =	sdelay $0x1  }
0xa1: {  	s23 =	simm.s32 $0x1B8B  }
0xa2: {  	_ =	swait.ge [sflag:s23], $0x1  }
0xa3: {  	[sflag:s23] =	ssyncset.done $0x0  }
0xa4: {  	[sflag:s23] =	ssyncadd.s32 $0xFFFFFFFF  }
0xa5: {  	s5 =	sld [smem:$0x0]  }
0xa6: {  	s6 =	sand.u32 $0xFFFFFFFE, s1  }
0xa7: {  	p0 =	sne.s32 s1, s6  }
0xa8: {  	s6 =	sshll.u32 @p0 s6, $0xE  }
0xa9: {  	s6 =	sadd.s32 @p0 $0x11B8D, s6;
	s7 =	sshll.u32 @p0 s5, $0x11  }
0xaa: {  	s6 =	sor.u32 @p0 s7, s6  }
0xab: {  	[sflag:s6] =	ssyncadd.remote.s32 @p0 $0x1;
	_ =	sdelay $0x1  }
0xac: {  	s6 =	simm.s32 @p0 $0x1B8D  }
0xad: {  	_ =	swait.eq @p0 [sflag:s6], $0x1  }
0xae: {  	[sflag:s6] =	ssyncadd.s32 @p0 $0xFFFFFFFF  }
0xaf: {  	s7 =	sshll.u32 @!p0 s1, $0xE  }
0xb0: {  	s7 =	sor.u32 @!p0 $0x4000, s7;
	s6 =	simm.s32 @!p0 $0x1B8D  }
0xb1: {  	s5 =	sshll.u32 @!p0 s5, $0x11;
	s7 =	sadd.s32 @!p0 $0x11B8D, s7;
	_ =	swait.eq @!p0 [sflag:s6], $0x1  }
0xb2: {  	s5 =	sor.u32 @!p0 s5, s7;
	[sflag:s6] =	ssyncadd.s32 @!p0 $0xFFFFFFFF  }
0xb3: {  	s25 =	simm.s32 $0x1B8E;
	s24 =	sld [smem:$0x3FFE];
	[sflag:s5] =	ssyncadd.remote.s32 @!p0 $0x1  }
0xb4: {  	s26 =	simm.s32 $execute0_lowered;
	[smem:$0x3FD2] =	sst s25  }
0xb5: {  	s6 =	sshll.u32 s26, $0x1;
	_ =	strace $0x8000004F;
	[dreg:$0x1] =	wrdreg $0xFFFFFFFF  }
0xb6: {  	s28 =	simm.s32 $_size_execute0_lowered;
	s4 =	sadd.s32 s4, s6;
	[dreg:$0x0] =	wrdreg $0x0  }
0xb7: {  	s6 =	sshll.u32 s28, $0x1;
	[dreg:$0x2] =	wrdreg s4  }
0xb8: {  	[dreg:$0x3] =	wrdreg s6  }
0xb9: {  	[dreg:$0x4] =	wrdreg $0xC0  }
0xba: {  	_ =	task [dreg:s22], $0x5FFFF  }
0xbb: {  	[dreg:$0x1] =	wrdreg $0xFFFFFFFF  }
0xbc: {  	[dreg:$0x0] =	wrdreg $0x60  }
0xbd: {  	[dreg:$0x2] =	wrdreg s24  }
0xbe: {  	[dreg:$0x3] =	wrdreg s18  }
0xbf: {  	[dreg:$0x4] =	wrdreg $0x29000  }
0xc0: {  	[dreg:$0x5] =	wrdreg $0x9  }
0xc1: {  	_ =	task.clear_ibuf [dreg:s22], $0x6FFFF;
	_ =	strace $0x9000004F  }
0xc2: {  	s29 =	simm.s32 $0x9;
	_ =	strace $0x80000051  }
0xc3: {  	_ =	swait.ge [sflag:s29], $0x1  }
0xc4: {  	[sflag:s29] =	ssyncadd.s32 $0xFFFFFFFF  }
0xc5: {  	_ =	strace $0x90000051  }
0xc6: {  	_ =	sfence  }
0xc7: {  	s30 =	sld [smem:$0x0];
	_ =	sdelay $0x2  }
0xc8: {  	s31 =	sshll.u32 s1, $0xD;
	s1 =	sshrl.u32 s1, $0x2  }
0xc9: {  	s4 =	sand.u32 $0x4000, s31;
	s1 =	sadd.s32 s1, s30  }
0xca: {  	s0 =	sor.u32 s4, s0;
	s1 =	sshll.u32 s1, $0x11  }
0xcb: {  	s0 =	sor.u32 s1, s0  }
0xcc: {  	s0 =	sadd.s32 $0x8F2B, s0  }
0xcd: {  	[sflag:s0] =	ssyncadd.remote.s32 $0x1  }
0xce: {  	_ =	sfence.sel $0xFFFF  }
0xcf: {  	[dreg:$0x0] =	wrdreg $0xFFFFFFFF;
	(pc) =	sbr.abs _section_cstart, $3  }
0xd0: {  	[dreg:$0x1] =	wrdreg $0xFFFFFFFF  }
0xd1: {  	_ =	task.clear_ibuf [dreg:s22], $0x2FFFF;
	_ =	strace $0x9FFFFFFF  }
0xd2: {  	(tm) =	ssettm $0x7FFFFFFF  }
0xd3: {  	_ =	shalt  }
tec
execute0_lowered:
.L_overlay_start_1:
0x0: {  	(tag) =	ssettag $0x1  }
0x1: {  	s6 =	rddreg [dreg:$0x0]  }
0x2: {  	s1 =	rddreg [dreg:$0x1]  }
0x3: {  	s2 =	rddreg [dreg:$0x2]  }
0x4: {  	s0 =	rddreg [dreg:$0x3]  }
0x5: {  	s3 =	simm.s32 $0x0;
	s15 =	stileid.u32;
	s4 =	srdreg.scid  }
0x6: {  	[smem:$0x7FF] =	sst s3;
	s9 =	smul.u32 $0x13800, s15;
	s11 =	sadd.s32 $0x758200, s6  }
0x7: {  	s10 =	sand.u32 $0x1, s4;
	s7 =	smul.u32 $0x4E000, s15;
	s12 =	sadd.s32 $0x79E00, s6  }
0x8: {  	s13 =	sshll.u32 s15, $0x1;
	s25 =	sshll.u32 s15, $0x6;
	s18 =	smul.u32 $0x27100, s15  }
0x9: {  	s17 =	sadd.s32 $0x138000, s2;
	s19 =	smul.u32 $0x2710, s15;
	p0 =	sne.s32 s15, $0x0  }
0xa: {  	_ =	strace $0x80000050;
	s21 =	ssub.s32 $0x2, s10;
	s26 =	smul.u32 $0x138800, s10  }
0xb: {  	s22 =	sor.u32 s10, s13;
	s28 =	smul.u32 $0x13880, s10;
	s17 =	sshrl.u32 @!p0 s17, $0x3  }
0xc: {  	s5 =	sshrl.u32 s9, $0x3;
	s8 =	sshrl.u32 s21, $0x1;
	s23 =	sshrl.u32 s7, $0x2  }
0xd: {  	s24 =	smul.u32 $0x1388, s22;
	s29 =	sadd.s32 s18, s11;
	s18 =	simm.s32 $0x100  }
0xe: {  	s20 =	sadd.s32 s5, s6;
	s14 =	ssub.s32 s21, s8;
	s16 =	sadd.s32 s23, s2  }
0xf: {  	s5 =	sor.u32 $0x1C03, s25;
	s8 =	smul.u32 $0x13880, s22;
	s6 =	sadd.s32 $0x2BA00, s6  }
0x10: {  	s9 =	sadd.s32 s9, s26;
	s13 =	sshrl.u32 s26, $0x3;
	s21 =	simm.s32 $0x1  }
0x11: {  	s22 =	simm.s32 $0x2;
	s23 =	simm.s32 $0x28;
	s4 =	sadd.s32 $0x4A00, s20  }
0x12: {  	s7 =	sshrl.u32 s24, $0x3;
	s9 =	sshrl.u32 s9, $0x3;
	s20 =	smul.u32 $0x1388, s10  }
0x13: {  	s15 =	sshrl.u32 s16, $0x3;
	s16 =	simm.s32 $0x3;
	s24 =	simm.s32 $0x0  }
0x14: {  	s7 =	sadd.s32 s1, s7;
	s8 =	sadd.s32 s11, s8;
	s9 =	sadd.s32 s12, s9  }
0x15: {  	s12 =	sadd.s32 s12, s13;
	s11 =	smax.u32 s14, $0x1;
	s30 =	sadd.s32 s20, s19  }
0x16: {  	s10 =	sadd.s32 $0x27000, s12;
	s12 =	sadd.s32 s28, s29;
	s31 =	sadd.s32 $0x28, s30  }
0x17: {  	s19 =	simm.s32 $0x80;
	s20 =	simm.s32 $0x1500;
	s14 =	sshrl.u32 s31, $0x3  }
0x18: {  	s12 =	sadd.s32 $0x500, s12;
	s13 =	sadd.s32 $0x50, s30;
	s14 =	sadd.s32 s14, s1  }
.LBB2_1:
0x19: {  	[spmem:s15], [sflag:s5] =	dma.local [hbm:s4], $0x2700  }
0x1a: {  	_ =	swait.ge [sflag:s16], $0x2700  }
0x1b: {  	[sflag:s16] =	ssyncset.done $0x0  }
0x1c: {  	s25 =	simm.s32 @!p0 $0x3;
	[sflag:s16] =	ssyncadd.s32 $0xFFFFD900  }
0x1d: {  	[spmem:s17], [sflag:s5] =	dma.local @!p0 [hbm:s6], $0x100  }
0x1e: {  	_ =	swait.ge @!p0 [sflag:s25], $0x100  }
0x1f: {  	[sflag:s25] =	ssyncset.done @!p0 $0x0  }
0x20: {  	[sflag:s25] =	ssyncadd.s32 @!p0 $0xFFFFFF00  }
0x21: {  	[bflag:$0x0] =	sbarrier.arrive $0xFFFF  }
0x22: {  	[tilespmem:s3], [sflag:$0x1] =	stream.linear.gather [hbm4b:s7+s3], $0x28, $0x38;
	[tilespmem:$0x16180] =	vst v63  }
0x23: {  	_ = 	snop  }
0x24: {  	[tilespmem:s18], [sflag:$0x2] =	stream.linear.gather [hbm4b:s8+s3], $0x1400, $0x38;
	[tilespmem:$0x16180] =	vst v63  }
0x25: {  	s26 =	sadd.s32 $0x0, s14  }
0x26: {  	[tilespmem:s19], [sflag:$0x1] =	stream.linear.gather [hbm4b:s26+s3], $0x28, $0x38;
	[tilespmem:$0x16180] =	vst v63  }
0x27: {  	s30 =	sadd.s32 $0xFFFFFD80, s12  }
0x28: {  	[tilespmem:s20], [sflag:$0x2] =	stream.linear.gather [hbm4b:s30+s3], $0x1400, $0x38;
	[tilespmem:$0x16180] =	vst v63  }
0x29: {  	_ =	swait.ge [sflag:s21], $0x28  }
0x2a: {  	[sflag:s21] =	ssyncset.done $0x0  }
0x2b: {  	[sflag:s21] =	ssyncadd.s32 $0xFFFFFFD8  }
0x2c: {  	_ =	swait.ge [sflag:s22], $0x1400  }
0x2d: {  	[sflag:s22] =	ssyncset.done $0x0  }
0x2e: {  	[sflag:s22] =	ssyncadd.s32 $0xFFFFEC00  }
0x2f: {  	[spmem:s2] =	stream.indirect.scatter.add.f32 [tilespmem:s18], [sflag:$0x3], $0x80, s3, s23, $0xb8;
	[tilespmem:$0x16180] =	vst v63  }
0x30: {  	_ =	swait.ge [sflag:s16], $0x1400  }
0x31: {  	s31 =	sshrl.u32 s13, $0x3;
	[sflag:s16] =	ssyncset.done $0x0  }
0x32: {  	s25 =	sadd.s32 s1, s31;
	[sflag:s16] =	ssyncadd.s32 $0xFFFFEC00  }
0x33: {  	[tilespmem:s3], [sflag:$0x1] =	stream.linear.gather [hbm4b:s25+s3], $0x28, $0x38;
	[tilespmem:$0x16180] =	vst v63  }
0x34: {  	_ = 	snop  }
0x35: {  	[tilespmem:s18], [sflag:$0x2] =	stream.linear.gather [hbm4b:s12+s3], $0x1400, $0x38;
	[tilespmem:$0x16180] =	vst v63  }
0x36: {  	_ =	swait.ge [sflag:s21], $0x28  }
0x37: {  	[sflag:s21] =	ssyncset.done $0x0  }
0x38: {  	[sflag:s21] =	ssyncadd.s32 $0xFFFFFFD8  }
0x39: {  	_ =	swait.ge [sflag:s22], $0x1400  }
0x3a: {  	[sflag:s22] =	ssyncset.done $0x0  }
0x3b: {  	[sflag:s22] =	ssyncadd.s32 $0xFFFFEC00  }
0x3c: {  	[spmem:s2] =	stream.indirect.scatter.add.f32 [tilespmem:s20], [sflag:$0x3], $0x80, s19, s23, $0xb8;
	[tilespmem:$0x16180] =	vst v63  }
0x3d: {  	s28 =	simm.s32 $0xA;
	s29 =	simm.s32 $0x14;
	_ =	swait.ge [sflag:s16], $0x1400  }
0x3e: {  	s26 =	sadd.s32 $0x50, s13;
	s25 =	sadd.s32 $0x500, s12;
	[sflag:s16] =	ssyncset.done $0x0  }
.LBB2_2:
0x3f: {  	s30 =	sadd.s32 s28, s14  }
0x40: {  	[sflag:s16] =	ssyncadd.s32 $0xFFFFEC00;
	s28 =	smov.u32 s29;
	s31 =	sadd.s32 $0xA, s29  }
0x41: {  	[tilespmem:s19], [sflag:$0x1] =	stream.linear.gather [hbm4b:s30+s3], $0x28, $0x38;
	[tilespmem:$0x16180] =	vst v63  }
0x42: {  	p1 =	sne.s32 s29, $0x262;
	s29 =	sadd.s32 $0xFFFFFD80, s25  }
0x43: {  	[tilespmem:s20], [sflag:$0x2] =	stream.linear.gather [hbm4b:s29+s3], $0x1400, $0x38;
	[tilespmem:$0x16180] =	vst v63  }
0x44: {  	_ =	swait.ge [sflag:s21], $0x28  }
0x45: {  	[sflag:s21] =	ssyncset.done $0x0  }
0x46: {  	[sflag:s21] =	ssyncadd.s32 $0xFFFFFFD8  }
0x47: {  	_ =	swait.ge [sflag:s22], $0x1400  }
0x48: {  	[sflag:s22] =	ssyncset.done $0x0  }
0x49: {  	[sflag:s22] =	ssyncadd.s32 $0xFFFFEC00  }
0x4a: {  	[spmem:s2] =	stream.indirect.scatter.add.f32 [tilespmem:s18], [sflag:$0x3], $0x80, s3, s23, $0xb8;
	[tilespmem:$0x16180] =	vst v63  }
0x4b: {  	_ =	swait.ge [sflag:s16], $0x1400  }
0x4c: {  	s29 =	sshrl.u32 s26, $0x3;
	[sflag:s16] =	ssyncset.done $0x0  }
0x4d: {  	s29 =	sadd.s32 s1, s29;
	[sflag:s16] =	ssyncadd.s32 $0xFFFFEC00  }
0x4e: {  	[tilespmem:s3], [sflag:$0x1] =	stream.linear.gather [hbm4b:s29+s3], $0x28, $0x38;
	[tilespmem:$0x16180] =	vst v63  }
0x4f: {  	_ = 	snop  }
0x50: {  	[tilespmem:s18], [sflag:$0x2] =	stream.linear.gather [hbm4b:s25+s3], $0x1400, $0x38;
	[tilespmem:$0x16180] =	vst v63  }
0x51: {  	_ =	swait.ge [sflag:s21], $0x28  }
0x52: {  	[sflag:s21] =	ssyncset.done $0x0  }
0x53: {  	[sflag:s21] =	ssyncadd.s32 $0xFFFFFFD8  }
0x54: {  	_ =	swait.ge [sflag:s22], $0x1400  }
.Ltmp0:
0x55: {  	[sflag:s22] =	ssyncset.done $0x0;
	(pc) =	sbr.rel @p1 .LBB2_2-.Ltmp0, $4  }
0x56: {  	[sflag:s22] =	ssyncadd.s32 $0xFFFFEC00  }
0x57: {  	[spmem:s2] =	stream.indirect.scatter.add.f32 [tilespmem:s20], [sflag:$0x3], $0x80, s19, s23, $0xb8;
	[tilespmem:$0x16180] =	vst v63  }
0x58: {  	s26 =	sadd.s32 $0x50, s26;
	_ =	swait.ge [sflag:s16], $0x1400  }
0x59: {  	s29 =	smov.u32 s31;
	s25 =	sadd.s32 $0x500, s25;
	[sflag:s16] =	ssyncset.done $0x0  }
0x5a: {  	s28 =	sadd.s32 s28, s14;
	[sflag:s16] =	ssyncadd.s32 $0xFFFFEC00  }
0x5b: {  	[tilespmem:s19], [sflag:$0x1] =	stream.linear.gather [hbm4b:s28+s3], $0x28, $0x38;
	[tilespmem:$0x16180] =	vst v63  }
0x5c: {  	s31 =	sadd.s32 $0xFFFFFD80, s25  }
0x5d: {  	[tilespmem:s20], [sflag:$0x2] =	stream.linear.gather [hbm4b:s31+s3], $0x1400, $0x38;
	[tilespmem:$0x16180] =	vst v63  }
0x5e: {  	_ =	swait.ge [sflag:s21], $0x28  }
0x5f: {  	[sflag:s21] =	ssyncset.done $0x0  }
0x60: {  	[sflag:s21] =	ssyncadd.s32 $0xFFFFFFD8  }
0x61: {  	_ =	swait.ge [sflag:s22], $0x1400  }
0x62: {  	[sflag:s22] =	ssyncset.done $0x0  }
0x63: {  	[sflag:s22] =	ssyncadd.s32 $0xFFFFEC00  }
0x64: {  	[spmem:s2] =	stream.indirect.scatter.add.f32 [tilespmem:s18], [sflag:$0x3], $0x80, s3, s23, $0xb8;
	[tilespmem:$0x16180] =	vst v63  }
0x65: {  	_ =	swait.ge [sflag:s16], $0x1400  }
0x66: {  	s26 =	sshrl.u32 s26, $0x3;
	[sflag:s16] =	ssyncset.done $0x0  }
0x67: {  	s26 =	sadd.s32 s1, s26;
	[sflag:s16] =	ssyncadd.s32 $0xFFFFEC00  }
0x68: {  	[tilespmem:s3], [sflag:$0x1] =	stream.linear.gather [hbm4b:s26+s3], $0x28, $0x38;
	[tilespmem:$0x16180] =	vst v63  }
0x69: {  	_ = 	snop  }
0x6a: {  	[tilespmem:s18], [sflag:$0x2] =	stream.linear.gather [hbm4b:s25+s3], $0x1400, $0x38;
	[tilespmem:$0x16180] =	vst v63  }
0x6b: {  	_ =	swait.ge [sflag:s21], $0x28  }
0x6c: {  	[sflag:s21] =	ssyncset.done $0x0  }
0x6d: {  	[sflag:s21] =	ssyncadd.s32 $0xFFFFFFD8  }
0x6e: {  	_ =	swait.ge [sflag:s22], $0x1400  }
0x6f: {  	[sflag:s22] =	ssyncset.done $0x0  }
0x70: {  	[sflag:s22] =	ssyncadd.s32 $0xFFFFEC00  }
0x71: {  	[spmem:s2] =	stream.indirect.scatter.add.f32 [tilespmem:s20], [sflag:$0x3], $0x80, s19, s23, $0xb8;
	[tilespmem:$0x16180] =	vst v63  }
0x72: {  	_ =	swait.ge [sflag:s16], $0x1400  }
0x73: {  	[sflag:s16] =	ssyncset.done $0x0  }
0x74: {  	[sflag:s16] =	ssyncadd.s32 $0xFFFFEC00  }
0x75: {  	_ =	swait.ge [sflag:s21], $0x28  }
0x76: {  	[sflag:s21] =	ssyncset.done $0x0  }
0x77: {  	[sflag:s21] =	ssyncadd.s32 $0xFFFFFFD8  }
0x78: {  	_ =	swait.ge [sflag:s22], $0x1400  }
0x79: {  	[sflag:s22] =	ssyncset.done $0x0  }
0x7a: {  	[sflag:s22] =	ssyncadd.s32 $0xFFFFEC00  }
0x7b: {  	[spmem:s2] =	stream.indirect.scatter.add.f32 [tilespmem:s18], [sflag:$0x3], $0x80, s3, s23, $0xb8;
	[tilespmem:$0x16180] =	vst v63  }
0x7c: {  	_ =	swait.ge [sflag:s16], $0x1400  }
0x7d: {  	[sflag:s16] =	ssyncset.done $0x0  }
0x7e: {  	[sflag:s16] =	ssyncadd.s32 $0xFFFFEC00  }
0x7f: {  	[bflag:$0x0] =	sbarrier.arrive $0xFFFF  }
0x80: {  	[hbm:s9], [sflag:s5] =	dma.local [spmem:s15], $0x2700  }
0x81: {  	s24 =	sadd.s32 $0x1, s24;
	_ =	swait.ge [sflag:s16], $0x2700  }
0x82: {  	p1 =	sne.s32 s24, s11;
	[sflag:s16] =	ssyncset.done $0x0  }
.Ltmp1:
0x83: {  	s25 =	simm.s32 @!p0 $0x3;
	[sflag:s16] =	ssyncadd.s32 $0xFFFFD900;
	(pc) =	sbr.rel @p1 .LBB2_1-.Ltmp1, $4  }
0x84: {  	[hbm:s10], [sflag:s5] =	dma.local @!p0 [spmem:s17], $0x100  }
0x85: {  	_ =	swait.ge @!p0 [sflag:s25], $0x100  }
0x86: {  	[sflag:s25] =	ssyncset.done @!p0 $0x0  }
0x87: {  	[sflag:s25] =	ssyncadd.s32 @!p0 $0xFFFFFF00  }
0x88: {  	_ =	sfence.sel $0x180000  }
0x89: {  	[bflag:$0x0] =	sbarrier.arrive $0xFFFF  }
0x8a: {  	_ =	strace $0x90000050  }
0x8b: {  	s0 =	sadd.s32 @!p0 $0x100000, s0;
	[bflag:$0x2] =	sbarrier.arrive $0xFFFF  }
0x8c: {  	[sflag:s0] =	ssyncadd.tile.s32 @!p0 $0x1;
	_ =	shalt  }
.Lfunc_end2:
_tile_overlayer_lowered:
.L_overlay_start_2:
0x8d: {  	(tag) =	ssettag $0x2  }
0x8e: {  	s0 =	rddreg [dreg:$0x0];
	s2 =	stileid.u32  }
0x8f: {  	s1 =	rddreg [dreg:$0x1];
	p0 =	sne.s32 s2, $0x0  }
0x90: {  	s3 =	rddreg [dreg:$0x2];
	[bflag:$0x3] =	sbarrier.arrive $0xFFFF;
	s2 =	simm.s32 @!p0 $0x1C03  }
0x91: {  	[timem:s3], [sflag:s2] =	dma.local @!p0 [hbm:s0], s1  }
0x92: {  	s0 =	simm.s32 @!p0 $0x3  }
0x93: {  	_ =	swait.ge @!p0 [sflag:s0], s1  }
0x94: {  	s1 =	ssub.s32 @!p0 $0x0, s1;
	[sflag:s0] =	ssyncset.done @!p0 $0x0  }
0x95: {  	[sflag:s0] =	ssyncadd.s32 @!p0 s1  }
0x96: {  	[bflag:$0x3] =	sbarrier.arrive $0xFFFF  }
0x97: {  	_ =	shalt  }

// kernel: kernel.16.cloned.1.call-start
scs
__scs_entry_jumppad:
0x0: {  	(pc) =	sbr.rel $0x88, $3  }
0x1: {  	(tag) =	ssettag $0x0;
	lr =	simm.s32 $0x1  }
0x2: {  	[smem:$0x3F8A] =	sst lr;
	_ =	strace $0xD0000000  }
0x3: {  	_ = 	snop  }
0x4: {  	_ = 	snop  }
0x5: {  	_ = 	snop  }
0x6: {  	_ = 	snop  }
0x7: {  	_ = 	snop  }
__scs_overlays_trampoline_lowered:
0x8: {  	[smem:$0x3F99] =	sst s0  }
0x9: {  	[smem:$0x3F9A] =	sst s1  }
0xa: {  	[smem:$0x3F9B] =	sst s2  }
0xb: {  	[smem:$0x3F9C] =	sst s3  }
0xc: {  	[smem:$0x3F9D] =	sst s4  }
0xd: {  	[smem:$0x3F9E] =	sst s5  }
0xe: {  	[smem:$0x3F9F] =	sst s6  }
0xf: {  	[smem:$0x3FA0] =	sst s7  }
0x10: {  	[smem:$0x3FA1] =	sst s8  }
0x11: {  	[smem:$0x3FA2] =	sst s9;
	s0 =	simm.s32 @!p0 $0x0  }
0x12: {  	s1 =	sld [smem:$0x3F88];
	s0 =	simm.s32 @p0 $0x1  }
0x13: {  	[smem:$0x3FA3] =	sst s0;
	s0 =	simm.s32 @!p1 $0x0  }
0x14: {  	s2 =	sld [smem:$0x3F87];
	s0 =	simm.s32 @p1 $0x1  }
0x15: {  	[smem:$0x3FA4] =	sst s0;
	s0 =	simm.s32 @!p2 $0x0  }
0x16: {  	s3 =	sld [smem:$0x3FDB];
	s0 =	simm.s32 @p2 $0x1  }
0x17: {  	s4 =	simm.s32 $0x1BF5;
	[smem:$0x3FA6] =	sst s0  }
0x18: {  	s0 =	sld [smem:$0x3F89];
	_ =	swait.ge [sflag:s4], $0x0  }
0x19: {  	s7 =	sld [smem:$0x3F8A]  }
0x1a: {  	s8 =	sadd.s32 $0xFFFFE003, lr  }
0x1b: {  	s9 =	sadd.s32 $0xFFFFFEF7, lr;
	s5 =	simm.s32 $0xFFFFFFFF;
	p2 =	slt.u32 s8, $0xFFFFF086  }
0x1c: {  	p1 =	slt.u32 s9, $0xF7A;
	s5 =	simm.s32 @!p2 $0x0  }
0x1d: {  	s5 =	simm.s32 @p1 $0x1;
	p0 =	seq.s32 s7, s2  }
0x1e: {  	s7 =	smul.u32 @!p0 $0xF7A, s2;
	p2 =	seq.s32 @!p0 s5, $0x0  }
0x1f: {  	s9 =	smul.u32 $0xF7A, s1;
	s8 =	simm.s32 @!p0 $0x1BF5;
	p2 =	por !p2, p0  }
0x20: {  	[sflag:s8] =	ssyncset.s32 @!p0 $0xFFFFF086;
	s6 =	sadd.s32 @!p0 s3, s7;
	s7 =	simm.s32 @!p0 $0x108  }
0x21: {  	s3 =	sadd.s32 s3, s9;
	s6 =	sadd.s32 @!p0 $0x88, s6;
	s7 =	simm.s32 @p2 $0x1082  }
0x22: {  	[simem:s7], [sflag:s8] =	dma.local @!p0 [hbm:s6], $0xF7A  }
0x23: {  	s9 =	sor.u32 $0xD0000000, s2;
	s6 =	simm.s32 $0x108;
	_ =	swait.ge @!p0 [sflag:s8], $0x0  }
0x24: {  	s3 =	sadd.s32 $0x88, s3;
	s6 =	simm.s32 @!p1 $0x1082;
	[sflag:s4] =	ssyncset.s32 $0xFFFFF086  }
0x25: {  	[simem:s6], [sflag:s4] =	dma.local [hbm:s3], $0xF7A  }
0x26: {  	[smem:$0x3F8A] =	sst s1;
	(tag) =	ssettag s2;
	_ =	strace s9  }
0x27: {  	s1 =	sld [smem:$0x3F9A]  }
0x28: {  	s2 =	sld [smem:$0x3F9B]  }
0x29: {  	s4 =	sld [smem:$0x3F9D]  }
0x2a: {  	p0 =	seq.s32 s5, $0x0;
	s5 =	sld [smem:$0x3F9E]  }
0x2b: {  	s6 =	sld [smem:$0x3F9F]  }
0x2c: {  	s7 =	sld [smem:$0x3FA0]  }
0x2d: {  	s3 =	simm.s32 $0x108;
	s8 =	sld [smem:$0x3FA1]  }
0x2e: {  	s3 =	simm.s32 @!p0 $0x1082;
	s9 =	sld [smem:$0x3FA2]  }
0x2f: {  	lr =	sadd.s32 s0, s3;
	s0 =	sld [smem:$0x3F99]  }
0x30: {  	s3 =	sld [smem:$0x3F9C]  }
0x31: {  	[smem:$0x3FA5] =	sst s10  }
0x32: {  	s10 =	sld [smem:$0x3FA3];
	_ =	sdelay $0x3  }
0x33: {  	p0 =	seq.s32 s10, $0x1;
	s10 =	sld [smem:$0x3FA5];
	_ =	sdelay $0x3  }
0x34: {  	[smem:$0x3FA5] =	sst s10  }
0x35: {  	s10 =	sld [smem:$0x3FA4];
	_ =	sdelay $0x3  }
0x36: {  	p1 =	seq.s32 s10, $0x1;
	s10 =	sld [smem:$0x3FA5];
	_ =	sdelay $0x3  }
0x37: {  	[smem:$0x3FA5] =	sst s10  }
0x38: {  	s10 =	sld [smem:$0x3FA6]  }
0x39: {  	_ = 	snop;
	(pc) =	sbr.ind lr, $3  }
0x3a: {  	_ = 	snop  }
0x3b: {  	_ = 	snop  }
0x3c: {  	p2 =	seq.s32 s10, $0x1;
	s10 =	sld [smem:$0x3FA5]  }
0x3d: {  	_ =	shalt  }
0x3e: {  	_ =	shalt  }
0x3f: {  	_ =	shalt  }
0x40: {  	_ =	shalt  }
0x41: {  	_ =	shalt  }
0x42: {  	_ =	shalt  }
0x43: {  	_ =	shalt  }
0x44: {  	_ =	shalt  }
0x45: {  	_ =	shalt  }
0x46: {  	_ =	shalt  }
0x47: {  	_ =	shalt  }
0x48: {  	_ =	shalt  }
0x49: {  	_ =	shalt  }
0x4a: {  	_ =	shalt  }
0x4b: {  	_ =	shalt  }
0x4c: {  	_ =	shalt  }
0x4d: {  	_ =	shalt  }
0x4e: {  	_ =	shalt  }
0x4f: {  	_ =	shalt  }
0x50: {  	_ =	shalt  }
0x51: {  	_ =	shalt  }
0x52: {  	_ =	shalt  }
0x53: {  	_ =	shalt  }
0x54: {  	_ =	shalt  }
0x55: {  	_ =	shalt  }
0x56: {  	_ =	shalt  }
0x57: {  	_ =	shalt  }
0x58: {  	_ =	shalt  }
0x59: {  	_ =	shalt  }
0x5a: {  	_ =	shalt  }
0x5b: {  	_ =	shalt  }
0x5c: {  	_ =	shalt  }
0x5d: {  	_ =	shalt  }
0x5e: {  	_ =	shalt  }
0x5f: {  	_ =	shalt  }
0x60: {  	_ =	shalt  }
0x61: {  	_ =	shalt  }
0x62: {  	_ =	shalt  }
0x63: {  	_ =	shalt  }
0x64: {  	_ =	shalt  }
0x65: {  	_ =	shalt  }
0x66: {  	_ =	shalt  }
0x67: {  	_ =	shalt  }
0x68: {  	_ =	shalt  }
0x69: {  	_ =	shalt  }
0x6a: {  	_ =	shalt  }
0x6b: {  	_ =	shalt  }
0x6c: {  	_ =	shalt  }
0x6d: {  	_ =	shalt  }
0x6e: {  	_ =	shalt  }
0x6f: {  	_ =	shalt  }
0x70: {  	_ =	shalt  }
0x71: {  	_ =	shalt  }
0x72: {  	_ =	shalt  }
0x73: {  	_ =	shalt  }
0x74: {  	_ =	shalt  }
0x75: {  	_ =	shalt  }
0x76: {  	_ =	shalt  }
0x77: {  	_ =	shalt  }
0x78: {  	_ =	shalt  }
0x79: {  	_ =	shalt  }
0x7a: {  	_ =	shalt  }
0x7b: {  	_ =	shalt  }
0x7c: {  	_ =	shalt  }
0x7d: {  	_ =	shalt  }
0x7e: {  	_ =	shalt  }
0x7f: {  	_ =	shalt  }
0x80: {  	_ =	shalt  }
0x81: {  	_ =	shalt  }
0x82: {  	_ =	shalt  }
0x83: {  	_ =	shalt  }
0x84: {  	_ =	shalt  }
0x85: {  	_ =	shalt  }
0x86: {  	_ =	shalt  }
0x87: {  	_ =	shalt  }
.Lfunc_end0:
.L_simem_size_0:
called_computation.2_lowered:
.L_overlay_start_0:
0x88: {  	s2 =	sld [smem:$0x3FD9]  }
0x89: {  	s3 =	sld [smem:$0x3FFE];
	_ =	sdelay $0x1  }
0x8a: {  	s1 =	srdreg.scid  }
0x8b: {  	s0 =	sand.u32 $0x1, s1  }
0x8c: {  	s14 =	sshll.u32 s0, $0xA;
	s2 =	sadd.s32 s3, s2  }
0x8d: {  	s2 =	sadd.s32 s2, s14  }
0x8e: {  	[smem:$0x3FB1] =	sst s2  }
0x8f: {  	_ = 	snop  }
0x90: {  	s2 =	sld [smem:$0x3FD0];
	_ =	sdelay $0x1  }
0x91: {  	s15 =	sld [smem:$0x3FC6]  }
0x92: {  	s5 =	simm.s32 $0xB;
	s6 =	simm.s32 $0x10;
	s4 =	sld [smem:$0x3FC5]  }
0x93: {  	[smem:s6], [sflag:s5] =	dma.local [hbm:s2], $0x1  }
0x94: {  	_ =	swait.eq [sflag:s5], $0x1  }
0x95: {  	[sflag:s5] =	ssyncset.done $0x0  }
0x96: {  	s16 =	sld [smem:$0x10];
	[sflag:s5] =	ssyncadd.s32 $0xFFFFFFFF  }
0x97: {  	s17 =	sld [smem:$0x11];
	(tm) =	ssettm $0x1  }
0x98: {  	s18 =	sld [smem:$0x3FFB];
	_ =	sdelay $0x3  }
0x99: {  	_ =	strace s18  }
0x9a: {  	s6 =	sld [smem:$0x3FFC];
	_ =	sdelay $0x3  }
0x9b: {  	_ =	strace s6  }
0x9c: {  	s6 =	sld [smem:$0x3FFD];
	_ =	sdelay $0x3  }
0x9d: {  	_ =	strace s6  }
0x9e: {  	_ =	strace $0x8FFFFFFF  }
0x9f: {  	s19 =	sld [smem:$0x3FDB];
	_ =	sdelay $0x1  }
0xa0: {  	s7 =	simm.s32 $_scs_section_size  }
0xa1: {  	s8 =	simm.s32 $_size__tile_overlayer_lowered;
	s9 =	simm.s32 $_tile_overlayer_lowered  }
0xa2: {  	s22 =	simm.s32 $0x1BFF;
	s21 =	sshll.u32 s9, $0x1;
	s6 =	sadd.s32 s7, s19  }
0xa3: {  	s10 =	simm.s32 $0x0;
	s20 =	sshll.u32 s8, $0x1;
	s8 =	sadd.s32 s21, s6  }
0xa4: {  	[timem:s10], [sflag:s22] =	dma.local [hbm:s8], s20  }
0xa5: {  	_ =	swait.ge [sflag:s22], s20  }
0xa6: {  	s7 =	ssub.s32 $0x0, s20;
	[sflag:s22] =	ssyncset.done $0x0  }
0xa7: {  	[sflag:s22] =	ssyncadd.s32 s7;
	_ =	sdelay $0x1  }
0xa8: {  	s23 =	simm.s32 $0x1B8B  }
0xa9: {  	_ =	swait.ge [sflag:s23], $0x1  }
0xaa: {  	[sflag:s23] =	ssyncset.done $0x0  }
0xab: {  	s25 =	simm.s32 $0x1B8E;
	s24 =	sld [smem:$0x3FFE];
	[sflag:s23] =	ssyncadd.s32 $0xFFFFFFFF  }
0xac: {  	s26 =	simm.s32 $execute0_lowered;
	[smem:$0x3FD2] =	sst s25  }
0xad: {  	s8 =	sshll.u32 s26, $0x1;
	_ =	strace $0x80000046;
	[dreg:$0x1] =	wrdreg $0xFFFFFFFF  }
0xae: {  	s28 =	simm.s32 $_size_execute0_lowered;
	s6 =	sadd.s32 s6, s8;
	[dreg:$0x0] =	wrdreg $0x0  }
0xaf: {  	s8 =	sshll.u32 s28, $0x1;
	[dreg:$0x2] =	wrdreg s6  }
0xb0: {  	[dreg:$0x3] =	wrdreg s8  }
0xb1: {  	[dreg:$0x4] =	wrdreg $0xC0  }
0xb2: {  	_ =	task [dreg:s10], $0x5FFFF  }
0xb3: {  	[dreg:$0x1] =	wrdreg $0xFFFFFFFF  }
0xb4: {  	[dreg:$0x0] =	wrdreg $0x60  }
0xb5: {  	[dreg:$0x2] =	wrdreg s16  }
0xb6: {  	[dreg:$0x3] =	wrdreg s17  }
0xb7: {  	[dreg:$0x4] =	wrdreg s15  }
0xb8: {  	[dreg:$0x5] =	wrdreg s4  }
0xb9: {  	[dreg:$0x6] =	wrdreg s24  }
0xba: {  	[dreg:$0x7] =	wrdreg $0xA  }
0xbb: {  	_ =	task.clear_ibuf [dreg:s10], $0x8FFFF;
	_ =	strace $0x90000046  }
0xbc: {  	s29 =	simm.s32 $0xA;
	_ =	strace $0x80000048  }
0xbd: {  	_ =	swait.ge [sflag:s29], $0x1  }
0xbe: {  	[sflag:s29] =	ssyncadd.s32 $0xFFFFFFFF  }
0xbf: {  	_ =	strace $0x90000048  }
0xc0: {  	_ =	sfence  }
0xc1: {  	s30 =	sld [smem:$0x0];
	_ =	sdelay $0x2  }
0xc2: {  	s31 =	sshll.u32 s1, $0xD;
	s1 =	sshrl.u32 s1, $0x2  }
0xc3: {  	s3 =	sand.u32 $0x4000, s31;
	s1 =	sadd.s32 s1, s30  }
0xc4: {  	s0 =	sor.u32 s3, s0;
	s1 =	sshll.u32 s1, $0x11  }
0xc5: {  	s0 =	sor.u32 s1, s0  }
0xc6: {  	s0 =	sadd.s32 $0x8F2B, s0  }
0xc7: {  	[sflag:s0] =	ssyncadd.remote.s32 $0x1  }
0xc8: {  	_ =	sfence.sel $0xFFFF  }
0xc9: {  	[dreg:$0x0] =	wrdreg $0xFFFFFFFF;
	(pc) =	sbr.abs _section_cstart, $3  }
0xca: {  	[dreg:$0x1] =	wrdreg $0xFFFFFFFF  }
0xcb: {  	_ =	task.clear_ibuf [dreg:s10], $0x2FFFF;
	_ =	strace $0x9FFFFFFF  }
0xcc: {  	(tm) =	ssettm $0x7FFFFFFF  }
0xcd: {  	_ =	shalt  }
tec
execute0_lowered:
.L_overlay_start_1:
0x0: {  	(tag) =	ssettag $0x1  }
0x1: {  	s0 =	rddreg [dreg:$0x0]  }
0x2: {  	s2 =	rddreg [dreg:$0x1]  }
0x3: {  	s7 =	rddreg [dreg:$0x2]  }
0x4: {  	s8 =	rddreg [dreg:$0x3];
	s3 =	srdreg.scid  }
0x5: {  	s1 =	stileid.u32;
	s6 =	rddreg [dreg:$0x4];
	s4 =	simm.s32 $0x0  }
0x6: {  	s13 =	simm.s32 $0x28;
	s14 =	simm.s32 $0x2800;
	s15 =	simm.s32 $0x5000  }
0x7: {  	s16 =	simm.s32 $0x3C00;
	s9 =	sand.u32 $0x1, s3;
	s5 =	sshll.u32 s1, $0x1  }
0x8: {  	s17 =	simm.s32 $0x6400;
	s18 =	simm.s32 $0x1;
	s10 =	sor.u32 s9, s5  }
0x9: {  	s19 =	simm.s32 $0x2;
	s3 =	rddreg [dreg:$0x5];
	s5 =	smul.u32 $0x1388, s10  }
0xa: {  	s20 =	simm.s32 $0x0;
	[smem:$0x7FF] =	sst s4;
	s10 =	smul.u32 $0x9C400, s10  }
0xb: {  	s6 =	sadd.s32 $0x5200, s6;
	_ =	strace $0x80000047;
	s9 =	ssub.s32 $0x2, s9  }
0xc: {  	s11 =	sshrl.u32 s9, $0x1;
	s12 =	sshrl.u32 s5, $0x3;
	s10 =	sshrl.u32 s10, $0x3  }
0xd: {  	s11 =	ssub.s32 s9, s11;
	s30 =	sadd.s32 $0x4E20, s12;
	s31 =	sadd.s32 s6, s10  }
0xe: {  	s10 =	smax.u32 s11, $0x1;
	s11 =	simm.s32 $0x3;
	s12 =	simm.s32 $0x1400  }
0xf: {  	s7 =	sadd.s32 s7, s30;
	s8 =	sadd.s32 s8, s30;
	s9 =	sadd.s32 $0x13600, s31  }
.LBB2_1:
0x10: {  	[tilespmem:s4], [sflag:$0x3] =	stream.linear.gather [hbm4b:s7+s4], $0x1388, $0x38;
	[tilespmem:$0x7800] =	vst v63  }
0x11: {  	_ =	swait.ge [sflag:s11], $0x1388  }
0x12: {  	[sflag:s11] =	ssyncset.done $0x0  }
0x13: {  	[sflag:s11] =	ssyncadd.s32 $0xFFFFEC78  }
0x14: {  	[tilespmem:s12], [sflag:$0x3] =	stream.linear.gather [hbm4b:s8+s4], $0x1388, $0x38;
	[tilespmem:$0x7800] =	vst v63  }
0x15: {  	_ =	swait.ge [sflag:s11], $0x1388  }
0x16: {  	[sflag:s11] =	ssyncset.done $0x0  }
0x17: {  	[sflag:s11] =	ssyncadd.s32 $0xFFFFEC78  }
0x18: {  	[tilespmem:s14], [sflag:$0x1] =	stream.indirect.gather [hbm4b:s0+s13], $0x80, s4, s13, $0xb8;
	[tilespmem:$0x7800] =	vst v63  }
0x19: {  	s21 =	simm.s32 $0x0  }
0x1a: {  	[tilespmem:s15], [sflag:$0x2] =	stream.indirect.gather [hbm4b:s2+s13], $0x80, s12, s13, $0xb8;
	[tilespmem:$0x7800] =	vst v63  }
.LBB2_2:
0x1b: {  	s23 =	smul.u32 $0x50, s21;
	_ =	sdelay $0x1  }
0x1c: {  	s22 =	sadd.s32 $0x28, s23  }
0x1d: {  	[tilespmem:s16], [sflag:$0x1] =	stream.indirect.gather [hbm4b:s0+s13], $0x80, s22, s13, $0xb8;
	[tilespmem:$0x7800] =	vst v63  }
0x1e: {  	s24 =	sadd.s32 $0x1428, s23  }
0x1f: {  	[tilespmem:s17], [sflag:$0x2] =	stream.indirect.gather [hbm4b:s2+s13], $0x80, s24, s13, $0xb8;
	[tilespmem:$0x7800] =	vst v63  }
0x20: {  	_ =	swait.ge [sflag:s18], $0x1400  }
0x21: {  	[sflag:s18] =	ssyncset.done $0x0  }
0x22: {  	[sflag:s18] =	ssyncadd.s32 $0xFFFFEC00  }
0x23: {  	_ =	swait.ge [sflag:s19], $0x1400  }
0x24: {  	[sflag:s19] =	ssyncset.done $0x0  }
0x25: {  	s24 =	simm.s32 $0x0;
	[sflag:s19] =	ssyncadd.s32 $0xFFFFEC00  }
0x26: {  	v7 =	vld [tilespmem:s24+$0x5000]  }
0x27: {  	v11 =	vld [tilespmem:s24+$0x5010]  }
0x28: {  	v5 =	vld [tilespmem:s24+$0x5020]  }
0x29: {  	v4 =	vld [tilespmem:s24+$0x5030]  }
0x2a: {  	v3 =	vld [tilespmem:s24+$0x5040]  }
0x2b: {  	v2 =	vld [tilespmem:s24+$0x5050]  }
0x2c: {  	v1 =	vld [tilespmem:s24+$0x5060]  }
0x2d: {  	v0 =	vld [tilespmem:s24+$0x5070]  }
0x2e: {  	v12 =	vld [tilespmem:s24+$0x2800]  }
0x2f: {  	v13 =	vld [tilespmem:s24+$0x2810]  }
0x30: {  	v10 =	vld [tilespmem:s24+$0x2820]  }
0x31: {  	v9 =	vld [tilespmem:s24+$0x2830]  }
0x32: {  	v8 =	vld [tilespmem:s24+$0x2840]  }
0x33: {  	v6 =	vld [tilespmem:s24+$0x2850];
	v12 =	vadd.f32 v7, v12  }
0x34: {  	s25 =	simm.s32 $0x200;
	v11 =	vadd.f32 v11, v13;
	v7 =	vld [tilespmem:s24+$0x2860]  }
.LBB2_3:
0x35: {  	s26 =	sshra.s32 s25, $0x2;
	p0 =	sne.s32 s25, $0x4E00;
	[tilespmem:s24+$0x2800] =	vst v12;
	v5 =	vadd.f32 v5, v10;
	v10 =	vld [tilespmem:s24+$0x2870]  }
0x36: {  	v12 =	vld [tilespmem:s26+$0x5000];
	[tilespmem:s24+$0x2810] =	vst v11;
	v4 =	vadd.f32 v4, v9  }
0x37: {  	v11 =	vld [tilespmem:s26+$0x5010];
	[tilespmem:s24+$0x2820] =	vst v5;
	v3 =	vadd.f32 v3, v8  }
0x38: {  	v5 =	vld [tilespmem:s26+$0x5020];
	[tilespmem:s24+$0x2830] =	vst v4;
	v2 =	vadd.f32 v2, v6  }
0x39: {  	v4 =	vld [tilespmem:s26+$0x5030];
	[tilespmem:s24+$0x2840] =	vst v3;
	v1 =	vadd.f32 v1, v7  }
0x3a: {  	v3 =	vld [tilespmem:s26+$0x5040];
	[tilespmem:s24+$0x2850] =	vst v2;
	v0 =	vadd.f32 v0, v10  }
0x3b: {  	v2 =	vld [tilespmem:s26+$0x5050];
	[tilespmem:s24+$0x2860] =	vst v1  }
0x3c: {  	v1 =	vld [tilespmem:s26+$0x5060];
	[tilespmem:s24+$0x2870] =	vst v0;
	s24 =	smov.u32 s26  }
0x3d: {  	v0 =	vld [tilespmem:s24+$0x5070]  }
0x3e: {  	v6 =	vld [tilespmem:s24+$0x2800]  }
0x3f: {  	v7 =	vld [tilespmem:s24+$0x2810]  }
.Ltmp0:
0x40: {  	v10 =	vld [tilespmem:s24+$0x2820];
	(pc) =	sbr.rel @p0 .LBB2_3-.Ltmp0, $4  }
0x41: {  	v9 =	vld [tilespmem:s24+$0x2830]  }
0x42: {  	v8 =	vld [tilespmem:s24+$0x2840]  }
0x43: {  	v12 =	vadd.f32 v12, v6;
	v6 =	vld [tilespmem:s24+$0x2850]  }
0x44: {  	s25 =	sadd.s32 $0x200, s25;
	v11 =	vadd.f32 v11, v7;
	v7 =	vld [tilespmem:s24+$0x2860]  }
0x45: {  	[tilespmem:s24+$0x2800] =	vst v12;
	v5 =	vadd.f32 v5, v10;
	v10 =	vld [tilespmem:s24+$0x2870]  }
0x46: {  	[tilespmem:s24+$0x2810] =	vst v11;
	v4 =	vadd.f32 v4, v9  }
0x47: {  	[tilespmem:s24+$0x2820] =	vst v5;
	v3 =	vadd.f32 v3, v8  }
0x48: {  	[tilespmem:s24+$0x2830] =	vst v4;
	v2 =	vadd.f32 v2, v6  }
0x49: {  	[tilespmem:s24+$0x2840] =	vst v3;
	v1 =	vadd.f32 v1, v7  }
0x4a: {  	s25 =	sadd.s32 s5, s23;
	[tilespmem:s24+$0x2850] =	vst v2;
	v0 =	vadd.f32 v0, v10  }
0x4b: {  	s25 =	sshll.u32 s25, $0x4;
	[tilespmem:s24+$0x2860] =	vst v1  }
0x4c: {  	s29 =	simm.s32 $0x0;
	s28 =	sadd.s32 s6, s25;
	[tilespmem:s24+$0x2870] =	vst v0  }
0x4d: {  	[hbm4b:s28+s29] =	stream.linear.scatter [tilespmem:s14], [sflag:$0x3], $0x1400, $0x38;
	[tilespmem:$0x7800] =	vst v63  }
0x4e: {  	_ =	swait.ge [sflag:s11], $0x1400  }
0x4f: {  	[sflag:s11] =	ssyncset.done $0x0  }
0x50: {  	s30 =	sadd.s32 $0x50, s23;
	[sflag:s11] =	ssyncadd.s32 $0xFFFFEC00  }
0x51: {  	[tilespmem:s14], [sflag:$0x1] =	stream.indirect.gather [hbm4b:s0+s13], $0x80, s30, s13, $0xb8;
	[tilespmem:$0x7800] =	vst v63  }
0x52: {  	s31 =	sadd.s32 $0x1450, s23  }
0x53: {  	[tilespmem:s15], [sflag:$0x2] =	stream.indirect.gather [hbm4b:s2+s13], $0x80, s31, s13, $0xb8;
	[tilespmem:$0x7800] =	vst v63  }
0x54: {  	_ =	swait.ge [sflag:s18], $0x1400  }
0x55: {  	[sflag:s18] =	ssyncset.done $0x0  }
0x56: {  	[sflag:s18] =	ssyncadd.s32 $0xFFFFEC00  }
0x57: {  	_ =	swait.ge [sflag:s19], $0x1400  }
0x58: {  	[sflag:s19] =	ssyncset.done $0x0  }
0x59: {  	s23 =	simm.s32 $0x0;
	[sflag:s19] =	ssyncadd.s32 $0xFFFFEC00  }
0x5a: {  	v7 =	vld [tilespmem:s23+$0x6400]  }
0x5b: {  	v11 =	vld [tilespmem:s23+$0x6410]  }
0x5c: {  	v5 =	vld [tilespmem:s23+$0x6420]  }
0x5d: {  	v4 =	vld [tilespmem:s23+$0x6430]  }
0x5e: {  	v3 =	vld [tilespmem:s23+$0x6440]  }
0x5f: {  	v2 =	vld [tilespmem:s23+$0x6450]  }
0x60: {  	v1 =	vld [tilespmem:s23+$0x6460]  }
0x61: {  	v0 =	vld [tilespmem:s23+$0x6470]  }
0x62: {  	v12 =	vld [tilespmem:s23+$0x3C00]  }
0x63: {  	v13 =	vld [tilespmem:s23+$0x3C10]  }
0x64: {  	v10 =	vld [tilespmem:s23+$0x3C20]  }
0x65: {  	v9 =	vld [tilespmem:s23+$0x3C30]  }
0x66: {  	v8 =	vld [tilespmem:s23+$0x3C40]  }
0x67: {  	v6 =	vld [tilespmem:s23+$0x3C50];
	v12 =	vadd.f32 v7, v12  }
0x68: {  	s24 =	simm.s32 $0x200;
	v11 =	vadd.f32 v11, v13;
	v7 =	vld [tilespmem:s23+$0x3C60]  }
.LBB2_5:
0x69: {  	s25 =	sshra.s32 s24, $0x2;
	p0 =	sne.s32 s24, $0x4E00;
	[tilespmem:s23+$0x3C00] =	vst v12;
	v5 =	vadd.f32 v5, v10;
	v10 =	vld [tilespmem:s23+$0x3C70]  }
0x6a: {  	v12 =	vld [tilespmem:s25+$0x6400];
	[tilespmem:s23+$0x3C10] =	vst v11;
	v4 =	vadd.f32 v4, v9  }
0x6b: {  	v11 =	vld [tilespmem:s25+$0x6410];
	[tilespmem:s23+$0x3C20] =	vst v5;
	v3 =	vadd.f32 v3, v8  }
0x6c: {  	v5 =	vld [tilespmem:s25+$0x6420];
	[tilespmem:s23+$0x3C30] =	vst v4;
	v2 =	vadd.f32 v2, v6  }
0x6d: {  	v4 =	vld [tilespmem:s25+$0x6430];
	[tilespmem:s23+$0x3C40] =	vst v3;
	v1 =	vadd.f32 v1, v7  }
0x6e: {  	v3 =	vld [tilespmem:s25+$0x6440];
	[tilespmem:s23+$0x3C50] =	vst v2;
	v0 =	vadd.f32 v0, v10  }
0x6f: {  	v2 =	vld [tilespmem:s25+$0x6450];
	[tilespmem:s23+$0x3C60] =	vst v1  }
0x70: {  	v1 =	vld [tilespmem:s25+$0x6460];
	[tilespmem:s23+$0x3C70] =	vst v0;
	s23 =	smov.u32 s25  }
0x71: {  	v0 =	vld [tilespmem:s23+$0x6470]  }
0x72: {  	v6 =	vld [tilespmem:s23+$0x3C00]  }
0x73: {  	v7 =	vld [tilespmem:s23+$0x3C10]  }
.Ltmp1:
0x74: {  	v10 =	vld [tilespmem:s23+$0x3C20];
	(pc) =	sbr.rel @p0 .LBB2_5-.Ltmp1, $4  }
0x75: {  	v9 =	vld [tilespmem:s23+$0x3C30]  }
0x76: {  	v8 =	vld [tilespmem:s23+$0x3C40]  }
0x77: {  	v12 =	vadd.f32 v12, v6;
	v6 =	vld [tilespmem:s23+$0x3C50]  }
0x78: {  	s24 =	sadd.s32 $0x200, s24;
	v11 =	vadd.f32 v11, v7;
	v7 =	vld [tilespmem:s23+$0x3C60]  }
0x79: {  	[tilespmem:s23+$0x3C00] =	vst v12;
	v5 =	vadd.f32 v5, v10;
	v63 =	vld [tilespmem:s23+$0x3C70]  }
0x7a: {  	[tilespmem:s23+$0x3C10] =	vst v11;
	v4 =	vadd.f32 v4, v9  }
0x7b: {  	[tilespmem:s23+$0x3C20] =	vst v5;
	v3 =	vadd.f32 v3, v8  }
0x7c: {  	[tilespmem:s23+$0x3C30] =	vst v4;
	v2 =	vadd.f32 v2, v6  }
0x7d: {  	[tilespmem:s23+$0x3C40] =	vst v3;
	v1 =	vadd.f32 v1, v7  }
0x7e: {  	s22 =	sadd.s32 s5, s22;
	s21 =	sadd.s32 $0x1, s21;
	[tilespmem:s23+$0x3C50] =	vst v2;
	v0 =	vadd.f32 v0, v63  }
0x7f: {  	s22 =	sshll.u32 s22, $0x4;
	p0 =	sne.s32 s21, $0x3E;
	[tilespmem:s23+$0x3C60] =	vst v1  }
.Ltmp2:
0x80: {  	s22 =	sadd.s32 s6, s22;
	[tilespmem:s23+$0x3C70] =	vst v0;
	(pc) =	sbr.rel @p0 .LBB2_2-.Ltmp2, $4  }
0x81: {  	[hbm4b:s22+s4] =	stream.linear.scatter [tilespmem:s16], [sflag:$0x3], $0x1400, $0x38;
	[tilespmem:$0x7800] =	vst v63  }
0x82: {  	_ =	swait.ge [sflag:s11], $0x1400  }
0x83: {  	[sflag:s11] =	ssyncset.done $0x0  }
0x84: {  	[sflag:s11] =	ssyncadd.s32 $0xFFFFEC00  }
0x85: {  	_ =	swait.ge [sflag:s18], $0x1400  }
0x86: {  	[sflag:s18] =	ssyncset.done $0x0  }
0x87: {  	[sflag:s18] =	ssyncadd.s32 $0xFFFFEC00  }
0x88: {  	_ =	swait.ge [sflag:s19], $0x1400  }
0x89: {  	[sflag:s19] =	ssyncset.done $0x0  }
0x8a: {  	s21 =	simm.s32 $0x0;
	[sflag:s19] =	ssyncadd.s32 $0xFFFFEC00  }
0x8b: {  	v7 =	vld [tilespmem:s21+$0x5000]  }
0x8c: {  	v11 =	vld [tilespmem:s21+$0x5010]  }
0x8d: {  	v5 =	vld [tilespmem:s21+$0x5020]  }
0x8e: {  	v4 =	vld [tilespmem:s21+$0x5030]  }
0x8f: {  	v3 =	vld [tilespmem:s21+$0x5040]  }
0x90: {  	v2 =	vld [tilespmem:s21+$0x5050]  }
0x91: {  	v1 =	vld [tilespmem:s21+$0x5060]  }
0x92: {  	v0 =	vld [tilespmem:s21+$0x5070]  }
0x93: {  	v12 =	vld [tilespmem:s21+$0x2800]  }
0x94: {  	v13 =	vld [tilespmem:s21+$0x2810]  }
0x95: {  	v10 =	vld [tilespmem:s21+$0x2820]  }
0x96: {  	v9 =	vld [tilespmem:s21+$0x2830]  }
0x97: {  	v8 =	vld [tilespmem:s21+$0x2840]  }
0x98: {  	v6 =	vld [tilespmem:s21+$0x2850];
	v12 =	vadd.f32 v7, v12  }
0x99: {  	s22 =	simm.s32 $0x200;
	v11 =	vadd.f32 v11, v13;
	v7 =	vld [tilespmem:s21+$0x2860]  }
.LBB2_8:
0x9a: {  	s23 =	sshra.s32 s22, $0x2;
	p0 =	sne.s32 s22, $0x4E00;
	[tilespmem:s21+$0x2800] =	vst v12;
	v5 =	vadd.f32 v5, v10;
	v10 =	vld [tilespmem:s21+$0x2870]  }
0x9b: {  	v12 =	vld [tilespmem:s23+$0x5000];
	[tilespmem:s21+$0x2810] =	vst v11;
	v4 =	vadd.f32 v4, v9  }
0x9c: {  	v11 =	vld [tilespmem:s23+$0x5010];
	[tilespmem:s21+$0x2820] =	vst v5;
	v3 =	vadd.f32 v3, v8  }
0x9d: {  	v5 =	vld [tilespmem:s23+$0x5020];
	[tilespmem:s21+$0x2830] =	vst v4;
	v2 =	vadd.f32 v2, v6  }
0x9e: {  	v4 =	vld [tilespmem:s23+$0x5030];
	[tilespmem:s21+$0x2840] =	vst v3;
	v1 =	vadd.f32 v1, v7  }
0x9f: {  	v3 =	vld [tilespmem:s23+$0x5040];
	[tilespmem:s21+$0x2850] =	vst v2;
	v0 =	vadd.f32 v0, v10  }
0xa0: {  	v2 =	vld [tilespmem:s23+$0x5050];
	[tilespmem:s21+$0x2860] =	vst v1  }
0xa1: {  	v1 =	vld [tilespmem:s23+$0x5060];
	[tilespmem:s21+$0x2870] =	vst v0;
	s21 =	smov.u32 s23  }
0xa2: {  	v0 =	vld [tilespmem:s21+$0x5070]  }
0xa3: {  	v6 =	vld [tilespmem:s21+$0x2800]  }
0xa4: {  	v7 =	vld [tilespmem:s21+$0x2810]  }
.Ltmp3:
0xa5: {  	v10 =	vld [tilespmem:s21+$0x2820];
	(pc) =	sbr.rel @p0 .LBB2_8-.Ltmp3, $4  }
0xa6: {  	v9 =	vld [tilespmem:s21+$0x2830]  }
0xa7: {  	v8 =	vld [tilespmem:s21+$0x2840]  }
0xa8: {  	v12 =	vadd.f32 v12, v6;
	v6 =	vld [tilespmem:s21+$0x2850]  }
0xa9: {  	s22 =	sadd.s32 $0x200, s22;
	v11 =	vadd.f32 v11, v7;
	v7 =	vld [tilespmem:s21+$0x2860]  }
0xaa: {  	[tilespmem:s21+$0x2800] =	vst v12;
	v5 =	vadd.f32 v5, v10;
	v63 =	vld [tilespmem:s21+$0x2870]  }
0xab: {  	[tilespmem:s21+$0x2810] =	vst v11;
	v4 =	vadd.f32 v4, v9  }
0xac: {  	[tilespmem:s21+$0x2820] =	vst v5;
	v3 =	vadd.f32 v3, v8  }
0xad: {  	[tilespmem:s21+$0x2830] =	vst v4;
	v2 =	vadd.f32 v2, v6  }
0xae: {  	[tilespmem:s21+$0x2840] =	vst v3;
	v1 =	vadd.f32 v1, v7  }
0xaf: {  	s20 =	sadd.s32 $0x1, s20;
	[tilespmem:s21+$0x2850] =	vst v2;
	v0 =	vadd.f32 v0, v63  }
0xb0: {  	p0 =	sne.s32 s20, s10;
	[tilespmem:s21+$0x2860] =	vst v1  }
.Ltmp4:
0xb1: {  	[tilespmem:s21+$0x2870] =	vst v0;
	(pc) =	sbr.rel @p0 .LBB2_1-.Ltmp4, $4  }
0xb2: {  	[hbm4b:s9+s4] =	stream.linear.scatter [tilespmem:s14], [sflag:$0x3], $0x1400, $0x38;
	[tilespmem:$0x7800] =	vst v63  }
0xb3: {  	_ =	swait.ge [sflag:s11], $0x1400  }
0xb4: {  	[sflag:s11] =	ssyncset.done $0x0  }
0xb5: {  	[sflag:s11] =	ssyncadd.s32 $0xFFFFEC00  }
0xb6: {  	_ =	sfence.sel $0x180000  }
0xb7: {  	[bflag:$0x0] =	sbarrier.arrive $0xFFFF  }
0xb8: {  	p0 =	sne.s32 s1, $0x0;
	_ =	strace $0x90000047  }
0xb9: {  	s0 =	sadd.s32 @!p0 $0x100000, s3;
	[bflag:$0x2] =	sbarrier.arrive $0xFFFF  }
0xba: {  	[sflag:s0] =	ssyncadd.tile.s32 @!p0 $0x1;
	_ =	shalt  }
.Lfunc_end2:
_tile_overlayer_lowered:
.L_overlay_start_2:
0xbb: {  	(tag) =	ssettag $0x2  }
0xbc: {  	s0 =	rddreg [dreg:$0x0];
	s2 =	stileid.u32  }
0xbd: {  	s1 =	rddreg [dreg:$0x1];
	p0 =	sne.s32 s2, $0x0  }
0xbe: {  	s3 =	rddreg [dreg:$0x2];
	[bflag:$0x3] =	sbarrier.arrive $0xFFFF;
	s2 =	simm.s32 @!p0 $0x1C03  }
0xbf: {  	[timem:s3], [sflag:s2] =	dma.local @!p0 [hbm:s0], s1  }
0xc0: {  	s0 =	simm.s32 @!p0 $0x3  }
0xc1: {  	_ =	swait.ge @!p0 [sflag:s0], s1  }
0xc2: {  	s1 =	ssub.s32 @!p0 $0x0, s1;
	[sflag:s0] =	ssyncset.done @!p0 $0x0  }
0xc3: {  	[sflag:s0] =	ssyncadd.s32 @!p0 s1  }
0xc4: {  	[bflag:$0x3] =	sbarrier.arrive $0xFFFF  }
0xc5: {  	_ =	shalt  }

// kernel: kernel.19.cloned.1.call-start
scs
__scs_entry_jumppad:
0x0: {  	(pc) =	sbr.rel $0x88, $3  }
0x1: {  	(tag) =	ssettag $0x0;
	lr =	simm.s32 $0x1  }
0x2: {  	[smem:$0x3F8A] =	sst lr;
	_ =	strace $0xD0000000  }
0x3: {  	_ = 	snop  }
0x4: {  	_ = 	snop  }
0x5: {  	_ = 	snop  }
0x6: {  	_ = 	snop  }
0x7: {  	_ = 	snop  }
__scs_overlays_trampoline_lowered:
0x8: {  	[smem:$0x3F99] =	sst s0  }
0x9: {  	[smem:$0x3F9A] =	sst s1  }
0xa: {  	[smem:$0x3F9B] =	sst s2  }
0xb: {  	[smem:$0x3F9C] =	sst s3  }
0xc: {  	[smem:$0x3F9D] =	sst s4  }
0xd: {  	[smem:$0x3F9E] =	sst s5  }
0xe: {  	[smem:$0x3F9F] =	sst s6  }
0xf: {  	[smem:$0x3FA0] =	sst s7  }
0x10: {  	[smem:$0x3FA1] =	sst s8  }
0x11: {  	[smem:$0x3FA2] =	sst s9;
	s0 =	simm.s32 @!p0 $0x0  }
0x12: {  	s1 =	sld [smem:$0x3F88];
	s0 =	simm.s32 @p0 $0x1  }
0x13: {  	[smem:$0x3FA3] =	sst s0;
	s0 =	simm.s32 @!p1 $0x0  }
0x14: {  	s2 =	sld [smem:$0x3F87];
	s0 =	simm.s32 @p1 $0x1  }
0x15: {  	[smem:$0x3FA4] =	sst s0;
	s0 =	simm.s32 @!p2 $0x0  }
0x16: {  	s3 =	sld [smem:$0x3FDB];
	s0 =	simm.s32 @p2 $0x1  }
0x17: {  	s4 =	simm.s32 $0x1BF5;
	[smem:$0x3FA6] =	sst s0  }
0x18: {  	s0 =	sld [smem:$0x3F89];
	_ =	swait.ge [sflag:s4], $0x0  }
0x19: {  	s7 =	sld [smem:$0x3F8A]  }
0x1a: {  	s8 =	sadd.s32 $0xFFFFE003, lr  }
0x1b: {  	s9 =	sadd.s32 $0xFFFFFEF7, lr;
	s5 =	simm.s32 $0xFFFFFFFF;
	p2 =	slt.u32 s8, $0xFFFFF086  }
0x1c: {  	p1 =	slt.u32 s9, $0xF7A;
	s5 =	simm.s32 @!p2 $0x0  }
0x1d: {  	s5 =	simm.s32 @p1 $0x1;
	p0 =	seq.s32 s7, s2  }
0x1e: {  	s7 =	smul.u32 @!p0 $0xF7A, s2;
	p2 =	seq.s32 @!p0 s5, $0x0  }
0x1f: {  	s9 =	smul.u32 $0xF7A, s1;
	s8 =	simm.s32 @!p0 $0x1BF5;
	p2 =	por !p2, p0  }
0x20: {  	[sflag:s8] =	ssyncset.s32 @!p0 $0xFFFFF086;
	s6 =	sadd.s32 @!p0 s3, s7;
	s7 =	simm.s32 @!p0 $0x108  }
0x21: {  	s3 =	sadd.s32 s3, s9;
	s6 =	sadd.s32 @!p0 $0x88, s6;
	s7 =	simm.s32 @p2 $0x1082  }
0x22: {  	[simem:s7], [sflag:s8] =	dma.local @!p0 [hbm:s6], $0xF7A  }
0x23: {  	s9 =	sor.u32 $0xD0000000, s2;
	s6 =	simm.s32 $0x108;
	_ =	swait.ge @!p0 [sflag:s8], $0x0  }
0x24: {  	s3 =	sadd.s32 $0x88, s3;
	s6 =	simm.s32 @!p1 $0x1082;
	[sflag:s4] =	ssyncset.s32 $0xFFFFF086  }
0x25: {  	[simem:s6], [sflag:s4] =	dma.local [hbm:s3], $0xF7A  }
0x26: {  	[smem:$0x3F8A] =	sst s1;
	(tag) =	ssettag s2;
	_ =	strace s9  }
0x27: {  	s1 =	sld [smem:$0x3F9A]  }
0x28: {  	s2 =	sld [smem:$0x3F9B]  }
0x29: {  	s4 =	sld [smem:$0x3F9D]  }
0x2a: {  	p0 =	seq.s32 s5, $0x0;
	s5 =	sld [smem:$0x3F9E]  }
0x2b: {  	s6 =	sld [smem:$0x3F9F]  }
0x2c: {  	s7 =	sld [smem:$0x3FA0]  }
0x2d: {  	s3 =	simm.s32 $0x108;
	s8 =	sld [smem:$0x3FA1]  }
0x2e: {  	s3 =	simm.s32 @!p0 $0x1082;
	s9 =	sld [smem:$0x3FA2]  }
0x2f: {  	lr =	sadd.s32 s0, s3;
	s0 =	sld [smem:$0x3F99]  }
0x30: {  	s3 =	sld [smem:$0x3F9C]  }
0x31: {  	[smem:$0x3FA5] =	sst s10  }
0x32: {  	s10 =	sld [smem:$0x3FA3];
	_ =	sdelay $0x3  }
0x33: {  	p0 =	seq.s32 s10, $0x1;
	s10 =	sld [smem:$0x3FA5];
	_ =	sdelay $0x3  }
0x34: {  	[smem:$0x3FA5] =	sst s10  }
0x35: {  	s10 =	sld [smem:$0x3FA4];
	_ =	sdelay $0x3  }
0x36: {  	p1 =	seq.s32 s10, $0x1;
	s10 =	sld [smem:$0x3FA5];
	_ =	sdelay $0x3  }
0x37: {  	[smem:$0x3FA5] =	sst s10  }
0x38: {  	s10 =	sld [smem:$0x3FA6]  }
0x39: {  	_ = 	snop;
	(pc) =	sbr.ind lr, $3  }
0x3a: {  	_ = 	snop  }
0x3b: {  	_ = 	snop  }
0x3c: {  	p2 =	seq.s32 s10, $0x1;
	s10 =	sld [smem:$0x3FA5]  }
0x3d: {  	_ =	shalt  }
0x3e: {  	_ =	shalt  }
0x3f: {  	_ =	shalt  }
0x40: {  	_ =	shalt  }
0x41: {  	_ =	shalt  }
0x42: {  	_ =	shalt  }
0x43: {  	_ =	shalt  }
0x44: {  	_ =	shalt  }
0x45: {  	_ =	shalt  }
0x46: {  	_ =	shalt  }
0x47: {  	_ =	shalt  }
0x48: {  	_ =	shalt  }
0x49: {  	_ =	shalt  }
0x4a: {  	_ =	shalt  }
0x4b: {  	_ =	shalt  }
0x4c: {  	_ =	shalt  }
0x4d: {  	_ =	shalt  }
0x4e: {  	_ =	shalt  }
0x4f: {  	_ =	shalt  }
0x50: {  	_ =	shalt  }
0x51: {  	_ =	shalt  }
0x52: {  	_ =	shalt  }
0x53: {  	_ =	shalt  }
0x54: {  	_ =	shalt  }
0x55: {  	_ =	shalt  }
0x56: {  	_ =	shalt  }
0x57: {  	_ =	shalt  }
0x58: {  	_ =	shalt  }
0x59: {  	_ =	shalt  }
0x5a: {  	_ =	shalt  }
0x5b: {  	_ =	shalt  }
0x5c: {  	_ =	shalt  }
0x5d: {  	_ =	shalt  }
0x5e: {  	_ =	shalt  }
0x5f: {  	_ =	shalt  }
0x60: {  	_ =	shalt  }
0x61: {  	_ =	shalt  }
0x62: {  	_ =	shalt  }
0x63: {  	_ =	shalt  }
0x64: {  	_ =	shalt  }
0x65: {  	_ =	shalt  }
0x66: {  	_ =	shalt  }
0x67: {  	_ =	shalt  }
0x68: {  	_ =	shalt  }
0x69: {  	_ =	shalt  }
0x6a: {  	_ =	shalt  }
0x6b: {  	_ =	shalt  }
0x6c: {  	_ =	shalt  }
0x6d: {  	_ =	shalt  }
0x6e: {  	_ =	shalt  }
0x6f: {  	_ =	shalt  }
0x70: {  	_ =	shalt  }
0x71: {  	_ =	shalt  }
0x72: {  	_ =	shalt  }
0x73: {  	_ =	shalt  }
0x74: {  	_ =	shalt  }
0x75: {  	_ =	shalt  }
0x76: {  	_ =	shalt  }
0x77: {  	_ =	shalt  }
0x78: {  	_ =	shalt  }
0x79: {  	_ =	shalt  }
0x7a: {  	_ =	shalt  }
0x7b: {  	_ =	shalt  }
0x7c: {  	_ =	shalt  }
0x7d: {  	_ =	shalt  }
0x7e: {  	_ =	shalt  }
0x7f: {  	_ =	shalt  }
0x80: {  	_ =	shalt  }
0x81: {  	_ =	shalt  }
0x82: {  	_ =	shalt  }
0x83: {  	_ =	shalt  }
0x84: {  	_ =	shalt  }
0x85: {  	_ =	shalt  }
0x86: {  	_ =	shalt  }
0x87: {  	_ =	shalt  }
.Lfunc_end0:
.L_simem_size_0:
called_computation.3_lowered:
.L_overlay_start_0:
0x88: {  	s2 =	sld [smem:$0x3FD9]  }
0x89: {  	s3 =	sld [smem:$0x3FFE];
	_ =	sdelay $0x1  }
0x8a: {  	s1 =	srdreg.scid  }
0x8b: {  	s0 =	sand.u32 $0x1, s1  }
0x8c: {  	s17 =	sshll.u32 s0, $0xA;
	s2 =	sadd.s32 s3, s2  }
0x8d: {  	s2 =	sadd.s32 s2, s17  }
0x8e: {  	[smem:$0x3FB1] =	sst s2  }
0x8f: {  	_ = 	snop  }
0x90: {  	s18 =	sld [smem:$0x3FC5];
	(tm) =	ssettm $0x1  }
0x91: {  	s19 =	sld [smem:$0x3FFB];
	_ =	sdelay $0x3  }
0x92: {  	_ =	strace s19  }
0x93: {  	s2 =	sld [smem:$0x3FFC];
	_ =	sdelay $0x3  }
0x94: {  	_ =	strace s2  }
0x95: {  	s2 =	sld [smem:$0x3FFD];
	_ =	sdelay $0x3  }
0x96: {  	_ =	strace s2  }
0x97: {  	_ =	strace $0x8FFFFFFF  }
0x98: {  	s20 =	sld [smem:$0x3FDB];
	_ =	sdelay $0x1  }
0x99: {  	s4 =	simm.s32 $_scs_section_size  }
0x9a: {  	s5 =	simm.s32 $_size__tile_overlayer_lowered;
	s6 =	simm.s32 $_tile_overlayer_lowered  }
0x9b: {  	s7 =	simm.s32 $0x1BFF;
	s21 =	sshll.u32 s6, $0x1;
	s4 =	sadd.s32 s4, s20  }
0x9c: {  	s22 =	simm.s32 $0x0;
	s5 =	sshll.u32 s5, $0x1;
	s6 =	sadd.s32 s21, s4  }
0x9d: {  	[timem:s22], [sflag:s7] =	dma.local [hbm:s6], s5  }
0x9e: {  	_ =	swait.ge [sflag:s7], s5  }
0x9f: {  	s5 =	ssub.s32 $0x0, s5;
	[sflag:s7] =	ssyncset.done $0x0  }
0xa0: {  	[sflag:s7] =	ssyncadd.s32 s5;
	_ =	sdelay $0x1  }
0xa1: {  	s23 =	simm.s32 $0x1B8B  }
0xa2: {  	_ =	swait.ge [sflag:s23], $0x1  }
0xa3: {  	[sflag:s23] =	ssyncset.done $0x0  }
0xa4: {  	[sflag:s23] =	ssyncadd.s32 $0xFFFFFFFF  }
0xa5: {  	s5 =	sld [smem:$0x0]  }
0xa6: {  	s6 =	sand.u32 $0xFFFFFFFE, s1  }
0xa7: {  	p0 =	sne.s32 s1, s6  }
0xa8: {  	s6 =	sshll.u32 @p0 s6, $0xE  }
0xa9: {  	s6 =	sadd.s32 @p0 $0x11B8D, s6;
	s7 =	sshll.u32 @p0 s5, $0x11  }
0xaa: {  	s6 =	sor.u32 @p0 s7, s6  }
0xab: {  	[sflag:s6] =	ssyncadd.remote.s32 @p0 $0x1;
	_ =	sdelay $0x1  }
0xac: {  	s6 =	simm.s32 @p0 $0x1B8D  }
0xad: {  	_ =	swait.eq @p0 [sflag:s6], $0x1  }
0xae: {  	[sflag:s6] =	ssyncadd.s32 @p0 $0xFFFFFFFF  }
0xaf: {  	s7 =	sshll.u32 @!p0 s1, $0xE  }
0xb0: {  	s7 =	sor.u32 @!p0 $0x4000, s7;
	s6 =	simm.s32 @!p0 $0x1B8D  }
0xb1: {  	s5 =	sshll.u32 @!p0 s5, $0x11;
	s7 =	sadd.s32 @!p0 $0x11B8D, s7;
	_ =	swait.eq @!p0 [sflag:s6], $0x1  }
0xb2: {  	s5 =	sor.u32 @!p0 s5, s7;
	[sflag:s6] =	ssyncadd.s32 @!p0 $0xFFFFFFFF  }
0xb3: {  	s25 =	simm.s32 $0x1B8E;
	s24 =	sld [smem:$0x3FFE];
	[sflag:s5] =	ssyncadd.remote.s32 @!p0 $0x1  }
0xb4: {  	s26 =	simm.s32 $execute0_lowered;
	[smem:$0x3FD2] =	sst s25  }
0xb5: {  	s6 =	sshll.u32 s26, $0x1;
	_ =	strace $0x8000004C;
	[dreg:$0x1] =	wrdreg $0xFFFFFFFF  }
0xb6: {  	s28 =	simm.s32 $_size_execute0_lowered;
	s4 =	sadd.s32 s4, s6;
	[dreg:$0x0] =	wrdreg $0x0  }
0xb7: {  	s6 =	sshll.u32 s28, $0x1;
	[dreg:$0x2] =	wrdreg s4  }
0xb8: {  	[dreg:$0x3] =	wrdreg s6  }
0xb9: {  	[dreg:$0x4] =	wrdreg $0xC0  }
0xba: {  	_ =	task [dreg:s22], $0x5FFFF  }
0xbb: {  	[dreg:$0x1] =	wrdreg $0xFFFFFFFF  }
0xbc: {  	[dreg:$0x0] =	wrdreg $0x60  }
0xbd: {  	[dreg:$0x2] =	wrdreg s24  }
0xbe: {  	[dreg:$0x3] =	wrdreg s18  }
0xbf: {  	[dreg:$0x4] =	wrdreg $0x29000  }
0xc0: {  	[dreg:$0x5] =	wrdreg $0xA  }
0xc1: {  	_ =	task.clear_ibuf [dreg:s22], $0x6FFFF;
	_ =	strace $0x9000004C  }
0xc2: {  	s29 =	simm.s32 $0xA;
	_ =	strace $0x8000004E  }
0xc3: {  	_ =	swait.ge [sflag:s29], $0x1  }
0xc4: {  	[sflag:s29] =	ssyncadd.s32 $0xFFFFFFFF  }
0xc5: {  	_ =	strace $0x9000004E  }
0xc6: {  	_ =	sfence  }
0xc7: {  	s30 =	sld [smem:$0x0];
	_ =	sdelay $0x2  }
0xc8: {  	s31 =	sshll.u32 s1, $0xD;
	s1 =	sshrl.u32 s1, $0x2  }
0xc9: {  	s4 =	sand.u32 $0x4000, s31;
	s1 =	sadd.s32 s1, s30  }
0xca: {  	s0 =	sor.u32 s4, s0;
	s1 =	sshll.u32 s1, $0x11  }
0xcb: {  	s0 =	sor.u32 s1, s0  }
0xcc: {  	s0 =	sadd.s32 $0x8F2B, s0  }
0xcd: {  	[sflag:s0] =	ssyncadd.remote.s32 $0x1  }
0xce: {  	_ =	sfence.sel $0xFFFF  }
0xcf: {  	[dreg:$0x0] =	wrdreg $0xFFFFFFFF;
	(pc) =	sbr.abs _section_cstart, $3  }
0xd0: {  	[dreg:$0x1] =	wrdreg $0xFFFFFFFF  }
0xd1: {  	_ =	task.clear_ibuf [dreg:s22], $0x2FFFF;
	_ =	strace $0x9FFFFFFF  }
0xd2: {  	(tm) =	ssettm $0x7FFFFFFF  }
0xd3: {  	_ =	shalt  }
tec
execute0_lowered:
.L_overlay_start_1:
0x0: {  	(tag) =	ssettag $0x1  }
0x1: {  	s5 =	rddreg [dreg:$0x0]  }
0x2: {  	s13 =	rddreg [dreg:$0x1]  }
0x3: {  	s1 =	rddreg [dreg:$0x2];
	s14 =	stileid.u32  }
0x4: {  	s0 =	rddreg [dreg:$0x3];
	s2 =	simm.s32 $0x0;
	s4 =	srdreg.scid  }
0x5: {  	s21 =	simm.s32 $0x2;
	s22 =	simm.s32 $0x28;
	s8 =	smul.u32 $0x13800, s14  }
0x6: {  	[smem:$0x7FF] =	sst s2;
	s11 =	sadd.s32 $0x4E7200, s5;
	s6 =	smul.u32 $0x4E000, s14  }
0x7: {  	s10 =	sand.u32 $0x1, s4;
	s23 =	sshll.u32 s14, $0x1;
	s29 =	smul.u32 $0x2710, s14  }
0x8: {  	s9 =	sadd.s32 $0x2BC00, s5;
	s24 =	sshll.u32 s14, $0x6;
	s30 =	smul.u32 $0x27100, s14  }
0x9: {  	s18 =	sadd.s32 $0x138000, s1;
	p0 =	sne.s32 s14, $0x0;
	s17 =	smul.u32 $0x138800, s10  }
0xa: {  	_ =	strace $0x8000004D;
	s7 =	ssub.s32 $0x2, s10;
	s19 =	smul.u32 $0x1388, s10  }
0xb: {  	s4 =	sor.u32 s10, s23;
	s20 =	smul.u32 $0x13880, s10;
	s23 =	simm.s32 $0x0  }
0xc: {  	s3 =	sshrl.u32 s8, $0x3;
	s12 =	sshrl.u32 s7, $0x1;
	s15 =	smul.u32 $0x1388, s4  }
0xd: {  	s6 =	sshrl.u32 s6, $0x2;
	s26 =	smul.u32 $0x13880, s4;
	s4 =	sor.u32 $0x1C03, s24  }
0xe: {  	s3 =	sadd.s32 s3, s5;
	s12 =	ssub.s32 s7, s12;
	s16 =	sadd.s32 s6, s1  }
0xf: {  	s5 =	sadd.s32 $0x2BA00, s5;
	s8 =	sadd.s32 s8, s17;
	s17 =	sshrl.u32 s17, $0x3  }
0x10: {  	s3 =	sadd.s32 $0x4A00, s3;
	s25 =	sshrl.u32 s15, $0x3;
	s7 =	sadd.s32 s11, s26  }
0x11: {  	s8 =	sshrl.u32 s8, $0x3;
	s15 =	sadd.s32 s19, s29;
	s10 =	smax.u32 s12, $0x1  }
0x12: {  	s11 =	sadd.s32 s30, s11;
	s14 =	sshrl.u32 s16, $0x3;
	s16 =	sshrl.u32 @!p0 s18, $0x3  }
0x13: {  	s18 =	simm.s32 $0x80;
	s19 =	simm.s32 $0x1500;
	s28 =	sadd.s32 s13, s25  }
0x14: {  	s8 =	sadd.s32 s9, s8;
	s9 =	sadd.s32 s9, s17;
	s31 =	sadd.s32 $0x27150, s15  }
0x15: {  	s11 =	sadd.s32 s20, s11;
	s15 =	sadd.s32 $0x27128, s15;
	s17 =	simm.s32 $0x100  }
0x16: {  	s20 =	simm.s32 $0x1;
	s6 =	sadd.s32 $0x4E20, s28;
	s9 =	sadd.s32 $0x27000, s9  }
0x17: {  	s12 =	sshrl.u32 s31, $0x3;
	s11 =	sadd.s32 $0x500, s11;
	s15 =	sshrl.u32 s15, $0x3  }
0x18: {  	s12 =	sadd.s32 s12, s13;
	s13 =	sadd.s32 s15, s13;
	s15 =	simm.s32 $0x3  }
.LBB2_1:
0x19: {  	[spmem:s14], [sflag:s4] =	dma.local [hbm:s3], $0x2700  }
0x1a: {  	_ =	swait.ge [sflag:s15], $0x2700  }
0x1b: {  	[sflag:s15] =	ssyncset.done $0x0  }
0x1c: {  	s24 =	simm.s32 @!p0 $0x3;
	[sflag:s15] =	ssyncadd.s32 $0xFFFFD900  }
0x1d: {  	[spmem:s16], [sflag:s4] =	dma.local @!p0 [hbm:s5], $0x100  }
0x1e: {  	_ =	swait.ge @!p0 [sflag:s24], $0x100  }
0x1f: {  	[sflag:s24] =	ssyncset.done @!p0 $0x0  }
0x20: {  	[sflag:s24] =	ssyncadd.s32 @!p0 $0xFFFFFF00  }
0x21: {  	[bflag:$0x0] =	sbarrier.arrive $0xFFFF  }
0x22: {  	[tilespmem:s2], [sflag:$0x1] =	stream.linear.gather [hbm4b:s6+s2], $0x28, $0x38;
	[tilespmem:$0x16180] =	vst v63  }
0x23: {  	_ = 	snop  }
0x24: {  	[tilespmem:s17], [sflag:$0x2] =	stream.linear.gather [hbm4b:s7+s2], $0x1400, $0x38;
	[tilespmem:$0x16180] =	vst v63  }
0x25: {  	s29 =	sadd.s32 $0x0, s13  }
0x26: {  	[tilespmem:s18], [sflag:$0x1] =	stream.linear.gather [hbm4b:s29+s2], $0x28, $0x38;
	[tilespmem:$0x16180] =	vst v63  }
0x27: {  	s30 =	sadd.s32 $0xFFFFFD80, s11  }
0x28: {  	[tilespmem:s19], [sflag:$0x2] =	stream.linear.gather [hbm4b:s30+s2], $0x1400, $0x38;
	[tilespmem:$0x16180] =	vst v63  }
0x29: {  	_ =	swait.ge [sflag:s20], $0x28  }
0x2a: {  	[sflag:s20] =	ssyncset.done $0x0  }
0x2b: {  	[sflag:s20] =	ssyncadd.s32 $0xFFFFFFD8  }
0x2c: {  	_ =	swait.ge [sflag:s21], $0x1400  }
0x2d: {  	[sflag:s21] =	ssyncset.done $0x0  }
0x2e: {  	[sflag:s21] =	ssyncadd.s32 $0xFFFFEC00  }
0x2f: {  	[spmem:s1] =	stream.indirect.scatter.add.f32 [tilespmem:s17], [sflag:$0x3], $0x80, s2, s22, $0xb8;
	[tilespmem:$0x16180] =	vst v63  }
0x30: {  	_ =	swait.ge [sflag:s15], $0x1400  }
0x31: {  	[sflag:s15] =	ssyncset.done $0x0  }
0x32: {  	s31 =	sadd.s32 $0x0, s12;
	[sflag:s15] =	ssyncadd.s32 $0xFFFFEC00  }
0x33: {  	[tilespmem:s2], [sflag:$0x1] =	stream.linear.gather [hbm4b:s31+s2], $0x28, $0x38;
	[tilespmem:$0x16180] =	vst v63  }
0x34: {  	_ = 	snop  }
0x35: {  	[tilespmem:s17], [sflag:$0x2] =	stream.linear.gather [hbm4b:s11+s2], $0x1400, $0x38;
	[tilespmem:$0x16180] =	vst v63  }
0x36: {  	_ =	swait.ge [sflag:s20], $0x28  }
0x37: {  	[sflag:s20] =	ssyncset.done $0x0  }
0x38: {  	[sflag:s20] =	ssyncadd.s32 $0xFFFFFFD8  }
0x39: {  	_ =	swait.ge [sflag:s21], $0x1400  }
0x3a: {  	[sflag:s21] =	ssyncset.done $0x0  }
0x3b: {  	[sflag:s21] =	ssyncadd.s32 $0xFFFFEC00  }
0x3c: {  	[spmem:s1] =	stream.indirect.scatter.add.f32 [tilespmem:s19], [sflag:$0x3], $0x80, s18, s22, $0xb8;
	[tilespmem:$0x16180] =	vst v63  }
0x3d: {  	s26 =	simm.s32 $0x14;
	_ =	swait.ge [sflag:s15], $0x1400  }
0x3e: {  	s25 =	sadd.s32 $0x500, s11;
	s24 =	simm.s32 $0xA;
	[sflag:s15] =	ssyncset.done $0x0  }
.LBB2_2:
0x3f: {  	s28 =	sadd.s32 s24, s13  }
0x40: {  	[sflag:s15] =	ssyncadd.s32 $0xFFFFEC00;
	s29 =	smov.u32 s26;
	s30 =	sadd.s32 $0xA, s26  }
0x41: {  	[tilespmem:s18], [sflag:$0x1] =	stream.linear.gather [hbm4b:s28+s2], $0x28, $0x38;
	[tilespmem:$0x16180] =	vst v63  }
0x42: {  	p1 =	sne.s32 s26, $0x262;
	s26 =	sadd.s32 $0xFFFFFD80, s25  }
0x43: {  	[tilespmem:s19], [sflag:$0x2] =	stream.linear.gather [hbm4b:s26+s2], $0x1400, $0x38;
	[tilespmem:$0x16180] =	vst v63  }
0x44: {  	_ =	swait.ge [sflag:s20], $0x28  }
0x45: {  	[sflag:s20] =	ssyncset.done $0x0  }
0x46: {  	[sflag:s20] =	ssyncadd.s32 $0xFFFFFFD8  }
0x47: {  	_ =	swait.ge [sflag:s21], $0x1400  }
0x48: {  	[sflag:s21] =	ssyncset.done $0x0  }
0x49: {  	[sflag:s21] =	ssyncadd.s32 $0xFFFFEC00  }
0x4a: {  	[spmem:s1] =	stream.indirect.scatter.add.f32 [tilespmem:s17], [sflag:$0x3], $0x80, s2, s22, $0xb8;
	[tilespmem:$0x16180] =	vst v63  }
0x4b: {  	_ =	swait.ge [sflag:s15], $0x1400  }
0x4c: {  	[sflag:s15] =	ssyncset.done $0x0  }
0x4d: {  	s26 =	sadd.s32 s24, s12;
	s24 =	smov.u32 s29;
	[sflag:s15] =	ssyncadd.s32 $0xFFFFEC00  }
0x4e: {  	[tilespmem:s2], [sflag:$0x1] =	stream.linear.gather [hbm4b:s26+s2], $0x28, $0x38;
	[tilespmem:$0x16180] =	vst v63  }
0x4f: {  	_ = 	snop  }
0x50: {  	[tilespmem:s17], [sflag:$0x2] =	stream.linear.gather [hbm4b:s25+s2], $0x1400, $0x38;
	[tilespmem:$0x16180] =	vst v63  }
0x51: {  	_ =	swait.ge [sflag:s20], $0x28  }
0x52: {  	[sflag:s20] =	ssyncset.done $0x0  }
0x53: {  	[sflag:s20] =	ssyncadd.s32 $0xFFFFFFD8  }
0x54: {  	_ =	swait.ge [sflag:s21], $0x1400  }
.Ltmp0:
0x55: {  	[sflag:s21] =	ssyncset.done $0x0;
	(pc) =	sbr.rel @p1 .LBB2_2-.Ltmp0, $4  }
0x56: {  	[sflag:s21] =	ssyncadd.s32 $0xFFFFEC00  }
0x57: {  	[spmem:s1] =	stream.indirect.scatter.add.f32 [tilespmem:s19], [sflag:$0x3], $0x80, s18, s22, $0xb8;
	[tilespmem:$0x16180] =	vst v63  }
0x58: {  	_ =	swait.ge [sflag:s15], $0x1400  }
0x59: {  	s26 =	smov.u32 s30;
	s25 =	sadd.s32 $0x500, s25;
	[sflag:s15] =	ssyncset.done $0x0  }
0x5a: {  	s26 =	sadd.s32 s24, s13;
	[sflag:s15] =	ssyncadd.s32 $0xFFFFEC00  }
0x5b: {  	[tilespmem:s18], [sflag:$0x1] =	stream.linear.gather [hbm4b:s26+s2], $0x28, $0x38;
	[tilespmem:$0x16180] =	vst v63  }
0x5c: {  	s30 =	sadd.s32 $0xFFFFFD80, s25  }
0x5d: {  	[tilespmem:s19], [sflag:$0x2] =	stream.linear.gather [hbm4b:s30+s2], $0x1400, $0x38;
	[tilespmem:$0x16180] =	vst v63  }
0x5e: {  	_ =	swait.ge [sflag:s20], $0x28  }
0x5f: {  	[sflag:s20] =	ssyncset.done $0x0  }
0x60: {  	[sflag:s20] =	ssyncadd.s32 $0xFFFFFFD8  }
0x61: {  	_ =	swait.ge [sflag:s21], $0x1400  }
0x62: {  	[sflag:s21] =	ssyncset.done $0x0  }
0x63: {  	[sflag:s21] =	ssyncadd.s32 $0xFFFFEC00  }
0x64: {  	[spmem:s1] =	stream.indirect.scatter.add.f32 [tilespmem:s17], [sflag:$0x3], $0x80, s2, s22, $0xb8;
	[tilespmem:$0x16180] =	vst v63  }
0x65: {  	_ =	swait.ge [sflag:s15], $0x1400  }
0x66: {  	[sflag:s15] =	ssyncset.done $0x0  }
0x67: {  	s31 =	sadd.s32 s24, s12;
	[sflag:s15] =	ssyncadd.s32 $0xFFFFEC00  }
0x68: {  	[tilespmem:s2], [sflag:$0x1] =	stream.linear.gather [hbm4b:s31+s2], $0x28, $0x38;
	[tilespmem:$0x16180] =	vst v63  }
0x69: {  	_ = 	snop  }
0x6a: {  	[tilespmem:s17], [sflag:$0x2] =	stream.linear.gather [hbm4b:s25+s2], $0x1400, $0x38;
	[tilespmem:$0x16180] =	vst v63  }
0x6b: {  	_ =	swait.ge [sflag:s20], $0x28  }
0x6c: {  	[sflag:s20] =	ssyncset.done $0x0  }
0x6d: {  	[sflag:s20] =	ssyncadd.s32 $0xFFFFFFD8  }
0x6e: {  	_ =	swait.ge [sflag:s21], $0x1400  }
0x6f: {  	[sflag:s21] =	ssyncset.done $0x0  }
0x70: {  	[sflag:s21] =	ssyncadd.s32 $0xFFFFEC00  }
0x71: {  	[spmem:s1] =	stream.indirect.scatter.add.f32 [tilespmem:s19], [sflag:$0x3], $0x80, s18, s22, $0xb8;
	[tilespmem:$0x16180] =	vst v63  }
0x72: {  	_ =	swait.ge [sflag:s15], $0x1400  }
0x73: {  	[sflag:s15] =	ssyncset.done $0x0  }
0x74: {  	[sflag:s15] =	ssyncadd.s32 $0xFFFFEC00  }
0x75: {  	_ =	swait.ge [sflag:s20], $0x28  }
0x76: {  	[sflag:s20] =	ssyncset.done $0x0  }
0x77: {  	[sflag:s20] =	ssyncadd.s32 $0xFFFFFFD8  }
0x78: {  	_ =	swait.ge [sflag:s21], $0x1400  }
0x79: {  	[sflag:s21] =	ssyncset.done $0x0  }
0x7a: {  	[sflag:s21] =	ssyncadd.s32 $0xFFFFEC00  }
0x7b: {  	[spmem:s1] =	stream.indirect.scatter.add.f32 [tilespmem:s17], [sflag:$0x3], $0x80, s2, s22, $0xb8;
	[tilespmem:$0x16180] =	vst v63  }
0x7c: {  	_ =	swait.ge [sflag:s15], $0x1400  }
0x7d: {  	[sflag:s15] =	ssyncset.done $0x0  }
0x7e: {  	[sflag:s15] =	ssyncadd.s32 $0xFFFFEC00  }
0x7f: {  	[bflag:$0x0] =	sbarrier.arrive $0xFFFF  }
0x80: {  	[hbm:s8], [sflag:s4] =	dma.local [spmem:s14], $0x2700  }
0x81: {  	s23 =	sadd.s32 $0x1, s23;
	_ =	swait.ge [sflag:s15], $0x2700  }
0x82: {  	p1 =	sne.s32 s23, s10;
	[sflag:s15] =	ssyncset.done $0x0  }
.Ltmp1:
0x83: {  	s24 =	simm.s32 @!p0 $0x3;
	[sflag:s15] =	ssyncadd.s32 $0xFFFFD900;
	(pc) =	sbr.rel @p1 .LBB2_1-.Ltmp1, $4  }
0x84: {  	[hbm:s9], [sflag:s4] =	dma.local @!p0 [spmem:s16], $0x100  }
0x85: {  	_ =	swait.ge @!p0 [sflag:s24], $0x100  }
0x86: {  	[sflag:s24] =	ssyncset.done @!p0 $0x0  }
0x87: {  	[sflag:s24] =	ssyncadd.s32 @!p0 $0xFFFFFF00  }
0x88: {  	_ =	sfence.sel $0x180000  }
0x89: {  	[bflag:$0x0] =	sbarrier.arrive $0xFFFF  }
0x8a: {  	_ =	strace $0x9000004D  }
0x8b: {  	s0 =	sadd.s32 @!p0 $0x100000, s0;
	[bflag:$0x2] =	sbarrier.arrive $0xFFFF  }
0x8c: {  	[sflag:s0] =	ssyncadd.tile.s32 @!p0 $0x1;
	_ =	shalt  }
.Lfunc_end2:
_tile_overlayer_lowered:
.L_overlay_start_2:
0x8d: {  	(tag) =	ssettag $0x2  }
0x8e: {  	s0 =	rddreg [dreg:$0x0];
	s2 =	stileid.u32  }
0x8f: {  	s1 =	rddreg [dreg:$0x1];
	p0 =	sne.s32 s2, $0x0  }
0x90: {  	s3 =	rddreg [dreg:$0x2];
	[bflag:$0x3] =	sbarrier.arrive $0xFFFF;
	s2 =	simm.s32 @!p0 $0x1C03  }
0x91: {  	[timem:s3], [sflag:s2] =	dma.local @!p0 [hbm:s0], s1  }
0x92: {  	s0 =	simm.s32 @!p0 $0x3  }
0x93: {  	_ =	swait.ge @!p0 [sflag:s0], s1  }
0x94: {  	s1 =	ssub.s32 @!p0 $0x0, s1;
	[sflag:s0] =	ssyncset.done @!p0 $0x0  }
0x95: {  	[sflag:s0] =	ssyncadd.s32 @!p0 s1  }
0x96: {  	[bflag:$0x3] =	sbarrier.arrive $0xFFFF  }
0x97: {  	_ =	shalt  }

</sc_bundles>
